<compile_context>
chip_gen: v7x
topology: tpu7x:2x2x1
jax: 0.10.2.dev20260603
libtpu: 0.0.44.dev20260713+nightly
codegen_flags: <defaults>
</compile_context>

<pallas_src>
import jax
import jax.numpy as jnp
from jax import lax
from jax.experimental import pallas as pl
from jax.experimental.pallas import tpu as pltpu
from jax.experimental.pallas import tpu_sc as plsc

B = 4096
L = 200
D = 300
DP = 384
LANES = 16
NC = 2
NS = 16
NW = NC * NS
BPW = B // NW
CHN = (56, 48, 48, 48)
OFF = (0, 56, 104, 152)
NST = len(CHN)
NCH = DP // LANES


def _zero_accs():
    return tuple(jnp.zeros((LANES,), jnp.float32) for _ in range(NCH))


def _reduce_into(buf, n, accs):
    def red(i, accs):
        r = 2 * i
        return tuple(a + (buf[r, pl.ds(o * LANES, LANES)]
                          + buf[r + 1, pl.ds(o * LANES, LANES)])
                     for o, a in enumerate(accs))
    return lax.fori_loop(0, n // 2, red, accs)


def _pool_body(x_hbm, emb_hbm, out_hbm, idx_a, idx_b, *rest):
    bufs = rest[:NST]
    out_v = rest[NST]
    sems = rest[NST + 1:]
    cid = lax.axis_index("c")
    sid = lax.axis_index("s")
    wid = sid * NC + cid
    base = wid * BPW

    def fire(k, idx_ref):
        pltpu.async_copy(
            emb_hbm.at[idx_ref.at[pl.ds(OFF[k], CHN[k])]], bufs[k], sems[k])

    def wait(k):
        pltpu.make_async_copy(
            emb_hbm.at[idx_a.at[pl.ds(OFF[k], CHN[k])]], bufs[k],
            sems[k]).wait()

    def stage(b, idx_ref):
        pltpu.sync_copy(x_hbm.at[pl.ds((base + b) * L, L)], idx_ref)

    def store_row(b, accs):
        for o, a in enumerate(accs):
            out_v[b, pl.ds(o * LANES, LANES)] = a

    def do_row(r, idx_cur, idx_nxt, stage_next):
        @pl.when(stage_next)
        def _():
            stage(r + 1, idx_nxt)
        accs = _zero_accs()
        for k in range(NST):
            wait(k)
            accs = _reduce_into(bufs[k], CHN[k], accs)

            @pl.when(stage_next)
            def _():
                fire(k, idx_nxt)
        store_row(r, accs)

    stage(0, idx_a)
    for k in range(NST):
        fire(k, idx_a)

    def per_pair(i, carry):
        r0 = 2 * i
        do_row(r0, idx_a, idx_b, r0 + 1 < BPW)
        do_row(r0 + 1, idx_b, idx_a, r0 + 2 < BPW)
        return carry

    lax.fori_loop(0, BPW // 2, per_pair, 0)
    pltpu.sync_copy(out_v, out_hbm.at[pl.ds(base, BPW)])


def _pool(x_flat, emb):
    mesh = plsc.VectorSubcoreMesh(core_axis_name="c", subcore_axis_name="s")
    return pl.kernel(
        _pool_body,
        out_type=jax.ShapeDtypeStruct((B, DP), jnp.float32),
        mesh=mesh,
        scratch_types=(
            [pltpu.VMEM((L,), jnp.int32), pltpu.VMEM((L,), jnp.int32)]
            + [pltpu.VMEM((c, DP), jnp.float32) for c in CHN]
            + [pltpu.VMEM((BPW, DP), jnp.float32)]
            + [pltpu.SemaphoreType.DMA for _ in CHN]
        ),
        compiler_params=pltpu.CompilerParams(use_tc_tiling_on_sc=True),
    )(x_flat, emb)


def _mlp_body(sum_ref, len_ref, w1_ref, b1_ref, w2_ref, b2_ref, w3_ref,
              b3_ref, out_ref):
    x = sum_ref[:, :D] / len_ref[...]
    dn = (((1,), (1,)), ((), ()))
    bf = jnp.bfloat16
    h1 = jax.nn.sigmoid(
        lax.dot_general(x.astype(bf), w1_ref[...].astype(bf), dn,
                        preferred_element_type=jnp.float32) + b1_ref[...])
    h2 = jax.nn.sigmoid(
        lax.dot_general(h1.astype(bf), w2_ref[...].astype(bf), dn,
                        preferred_element_type=jnp.float32) + b2_ref[...])
    w3b = w3_ref[...].astype(bf).astype(jnp.float32)
    out_ref[...] = (jnp.sum(h2.astype(bf).astype(jnp.float32) * w3b,
                            axis=1, keepdims=True) + b3_ref[0, 0])


def _mlp(pooled_sum, lengths_f, W1, b1, W2, b2, W3, b3):
    return pl.pallas_call(
        _mlp_body,
        out_shape=jax.ShapeDtypeStruct((B, 1), jnp.float32),
    )(pooled_sum, lengths_f, W1, b1.reshape(1, -1), W2, b2.reshape(1, -1),
      W3, b3.reshape(1, -1))


def kernel(x, lengths, emb, W1, b1, W2, b2, W3, b3):
    emb_p = jnp.pad(emb, ((0, 0), (0, DP - D)))
    x_flat = x.reshape(-1).astype(jnp.int32)
    pooled_sum = _pool(x_flat, emb_p)
    lengths_f = lengths.astype(jnp.float32).reshape(B, 1)
    return _mlp(pooled_sum, lengths_f, W1, b1, W2, b2, W3, b3)

# --- scband reference (transcript-rebuilt; emitter-appended) ---
"""Pipeline reference for scband-baseline-15333033247297 (READ-ONLY COPY).

The authoritative reference and input builder live on the scoring server;
editing this copy changes nothing except your own understanding.
"""

import jax, jax.numpy as jnp
import numpy as np

VOCAB = 100000
D = 300
B = 4096
L = 200


def setup_inputs(seed: int = 0) -> dict:
    key = jax.random.key(seed)
    ks = jax.random.split(key, 9)
    emb = jax.random.normal(ks[0], (VOCAB, D), jnp.float32) * 0.02
    emb = emb.at[0].set(0.0)  # padding_idx=0
    x = jax.random.randint(ks[1], (B, L), 0, VOCAB)
    lengths = jax.random.randint(ks[2], (B,), 1, L + 1).astype(jnp.int32)
    W1 = jax.random.normal(ks[3], (150, 300), jnp.float32) * (1.0 / np.sqrt(300.0))
    b1 = jnp.zeros((150,), jnp.float32)
    W2 = jax.random.normal(ks[4], (150, 150), jnp.float32) * (1.0 / np.sqrt(150.0))
    b2 = jnp.zeros((150,), jnp.float32)
    W3 = jax.random.normal(ks[5], (1, 150), jnp.float32) * (1.0 / np.sqrt(150.0))
    b3 = jnp.zeros((1,), jnp.float32)
    return {"x": x, "lengths": lengths, "emb": emb, "W1": W1, "b1": b1, "W2": W2, "b2": b2, "W3": W3, "b3": b3}


def reference(x, lengths, emb, W1, b1, W2, b2, W3, b3):
    # embedding lookup (gather)
    embedded = jnp.take(emb, x, axis=0)  # [B, L, D]
    summed = embedded.sum(axis=1)  # [B, D]
    avg_pool = (summed / lengths[:, None].astype(jnp.float32)).astype(jnp.float32)
    out = jax.nn.sigmoid(avg_pool @ W1.T + b1)
    out = jax.nn.sigmoid(out @ W2.T + b2)
    return out @ W3.T + b3

if __name__ == "__main__":
    import jax
    _d = setup_inputs()
    print(jax.jit(kernel)(*tuple(_d.values())))

</pallas_src>

<mosaic_0001>
#map = affine_map<(d0, d1) -> (0)>
#map1 = affine_map<(d0, d1) -> (0, 0)>
module attributes {stable_mosaic.version = 14 : i64} {
  func.func @_pool_body(%arg0: i32, %arg1: i32, %arg2: memref<819200xi32, #tpu.memory_space<hbm>>, %arg3: memref<100000x384xf32, #tpu.memory_space<hbm>>, %arg4: memref<4096x384xf32, #tpu.memory_space<hbm>>, %arg5: memref<200xi32, #tpu.memory_space<vmem>>, %arg6: memref<200xi32, #tpu.memory_space<vmem>>, %arg7: memref<56x384xf32, #tpu.memory_space<vmem>>, %arg8: memref<48x384xf32, #tpu.memory_space<vmem>>, %arg9: memref<48x384xf32, #tpu.memory_space<vmem>>, %arg10: memref<48x384xf32, #tpu.memory_space<vmem>>, %arg11: memref<128x384xf32, #tpu.memory_space<vmem>>, %arg12: memref<!tpu.dma_semaphore, #tpu.memory_space<semaphore_mem>>, %arg13: memref<!tpu.dma_semaphore, #tpu.memory_space<semaphore_mem>>, %arg14: memref<!tpu.dma_semaphore, #tpu.memory_space<semaphore_mem>>, %arg15: memref<!tpu.dma_semaphore, #tpu.memory_space<semaphore_mem>>) attributes {dimension_semantics = [#tpu.dimension_semantics<core_parallel>, #tpu.dimension_semantics<subcore_parallel>], iteration_bounds = array<i64: 2, 16>, scalar_prefetch = 0 : i64, scratch_operands = 11 : i64, tpu.core_type = #tpu.core_type<sc_vector_subcore>, window_params = [{transform_indices = #map}, {transform_indices = #map1}, {transform_indices = #map1}]} {
    %mul3A = arith.constant 2 : i32
    %mul3A_0 = arith.muli %arg1, %mul3A : i32
    %add3A = arith.addi %mul3A_0, %arg0 : i32
    %mul3A_1 = arith.constant 128 : i32
    %mul3A_2 = arith.muli %add3A, %mul3A_1 : i32
    %add3A_3 = arith.constant 0 : i32
    %add3A_4 = arith.addi %mul3A_2, %add3A_3 : i32
    %mul3A_5 = arith.constant 200 : i32
    %mul3A_6 = arith.muli %add3A_4, %mul3A_5 : i32
    "tpu.region"() ({
      %run_scoped3A = tpu.sem_alloc : memref<!tpu.dma_semaphore, #tpu.memory_space<semaphore_mem>>
      %dma_start3A_31 = tpu.memref_slice %arg2[%mul3A_6] : memref<819200xi32, #tpu.memory_space<hbm>> -> memref<200xi32, #tpu.memory_space<hbm>>
      %dma_start3A_32 = tpu.memref_slice %arg2[%mul3A_6] : memref<819200xi32, #tpu.memory_space<hbm>> -> memref<200xi32, #tpu.memory_space<hbm>>
      tpu.enqueue_dma source(%dma_start3A_32 : memref<200xi32, #tpu.memory_space<hbm>>) target(%arg5 : memref<200xi32, #tpu.memory_space<vmem>>) target_semaphore(%run_scoped3A : memref<!tpu.dma_semaphore, #tpu.memory_space<semaphore_mem>>)
      %dma_wait3A = tpu.memref_slice %arg2[%mul3A_6] : memref<819200xi32, #tpu.memory_space<hbm>> -> memref<200xi32, #tpu.memory_space<hbm>>
      %dma_wait3A_33 = tpu.memref_slice %arg2[%mul3A_6] : memref<819200xi32, #tpu.memory_space<hbm>> -> memref<200xi32, #tpu.memory_space<hbm>>
      tpu.wait_dma2 semaphore(%run_scoped3A : memref<!tpu.dma_semaphore, #tpu.memory_space<semaphore_mem>>) src(%dma_wait3A_33 : memref<200xi32, #tpu.memory_space<hbm>>) dst(%arg5 : memref<200xi32, #tpu.memory_space<vmem>>)
      tpu.yield
    }) : () -> ()
    %dma_start3A = arith.constant 0 : i32
    %dma_start3A_7 = tpu.memref_slice %arg5[%dma_start3A] : memref<200xi32, #tpu.memory_space<vmem>> -> memref<56xi32, #tpu.memory_space<vmem>>
    %dma_start3A_8 = arith.constant 0 : i32
    %dma_start3A_9 = arith.constant 0 : i32
    %dma_start3A_10 = tpu.memref_slice %arg3[%dma_start3A_8, %dma_start3A_9] : memref<100000x384xf32, #tpu.memory_space<hbm>> -> memref<100000x384xf32, #tpu.memory_space<hbm>>
    tpu.enqueue_indirect_dma source(%dma_start3A_10 : memref<100000x384xf32, #tpu.memory_space<hbm>>) target(%arg7 : memref<56x384xf32, #tpu.memory_space<vmem>>) offsets(%dma_start3A_7 : memref<56xi32, #tpu.memory_space<vmem>>) semaphore(%arg12 : memref<!tpu.dma_semaphore, #tpu.memory_space<semaphore_mem>>)
    %dma_start3A_11 = arith.constant 56 : i32
    %dma_start3A_12 = tpu.memref_slice %arg5[%dma_start3A_11] : memref<200xi32, #tpu.memory_space<vmem>> -> memref<48xi32, #tpu.memory_space<vmem>>
    %dma_start3A_13 = arith.constant 0 : i32
    %dma_start3A_14 = arith.constant 0 : i32
    %dma_start3A_15 = tpu.memref_slice %arg3[%dma_start3A_13, %dma_start3A_14] : memref<100000x384xf32, #tpu.memory_space<hbm>> -> memref<100000x384xf32, #tpu.memory_space<hbm>>
    tpu.enqueue_indirect_dma source(%dma_start3A_15 : memref<100000x384xf32, #tpu.memory_space<hbm>>) target(%arg8 : memref<48x384xf32, #tpu.memory_space<vmem>>) offsets(%dma_start3A_12 : memref<48xi32, #tpu.memory_space<vmem>>) semaphore(%arg13 : memref<!tpu.dma_semaphore, #tpu.memory_space<semaphore_mem>>)
    %dma_start3A_16 = arith.constant 104 : i32
    %dma_start3A_17 = tpu.memref_slice %arg5[%dma_start3A_16] : memref<200xi32, #tpu.memory_space<vmem>> -> memref<48xi32, #tpu.memory_space<vmem>>
    %dma_start3A_18 = arith.constant 0 : i32
    %dma_start3A_19 = arith.constant 0 : i32
    %dma_start3A_20 = tpu.memref_slice %arg3[%dma_start3A_18, %dma_start3A_19] : memref<100000x384xf32, #tpu.memory_space<hbm>> -> memref<100000x384xf32, #tpu.memory_space<hbm>>
    tpu.enqueue_indirect_dma source(%dma_start3A_20 : memref<100000x384xf32, #tpu.memory_space<hbm>>) target(%arg9 : memref<48x384xf32, #tpu.memory_space<vmem>>) offsets(%dma_start3A_17 : memref<48xi32, #tpu.memory_space<vmem>>) semaphore(%arg14 : memref<!tpu.dma_semaphore, #tpu.memory_space<semaphore_mem>>)
    %dma_start3A_21 = arith.constant 152 : i32
    %dma_start3A_22 = tpu.memref_slice %arg5[%dma_start3A_21] : memref<200xi32, #tpu.memory_space<vmem>> -> memref<48xi32, #tpu.memory_space<vmem>>
    %dma_start3A_23 = arith.constant 0 : i32
    %dma_start3A_24 = arith.constant 0 : i32
    %dma_start3A_25 = tpu.memref_slice %arg3[%dma_start3A_23, %dma_start3A_24] : memref<100000x384xf32, #tpu.memory_space<hbm>> -> memref<100000x384xf32, #tpu.memory_space<hbm>>
    tpu.enqueue_indirect_dma source(%dma_start3A_25 : memref<100000x384xf32, #tpu.memory_space<hbm>>) target(%arg10 : memref<48x384xf32, #tpu.memory_space<vmem>>) offsets(%dma_start3A_22 : memref<48xi32, #tpu.memory_space<vmem>>) semaphore(%arg15 : memref<!tpu.dma_semaphore, #tpu.memory_space<semaphore_mem>>)
    %scan3A = arith.constant 0 : i32
    %scan3A_26 = arith.constant 0 : i32
    %scan3A_27 = arith.constant 64 : i32
    %scan3A_28 = arith.addi %scan3A_26, %scan3A_27 : i32
    %scan3A_29 = arith.constant 1 : i32
    scf.for %scan3A_31 = %scan3A_26 to %scan3A_28 step %scan3A_29  : i32 {
      %mul3A_32 = arith.constant 2 : i32
      %mul3A_33 = arith.muli %mul3A_32, %scan3A_31 : i32
      %add3A_34 = arith.constant 1 : i32
      %add3A_35 = arith.addi %mul3A_33, %add3A_34 : i32
      %lt3A = arith.constant 128 : i32
      %lt3A_36 = arith.cmpi slt, %add3A_35, %lt3A : i32
      %convert_element_type3A = arith.extui %lt3A_36 : i1 to i32
      %cond3A = arith.constant 0 : i32
      %cond3A_37 = arith.cmpi ne, %convert_element_type3A, %cond3A : i32
      scf.if %cond3A_37 {
        %add3A_492 = arith.constant 1 : i32
        %add3A_493 = arith.addi %mul3A_33, %add3A_492 : i32
        %add3A_494 = arith.addi %mul3A_2, %add3A_493 : i32
        %mul3A_495 = arith.constant 200 : i32
        %mul3A_496 = arith.muli %add3A_494, %mul3A_495 : i32
        "tpu.region"() ({
          %run_scoped3A = tpu.sem_alloc : memref<!tpu.dma_semaphore, #tpu.memory_space<semaphore_mem>>
          %dma_start3A_497 = tpu.memref_slice %arg2[%mul3A_496] : memref<819200xi32, #tpu.memory_space<hbm>> -> memref<200xi32, #tpu.memory_space<hbm>>
          %dma_start3A_498 = tpu.memref_slice %arg2[%mul3A_496] : memref<819200xi32, #tpu.memory_space<hbm>> -> memref<200xi32, #tpu.memory_space<hbm>>
          tpu.enqueue_dma source(%dma_start3A_498 : memref<200xi32, #tpu.memory_space<hbm>>) target(%arg6 : memref<200xi32, #tpu.memory_space<vmem>>) target_semaphore(%run_scoped3A : memref<!tpu.dma_semaphore, #tpu.memory_space<semaphore_mem>>)
          %dma_wait3A_499 = tpu.memref_slice %arg2[%mul3A_496] : memref<819200xi32, #tpu.memory_space<hbm>> -> memref<200xi32, #tpu.memory_space<hbm>>
          %dma_wait3A_500 = tpu.memref_slice %arg2[%mul3A_496] : memref<819200xi32, #tpu.memory_space<hbm>> -> memref<200xi32, #tpu.memory_space<hbm>>
          tpu.wait_dma2 semaphore(%run_scoped3A : memref<!tpu.dma_semaphore, #tpu.memory_space<semaphore_mem>>) src(%dma_wait3A_500 : memref<200xi32, #tpu.memory_space<hbm>>) dst(%arg6 : memref<200xi32, #tpu.memory_space<vmem>>)
          tpu.yield
        }) : () -> ()
      } else {
      }
      %broadcast_in_dim3A = arith.constant 0.000000e+00 : f32
      %broadcast_in_dim3A_38 = vector.broadcast %broadcast_in_dim3A : f32 to vector<16xf32>
      %broadcast_in_dim3A_39 = arith.constant 0.000000e+00 : f32
      %broadcast_in_dim3A_40 = vector.broadcast %broadcast_in_dim3A_39 : f32 to vector<16xf32>
      %broadcast_in_dim3A_41 = arith.constant 0.000000e+00 : f32
      %broadcast_in_dim3A_42 = vector.broadcast %broadcast_in_dim3A_41 : f32 to vector<16xf32>
      %broadcast_in_dim3A_43 = arith.constant 0.000000e+00 : f32
      %broadcast_in_dim3A_44 = vector.broadcast %broadcast_in_dim3A_43 : f32 to vector<16xf32>
      %broadcast_in_dim3A_45 = arith.constant 0.000000e+00 : f32
      %broadcast_in_dim3A_46 = vector.broadcast %broadcast_in_dim3A_45 : f32 to vector<16xf32>
      %broadcast_in_dim3A_47 = arith.constant 0.000000e+00 : f32
      %broadcast_in_dim3A_48 = vector.broadcast %broadcast_in_dim3A_47 : f32 to vector<16xf32>
      %broadcast_in_dim3A_49 = arith.constant 0.000000e+00 : f32
      %broadcast_in_dim3A_50 = vector.broadcast %broadcast_in_dim3A_49 : f32 to vector<16xf32>
      %broadcast_in_dim3A_51 = arith.constant 0.000000e+00 : f32
      %broadcast_in_dim3A_52 = vector.broadcast %broadcast_in_dim3A_51 : f32 to vector<16xf32>
      %broadcast_in_dim3A_53 = arith.constant 0.000000e+00 : f32
      %broadcast_in_dim3A_54 = vector.broadcast %broadcast_in_dim3A_53 : f32 to vector<16xf32>
      %broadcast_in_dim3A_55 = arith.constant 0.000000e+00 : f32
      %broadcast_in_dim3A_56 = vector.broadcast %broadcast_in_dim3A_55 : f32 to vector<16xf32>
      %broadcast_in_dim3A_57 = arith.constant 0.000000e+00 : f32
      %broadcast_in_dim3A_58 = vector.broadcast %broadcast_in_dim3A_57 : f32 to vector<16xf32>
      %broadcast_in_dim3A_59 = arith.constant 0.000000e+00 : f32
      %broadcast_in_dim3A_60 = vector.broadcast %broadcast_in_dim3A_59 : f32 to vector<16xf32>
      %broadcast_in_dim3A_61 = arith.constant 0.000000e+00 : f32
      %broadcast_in_dim3A_62 = vector.broadcast %broadcast_in_dim3A_61 : f32 to vector<16xf32>
      %broadcast_in_dim3A_63 = arith.constant 0.000000e+00 : f32
      %broadcast_in_dim3A_64 = vector.broadcast %broadcast_in_dim3A_63 : f32 to vector<16xf32>
      %broadcast_in_dim3A_65 = arith.constant 0.000000e+00 : f32
      %broadcast_in_dim3A_66 = vector.broadcast %broadcast_in_dim3A_65 : f32 to vector<16xf32>
      %broadcast_in_dim3A_67 = arith.constant 0.000000e+00 : f32
      %broadcast_in_dim3A_68 = vector.broadcast %broadcast_in_dim3A_67 : f32 to vector<16xf32>
      %broadcast_in_dim3A_69 = arith.constant 0.000000e+00 : f32
      %broadcast_in_dim3A_70 = vector.broadcast %broadcast_in_dim3A_69 : f32 to vector<16xf32>
      %broadcast_in_dim3A_71 = arith.constant 0.000000e+00 : f32
      %broadcast_in_dim3A_72 = vector.broadcast %broadcast_in_dim3A_71 : f32 to vector<16xf32>
      %broadcast_in_dim3A_73 = arith.constant 0.000000e+00 : f32
      %broadcast_in_dim3A_74 = vector.broadcast %broadcast_in_dim3A_73 : f32 to vector<16xf32>
      %broadcast_in_dim3A_75 = arith.constant 0.000000e+00 : f32
      %broadcast_in_dim3A_76 = vector.broadcast %broadcast_in_dim3A_75 : f32 to vector<16xf32>
      %broadcast_in_dim3A_77 = arith.constant 0.000000e+00 : f32
      %broadcast_in_dim3A_78 = vector.broadcast %broadcast_in_dim3A_77 : f32 to vector<16xf32>
      %broadcast_in_dim3A_79 = arith.constant 0.000000e+00 : f32
      %broadcast_in_dim3A_80 = vector.broadcast %broadcast_in_dim3A_79 : f32 to vector<16xf32>
      %broadcast_in_dim3A_81 = arith.constant 0.000000e+00 : f32
      %broadcast_in_dim3A_82 = vector.broadcast %broadcast_in_dim3A_81 : f32 to vector<16xf32>
      %broadcast_in_dim3A_83 = arith.constant 0.000000e+00 : f32
      %broadcast_in_dim3A_84 = vector.broadcast %broadcast_in_dim3A_83 : f32 to vector<16xf32>
      %dma_wait3A = arith.constant 0 : i32
      %dma_wait3A_85 = tpu.memref_slice %arg5[%dma_wait3A] : memref<200xi32, #tpu.memory_space<vmem>> -> memref<56xi32, #tpu.memory_space<vmem>>
      %dma_wait3A_86 = arith.constant 0 : i32
      %dma_wait3A_87 = arith.constant 0 : i32
      %dma_wait3A_88 = tpu.memref_slice %arg3[%dma_wait3A_86, %dma_wait3A_87] : memref<100000x384xf32, #tpu.memory_space<hbm>> -> memref<100000x384xf32, #tpu.memory_space<hbm>>
      tpu.wait_indirect_dma semaphore(%arg12 : memref<!tpu.dma_semaphore, #tpu.memory_space<semaphore_mem>>) src(%dma_wait3A_88 : memref<100000x384xf32, #tpu.memory_space<hbm>>) dst(%arg7 : memref<56x384xf32, #tpu.memory_space<vmem>>)
      %scan3A_89 = arith.constant 0 : i32
      %scan3A_90 = arith.constant 28 : i32
      %scan3A_91 = arith.addi %scan3A_89, %scan3A_90 : i32
      %scan3A_92 = arith.constant 1 : i32
      %scan3A_93:24 = scf.for %scan3A_492 = %scan3A_89 to %scan3A_91 step %scan3A_92 iter_args(%scan3A_493 = %broadcast_in_dim3A_38, %scan3A_494 = %broadcast_in_dim3A_40, %scan3A_495 = %broadcast_in_dim3A_42, %scan3A_496 = %broadcast_in_dim3A_44, %scan3A_497 = %broadcast_in_dim3A_46, %scan3A_498 = %broadcast_in_dim3A_48, %scan3A_499 = %broadcast_in_dim3A_50, %scan3A_500 = %broadcast_in_dim3A_52, %scan3A_501 = %broadcast_in_dim3A_54, %scan3A_502 = %broadcast_in_dim3A_56, %scan3A_503 = %broadcast_in_dim3A_58, %scan3A_504 = %broadcast_in_dim3A_60, %scan3A_505 = %broadcast_in_dim3A_62, %scan3A_506 = %broadcast_in_dim3A_64, %scan3A_507 = %broadcast_in_dim3A_66, %scan3A_508 = %broadcast_in_dim3A_68, %scan3A_509 = %broadcast_in_dim3A_70, %scan3A_510 = %broadcast_in_dim3A_72, %scan3A_511 = %broadcast_in_dim3A_74, %scan3A_512 = %broadcast_in_dim3A_76, %scan3A_513 = %broadcast_in_dim3A_78, %scan3A_514 = %broadcast_in_dim3A_80, %scan3A_515 = %broadcast_in_dim3A_82, %scan3A_516 = %broadcast_in_dim3A_84) -> (vector<16xf32>, vector<16xf32>, vector<16xf32>, vector<16xf32>, vector<16xf32>, vector<16xf32>, vector<16xf32>, vector<16xf32>, vector<16xf32>, vector<16xf32>, vector<16xf32>, vector<16xf32>, vector<16xf32>, vector<16xf32>, vector<16xf32>, vector<16xf32>, vector<16xf32>, vector<16xf32>, vector<16xf32>, vector<16xf32>, vector<16xf32>, vector<16xf32>, vector<16xf32>, vector<16xf32>)  : i32 {
        %mul3A_517 = arith.constant 2 : i32
        %mul3A_518 = arith.muli %mul3A_517, %scan3A_492 : i32
        %get3A = arith.index_cast %mul3A_518 : i32 to index
        %get3A_519 = arith.constant 0 : index
        %get3A_520 = tpu.vector_load %arg7[%get3A, %get3A_519] {strides = array<i32>} : memref<56x384xf32, #tpu.memory_space<vmem>>, vector<1x16xf32>,
        %get3A_521 = vector.shape_cast %get3A_520 : vector<1x16xf32> to vector<16xf32>
        %add3A_522 = arith.constant 1 : i32
        %add3A_523 = arith.addi %mul3A_518, %add3A_522 : i32
        %get3A_524 = arith.index_cast %add3A_523 : i32 to index
        %get3A_525 = arith.constant 0 : index
        %get3A_526 = tpu.vector_load %arg7[%get3A_524, %get3A_525] {strides = array<i32>} : memref<56x384xf32, #tpu.memory_space<vmem>>, vector<1x16xf32>,
        %get3A_527 = vector.shape_cast %get3A_526 : vector<1x16xf32> to vector<16xf32>
        %add3A_528 = arith.addf %get3A_521, %get3A_527 : vector<16xf32>
        %add3A_529 = arith.addf %scan3A_493, %add3A_528 : vector<16xf32>
        %get3A_530 = arith.index_cast %mul3A_518 : i32 to index
        %get3A_531 = arith.constant 16 : index
        %get3A_532 = tpu.vector_load %arg7[%get3A_530, %get3A_531] {strides = array<i32>} : memref<56x384xf32, #tpu.memory_space<vmem>>, vector<1x16xf32>,
        %get3A_533 = vector.shape_cast %get3A_532 : vector<1x16xf32> to vector<16xf32>
        %add3A_534 = arith.constant 1 : i32
        %add3A_535 = arith.addi %mul3A_518, %add3A_534 : i32
        %get3A_536 = arith.index_cast %add3A_535 : i32 to index
        %get3A_537 = arith.constant 16 : index
        %get3A_538 = tpu.vector_load %arg7[%get3A_536, %get3A_537] {strides = array<i32>} : memref<56x384xf32, #tpu.memory_space<vmem>>, vector<1x16xf32>,
        %get3A_539 = vector.shape_cast %get3A_538 : vector<1x16xf32> to vector<16xf32>
        %add3A_540 = arith.addf %get3A_533, %get3A_539 : vector<16xf32>
        %add3A_541 = arith.addf %scan3A_494, %add3A_540 : vector<16xf32>
        %get3A_542 = arith.index_cast %mul3A_518 : i32 to index
        %get3A_543 = arith.constant 32 : index
        %get3A_544 = tpu.vector_load %arg7[%get3A_542, %get3A_543] {strides = array<i32>} : memref<56x384xf32, #tpu.memory_space<vmem>>, vector<1x16xf32>,
        %get3A_545 = vector.shape_cast %get3A_544 : vector<1x16xf32> to vector<16xf32>
        %add3A_546 = arith.constant 1 : i32
        %add3A_547 = arith.addi %mul3A_518, %add3A_546 : i32
        %get3A_548 = arith.index_cast %add3A_547 : i32 to index
        %get3A_549 = arith.constant 32 : index
        %get3A_550 = tpu.vector_load %arg7[%get3A_548, %get3A_549] {strides = array<i32>} : memref<56x384xf32, #tpu.memory_space<vmem>>, vector<1x16xf32>,
        %get3A_551 = vector.shape_cast %get3A_550 : vector<1x16xf32> to vector<16xf32>
        %add3A_552 = arith.addf %get3A_545, %get3A_551 : vector<16xf32>
        %add3A_553 = arith.addf %scan3A_495, %add3A_552 : vector<16xf32>
        %get3A_554 = arith.index_cast %mul3A_518 : i32 to index
        %get3A_555 = arith.constant 48 : index
        %get3A_556 = tpu.vector_load %arg7[%get3A_554, %get3A_555] {strides = array<i32>} : memref<56x384xf32, #tpu.memory_space<vmem>>, vector<1x16xf32>,
        %get3A_557 = vector.shape_cast %get3A_556 : vector<1x16xf32> to vector<16xf32>
        %add3A_558 = arith.constant 1 : i32
        %add3A_559 = arith.addi %mul3A_518, %add3A_558 : i32
        %get3A_560 = arith.index_cast %add3A_559 : i32 to index
        %get3A_561 = arith.constant 48 : index
        %get3A_562 = tpu.vector_load %arg7[%get3A_560, %get3A_561] {strides = array<i32>} : memref<56x384xf32, #tpu.memory_space<vmem>>, vector<1x16xf32>,
        %get3A_563 = vector.shape_cast %get3A_562 : vector<1x16xf32> to vector<16xf32>
        %add3A_564 = arith.addf %get3A_557, %get3A_563 : vector<16xf32>
        %add3A_565 = arith.addf %scan3A_496, %add3A_564 : vector<16xf32>
        %get3A_566 = arith.index_cast %mul3A_518 : i32 to index
        %get3A_567 = arith.constant 64 : index
        %get3A_568 = tpu.vector_load %arg7[%get3A_566, %get3A_567] {strides = array<i32>} : memref<56x384xf32, #tpu.memory_space<vmem>>, vector<1x16xf32>,
        %get3A_569 = vector.shape_cast %get3A_568 : vector<1x16xf32> to vector<16xf32>
        %add3A_570 = arith.constant 1 : i32
        %add3A_571 = arith.addi %mul3A_518, %add3A_570 : i32
        %get3A_572 = arith.index_cast %add3A_571 : i32 to index
        %get3A_573 = arith.constant 64 : index
        %get3A_574 = tpu.vector_load %arg7[%get3A_572, %get3A_573] {strides = array<i32>} : memref<56x384xf32, #tpu.memory_space<vmem>>, vector<1x16xf32>,
        %get3A_575 = vector.shape_cast %get3A_574 : vector<1x16xf32> to vector<16xf32>
        %add3A_576 = arith.addf %get3A_569, %get3A_575 : vector<16xf32>
        %add3A_577 = arith.addf %scan3A_497, %add3A_576 : vector<16xf32>
        %get3A_578 = arith.index_cast %mul3A_518 : i32 to index
        %get3A_579 = arith.constant 80 : index
        %get3A_580 = tpu.vector_load %arg7[%get3A_578, %get3A_579] {strides = array<i32>} : memref<56x384xf32, #tpu.memory_space<vmem>>, vector<1x16xf32>,
        %get3A_581 = vector.shape_cast %get3A_580 : vector<1x16xf32> to vector<16xf32>
        %add3A_582 = arith.constant 1 : i32
        %add3A_583 = arith.addi %mul3A_518, %add3A_582 : i32
        %get3A_584 = arith.index_cast %add3A_583 : i32 to index
        %get3A_585 = arith.constant 80 : index
        %get3A_586 = tpu.vector_load %arg7[%get3A_584, %get3A_585] {strides = array<i32>} : memref<56x384xf32, #tpu.memory_space<vmem>>, vector<1x16xf32>,
        %get3A_587 = vector.shape_cast %get3A_586 : vector<1x16xf32> to vector<16xf32>
        %add3A_588 = arith.addf %get3A_581, %get3A_587 : vector<16xf32>
        %add3A_589 = arith.addf %scan3A_498, %add3A_588 : vector<16xf32>
        %get3A_590 = arith.index_cast %mul3A_518 : i32 to index
        %get3A_591 = arith.constant 96 : index
        %get3A_592 = tpu.vector_load %arg7[%get3A_590, %get3A_591] {strides = array<i32>} : memref<56x384xf32, #tpu.memory_space<vmem>>, vector<1x16xf32>,
        %get3A_593 = vector.shape_cast %get3A_592 : vector<1x16xf32> to vector<16xf32>
        %add3A_594 = arith.constant 1 : i32
        %add3A_595 = arith.addi %mul3A_518, %add3A_594 : i32
        %get3A_596 = arith.index_cast %add3A_595 : i32 to index
        %get3A_597 = arith.constant 96 : index
        %get3A_598 = tpu.vector_load %arg7[%get3A_596, %get3A_597] {strides = array<i32>} : memref<56x384xf32, #tpu.memory_space<vmem>>, vector<1x16xf32>,
        %get3A_599 = vector.shape_cast %get3A_598 : vector<1x16xf32> to vector<16xf32>
        %add3A_600 = arith.addf %get3A_593, %get3A_599 : vector<16xf32>
        %add3A_601 = arith.addf %scan3A_499, %add3A_600 : vector<16xf32>
        %get3A_602 = arith.index_cast %mul3A_518 : i32 to index
        %get3A_603 = arith.constant 112 : index
        %get3A_604 = tpu.vector_load %arg7[%get3A_602, %get3A_603] {strides = array<i32>} : memref<56x384xf32, #tpu.memory_space<vmem>>, vector<1x16xf32>,
        %get3A_605 = vector.shape_cast %get3A_604 : vector<1x16xf32> to vector<16xf32>
        %add3A_606 = arith.constant 1 : i32
        %add3A_607 = arith.addi %mul3A_518, %add3A_606 : i32
        %get3A_608 = arith.index_cast %add3A_607 : i32 to index
        %get3A_609 = arith.constant 112 : index
        %get3A_610 = tpu.vector_load %arg7[%get3A_608, %get3A_609] {strides = array<i32>} : memref<56x384xf32, #tpu.memory_space<vmem>>, vector<1x16xf32>,
        %get3A_611 = vector.shape_cast %get3A_610 : vector<1x16xf32> to vector<16xf32>
        %add3A_612 = arith.addf %get3A_605, %get3A_611 : vector<16xf32>
        %add3A_613 = arith.addf %scan3A_500, %add3A_612 : vector<16xf32>
        %get3A_614 = arith.index_cast %mul3A_518 : i32 to index
        %get3A_615 = arith.constant 128 : index
        %get3A_616 = tpu.vector_load %arg7[%get3A_614, %get3A_615] {strides = array<i32>} : memref<56x384xf32, #tpu.memory_space<vmem>>, vector<1x16xf32>,
        %get3A_617 = vector.shape_cast %get3A_616 : vector<1x16xf32> to vector<16xf32>
        %add3A_618 = arith.constant 1 : i32
        %add3A_619 = arith.addi %mul3A_518, %add3A_618 : i32
        %get3A_620 = arith.index_cast %add3A_619 : i32 to index
        %get3A_621 = arith.constant 128 : index
        %get3A_622 = tpu.vector_load %arg7[%get3A_620, %get3A_621] {strides = array<i32>} : memref<56x384xf32, #tpu.memory_space<vmem>>, vector<1x16xf32>,
        %get3A_623 = vector.shape_cast %get3A_622 : vector<1x16xf32> to vector<16xf32>
        %add3A_624 = arith.addf %get3A_617, %get3A_623 : vector<16xf32>
        %add3A_625 = arith.addf %scan3A_501, %add3A_624 : vector<16xf32>
        %get3A_626 = arith.index_cast %mul3A_518 : i32 to index
        %get3A_627 = arith.constant 144 : index
        %get3A_628 = tpu.vector_load %arg7[%get3A_626, %get3A_627] {strides = array<i32>} : memref<56x384xf32, #tpu.memory_space<vmem>>, vector<1x16xf32>,
        %get3A_629 = vector.shape_cast %get3A_628 : vector<1x16xf32> to vector<16xf32>
        %add3A_630 = arith.constant 1 : i32
        %add3A_631 = arith.addi %mul3A_518, %add3A_630 : i32
        %get3A_632 = arith.index_cast %add3A_631 : i32 to index
        %get3A_633 = arith.constant 144 : index
        %get3A_634 = tpu.vector_load %arg7[%get3A_632, %get3A_633] {strides = array<i32>} : memref<56x384xf32, #tpu.memory_space<vmem>>, vector<1x16xf32>,
        %get3A_635 = vector.shape_cast %get3A_634 : vector<1x16xf32> to vector<16xf32>
        %add3A_636 = arith.addf %get3A_629, %get3A_635 : vector<16xf32>
        %add3A_637 = arith.addf %scan3A_502, %add3A_636 : vector<16xf32>
        %get3A_638 = arith.index_cast %mul3A_518 : i32 to index
        %get3A_639 = arith.constant 160 : index
        %get3A_640 = tpu.vector_load %arg7[%get3A_638, %get3A_639] {strides = array<i32>} : memref<56x384xf32, #tpu.memory_space<vmem>>, vector<1x16xf32>,
        %get3A_641 = vector.shape_cast %get3A_640 : vector<1x16xf32> to vector<16xf32>
        %add3A_642 = arith.constant 1 : i32
        %add3A_643 = arith.addi %mul3A_518, %add3A_642 : i32
        %get3A_644 = arith.index_cast %add3A_643 : i32 to index
        %get3A_645 = arith.constant 160 : index
        %get3A_646 = tpu.vector_load %arg7[%get3A_644, %get3A_645] {strides = array<i32>} : memref<56x384xf32, #tpu.memory_space<vmem>>, vector<1x16xf32>,
        %get3A_647 = vector.shape_cast %get3A_646 : vector<1x16xf32> to vector<16xf32>
        %add3A_648 = arith.addf %get3A_641, %get3A_647 : vector<16xf32>
        %add3A_649 = arith.addf %scan3A_503, %add3A_648 : vector<16xf32>
        %get3A_650 = arith.index_cast %mul3A_518 : i32 to index
        %get3A_651 = arith.constant 176 : index
        %get3A_652 = tpu.vector_load %arg7[%get3A_650, %get3A_651] {strides = array<i32>} : memref<56x384xf32, #tpu.memory_space<vmem>>, vector<1x16xf32>,
        %get3A_653 = vector.shape_cast %get3A_652 : vector<1x16xf32> to vector<16xf32>
        %add3A_654 = arith.constant 1 : i32
        %add3A_655 = arith.addi %mul3A_518, %add3A_654 : i32
        %get3A_656 = arith.index_cast %add3A_655 : i32 to index
        %get3A_657 = arith.constant 176 : index
        %get3A_658 = tpu.vector_load %arg7[%get3A_656, %get3A_657] {strides = array<i32>} : memref<56x384xf32, #tpu.memory_space<vmem>>, vector<1x16xf32>,
        %get3A_659 = vector.shape_cast %get3A_658 : vector<1x16xf32> to vector<16xf32>
        %add3A_660 = arith.addf %get3A_653, %get3A_659 : vector<16xf32>
        %add3A_661 = arith.addf %scan3A_504, %add3A_660 : vector<16xf32>
        %get3A_662 = arith.index_cast %mul3A_518 : i32 to index
        %get3A_663 = arith.constant 192 : index
        %get3A_664 = tpu.vector_load %arg7[%get3A_662, %get3A_663] {strides = array<i32>} : memref<56x384xf32, #tpu.memory_space<vmem>>, vector<1x16xf32>,
        %get3A_665 = vector.shape_cast %get3A_664 : vector<1x16xf32> to vector<16xf32>
        %add3A_666 = arith.constant 1 : i32
        %add3A_667 = arith.addi %mul3A_518, %add3A_666 : i32
        %get3A_668 = arith.index_cast %add3A_667 : i32 to index
        %get3A_669 = arith.constant 192 : index
        %get3A_670 = tpu.vector_load %arg7[%get3A_668, %get3A_669] {strides = array<i32>} : memref<56x384xf32, #tpu.memory_space<vmem>>, vector<1x16xf32>,
        %get3A_671 = vector.shape_cast %get3A_670 : vector<1x16xf32> to vector<16xf32>
        %add3A_672 = arith.addf %get3A_665, %get3A_671 : vector<16xf32>
        %add3A_673 = arith.addf %scan3A_505, %add3A_672 : vector<16xf32>
        %get3A_674 = arith.index_cast %mul3A_518 : i32 to index
        %get3A_675 = arith.constant 208 : index
        %get3A_676 = tpu.vector_load %arg7[%get3A_674, %get3A_675] {strides = array<i32>} : memref<56x384xf32, #tpu.memory_space<vmem>>, vector<1x16xf32>,
        %get3A_677 = vector.shape_cast %get3A_676 : vector<1x16xf32> to vector<16xf32>
        %add3A_678 = arith.constant 1 : i32
        %add3A_679 = arith.addi %mul3A_518, %add3A_678 : i32
        %get3A_680 = arith.index_cast %add3A_679 : i32 to index
        %get3A_681 = arith.constant 208 : index
        %get3A_682 = tpu.vector_load %arg7[%get3A_680, %get3A_681] {strides = array<i32>} : memref<56x384xf32, #tpu.memory_space<vmem>>, vector<1x16xf32>,
        %get3A_683 = vector.shape_cast %get3A_682 : vector<1x16xf32> to vector<16xf32>
        %add3A_684 = arith.addf %get3A_677, %get3A_683 : vector<16xf32>
        %add3A_685 = arith.addf %scan3A_506, %add3A_684 : vector<16xf32>
        %get3A_686 = arith.index_cast %mul3A_518 : i32 to index
        %get3A_687 = arith.constant 224 : index
        %get3A_688 = tpu.vector_load %arg7[%get3A_686, %get3A_687] {strides = array<i32>} : memref<56x384xf32, #tpu.memory_space<vmem>>, vector<1x16xf32>,
        %get3A_689 = vector.shape_cast %get3A_688 : vector<1x16xf32> to vector<16xf32>
        %add3A_690 = arith.constant 1 : i32
        %add3A_691 = arith.addi %mul3A_518, %add3A_690 : i32
        %get3A_692 = arith.index_cast %add3A_691 : i32 to index
        %get3A_693 = arith.constant 224 : index
        %get3A_694 = tpu.vector_load %arg7[%get3A_692, %get3A_693] {strides = array<i32>} : memref<56x384xf32, #tpu.memory_space<vmem>>, vector<1x16xf32>,
        %get3A_695 = vector.shape_cast %get3A_694 : vector<1x16xf32> to vector<16xf32>
        %add3A_696 = arith.addf %get3A_689, %get3A_695 : vector<16xf32>
        %add3A_697 = arith.addf %scan3A_507, %add3A_696 : vector<16xf32>
        %get3A_698 = arith.index_cast %mul3A_518 : i32 to index
        %get3A_699 = arith.constant 240 : index
        %get3A_700 = tpu.vector_load %arg7[%get3A_698, %get3A_699] {strides = array<i32>} : memref<56x384xf32, #tpu.memory_space<vmem>>, vector<1x16xf32>,
        %get3A_701 = vector.shape_cast %get3A_700 : vector<1x16xf32> to vector<16xf32>
        %add3A_702 = arith.constant 1 : i32
        %add3A_703 = arith.addi %mul3A_518, %add3A_702 : i32
        %get3A_704 = arith.index_cast %add3A_703 : i32 to index
        %get3A_705 = arith.constant 240 : index
        %get3A_706 = tpu.vector_load %arg7[%get3A_704, %get3A_705] {strides = array<i32>} : memref<56x384xf32, #tpu.memory_space<vmem>>, vector<1x16xf32>,
        %get3A_707 = vector.shape_cast %get3A_706 : vector<1x16xf32> to vector<16xf32>
        %add3A_708 = arith.addf %get3A_701, %get3A_707 : vector<16xf32>
        %add3A_709 = arith.addf %scan3A_508, %add3A_708 : vector<16xf32>
        %get3A_710 = arith.index_cast %mul3A_518 : i32 to index
        %get3A_711 = arith.constant 256 : index
        %get3A_712 = tpu.vector_load %arg7[%get3A_710, %get3A_711] {strides = array<i32>} : memref<56x384xf32, #tpu.memory_space<vmem>>, vector<1x16xf32>,
        %get3A_713 = vector.shape_cast %get3A_712 : vector<1x16xf32> to vector<16xf32>
        %add3A_714 = arith.constant 1 : i32
        %add3A_715 = arith.addi %mul3A_518, %add3A_714 : i32
        %get3A_716 = arith.index_cast %add3A_715 : i32 to index
        %get3A_717 = arith.constant 256 : index
        %get3A_718 = tpu.vector_load %arg7[%get3A_716, %get3A_717] {strides = array<i32>} : memref<56x384xf32, #tpu.memory_space<vmem>>, vector<1x16xf32>,
        %get3A_719 = vector.shape_cast %get3A_718 : vector<1x16xf32> to vector<16xf32>
        %add3A_720 = arith.addf %get3A_713, %get3A_719 : vector<16xf32>
        %add3A_721 = arith.addf %scan3A_509, %add3A_720 : vector<16xf32>
        %get3A_722 = arith.index_cast %mul3A_518 : i32 to index
        %get3A_723 = arith.constant 272 : index
        %get3A_724 = tpu.vector_load %arg7[%get3A_722, %get3A_723] {strides = array<i32>} : memref<56x384xf32, #tpu.memory_space<vmem>>, vector<1x16xf32>,
        %get3A_725 = vector.shape_cast %get3A_724 : vector<1x16xf32> to vector<16xf32>
        %add3A_726 = arith.constant 1 : i32
        %add3A_727 = arith.addi %mul3A_518, %add3A_726 : i32
        %get3A_728 = arith.index_cast %add3A_727 : i32 to index
        %get3A_729 = arith.constant 272 : index
        %get3A_730 = tpu.vector_load %arg7[%get3A_728, %get3A_729] {strides = array<i32>} : memref<56x384xf32, #tpu.memory_space<vmem>>, vector<1x16xf32>,
        %get3A_731 = vector.shape_cast %get3A_730 : vector<1x16xf32> to vector<16xf32>
        %add3A_732 = arith.addf %get3A_725, %get3A_731 : vector<16xf32>
        %add3A_733 = arith.addf %scan3A_510, %add3A_732 : vector<16xf32>
        %get3A_734 = arith.index_cast %mul3A_518 : i32 to index
        %get3A_735 = arith.constant 288 : index
        %get3A_736 = tpu.vector_load %arg7[%get3A_734, %get3A_735] {strides = array<i32>} : memref<56x384xf32, #tpu.memory_space<vmem>>, vector<1x16xf32>,
        %get3A_737 = vector.shape_cast %get3A_736 : vector<1x16xf32> to vector<16xf32>
        %add3A_738 = arith.constant 1 : i32
        %add3A_739 = arith.addi %mul3A_518, %add3A_738 : i32
        %get3A_740 = arith.index_cast %add3A_739 : i32 to index
        %get3A_741 = arith.constant 288 : index
        %get3A_742 = tpu.vector_load %arg7[%get3A_740, %get3A_741] {strides = array<i32>} : memref<56x384xf32, #tpu.memory_space<vmem>>, vector<1x16xf32>,
        %get3A_743 = vector.shape_cast %get3A_742 : vector<1x16xf32> to vector<16xf32>
        %add3A_744 = arith.addf %get3A_737, %get3A_743 : vector<16xf32>
        %add3A_745 = arith.addf %scan3A_511, %add3A_744 : vector<16xf32>
        %get3A_746 = arith.index_cast %mul3A_518 : i32 to index
        %get3A_747 = arith.constant 304 : index
        %get3A_748 = tpu.vector_load %arg7[%get3A_746, %get3A_747] {strides = array<i32>} : memref<56x384xf32, #tpu.memory_space<vmem>>, vector<1x16xf32>,
        %get3A_749 = vector.shape_cast %get3A_748 : vector<1x16xf32> to vector<16xf32>
        %add3A_750 = arith.constant 1 : i32
        %add3A_751 = arith.addi %mul3A_518, %add3A_750 : i32
        %get3A_752 = arith.index_cast %add3A_751 : i32 to index
        %get3A_753 = arith.constant 304 : index
        %get3A_754 = tpu.vector_load %arg7[%get3A_752, %get3A_753] {strides = array<i32>} : memref<56x384xf32, #tpu.memory_space<vmem>>, vector<1x16xf32>,
        %get3A_755 = vector.shape_cast %get3A_754 : vector<1x16xf32> to vector<16xf32>
        %add3A_756 = arith.addf %get3A_749, %get3A_755 : vector<16xf32>
        %add3A_757 = arith.addf %scan3A_512, %add3A_756 : vector<16xf32>
        %get3A_758 = arith.index_cast %mul3A_518 : i32 to index
        %get3A_759 = arith.constant 320 : index
        %get3A_760 = tpu.vector_load %arg7[%get3A_758, %get3A_759] {strides = array<i32>} : memref<56x384xf32, #tpu.memory_space<vmem>>, vector<1x16xf32>,
        %get3A_761 = vector.shape_cast %get3A_760 : vector<1x16xf32> to vector<16xf32>
        %add3A_762 = arith.constant 1 : i32
        %add3A_763 = arith.addi %mul3A_518, %add3A_762 : i32
        %get3A_764 = arith.index_cast %add3A_763 : i32 to index
        %get3A_765 = arith.constant 320 : index
        %get3A_766 = tpu.vector_load %arg7[%get3A_764, %get3A_765] {strides = array<i32>} : memref<56x384xf32, #tpu.memory_space<vmem>>, vector<1x16xf32>,
        %get3A_767 = vector.shape_cast %get3A_766 : vector<1x16xf32> to vector<16xf32>
        %add3A_768 = arith.addf %get3A_761, %get3A_767 : vector<16xf32>
        %add3A_769 = arith.addf %scan3A_513, %add3A_768 : vector<16xf32>
        %get3A_770 = arith.index_cast %mul3A_518 : i32 to index
        %get3A_771 = arith.constant 336 : index
        %get3A_772 = tpu.vector_load %arg7[%get3A_770, %get3A_771] {strides = array<i32>} : memref<56x384xf32, #tpu.memory_space<vmem>>, vector<1x16xf32>,
        %get3A_773 = vector.shape_cast %get3A_772 : vector<1x16xf32> to vector<16xf32>
        %add3A_774 = arith.constant 1 : i32
        %add3A_775 = arith.addi %mul3A_518, %add3A_774 : i32
        %get3A_776 = arith.index_cast %add3A_775 : i32 to index
        %get3A_777 = arith.constant 336 : index
        %get3A_778 = tpu.vector_load %arg7[%get3A_776, %get3A_777] {strides = array<i32>} : memref<56x384xf32, #tpu.memory_space<vmem>>, vector<1x16xf32>,
        %get3A_779 = vector.shape_cast %get3A_778 : vector<1x16xf32> to vector<16xf32>
        %add3A_780 = arith.addf %get3A_773, %get3A_779 : vector<16xf32>
        %add3A_781 = arith.addf %scan3A_514, %add3A_780 : vector<16xf32>
        %get3A_782 = arith.index_cast %mul3A_518 : i32 to index
        %get3A_783 = arith.constant 352 : index
        %get3A_784 = tpu.vector_load %arg7[%get3A_782, %get3A_783] {strides = array<i32>} : memref<56x384xf32, #tpu.memory_space<vmem>>, vector<1x16xf32>,
        %get3A_785 = vector.shape_cast %get3A_784 : vector<1x16xf32> to vector<16xf32>
        %add3A_786 = arith.constant 1 : i32
        %add3A_787 = arith.addi %mul3A_518, %add3A_786 : i32
        %get3A_788 = arith.index_cast %add3A_787 : i32 to index
        %get3A_789 = arith.constant 352 : index
        %get3A_790 = tpu.vector_load %arg7[%get3A_788, %get3A_789] {strides = array<i32>} : memref<56x384xf32, #tpu.memory_space<vmem>>, vector<1x16xf32>,
        %get3A_791 = vector.shape_cast %get3A_790 : vector<1x16xf32> to vector<16xf32>
        %add3A_792 = arith.addf %get3A_785, %get3A_791 : vector<16xf32>
        %add3A_793 = arith.addf %scan3A_515, %add3A_792 : vector<16xf32>
        %get3A_794 = arith.index_cast %mul3A_518 : i32 to index
        %get3A_795 = arith.constant 368 : index
        %get3A_796 = tpu.vector_load %arg7[%get3A_794, %get3A_795] {strides = array<i32>} : memref<56x384xf32, #tpu.memory_space<vmem>>, vector<1x16xf32>,
        %get3A_797 = vector.shape_cast %get3A_796 : vector<1x16xf32> to vector<16xf32>
        %add3A_798 = arith.constant 1 : i32
        %add3A_799 = arith.addi %mul3A_518, %add3A_798 : i32
        %get3A_800 = arith.index_cast %add3A_799 : i32 to index
        %get3A_801 = arith.constant 368 : index
        %get3A_802 = tpu.vector_load %arg7[%get3A_800, %get3A_801] {strides = array<i32>} : memref<56x384xf32, #tpu.memory_space<vmem>>, vector<1x16xf32>,
        %get3A_803 = vector.shape_cast %get3A_802 : vector<1x16xf32> to vector<16xf32>
        %add3A_804 = arith.addf %get3A_797, %get3A_803 : vector<16xf32>
        %add3A_805 = arith.addf %scan3A_516, %add3A_804 : vector<16xf32>
        scf.yield %add3A_529, %add3A_541, %add3A_553, %add3A_565, %add3A_577, %add3A_589, %add3A_601, %add3A_613, %add3A_625, %add3A_637, %add3A_649, %add3A_661, %add3A_673, %add3A_685, %add3A_697, %add3A_709, %add3A_721, %add3A_733, %add3A_745, %add3A_757, %add3A_769, %add3A_781, %add3A_793, %add3A_805 : vector<16xf32>, vector<16xf32>, vector<16xf32>, vector<16xf32>, vector<16xf32>, vector<16xf32>, vector<16xf32>, vector<16xf32>, vector<16xf32>, vector<16xf32>, vector<16xf32>, vector<16xf32>, vector<16xf32>, vector<16xf32>, vector<16xf32>, vector<16xf32>, vector<16xf32>, vector<16xf32>, vector<16xf32>, vector<16xf32>, vector<16xf32>, vector<16xf32>, vector<16xf32>, vector<16xf32>
      }
      %scan3A_94 = arith.constant 28 : i32
      %convert_element_type3A_95 = arith.extui %lt3A_36 : i1 to i32
      %cond3A_96 = arith.constant 0 : i32
      %cond3A_97 = arith.cmpi ne, %convert_element_type3A_95, %cond3A_96 : i32
      scf.if %cond3A_97 {
        %dma_start3A_492 = arith.constant 0 : i32
        %dma_start3A_493 = tpu.memref_slice %arg6[%dma_start3A_492] : memref<200xi32, #tpu.memory_space<vmem>> -> memref<56xi32, #tpu.memory_space<vmem>>
        %dma_start3A_494 = arith.constant 0 : i32
        %dma_start3A_495 = arith.constant 0 : i32
        %dma_start3A_496 = tpu.memref_slice %arg3[%dma_start3A_494, %dma_start3A_495] : memref<100000x384xf32, #tpu.memory_space<hbm>> -> memref<100000x384xf32, #tpu.memory_space<hbm>>
        tpu.enqueue_indirect_dma source(%dma_start3A_496 : memref<100000x384xf32, #tpu.memory_space<hbm>>) target(%arg7 : memref<56x384xf32, #tpu.memory_space<vmem>>) offsets(%dma_start3A_493 : memref<56xi32, #tpu.memory_space<vmem>>) semaphore(%arg12 : memref<!tpu.dma_semaphore, #tpu.memory_space<semaphore_mem>>)
      } else {
      }
      %dma_wait3A_98 = arith.constant 56 : i32
      %dma_wait3A_99 = tpu.memref_slice %arg5[%dma_wait3A_98] : memref<200xi32, #tpu.memory_space<vmem>> -> memref<48xi32, #tpu.memory_space<vmem>>
      %dma_wait3A_100 = arith.constant 0 : i32
      %dma_wait3A_101 = arith.constant 0 : i32
      %dma_wait3A_102 = tpu.memref_slice %arg3[%dma_wait3A_100, %dma_wait3A_101] : memref<100000x384xf32, #tpu.memory_space<hbm>> -> memref<100000x384xf32, #tpu.memory_space<hbm>>
      tpu.wait_indirect_dma semaphore(%arg13 : memref<!tpu.dma_semaphore, #tpu.memory_space<semaphore_mem>>) src(%dma_wait3A_102 : memref<100000x384xf32, #tpu.memory_space<hbm>>) dst(%arg8 : memref<48x384xf32, #tpu.memory_space<vmem>>)
      %scan3A_103 = arith.constant 0 : i32
      %scan3A_104 = arith.constant 24 : i32
      %scan3A_105 = arith.addi %scan3A_103, %scan3A_104 : i32
      %scan3A_106 = arith.constant 1 : i32
      %scan3A_107:24 = scf.for %scan3A_492 = %scan3A_103 to %scan3A_105 step %scan3A_106 iter_args(%scan3A_493 = %scan3A_93#0, %scan3A_494 = %scan3A_93#1, %scan3A_495 = %scan3A_93#2, %scan3A_496 = %scan3A_93#3, %scan3A_497 = %scan3A_93#4, %scan3A_498 = %scan3A_93#5, %scan3A_499 = %scan3A_93#6, %scan3A_500 = %scan3A_93#7, %scan3A_501 = %scan3A_93#8, %scan3A_502 = %scan3A_93#9, %scan3A_503 = %scan3A_93#10, %scan3A_504 = %scan3A_93#11, %scan3A_505 = %scan3A_93#12, %scan3A_506 = %scan3A_93#13, %scan3A_507 = %scan3A_93#14, %scan3A_508 = %scan3A_93#15, %scan3A_509 = %scan3A_93#16, %scan3A_510 = %scan3A_93#17, %scan3A_511 = %scan3A_93#18, %scan3A_512 = %scan3A_93#19, %scan3A_513 = %scan3A_93#20, %scan3A_514 = %scan3A_93#21, %scan3A_515 = %scan3A_93#22, %scan3A_516 = %scan3A_93#23) -> (vector<16xf32>, vector<16xf32>, vector<16xf32>, vector<16xf32>, vector<16xf32>, vector<16xf32>, vector<16xf32>, vector<16xf32>, vector<16xf32>, vector<16xf32>, vector<16xf32>, vector<16xf32>, vector<16xf32>, vector<16xf32>, vector<16xf32>, vector<16xf32>, vector<16xf32>, vector<16xf32>, vector<16xf32>, vector<16xf32>, vector<16xf32>, vector<16xf32>, vector<16xf32>, vector<16xf32>)  : i32 {
        %mul3A_517 = arith.constant 2 : i32
        %mul3A_518 = arith.muli %mul3A_517, %scan3A_492 : i32
        %get3A = arith.index_cast %mul3A_518 : i32 to index
        %get3A_519 = arith.constant 0 : index
        %get3A_520 = tpu.vector_load %arg8[%get3A, %get3A_519] {strides = array<i32>} : memref<48x384xf32, #tpu.memory_space<vmem>>, vector<1x16xf32>,
        %get3A_521 = vector.shape_cast %get3A_520 : vector<1x16xf32> to vector<16xf32>
        %add3A_522 = arith.constant 1 : i32
        %add3A_523 = arith.addi %mul3A_518, %add3A_522 : i32
        %get3A_524 = arith.index_cast %add3A_523 : i32 to index
        %get3A_525 = arith.constant 0 : index
        %get3A_526 = tpu.vector_load %arg8[%get3A_524, %get3A_525] {strides = array<i32>} : memref<48x384xf32, #tpu.memory_space<vmem>>, vector<1x16xf32>,
        %get3A_527 = vector.shape_cast %get3A_526 : vector<1x16xf32> to vector<16xf32>
        %add3A_528 = arith.addf %get3A_521, %get3A_527 : vector<16xf32>
        %add3A_529 = arith.addf %scan3A_493, %add3A_528 : vector<16xf32>
        %get3A_530 = arith.index_cast %mul3A_518 : i32 to index
        %get3A_531 = arith.constant 16 : index
        %get3A_532 = tpu.vector_load %arg8[%get3A_530, %get3A_531] {strides = array<i32>} : memref<48x384xf32, #tpu.memory_space<vmem>>, vector<1x16xf32>,
        %get3A_533 = vector.shape_cast %get3A_532 : vector<1x16xf32> to vector<16xf32>
        %add3A_534 = arith.constant 1 : i32
        %add3A_535 = arith.addi %mul3A_518, %add3A_534 : i32
        %get3A_536 = arith.index_cast %add3A_535 : i32 to index
        %get3A_537 = arith.constant 16 : index
        %get3A_538 = tpu.vector_load %arg8[%get3A_536, %get3A_537] {strides = array<i32>} : memref<48x384xf32, #tpu.memory_space<vmem>>, vector<1x16xf32>,
        %get3A_539 = vector.shape_cast %get3A_538 : vector<1x16xf32> to vector<16xf32>
        %add3A_540 = arith.addf %get3A_533, %get3A_539 : vector<16xf32>
        %add3A_541 = arith.addf %scan3A_494, %add3A_540 : vector<16xf32>
        %get3A_542 = arith.index_cast %mul3A_518 : i32 to index
        %get3A_543 = arith.constant 32 : index
        %get3A_544 = tpu.vector_load %arg8[%get3A_542, %get3A_543] {strides = array<i32>} : memref<48x384xf32, #tpu.memory_space<vmem>>, vector<1x16xf32>,
        %get3A_545 = vector.shape_cast %get3A_544 : vector<1x16xf32> to vector<16xf32>
        %add3A_546 = arith.constant 1 : i32
        %add3A_547 = arith.addi %mul3A_518, %add3A_546 : i32
        %get3A_548 = arith.index_cast %add3A_547 : i32 to index
        %get3A_549 = arith.constant 32 : index
        %get3A_550 = tpu.vector_load %arg8[%get3A_548, %get3A_549] {strides = array<i32>} : memref<48x384xf32, #tpu.memory_space<vmem>>, vector<1x16xf32>,
        %get3A_551 = vector.shape_cast %get3A_550 : vector<1x16xf32> to vector<16xf32>
        %add3A_552 = arith.addf %get3A_545, %get3A_551 : vector<16xf32>
        %add3A_553 = arith.addf %scan3A_495, %add3A_552 : vector<16xf32>
        %get3A_554 = arith.index_cast %mul3A_518 : i32 to index
        %get3A_555 = arith.constant 48 : index
        %get3A_556 = tpu.vector_load %arg8[%get3A_554, %get3A_555] {strides = array<i32>} : memref<48x384xf32, #tpu.memory_space<vmem>>, vector<1x16xf32>,
        %get3A_557 = vector.shape_cast %get3A_556 : vector<1x16xf32> to vector<16xf32>
        %add3A_558 = arith.constant 1 : i32
        %add3A_559 = arith.addi %mul3A_518, %add3A_558 : i32
        %get3A_560 = arith.index_cast %add3A_559 : i32 to index
        %get3A_561 = arith.constant 48 : index
        %get3A_562 = tpu.vector_load %arg8[%get3A_560, %get3A_561] {strides = array<i32>} : memref<48x384xf32, #tpu.memory_space<vmem>>, vector<1x16xf32>,
        %get3A_563 = vector.shape_cast %get3A_562 : vector<1x16xf32> to vector<16xf32>
        %add3A_564 = arith.addf %get3A_557, %get3A_563 : vector<16xf32>
        %add3A_565 = arith.addf %scan3A_496, %add3A_564 : vector<16xf32>
        %get3A_566 = arith.index_cast %mul3A_518 : i32 to index
        %get3A_567 = arith.constant 64 : index
        %get3A_568 = tpu.vector_load %arg8[%get3A_566, %get3A_567] {strides = array<i32>} : memref<48x384xf32, #tpu.memory_space<vmem>>, vector<1x16xf32>,
        %get3A_569 = vector.shape_cast %get3A_568 : vector<1x16xf32> to vector<16xf32>
        %add3A_570 = arith.constant 1 : i32
        %add3A_571 = arith.addi %mul3A_518, %add3A_570 : i32
        %get3A_572 = arith.index_cast %add3A_571 : i32 to index
        %get3A_573 = arith.constant 64 : index
        %get3A_574 = tpu.vector_load %arg8[%get3A_572, %get3A_573] {strides = array<i32>} : memref<48x384xf32, #tpu.memory_space<vmem>>, vector<1x16xf32>,
        %get3A_575 = vector.shape_cast %get3A_574 : vector<1x16xf32> to vector<16xf32>
        %add3A_576 = arith.addf %get3A_569, %get3A_575 : vector<16xf32>
        %add3A_577 = arith.addf %scan3A_497, %add3A_576 : vector<16xf32>
        %get3A_578 = arith.index_cast %mul3A_518 : i32 to index
        %get3A_579 = arith.constant 80 : index
        %get3A_580 = tpu.vector_load %arg8[%get3A_578, %get3A_579] {strides = array<i32>} : memref<48x384xf32, #tpu.memory_space<vmem>>, vector<1x16xf32>,
        %get3A_581 = vector.shape_cast %get3A_580 : vector<1x16xf32> to vector<16xf32>
        %add3A_582 = arith.constant 1 : i32
        %add3A_583 = arith.addi %mul3A_518, %add3A_582 : i32
        %get3A_584 = arith.index_cast %add3A_583 : i32 to index
        %get3A_585 = arith.constant 80 : index
        %get3A_586 = tpu.vector_load %arg8[%get3A_584, %get3A_585] {strides = array<i32>} : memref<48x384xf32, #tpu.memory_space<vmem>>, vector<1x16xf32>,
        %get3A_587 = vector.shape_cast %get3A_586 : vector<1x16xf32> to vector<16xf32>
        %add3A_588 = arith.addf %get3A_581, %get3A_587 : vector<16xf32>
        %add3A_589 = arith.addf %scan3A_498, %add3A_588 : vector<16xf32>
        %get3A_590 = arith.index_cast %mul3A_518 : i32 to index
        %get3A_591 = arith.constant 96 : index
        %get3A_592 = tpu.vector_load %arg8[%get3A_590, %get3A_591] {strides = array<i32>} : memref<48x384xf32, #tpu.memory_space<vmem>>, vector<1x16xf32>,
        %get3A_593 = vector.shape_cast %get3A_592 : vector<1x16xf32> to vector<16xf32>
        %add3A_594 = arith.constant 1 : i32
        %add3A_595 = arith.addi %mul3A_518, %add3A_594 : i32
        %get3A_596 = arith.index_cast %add3A_595 : i32 to index
        %get3A_597 = arith.constant 96 : index
        %get3A_598 = tpu.vector_load %arg8[%get3A_596, %get3A_597] {strides = array<i32>} : memref<48x384xf32, #tpu.memory_space<vmem>>, vector<1x16xf32>,
        %get3A_599 = vector.shape_cast %get3A_598 : vector<1x16xf32> to vector<16xf32>
        %add3A_600 = arith.addf %get3A_593, %get3A_599 : vector<16xf32>
        %add3A_601 = arith.addf %scan3A_499, %add3A_600 : vector<16xf32>
        %get3A_602 = arith.index_cast %mul3A_518 : i32 to index
        %get3A_603 = arith.constant 112 : index
        %get3A_604 = tpu.vector_load %arg8[%get3A_602, %get3A_603] {strides = array<i32>} : memref<48x384xf32, #tpu.memory_space<vmem>>, vector<1x16xf32>,
        %get3A_605 = vector.shape_cast %get3A_604 : vector<1x16xf32> to vector<16xf32>
        %add3A_606 = arith.constant 1 : i32
        %add3A_607 = arith.addi %mul3A_518, %add3A_606 : i32
        %get3A_608 = arith.index_cast %add3A_607 : i32 to index
        %get3A_609 = arith.constant 112 : index
        %get3A_610 = tpu.vector_load %arg8[%get3A_608, %get3A_609] {strides = array<i32>} : memref<48x384xf32, #tpu.memory_space<vmem>>, vector<1x16xf32>,
        %get3A_611 = vector.shape_cast %get3A_610 : vector<1x16xf32> to vector<16xf32>
        %add3A_612 = arith.addf %get3A_605, %get3A_611 : vector<16xf32>
        %add3A_613 = arith.addf %scan3A_500, %add3A_612 : vector<16xf32>
        %get3A_614 = arith.index_cast %mul3A_518 : i32 to index
        %get3A_615 = arith.constant 128 : index
        %get3A_616 = tpu.vector_load %arg8[%get3A_614, %get3A_615] {strides = array<i32>} : memref<48x384xf32, #tpu.memory_space<vmem>>, vector<1x16xf32>,
        %get3A_617 = vector.shape_cast %get3A_616 : vector<1x16xf32> to vector<16xf32>
        %add3A_618 = arith.constant 1 : i32
        %add3A_619 = arith.addi %mul3A_518, %add3A_618 : i32
        %get3A_620 = arith.index_cast %add3A_619 : i32 to index
        %get3A_621 = arith.constant 128 : index
        %get3A_622 = tpu.vector_load %arg8[%get3A_620, %get3A_621] {strides = array<i32>} : memref<48x384xf32, #tpu.memory_space<vmem>>, vector<1x16xf32>,
        %get3A_623 = vector.shape_cast %get3A_622 : vector<1x16xf32> to vector<16xf32>
        %add3A_624 = arith.addf %get3A_617, %get3A_623 : vector<16xf32>
        %add3A_625 = arith.addf %scan3A_501, %add3A_624 : vector<16xf32>
        %get3A_626 = arith.index_cast %mul3A_518 : i32 to index
        %get3A_627 = arith.constant 144 : index
        %get3A_628 = tpu.vector_load %arg8[%get3A_626, %get3A_627] {strides = array<i32>} : memref<48x384xf32, #tpu.memory_space<vmem>>, vector<1x16xf32>,
        %get3A_629 = vector.shape_cast %get3A_628 : vector<1x16xf32> to vector<16xf32>
        %add3A_630 = arith.constant 1 : i32
        %add3A_631 = arith.addi %mul3A_518, %add3A_630 : i32
        %get3A_632 = arith.index_cast %add3A_631 : i32 to index
        %get3A_633 = arith.constant 144 : index
        %get3A_634 = tpu.vector_load %arg8[%get3A_632, %get3A_633] {strides = array<i32>} : memref<48x384xf32, #tpu.memory_space<vmem>>, vector<1x16xf32>,
        %get3A_635 = vector.shape_cast %get3A_634 : vector<1x16xf32> to vector<16xf32>
        %add3A_636 = arith.addf %get3A_629, %get3A_635 : vector<16xf32>
        %add3A_637 = arith.addf %scan3A_502, %add3A_636 : vector<16xf32>
        %get3A_638 = arith.index_cast %mul3A_518 : i32 to index
        %get3A_639 = arith.constant 160 : index
        %get3A_640 = tpu.vector_load %arg8[%get3A_638, %get3A_639] {strides = array<i32>} : memref<48x384xf32, #tpu.memory_space<vmem>>, vector<1x16xf32>,
        %get3A_641 = vector.shape_cast %get3A_640 : vector<1x16xf32> to vector<16xf32>
        %add3A_642 = arith.constant 1 : i32
        %add3A_643 = arith.addi %mul3A_518, %add3A_642 : i32
        %get3A_644 = arith.index_cast %add3A_643 : i32 to index
        %get3A_645 = arith.constant 160 : index
        %get3A_646 = tpu.vector_load %arg8[%get3A_644, %get3A_645] {strides = array<i32>} : memref<48x384xf32, #tpu.memory_space<vmem>>, vector<1x16xf32>,
        %get3A_647 = vector.shape_cast %get3A_646 : vector<1x16xf32> to vector<16xf32>
        %add3A_648 = arith.addf %get3A_641, %get3A_647 : vector<16xf32>
        %add3A_649 = arith.addf %scan3A_503, %add3A_648 : vector<16xf32>
        %get3A_650 = arith.index_cast %mul3A_518 : i32 to index
        %get3A_651 = arith.constant 176 : index
        %get3A_652 = tpu.vector_load %arg8[%get3A_650, %get3A_651] {strides = array<i32>} : memref<48x384xf32, #tpu.memory_space<vmem>>, vector<1x16xf32>,
        %get3A_653 = vector.shape_cast %get3A_652 : vector<1x16xf32> to vector<16xf32>
        %add3A_654 = arith.constant 1 : i32
        %add3A_655 = arith.addi %mul3A_518, %add3A_654 : i32
        %get3A_656 = arith.index_cast %add3A_655 : i32 to index
        %get3A_657 = arith.constant 176 : index
        %get3A_658 = tpu.vector_load %arg8[%get3A_656, %get3A_657] {strides = array<i32>} : memref<48x384xf32, #tpu.memory_space<vmem>>, vector<1x16xf32>,
        %get3A_659 = vector.shape_cast %get3A_658 : vector<1x16xf32> to vector<16xf32>
        %add3A_660 = arith.addf %get3A_653, %get3A_659 : vector<16xf32>
        %add3A_661 = arith.addf %scan3A_504, %add3A_660 : vector<16xf32>
        %get3A_662 = arith.index_cast %mul3A_518 : i32 to index
        %get3A_663 = arith.constant 192 : index
        %get3A_664 = tpu.vector_load %arg8[%get3A_662, %get3A_663] {strides = array<i32>} : memref<48x384xf32, #tpu.memory_space<vmem>>, vector<1x16xf32>,
        %get3A_665 = vector.shape_cast %get3A_664 : vector<1x16xf32> to vector<16xf32>
        %add3A_666 = arith.constant 1 : i32
        %add3A_667 = arith.addi %mul3A_518, %add3A_666 : i32
        %get3A_668 = arith.index_cast %add3A_667 : i32 to index
        %get3A_669 = arith.constant 192 : index
        %get3A_670 = tpu.vector_load %arg8[%get3A_668, %get3A_669] {strides = array<i32>} : memref<48x384xf32, #tpu.memory_space<vmem>>, vector<1x16xf32>,
        %get3A_671 = vector.shape_cast %get3A_670 : vector<1x16xf32> to vector<16xf32>
        %add3A_672 = arith.addf %get3A_665, %get3A_671 : vector<16xf32>
        %add3A_673 = arith.addf %scan3A_505, %add3A_672 : vector<16xf32>
        %get3A_674 = arith.index_cast %mul3A_518 : i32 to index
        %get3A_675 = arith.constant 208 : index
        %get3A_676 = tpu.vector_load %arg8[%get3A_674, %get3A_675] {strides = array<i32>} : memref<48x384xf32, #tpu.memory_space<vmem>>, vector<1x16xf32>,
        %get3A_677 = vector.shape_cast %get3A_676 : vector<1x16xf32> to vector<16xf32>
        %add3A_678 = arith.constant 1 : i32
        %add3A_679 = arith.addi %mul3A_518, %add3A_678 : i32
        %get3A_680 = arith.index_cast %add3A_679 : i32 to index
        %get3A_681 = arith.constant 208 : index
        %get3A_682 = tpu.vector_load %arg8[%get3A_680, %get3A_681] {strides = array<i32>} : memref<48x384xf32, #tpu.memory_space<vmem>>, vector<1x16xf32>,
        %get3A_683 = vector.shape_cast %get3A_682 : vector<1x16xf32> to vector<16xf32>
        %add3A_684 = arith.addf %get3A_677, %get3A_683 : vector<16xf32>
        %add3A_685 = arith.addf %scan3A_506, %add3A_684 : vector<16xf32>
        %get3A_686 = arith.index_cast %mul3A_518 : i32 to index
        %get3A_687 = arith.constant 224 : index
        %get3A_688 = tpu.vector_load %arg8[%get3A_686, %get3A_687] {strides = array<i32>} : memref<48x384xf32, #tpu.memory_space<vmem>>, vector<1x16xf32>,
        %get3A_689 = vector.shape_cast %get3A_688 : vector<1x16xf32> to vector<16xf32>
        %add3A_690 = arith.constant 1 : i32
        %add3A_691 = arith.addi %mul3A_518, %add3A_690 : i32
        %get3A_692 = arith.index_cast %add3A_691 : i32 to index
        %get3A_693 = arith.constant 224 : index
        %get3A_694 = tpu.vector_load %arg8[%get3A_692, %get3A_693] {strides = array<i32>} : memref<48x384xf32, #tpu.memory_space<vmem>>, vector<1x16xf32>,
        %get3A_695 = vector.shape_cast %get3A_694 : vector<1x16xf32> to vector<16xf32>
        %add3A_696 = arith.addf %get3A_689, %get3A_695 : vector<16xf32>
        %add3A_697 = arith.addf %scan3A_507, %add3A_696 : vector<16xf32>
        %get3A_698 = arith.index_cast %mul3A_518 : i32 to index
        %get3A_699 = arith.constant 240 : index
        %get3A_700 = tpu.vector_load %arg8[%get3A_698, %get3A_699] {strides = array<i32>} : memref<48x384xf32, #tpu.memory_space<vmem>>, vector<1x16xf32>,
        %get3A_701 = vector.shape_cast %get3A_700 : vector<1x16xf32> to vector<16xf32>
        %add3A_702 = arith.constant 1 : i32
        %add3A_703 = arith.addi %mul3A_518, %add3A_702 : i32
        %get3A_704 = arith.index_cast %add3A_703 : i32 to index
        %get3A_705 = arith.constant 240 : index
        %get3A_706 = tpu.vector_load %arg8[%get3A_704, %get3A_705] {strides = array<i32>} : memref<48x384xf32, #tpu.memory_space<vmem>>, vector<1x16xf32>,
        %get3A_707 = vector.shape_cast %get3A_706 : vector<1x16xf32> to vector<16xf32>
        %add3A_708 = arith.addf %get3A_701, %get3A_707 : vector<16xf32>
        %add3A_709 = arith.addf %scan3A_508, %add3A_708 : vector<16xf32>
        %get3A_710 = arith.index_cast %mul3A_518 : i32 to index
        %get3A_711 = arith.constant 256 : index
        %get3A_712 = tpu.vector_load %arg8[%get3A_710, %get3A_711] {strides = array<i32>} : memref<48x384xf32, #tpu.memory_space<vmem>>, vector<1x16xf32>,
        %get3A_713 = vector.shape_cast %get3A_712 : vector<1x16xf32> to vector<16xf32>
        %add3A_714 = arith.constant 1 : i32
        %add3A_715 = arith.addi %mul3A_518, %add3A_714 : i32
        %get3A_716 = arith.index_cast %add3A_715 : i32 to index
        %get3A_717 = arith.constant 256 : index
        %get3A_718 = tpu.vector_load %arg8[%get3A_716, %get3A_717] {strides = array<i32>} : memref<48x384xf32, #tpu.memory_space<vmem>>, vector<1x16xf32>,
        %get3A_719 = vector.shape_cast %get3A_718 : vector<1x16xf32> to vector<16xf32>
        %add3A_720 = arith.addf %get3A_713, %get3A_719 : vector<16xf32>
        %add3A_721 = arith.addf %scan3A_509, %add3A_720 : vector<16xf32>
        %get3A_722 = arith.index_cast %mul3A_518 : i32 to index
        %get3A_723 = arith.constant 272 : index
        %get3A_724 = tpu.vector_load %arg8[%get3A_722, %get3A_723] {strides = array<i32>} : memref<48x384xf32, #tpu.memory_space<vmem>>, vector<1x16xf32>,
        %get3A_725 = vector.shape_cast %get3A_724 : vector<1x16xf32> to vector<16xf32>
        %add3A_726 = arith.constant 1 : i32
        %add3A_727 = arith.addi %mul3A_518, %add3A_726 : i32
        %get3A_728 = arith.index_cast %add3A_727 : i32 to index
        %get3A_729 = arith.constant 272 : index
        %get3A_730 = tpu.vector_load %arg8[%get3A_728, %get3A_729] {strides = array<i32>} : memref<48x384xf32, #tpu.memory_space<vmem>>, vector<1x16xf32>,
        %get3A_731 = vector.shape_cast %get3A_730 : vector<1x16xf32> to vector<16xf32>
        %add3A_732 = arith.addf %get3A_725, %get3A_731 : vector<16xf32>
        %add3A_733 = arith.addf %scan3A_510, %add3A_732 : vector<16xf32>
        %get3A_734 = arith.index_cast %mul3A_518 : i32 to index
        %get3A_735 = arith.constant 288 : index
        %get3A_736 = tpu.vector_load %arg8[%get3A_734, %get3A_735] {strides = array<i32>} : memref<48x384xf32, #tpu.memory_space<vmem>>, vector<1x16xf32>,
        %get3A_737 = vector.shape_cast %get3A_736 : vector<1x16xf32> to vector<16xf32>
        %add3A_738 = arith.constant 1 : i32
        %add3A_739 = arith.addi %mul3A_518, %add3A_738 : i32
        %get3A_740 = arith.index_cast %add3A_739 : i32 to index
        %get3A_741 = arith.constant 288 : index
        %get3A_742 = tpu.vector_load %arg8[%get3A_740, %get3A_741] {strides = array<i32>} : memref<48x384xf32, #tpu.memory_space<vmem>>, vector<1x16xf32>,
        %get3A_743 = vector.shape_cast %get3A_742 : vector<1x16xf32> to vector<16xf32>
        %add3A_744 = arith.addf %get3A_737, %get3A_743 : vector<16xf32>
        %add3A_745 = arith.addf %scan3A_511, %add3A_744 : vector<16xf32>
        %get3A_746 = arith.index_cast %mul3A_518 : i32 to index
        %get3A_747 = arith.constant 304 : index
        %get3A_748 = tpu.vector_load %arg8[%get3A_746, %get3A_747] {strides = array<i32>} : memref<48x384xf32, #tpu.memory_space<vmem>>, vector<1x16xf32>,
        %get3A_749 = vector.shape_cast %get3A_748 : vector<1x16xf32> to vector<16xf32>
        %add3A_750 = arith.constant 1 : i32
        %add3A_751 = arith.addi %mul3A_518, %add3A_750 : i32
        %get3A_752 = arith.index_cast %add3A_751 : i32 to index
        %get3A_753 = arith.constant 304 : index
        %get3A_754 = tpu.vector_load %arg8[%get3A_752, %get3A_753] {strides = array<i32>} : memref<48x384xf32, #tpu.memory_space<vmem>>, vector<1x16xf32>,
        %get3A_755 = vector.shape_cast %get3A_754 : vector<1x16xf32> to vector<16xf32>
        %add3A_756 = arith.addf %get3A_749, %get3A_755 : vector<16xf32>
        %add3A_757 = arith.addf %scan3A_512, %add3A_756 : vector<16xf32>
        %get3A_758 = arith.index_cast %mul3A_518 : i32 to index
        %get3A_759 = arith.constant 320 : index
        %get3A_760 = tpu.vector_load %arg8[%get3A_758, %get3A_759] {strides = array<i32>} : memref<48x384xf32, #tpu.memory_space<vmem>>, vector<1x16xf32>,
        %get3A_761 = vector.shape_cast %get3A_760 : vector<1x16xf32> to vector<16xf32>
        %add3A_762 = arith.constant 1 : i32
        %add3A_763 = arith.addi %mul3A_518, %add3A_762 : i32
        %get3A_764 = arith.index_cast %add3A_763 : i32 to index
        %get3A_765 = arith.constant 320 : index
        %get3A_766 = tpu.vector_load %arg8[%get3A_764, %get3A_765] {strides = array<i32>} : memref<48x384xf32, #tpu.memory_space<vmem>>, vector<1x16xf32>,
        %get3A_767 = vector.shape_cast %get3A_766 : vector<1x16xf32> to vector<16xf32>
        %add3A_768 = arith.addf %get3A_761, %get3A_767 : vector<16xf32>
        %add3A_769 = arith.addf %scan3A_513, %add3A_768 : vector<16xf32>
        %get3A_770 = arith.index_cast %mul3A_518 : i32 to index
        %get3A_771 = arith.constant 336 : index
        %get3A_772 = tpu.vector_load %arg8[%get3A_770, %get3A_771] {strides = array<i32>} : memref<48x384xf32, #tpu.memory_space<vmem>>, vector<1x16xf32>,
        %get3A_773 = vector.shape_cast %get3A_772 : vector<1x16xf32> to vector<16xf32>
        %add3A_774 = arith.constant 1 : i32
        %add3A_775 = arith.addi %mul3A_518, %add3A_774 : i32
        %get3A_776 = arith.index_cast %add3A_775 : i32 to index
        %get3A_777 = arith.constant 336 : index
        %get3A_778 = tpu.vector_load %arg8[%get3A_776, %get3A_777] {strides = array<i32>} : memref<48x384xf32, #tpu.memory_space<vmem>>, vector<1x16xf32>,
        %get3A_779 = vector.shape_cast %get3A_778 : vector<1x16xf32> to vector<16xf32>
        %add3A_780 = arith.addf %get3A_773, %get3A_779 : vector<16xf32>
        %add3A_781 = arith.addf %scan3A_514, %add3A_780 : vector<16xf32>
        %get3A_782 = arith.index_cast %mul3A_518 : i32 to index
        %get3A_783 = arith.constant 352 : index
        %get3A_784 = tpu.vector_load %arg8[%get3A_782, %get3A_783] {strides = array<i32>} : memref<48x384xf32, #tpu.memory_space<vmem>>, vector<1x16xf32>,
        %get3A_785 = vector.shape_cast %get3A_784 : vector<1x16xf32> to vector<16xf32>
        %add3A_786 = arith.constant 1 : i32
        %add3A_787 = arith.addi %mul3A_518, %add3A_786 : i32
        %get3A_788 = arith.index_cast %add3A_787 : i32 to index
        %get3A_789 = arith.constant 352 : index
        %get3A_790 = tpu.vector_load %arg8[%get3A_788, %get3A_789] {strides = array<i32>} : memref<48x384xf32, #tpu.memory_space<vmem>>, vector<1x16xf32>,
        %get3A_791 = vector.shape_cast %get3A_790 : vector<1x16xf32> to vector<16xf32>
        %add3A_792 = arith.addf %get3A_785, %get3A_791 : vector<16xf32>
        %add3A_793 = arith.addf %scan3A_515, %add3A_792 : vector<16xf32>
        %get3A_794 = arith.index_cast %mul3A_518 : i32 to index
        %get3A_795 = arith.constant 368 : index
        %get3A_796 = tpu.vector_load %arg8[%get3A_794, %get3A_795] {strides = array<i32>} : memref<48x384xf32, #tpu.memory_space<vmem>>, vector<1x16xf32>,
        %get3A_797 = vector.shape_cast %get3A_796 : vector<1x16xf32> to vector<16xf32>
        %add3A_798 = arith.constant 1 : i32
        %add3A_799 = arith.addi %mul3A_518, %add3A_798 : i32
        %get3A_800 = arith.index_cast %add3A_799 : i32 to index
        %get3A_801 = arith.constant 368 : index
        %get3A_802 = tpu.vector_load %arg8[%get3A_800, %get3A_801] {strides = array<i32>} : memref<48x384xf32, #tpu.memory_space<vmem>>, vector<1x16xf32>,
        %get3A_803 = vector.shape_cast %get3A_802 : vector<1x16xf32> to vector<16xf32>
        %add3A_804 = arith.addf %get3A_797, %get3A_803 : vector<16xf32>
        %add3A_805 = arith.addf %scan3A_516, %add3A_804 : vector<16xf32>
        scf.yield %add3A_529, %add3A_541, %add3A_553, %add3A_565, %add3A_577, %add3A_589, %add3A_601, %add3A_613, %add3A_625, %add3A_637, %add3A_649, %add3A_661, %add3A_673, %add3A_685, %add3A_697, %add3A_709, %add3A_721, %add3A_733, %add3A_745, %add3A_757, %add3A_769, %add3A_781, %add3A_793, %add3A_805 : vector<16xf32>, vector<16xf32>, vector<16xf32>, vector<16xf32>, vector<16xf32>, vector<16xf32>, vector<16xf32>, vector<16xf32>, vector<16xf32>, vector<16xf32>, vector<16xf32>, vector<16xf32>, vector<16xf32>, vector<16xf32>, vector<16xf32>, vector<16xf32>, vector<16xf32>, vector<16xf32>, vector<16xf32>, vector<16xf32>, vector<16xf32>, vector<16xf32>, vector<16xf32>, vector<16xf32>
      }
      %scan3A_108 = arith.constant 24 : i32
      %convert_element_type3A_109 = arith.extui %lt3A_36 : i1 to i32
      %cond3A_110 = arith.constant 0 : i32
      %cond3A_111 = arith.cmpi ne, %convert_element_type3A_109, %cond3A_110 : i32
      scf.if %cond3A_111 {
        %dma_start3A_492 = arith.constant 56 : i32
        %dma_start3A_493 = tpu.memref_slice %arg6[%dma_start3A_492] : memref<200xi32, #tpu.memory_space<vmem>> -> memref<48xi32, #tpu.memory_space<vmem>>
        %dma_start3A_494 = arith.constant 0 : i32
        %dma_start3A_495 = arith.constant 0 : i32
        %dma_start3A_496 = tpu.memref_slice %arg3[%dma_start3A_494, %dma_start3A_495] : memref<100000x384xf32, #tpu.memory_space<hbm>> -> memref<100000x384xf32, #tpu.memory_space<hbm>>
        tpu.enqueue_indirect_dma source(%dma_start3A_496 : memref<100000x384xf32, #tpu.memory_space<hbm>>) target(%arg8 : memref<48x384xf32, #tpu.memory_space<vmem>>) offsets(%dma_start3A_493 : memref<48xi32, #tpu.memory_space<vmem>>) semaphore(%arg13 : memref<!tpu.dma_semaphore, #tpu.memory_space<semaphore_mem>>)
      } else {
      }
      %dma_wait3A_112 = arith.constant 104 : i32
      %dma_wait3A_113 = tpu.memref_slice %arg5[%dma_wait3A_112] : memref<200xi32, #tpu.memory_space<vmem>> -> memref<48xi32, #tpu.memory_space<vmem>>
      %dma_wait3A_114 = arith.constant 0 : i32
      %dma_wait3A_115 = arith.constant 0 : i32
      %dma_wait3A_116 = tpu.memref_slice %arg3[%dma_wait3A_114, %dma_wait3A_115] : memref<100000x384xf32, #tpu.memory_space<hbm>> -> memref<100000x384xf32, #tpu.memory_space<hbm>>
      tpu.wait_indirect_dma semaphore(%arg14 : memref<!tpu.dma_semaphore, #tpu.memory_space<semaphore_mem>>) src(%dma_wait3A_116 : memref<100000x384xf32, #tpu.memory_space<hbm>>) dst(%arg9 : memref<48x384xf32, #tpu.memory_space<vmem>>)
      %scan3A_117 = arith.constant 0 : i32
      %scan3A_118 = arith.constant 24 : i32
      %scan3A_119 = arith.addi %scan3A_117, %scan3A_118 : i32
      %scan3A_120 = arith.constant 1 : i32
      %scan3A_121:24 = scf.for %scan3A_492 = %scan3A_117 to %scan3A_119 step %scan3A_120 iter_args(%scan3A_493 = %scan3A_107#0, %scan3A_494 = %scan3A_107#1, %scan3A_495 = %scan3A_107#2, %scan3A_496 = %scan3A_107#3, %scan3A_497 = %scan3A_107#4, %scan3A_498 = %scan3A_107#5, %scan3A_499 = %scan3A_107#6, %scan3A_500 = %scan3A_107#7, %scan3A_501 = %scan3A_107#8, %scan3A_502 = %scan3A_107#9, %scan3A_503 = %scan3A_107#10, %scan3A_504 = %scan3A_107#11, %scan3A_505 = %scan3A_107#12, %scan3A_506 = %scan3A_107#13, %scan3A_507 = %scan3A_107#14, %scan3A_508 = %scan3A_107#15, %scan3A_509 = %scan3A_107#16, %scan3A_510 = %scan3A_107#17, %scan3A_511 = %scan3A_107#18, %scan3A_512 = %scan3A_107#19, %scan3A_513 = %scan3A_107#20, %scan3A_514 = %scan3A_107#21, %scan3A_515 = %scan3A_107#22, %scan3A_516 = %scan3A_107#23) -> (vector<16xf32>, vector<16xf32>, vector<16xf32>, vector<16xf32>, vector<16xf32>, vector<16xf32>, vector<16xf32>, vector<16xf32>, vector<16xf32>, vector<16xf32>, vector<16xf32>, vector<16xf32>, vector<16xf32>, vector<16xf32>, vector<16xf32>, vector<16xf32>, vector<16xf32>, vector<16xf32>, vector<16xf32>, vector<16xf32>, vector<16xf32>, vector<16xf32>, vector<16xf32>, vector<16xf32>)  : i32 {
        %mul3A_517 = arith.constant 2 : i32
        %mul3A_518 = arith.muli %mul3A_517, %scan3A_492 : i32
        %get3A = arith.index_cast %mul3A_518 : i32 to index
        %get3A_519 = arith.constant 0 : index
        %get3A_520 = tpu.vector_load %arg9[%get3A, %get3A_519] {strides = array<i32>} : memref<48x384xf32, #tpu.memory_space<vmem>>, vector<1x16xf32>,
        %get3A_521 = vector.shape_cast %get3A_520 : vector<1x16xf32> to vector<16xf32>
        %add3A_522 = arith.constant 1 : i32
        %add3A_523 = arith.addi %mul3A_518, %add3A_522 : i32
        %get3A_524 = arith.index_cast %add3A_523 : i32 to index
        %get3A_525 = arith.constant 0 : index
        %get3A_526 = tpu.vector_load %arg9[%get3A_524, %get3A_525] {strides = array<i32>} : memref<48x384xf32, #tpu.memory_space<vmem>>, vector<1x16xf32>,
        %get3A_527 = vector.shape_cast %get3A_526 : vector<1x16xf32> to vector<16xf32>
        %add3A_528 = arith.addf %get3A_521, %get3A_527 : vector<16xf32>
        %add3A_529 = arith.addf %scan3A_493, %add3A_528 : vector<16xf32>
        %get3A_530 = arith.index_cast %mul3A_518 : i32 to index
        %get3A_531 = arith.constant 16 : index
        %get3A_532 = tpu.vector_load %arg9[%get3A_530, %get3A_531] {strides = array<i32>} : memref<48x384xf32, #tpu.memory_space<vmem>>, vector<1x16xf32>,
        %get3A_533 = vector.shape_cast %get3A_532 : vector<1x16xf32> to vector<16xf32>
        %add3A_534 = arith.constant 1 : i32
        %add3A_535 = arith.addi %mul3A_518, %add3A_534 : i32
        %get3A_536 = arith.index_cast %add3A_535 : i32 to index
        %get3A_537 = arith.constant 16 : index
        %get3A_538 = tpu.vector_load %arg9[%get3A_536, %get3A_537] {strides = array<i32>} : memref<48x384xf32, #tpu.memory_space<vmem>>, vector<1x16xf32>,
        %get3A_539 = vector.shape_cast %get3A_538 : vector<1x16xf32> to vector<16xf32>
        %add3A_540 = arith.addf %get3A_533, %get3A_539 : vector<16xf32>
        %add3A_541 = arith.addf %scan3A_494, %add3A_540 : vector<16xf32>
        %get3A_542 = arith.index_cast %mul3A_518 : i32 to index
        %get3A_543 = arith.constant 32 : index
        %get3A_544 = tpu.vector_load %arg9[%get3A_542, %get3A_543] {strides = array<i32>} : memref<48x384xf32, #tpu.memory_space<vmem>>, vector<1x16xf32>,
        %get3A_545 = vector.shape_cast %get3A_544 : vector<1x16xf32> to vector<16xf32>
        %add3A_546 = arith.constant 1 : i32
        %add3A_547 = arith.addi %mul3A_518, %add3A_546 : i32
        %get3A_548 = arith.index_cast %add3A_547 : i32 to index
        %get3A_549 = arith.constant 32 : index
        %get3A_550 = tpu.vector_load %arg9[%get3A_548, %get3A_549] {strides = array<i32>} : memref<48x384xf32, #tpu.memory_space<vmem>>, vector<1x16xf32>,
        %get3A_551 = vector.shape_cast %get3A_550 : vector<1x16xf32> to vector<16xf32>
        %add3A_552 = arith.addf %get3A_545, %get3A_551 : vector<16xf32>
        %add3A_553 = arith.addf %scan3A_495, %add3A_552 : vector<16xf32>
        %get3A_554 = arith.index_cast %mul3A_518 : i32 to index
        %get3A_555 = arith.constant 48 : index
        %get3A_556 = tpu.vector_load %arg9[%get3A_554, %get3A_555] {strides = array<i32>} : memref<48x384xf32, #tpu.memory_space<vmem>>, vector<1x16xf32>,
        %get3A_557 = vector.shape_cast %get3A_556 : vector<1x16xf32> to vector<16xf32>
        %add3A_558 = arith.constant 1 : i32
        %add3A_559 = arith.addi %mul3A_518, %add3A_558 : i32
        %get3A_560 = arith.index_cast %add3A_559 : i32 to index
        %get3A_561 = arith.constant 48 : index
        %get3A_562 = tpu.vector_load %arg9[%get3A_560, %get3A_561] {strides = array<i32>} : memref<48x384xf32, #tpu.memory_space<vmem>>, vector<1x16xf32>,
        %get3A_563 = vector.shape_cast %get3A_562 : vector<1x16xf32> to vector<16xf32>
        %add3A_564 = arith.addf %get3A_557, %get3A_563 : vector<16xf32>
        %add3A_565 = arith.addf %scan3A_496, %add3A_564 : vector<16xf32>
        %get3A_566 = arith.index_cast %mul3A_518 : i32 to index
        %get3A_567 = arith.constant 64 : index
        %get3A_568 = tpu.vector_load %arg9[%get3A_566, %get3A_567] {strides = array<i32>} : memref<48x384xf32, #tpu.memory_space<vmem>>, vector<1x16xf32>,
        %get3A_569 = vector.shape_cast %get3A_568 : vector<1x16xf32> to vector<16xf32>
        %add3A_570 = arith.constant 1 : i32
        %add3A_571 = arith.addi %mul3A_518, %add3A_570 : i32
        %get3A_572 = arith.index_cast %add3A_571 : i32 to index
        %get3A_573 = arith.constant 64 : index
        %get3A_574 = tpu.vector_load %arg9[%get3A_572, %get3A_573] {strides = array<i32>} : memref<48x384xf32, #tpu.memory_space<vmem>>, vector<1x16xf32>,
        %get3A_575 = vector.shape_cast %get3A_574 : vector<1x16xf32> to vector<16xf32>
        %add3A_576 = arith.addf %get3A_569, %get3A_575 : vector<16xf32>
        %add3A_577 = arith.addf %scan3A_497, %add3A_576 : vector<16xf32>
        %get3A_578 = arith.index_cast %mul3A_518 : i32 to index
        %get3A_579 = arith.constant 80 : index
        %get3A_580 = tpu.vector_load %arg9[%get3A_578, %get3A_579] {strides = array<i32>} : memref<48x384xf32, #tpu.memory_space<vmem>>, vector<1x16xf32>,
        %get3A_581 = vector.shape_cast %get3A_580 : vector<1x16xf32> to vector<16xf32>
        %add3A_582 = arith.constant 1 : i32
        %add3A_583 = arith.addi %mul3A_518, %add3A_582 : i32
        %get3A_584 = arith.index_cast %add3A_583 : i32 to index
        %get3A_585 = arith.constant 80 : index
        %get3A_586 = tpu.vector_load %arg9[%get3A_584, %get3A_585] {strides = array<i32>} : memref<48x384xf32, #tpu.memory_space<vmem>>, vector<1x16xf32>,
        %get3A_587 = vector.shape_cast %get3A_586 : vector<1x16xf32> to vector<16xf32>
        %add3A_588 = arith.addf %get3A_581, %get3A_587 : vector<16xf32>
        %add3A_589 = arith.addf %scan3A_498, %add3A_588 : vector<16xf32>
        %get3A_590 = arith.index_cast %mul3A_518 : i32 to index
        %get3A_591 = arith.constant 96 : index
        %get3A_592 = tpu.vector_load %arg9[%get3A_590, %get3A_591] {strides = array<i32>} : memref<48x384xf32, #tpu.memory_space<vmem>>, vector<1x16xf32>,
        %get3A_593 = vector.shape_cast %get3A_592 : vector<1x16xf32> to vector<16xf32>
        %add3A_594 = arith.constant 1 : i32
        %add3A_595 = arith.addi %mul3A_518, %add3A_594 : i32
        %get3A_596 = arith.index_cast %add3A_595 : i32 to index
        %get3A_597 = arith.constant 96 : index
        %get3A_598 = tpu.vector_load %arg9[%get3A_596, %get3A_597] {strides = array<i32>} : memref<48x384xf32, #tpu.memory_space<vmem>>, vector<1x16xf32>,
        %get3A_599 = vector.shape_cast %get3A_598 : vector<1x16xf32> to vector<16xf32>
        %add3A_600 = arith.addf %get3A_593, %get3A_599 : vector<16xf32>
        %add3A_601 = arith.addf %scan3A_499, %add3A_600 : vector<16xf32>
        %get3A_602 = arith.index_cast %mul3A_518 : i32 to index
        %get3A_603 = arith.constant 112 : index
        %get3A_604 = tpu.vector_load %arg9[%get3A_602, %get3A_603] {strides = array<i32>} : memref<48x384xf32, #tpu.memory_space<vmem>>, vector<1x16xf32>,
        %get3A_605 = vector.shape_cast %get3A_604 : vector<1x16xf32> to vector<16xf32>
        %add3A_606 = arith.constant 1 : i32
        %add3A_607 = arith.addi %mul3A_518, %add3A_606 : i32
        %get3A_608 = arith.index_cast %add3A_607 : i32 to index
        %get3A_609 = arith.constant 112 : index
        %get3A_610 = tpu.vector_load %arg9[%get3A_608, %get3A_609] {strides = array<i32>} : memref<48x384xf32, #tpu.memory_space<vmem>>, vector<1x16xf32>,
        %get3A_611 = vector.shape_cast %get3A_610 : vector<1x16xf32> to vector<16xf32>
        %add3A_612 = arith.addf %get3A_605, %get3A_611 : vector<16xf32>
        %add3A_613 = arith.addf %scan3A_500, %add3A_612 : vector<16xf32>
        %get3A_614 = arith.index_cast %mul3A_518 : i32 to index
        %get3A_615 = arith.constant 128 : index
        %get3A_616 = tpu.vector_load %arg9[%get3A_614, %get3A_615] {strides = array<i32>} : memref<48x384xf32, #tpu.memory_space<vmem>>, vector<1x16xf32>,
        %get3A_617 = vector.shape_cast %get3A_616 : vector<1x16xf32> to vector<16xf32>
        %add3A_618 = arith.constant 1 : i32
        %add3A_619 = arith.addi %mul3A_518, %add3A_618 : i32
        %get3A_620 = arith.index_cast %add3A_619 : i32 to index
        %get3A_621 = arith.constant 128 : index
        %get3A_622 = tpu.vector_load %arg9[%get3A_620, %get3A_621] {strides = array<i32>} : memref<48x384xf32, #tpu.memory_space<vmem>>, vector<1x16xf32>,
        %get3A_623 = vector.shape_cast %get3A_622 : vector<1x16xf32> to vector<16xf32>
        %add3A_624 = arith.addf %get3A_617, %get3A_623 : vector<16xf32>
        %add3A_625 = arith.addf %scan3A_501, %add3A_624 : vector<16xf32>
        %get3A_626 = arith.index_cast %mul3A_518 : i32 to index
        %get3A_627 = arith.constant 144 : index
        %get3A_628 = tpu.vector_load %arg9[%get3A_626, %get3A_627] {strides = array<i32>} : memref<48x384xf32, #tpu.memory_space<vmem>>, vector<1x16xf32>,
        %get3A_629 = vector.shape_cast %get3A_628 : vector<1x16xf32> to vector<16xf32>
        %add3A_630 = arith.constant 1 : i32
        %add3A_631 = arith.addi %mul3A_518, %add3A_630 : i32
        %get3A_632 = arith.index_cast %add3A_631 : i32 to index
        %get3A_633 = arith.constant 144 : index
        %get3A_634 = tpu.vector_load %arg9[%get3A_632, %get3A_633] {strides = array<i32>} : memref<48x384xf32, #tpu.memory_space<vmem>>, vector<1x16xf32>,
        %get3A_635 = vector.shape_cast %get3A_634 : vector<1x16xf32> to vector<16xf32>
        %add3A_636 = arith.addf %get3A_629, %get3A_635 : vector<16xf32>
        %add3A_637 = arith.addf %scan3A_502, %add3A_636 : vector<16xf32>
        %get3A_638 = arith.index_cast %mul3A_518 : i32 to index
        %get3A_639 = arith.constant 160 : index
        %get3A_640 = tpu.vector_load %arg9[%get3A_638, %get3A_639] {strides = array<i32>} : memref<48x384xf32, #tpu.memory_space<vmem>>, vector<1x16xf32>,
        %get3A_641 = vector.shape_cast %get3A_640 : vector<1x16xf32> to vector<16xf32>
        %add3A_642 = arith.constant 1 : i32
        %add3A_643 = arith.addi %mul3A_518, %add3A_642 : i32
        %get3A_644 = arith.index_cast %add3A_643 : i32 to index
        %get3A_645 = arith.constant 160 : index
        %get3A_646 = tpu.vector_load %arg9[%get3A_644, %get3A_645] {strides = array<i32>} : memref<48x384xf32, #tpu.memory_space<vmem>>, vector<1x16xf32>,
        %get3A_647 = vector.shape_cast %get3A_646 : vector<1x16xf32> to vector<16xf32>
        %add3A_648 = arith.addf %get3A_641, %get3A_647 : vector<16xf32>
        %add3A_649 = arith.addf %scan3A_503, %add3A_648 : vector<16xf32>
        %get3A_650 = arith.index_cast %mul3A_518 : i32 to index
        %get3A_651 = arith.constant 176 : index
        %get3A_652 = tpu.vector_load %arg9[%get3A_650, %get3A_651] {strides = array<i32>} : memref<48x384xf32, #tpu.memory_space<vmem>>, vector<1x16xf32>,
        %get3A_653 = vector.shape_cast %get3A_652 : vector<1x16xf32> to vector<16xf32>
        %add3A_654 = arith.constant 1 : i32
        %add3A_655 = arith.addi %mul3A_518, %add3A_654 : i32
        %get3A_656 = arith.index_cast %add3A_655 : i32 to index
        %get3A_657 = arith.constant 176 : index
        %get3A_658 = tpu.vector_load %arg9[%get3A_656, %get3A_657] {strides = array<i32>} : memref<48x384xf32, #tpu.memory_space<vmem>>, vector<1x16xf32>,
        %get3A_659 = vector.shape_cast %get3A_658 : vector<1x16xf32> to vector<16xf32>
        %add3A_660 = arith.addf %get3A_653, %get3A_659 : vector<16xf32>
        %add3A_661 = arith.addf %scan3A_504, %add3A_660 : vector<16xf32>
        %get3A_662 = arith.index_cast %mul3A_518 : i32 to index
        %get3A_663 = arith.constant 192 : index
        %get3A_664 = tpu.vector_load %arg9[%get3A_662, %get3A_663] {strides = array<i32>} : memref<48x384xf32, #tpu.memory_space<vmem>>, vector<1x16xf32>,
        %get3A_665 = vector.shape_cast %get3A_664 : vector<1x16xf32> to vector<16xf32>
        %add3A_666 = arith.constant 1 : i32
        %add3A_667 = arith.addi %mul3A_518, %add3A_666 : i32
        %get3A_668 = arith.index_cast %add3A_667 : i32 to index
        %get3A_669 = arith.constant 192 : index
        %get3A_670 = tpu.vector_load %arg9[%get3A_668, %get3A_669] {strides = array<i32>} : memref<48x384xf32, #tpu.memory_space<vmem>>, vector<1x16xf32>,
        %get3A_671 = vector.shape_cast %get3A_670 : vector<1x16xf32> to vector<16xf32>
        %add3A_672 = arith.addf %get3A_665, %get3A_671 : vector<16xf32>
        %add3A_673 = arith.addf %scan3A_505, %add3A_672 : vector<16xf32>
        %get3A_674 = arith.index_cast %mul3A_518 : i32 to index
        %get3A_675 = arith.constant 208 : index
        %get3A_676 = tpu.vector_load %arg9[%get3A_674, %get3A_675] {strides = array<i32>} : memref<48x384xf32, #tpu.memory_space<vmem>>, vector<1x16xf32>,
        %get3A_677 = vector.shape_cast %get3A_676 : vector<1x16xf32> to vector<16xf32>
        %add3A_678 = arith.constant 1 : i32
        %add3A_679 = arith.addi %mul3A_518, %add3A_678 : i32
        %get3A_680 = arith.index_cast %add3A_679 : i32 to index
        %get3A_681 = arith.constant 208 : index
        %get3A_682 = tpu.vector_load %arg9[%get3A_680, %get3A_681] {strides = array<i32>} : memref<48x384xf32, #tpu.memory_space<vmem>>, vector<1x16xf32>,
        %get3A_683 = vector.shape_cast %get3A_682 : vector<1x16xf32> to vector<16xf32>
        %add3A_684 = arith.addf %get3A_677, %get3A_683 : vector<16xf32>
        %add3A_685 = arith.addf %scan3A_506, %add3A_684 : vector<16xf32>
        %get3A_686 = arith.index_cast %mul3A_518 : i32 to index
        %get3A_687 = arith.constant 224 : index
        %get3A_688 = tpu.vector_load %arg9[%get3A_686, %get3A_687] {strides = array<i32>} : memref<48x384xf32, #tpu.memory_space<vmem>>, vector<1x16xf32>,
        %get3A_689 = vector.shape_cast %get3A_688 : vector<1x16xf32> to vector<16xf32>
        %add3A_690 = arith.constant 1 : i32
        %add3A_691 = arith.addi %mul3A_518, %add3A_690 : i32
        %get3A_692 = arith.index_cast %add3A_691 : i32 to index
        %get3A_693 = arith.constant 224 : index
        %get3A_694 = tpu.vector_load %arg9[%get3A_692, %get3A_693] {strides = array<i32>} : memref<48x384xf32, #tpu.memory_space<vmem>>, vector<1x16xf32>,
        %get3A_695 = vector.shape_cast %get3A_694 : vector<1x16xf32> to vector<16xf32>
        %add3A_696 = arith.addf %get3A_689, %get3A_695 : vector<16xf32>
        %add3A_697 = arith.addf %scan3A_507, %add3A_696 : vector<16xf32>
        %get3A_698 = arith.index_cast %mul3A_518 : i32 to index
        %get3A_699 = arith.constant 240 : index
        %get3A_700 = tpu.vector_load %arg9[%get3A_698, %get3A_699] {strides = array<i32>} : memref<48x384xf32, #tpu.memory_space<vmem>>, vector<1x16xf32>,
        %get3A_701 = vector.shape_cast %get3A_700 : vector<1x16xf32> to vector<16xf32>
        %add3A_702 = arith.constant 1 : i32
        %add3A_703 = arith.addi %mul3A_518, %add3A_702 : i32
        %get3A_704 = arith.index_cast %add3A_703 : i32 to index
        %get3A_705 = arith.constant 240 : index
        %get3A_706 = tpu.vector_load %arg9[%get3A_704, %get3A_705] {strides = array<i32>} : memref<48x384xf32, #tpu.memory_space<vmem>>, vector<1x16xf32>,
        %get3A_707 = vector.shape_cast %get3A_706 : vector<1x16xf32> to vector<16xf32>
        %add3A_708 = arith.addf %get3A_701, %get3A_707 : vector<16xf32>
        %add3A_709 = arith.addf %scan3A_508, %add3A_708 : vector<16xf32>
        %get3A_710 = arith.index_cast %mul3A_518 : i32 to index
        %get3A_711 = arith.constant 256 : index
        %get3A_712 = tpu.vector_load %arg9[%get3A_710, %get3A_711] {strides = array<i32>} : memref<48x384xf32, #tpu.memory_space<vmem>>, vector<1x16xf32>,
        %get3A_713 = vector.shape_cast %get3A_712 : vector<1x16xf32> to vector<16xf32>
        %add3A_714 = arith.constant 1 : i32
        %add3A_715 = arith.addi %mul3A_518, %add3A_714 : i32
        %get3A_716 = arith.index_cast %add3A_715 : i32 to index
        %get3A_717 = arith.constant 256 : index
        %get3A_718 = tpu.vector_load %arg9[%get3A_716, %get3A_717] {strides = array<i32>} : memref<48x384xf32, #tpu.memory_space<vmem>>, vector<1x16xf32>,
        %get3A_719 = vector.shape_cast %get3A_718 : vector<1x16xf32> to vector<16xf32>
        %add3A_720 = arith.addf %get3A_713, %get3A_719 : vector<16xf32>
        %add3A_721 = arith.addf %scan3A_509, %add3A_720 : vector<16xf32>
        %get3A_722 = arith.index_cast %mul3A_518 : i32 to index
        %get3A_723 = arith.constant 272 : index
        %get3A_724 = tpu.vector_load %arg9[%get3A_722, %get3A_723] {strides = array<i32>} : memref<48x384xf32, #tpu.memory_space<vmem>>, vector<1x16xf32>,
        %get3A_725 = vector.shape_cast %get3A_724 : vector<1x16xf32> to vector<16xf32>
        %add3A_726 = arith.constant 1 : i32
        %add3A_727 = arith.addi %mul3A_518, %add3A_726 : i32
        %get3A_728 = arith.index_cast %add3A_727 : i32 to index
        %get3A_729 = arith.constant 272 : index
        %get3A_730 = tpu.vector_load %arg9[%get3A_728, %get3A_729] {strides = array<i32>} : memref<48x384xf32, #tpu.memory_space<vmem>>, vector<1x16xf32>,
        %get3A_731 = vector.shape_cast %get3A_730 : vector<1x16xf32> to vector<16xf32>
        %add3A_732 = arith.addf %get3A_725, %get3A_731 : vector<16xf32>
        %add3A_733 = arith.addf %scan3A_510, %add3A_732 : vector<16xf32>
        %get3A_734 = arith.index_cast %mul3A_518 : i32 to index
        %get3A_735 = arith.constant 288 : index
        %get3A_736 = tpu.vector_load %arg9[%get3A_734, %get3A_735] {strides = array<i32>} : memref<48x384xf32, #tpu.memory_space<vmem>>, vector<1x16xf32>,
        %get3A_737 = vector.shape_cast %get3A_736 : vector<1x16xf32> to vector<16xf32>
        %add3A_738 = arith.constant 1 : i32
        %add3A_739 = arith.addi %mul3A_518, %add3A_738 : i32
        %get3A_740 = arith.index_cast %add3A_739 : i32 to index
        %get3A_741 = arith.constant 288 : index
        %get3A_742 = tpu.vector_load %arg9[%get3A_740, %get3A_741] {strides = array<i32>} : memref<48x384xf32, #tpu.memory_space<vmem>>, vector<1x16xf32>,
        %get3A_743 = vector.shape_cast %get3A_742 : vector<1x16xf32> to vector<16xf32>
        %add3A_744 = arith.addf %get3A_737, %get3A_743 : vector<16xf32>
        %add3A_745 = arith.addf %scan3A_511, %add3A_744 : vector<16xf32>
        %get3A_746 = arith.index_cast %mul3A_518 : i32 to index
        %get3A_747 = arith.constant 304 : index
        %get3A_748 = tpu.vector_load %arg9[%get3A_746, %get3A_747] {strides = array<i32>} : memref<48x384xf32, #tpu.memory_space<vmem>>, vector<1x16xf32>,
        %get3A_749 = vector.shape_cast %get3A_748 : vector<1x16xf32> to vector<16xf32>
        %add3A_750 = arith.constant 1 : i32
        %add3A_751 = arith.addi %mul3A_518, %add3A_750 : i32
        %get3A_752 = arith.index_cast %add3A_751 : i32 to index
        %get3A_753 = arith.constant 304 : index
        %get3A_754 = tpu.vector_load %arg9[%get3A_752, %get3A_753] {strides = array<i32>} : memref<48x384xf32, #tpu.memory_space<vmem>>, vector<1x16xf32>,
        %get3A_755 = vector.shape_cast %get3A_754 : vector<1x16xf32> to vector<16xf32>
        %add3A_756 = arith.addf %get3A_749, %get3A_755 : vector<16xf32>
        %add3A_757 = arith.addf %scan3A_512, %add3A_756 : vector<16xf32>
        %get3A_758 = arith.index_cast %mul3A_518 : i32 to index
        %get3A_759 = arith.constant 320 : index
        %get3A_760 = tpu.vector_load %arg9[%get3A_758, %get3A_759] {strides = array<i32>} : memref<48x384xf32, #tpu.memory_space<vmem>>, vector<1x16xf32>,
        %get3A_761 = vector.shape_cast %get3A_760 : vector<1x16xf32> to vector<16xf32>
        %add3A_762 = arith.constant 1 : i32
        %add3A_763 = arith.addi %mul3A_518, %add3A_762 : i32
        %get3A_764 = arith.index_cast %add3A_763 : i32 to index
        %get3A_765 = arith.constant 320 : index
        %get3A_766 = tpu.vector_load %arg9[%get3A_764, %get3A_765] {strides = array<i32>} : memref<48x384xf32, #tpu.memory_space<vmem>>, vector<1x16xf32>,
        %get3A_767 = vector.shape_cast %get3A_766 : vector<1x16xf32> to vector<16xf32>
        %add3A_768 = arith.addf %get3A_761, %get3A_767 : vector<16xf32>
        %add3A_769 = arith.addf %scan3A_513, %add3A_768 : vector<16xf32>
        %get3A_770 = arith.index_cast %mul3A_518 : i32 to index
        %get3A_771 = arith.constant 336 : index
        %get3A_772 = tpu.vector_load %arg9[%get3A_770, %get3A_771] {strides = array<i32>} : memref<48x384xf32, #tpu.memory_space<vmem>>, vector<1x16xf32>,
        %get3A_773 = vector.shape_cast %get3A_772 : vector<1x16xf32> to vector<16xf32>
        %add3A_774 = arith.constant 1 : i32
        %add3A_775 = arith.addi %mul3A_518, %add3A_774 : i32
        %get3A_776 = arith.index_cast %add3A_775 : i32 to index
        %get3A_777 = arith.constant 336 : index
        %get3A_778 = tpu.vector_load %arg9[%get3A_776, %get3A_777] {strides = array<i32>} : memref<48x384xf32, #tpu.memory_space<vmem>>, vector<1x16xf32>,
        %get3A_779 = vector.shape_cast %get3A_778 : vector<1x16xf32> to vector<16xf32>
        %add3A_780 = arith.addf %get3A_773, %get3A_779 : vector<16xf32>
        %add3A_781 = arith.addf %scan3A_514, %add3A_780 : vector<16xf32>
        %get3A_782 = arith.index_cast %mul3A_518 : i32 to index
        %get3A_783 = arith.constant 352 : index
        %get3A_784 = tpu.vector_load %arg9[%get3A_782, %get3A_783] {strides = array<i32>} : memref<48x384xf32, #tpu.memory_space<vmem>>, vector<1x16xf32>,
        %get3A_785 = vector.shape_cast %get3A_784 : vector<1x16xf32> to vector<16xf32>
        %add3A_786 = arith.constant 1 : i32
        %add3A_787 = arith.addi %mul3A_518, %add3A_786 : i32
        %get3A_788 = arith.index_cast %add3A_787 : i32 to index
        %get3A_789 = arith.constant 352 : index
        %get3A_790 = tpu.vector_load %arg9[%get3A_788, %get3A_789] {strides = array<i32>} : memref<48x384xf32, #tpu.memory_space<vmem>>, vector<1x16xf32>,
        %get3A_791 = vector.shape_cast %get3A_790 : vector<1x16xf32> to vector<16xf32>
        %add3A_792 = arith.addf %get3A_785, %get3A_791 : vector<16xf32>
        %add3A_793 = arith.addf %scan3A_515, %add3A_792 : vector<16xf32>
        %get3A_794 = arith.index_cast %mul3A_518 : i32 to index
        %get3A_795 = arith.constant 368 : index
        %get3A_796 = tpu.vector_load %arg9[%get3A_794, %get3A_795] {strides = array<i32>} : memref<48x384xf32, #tpu.memory_space<vmem>>, vector<1x16xf32>,
        %get3A_797 = vector.shape_cast %get3A_796 : vector<1x16xf32> to vector<16xf32>
        %add3A_798 = arith.constant 1 : i32
        %add3A_799 = arith.addi %mul3A_518, %add3A_798 : i32
        %get3A_800 = arith.index_cast %add3A_799 : i32 to index
        %get3A_801 = arith.constant 368 : index
        %get3A_802 = tpu.vector_load %arg9[%get3A_800, %get3A_801] {strides = array<i32>} : memref<48x384xf32, #tpu.memory_space<vmem>>, vector<1x16xf32>,
        %get3A_803 = vector.shape_cast %get3A_802 : vector<1x16xf32> to vector<16xf32>
        %add3A_804 = arith.addf %get3A_797, %get3A_803 : vector<16xf32>
        %add3A_805 = arith.addf %scan3A_516, %add3A_804 : vector<16xf32>
        scf.yield %add3A_529, %add3A_541, %add3A_553, %add3A_565, %add3A_577, %add3A_589, %add3A_601, %add3A_613, %add3A_625, %add3A_637, %add3A_649, %add3A_661, %add3A_673, %add3A_685, %add3A_697, %add3A_709, %add3A_721, %add3A_733, %add3A_745, %add3A_757, %add3A_769, %add3A_781, %add3A_793, %add3A_805 : vector<16xf32>, vector<16xf32>, vector<16xf32>, vector<16xf32>, vector<16xf32>, vector<16xf32>, vector<16xf32>, vector<16xf32>, vector<16xf32>, vector<16xf32>, vector<16xf32>, vector<16xf32>, vector<16xf32>, vector<16xf32>, vector<16xf32>, vector<16xf32>, vector<16xf32>, vector<16xf32>, vector<16xf32>, vector<16xf32>, vector<16xf32>, vector<16xf32>, vector<16xf32>, vector<16xf32>
      }
      %scan3A_122 = arith.constant 24 : i32
      %convert_element_type3A_123 = arith.extui %lt3A_36 : i1 to i32
      %cond3A_124 = arith.constant 0 : i32
      %cond3A_125 = arith.cmpi ne, %convert_element_type3A_123, %cond3A_124 : i32
      scf.if %cond3A_125 {
        %dma_start3A_492 = arith.constant 104 : i32
        %dma_start3A_493 = tpu.memref_slice %arg6[%dma_start3A_492] : memref<200xi32, #tpu.memory_space<vmem>> -> memref<48xi32, #tpu.memory_space<vmem>>
        %dma_start3A_494 = arith.constant 0 : i32
        %dma_start3A_495 = arith.constant 0 : i32
        %dma_start3A_496 = tpu.memref_slice %arg3[%dma_start3A_494, %dma_start3A_495] : memref<100000x384xf32, #tpu.memory_space<hbm>> -> memref<100000x384xf32, #tpu.memory_space<hbm>>
        tpu.enqueue_indirect_dma source(%dma_start3A_496 : memref<100000x384xf32, #tpu.memory_space<hbm>>) target(%arg9 : memref<48x384xf32, #tpu.memory_space<vmem>>) offsets(%dma_start3A_493 : memref<48xi32, #tpu.memory_space<vmem>>) semaphore(%arg14 : memref<!tpu.dma_semaphore, #tpu.memory_space<semaphore_mem>>)
      } else {
      }
      %dma_wait3A_126 = arith.constant 152 : i32
      %dma_wait3A_127 = tpu.memref_slice %arg5[%dma_wait3A_126] : memref<200xi32, #tpu.memory_space<vmem>> -> memref<48xi32, #tpu.memory_space<vmem>>
      %dma_wait3A_128 = arith.constant 0 : i32
      %dma_wait3A_129 = arith.constant 0 : i32
      %dma_wait3A_130 = tpu.memref_slice %arg3[%dma_wait3A_128, %dma_wait3A_129] : memref<100000x384xf32, #tpu.memory_space<hbm>> -> memref<100000x384xf32, #tpu.memory_space<hbm>>
      tpu.wait_indirect_dma semaphore(%arg15 : memref<!tpu.dma_semaphore, #tpu.memory_space<semaphore_mem>>) src(%dma_wait3A_130 : memref<100000x384xf32, #tpu.memory_space<hbm>>) dst(%arg10 : memref<48x384xf32, #tpu.memory_space<vmem>>)
      %scan3A_131 = arith.constant 0 : i32
      %scan3A_132 = arith.constant 24 : i32
      %scan3A_133 = arith.addi %scan3A_131, %scan3A_132 : i32
      %scan3A_134 = arith.constant 1 : i32
      %scan3A_135:24 = scf.for %scan3A_492 = %scan3A_131 to %scan3A_133 step %scan3A_134 iter_args(%scan3A_493 = %scan3A_121#0, %scan3A_494 = %scan3A_121#1, %scan3A_495 = %scan3A_121#2, %scan3A_496 = %scan3A_121#3, %scan3A_497 = %scan3A_121#4, %scan3A_498 = %scan3A_121#5, %scan3A_499 = %scan3A_121#6, %scan3A_500 = %scan3A_121#7, %scan3A_501 = %scan3A_121#8, %scan3A_502 = %scan3A_121#9, %scan3A_503 = %scan3A_121#10, %scan3A_504 = %scan3A_121#11, %scan3A_505 = %scan3A_121#12, %scan3A_506 = %scan3A_121#13, %scan3A_507 = %scan3A_121#14, %scan3A_508 = %scan3A_121#15, %scan3A_509 = %scan3A_121#16, %scan3A_510 = %scan3A_121#17, %scan3A_511 = %scan3A_121#18, %scan3A_512 = %scan3A_121#19, %scan3A_513 = %scan3A_121#20, %scan3A_514 = %scan3A_121#21, %scan3A_515 = %scan3A_121#22, %scan3A_516 = %scan3A_121#23) -> (vector<16xf32>, vector<16xf32>, vector<16xf32>, vector<16xf32>, vector<16xf32>, vector<16xf32>, vector<16xf32>, vector<16xf32>, vector<16xf32>, vector<16xf32>, vector<16xf32>, vector<16xf32>, vector<16xf32>, vector<16xf32>, vector<16xf32>, vector<16xf32>, vector<16xf32>, vector<16xf32>, vector<16xf32>, vector<16xf32>, vector<16xf32>, vector<16xf32>, vector<16xf32>, vector<16xf32>)  : i32 {
        %mul3A_517 = arith.constant 2 : i32
        %mul3A_518 = arith.muli %mul3A_517, %scan3A_492 : i32
        %get3A = arith.index_cast %mul3A_518 : i32 to index
        %get3A_519 = arith.constant 0 : index
        %get3A_520 = tpu.vector_load %arg10[%get3A, %get3A_519] {strides = array<i32>} : memref<48x384xf32, #tpu.memory_space<vmem>>, vector<1x16xf32>,
        %get3A_521 = vector.shape_cast %get3A_520 : vector<1x16xf32> to vector<16xf32>
        %add3A_522 = arith.constant 1 : i32
        %add3A_523 = arith.addi %mul3A_518, %add3A_522 : i32
        %get3A_524 = arith.index_cast %add3A_523 : i32 to index
        %get3A_525 = arith.constant 0 : index
        %get3A_526 = tpu.vector_load %arg10[%get3A_524, %get3A_525] {strides = array<i32>} : memref<48x384xf32, #tpu.memory_space<vmem>>, vector<1x16xf32>,
        %get3A_527 = vector.shape_cast %get3A_526 : vector<1x16xf32> to vector<16xf32>
        %add3A_528 = arith.addf %get3A_521, %get3A_527 : vector<16xf32>
        %add3A_529 = arith.addf %scan3A_493, %add3A_528 : vector<16xf32>
        %get3A_530 = arith.index_cast %mul3A_518 : i32 to index
        %get3A_531 = arith.constant 16 : index
        %get3A_532 = tpu.vector_load %arg10[%get3A_530, %get3A_531] {strides = array<i32>} : memref<48x384xf32, #tpu.memory_space<vmem>>, vector<1x16xf32>,
        %get3A_533 = vector.shape_cast %get3A_532 : vector<1x16xf32> to vector<16xf32>
        %add3A_534 = arith.constant 1 : i32
        %add3A_535 = arith.addi %mul3A_518, %add3A_534 : i32
        %get3A_536 = arith.index_cast %add3A_535 : i32 to index
        %get3A_537 = arith.constant 16 : index
        %get3A_538 = tpu.vector_load %arg10[%get3A_536, %get3A_537] {strides = array<i32>} : memref<48x384xf32, #tpu.memory_space<vmem>>, vector<1x16xf32>,
        %get3A_539 = vector.shape_cast %get3A_538 : vector<1x16xf32> to vector<16xf32>
        %add3A_540 = arith.addf %get3A_533, %get3A_539 : vector<16xf32>
        %add3A_541 = arith.addf %scan3A_494, %add3A_540 : vector<16xf32>
        %get3A_542 = arith.index_cast %mul3A_518 : i32 to index
        %get3A_543 = arith.constant 32 : index
        %get3A_544 = tpu.vector_load %arg10[%get3A_542, %get3A_543] {strides = array<i32>} : memref<48x384xf32, #tpu.memory_space<vmem>>, vector<1x16xf32>,
        %get3A_545 = vector.shape_cast %get3A_544 : vector<1x16xf32> to vector<16xf32>
        %add3A_546 = arith.constant 1 : i32
        %add3A_547 = arith.addi %mul3A_518, %add3A_546 : i32
        %get3A_548 = arith.index_cast %add3A_547 : i32 to index
        %get3A_549 = arith.constant 32 : index
        %get3A_550 = tpu.vector_load %arg10[%get3A_548, %get3A_549] {strides = array<i32>} : memref<48x384xf32, #tpu.memory_space<vmem>>, vector<1x16xf32>,
        %get3A_551 = vector.shape_cast %get3A_550 : vector<1x16xf32> to vector<16xf32>
        %add3A_552 = arith.addf %get3A_545, %get3A_551 : vector<16xf32>
        %add3A_553 = arith.addf %scan3A_495, %add3A_552 : vector<16xf32>
        %get3A_554 = arith.index_cast %mul3A_518 : i32 to index
        %get3A_555 = arith.constant 48 : index
        %get3A_556 = tpu.vector_load %arg10[%get3A_554, %get3A_555] {strides = array<i32>} : memref<48x384xf32, #tpu.memory_space<vmem>>, vector<1x16xf32>,
        %get3A_557 = vector.shape_cast %get3A_556 : vector<1x16xf32> to vector<16xf32>
        %add3A_558 = arith.constant 1 : i32
        %add3A_559 = arith.addi %mul3A_518, %add3A_558 : i32
        %get3A_560 = arith.index_cast %add3A_559 : i32 to index
        %get3A_561 = arith.constant 48 : index
        %get3A_562 = tpu.vector_load %arg10[%get3A_560, %get3A_561] {strides = array<i32>} : memref<48x384xf32, #tpu.memory_space<vmem>>, vector<1x16xf32>,
        %get3A_563 = vector.shape_cast %get3A_562 : vector<1x16xf32> to vector<16xf32>
        %add3A_564 = arith.addf %get3A_557, %get3A_563 : vector<16xf32>
        %add3A_565 = arith.addf %scan3A_496, %add3A_564 : vector<16xf32>
        %get3A_566 = arith.index_cast %mul3A_518 : i32 to index
        %get3A_567 = arith.constant 64 : index
        %get3A_568 = tpu.vector_load %arg10[%get3A_566, %get3A_567] {strides = array<i32>} : memref<48x384xf32, #tpu.memory_space<vmem>>, vector<1x16xf32>,
        %get3A_569 = vector.shape_cast %get3A_568 : vector<1x16xf32> to vector<16xf32>
        %add3A_570 = arith.constant 1 : i32
        %add3A_571 = arith.addi %mul3A_518, %add3A_570 : i32
        %get3A_572 = arith.index_cast %add3A_571 : i32 to index
        %get3A_573 = arith.constant 64 : index
        %get3A_574 = tpu.vector_load %arg10[%get3A_572, %get3A_573] {strides = array<i32>} : memref<48x384xf32, #tpu.memory_space<vmem>>, vector<1x16xf32>,
        %get3A_575 = vector.shape_cast %get3A_574 : vector<1x16xf32> to vector<16xf32>
        %add3A_576 = arith.addf %get3A_569, %get3A_575 : vector<16xf32>
        %add3A_577 = arith.addf %scan3A_497, %add3A_576 : vector<16xf32>
        %get3A_578 = arith.index_cast %mul3A_518 : i32 to index
        %get3A_579 = arith.constant 80 : index
        %get3A_580 = tpu.vector_load %arg10[%get3A_578, %get3A_579] {strides = array<i32>} : memref<48x384xf32, #tpu.memory_space<vmem>>, vector<1x16xf32>,
        %get3A_581 = vector.shape_cast %get3A_580 : vector<1x16xf32> to vector<16xf32>
        %add3A_582 = arith.constant 1 : i32
        %add3A_583 = arith.addi %mul3A_518, %add3A_582 : i32
        %get3A_584 = arith.index_cast %add3A_583 : i32 to index
        %get3A_585 = arith.constant 80 : index
        %get3A_586 = tpu.vector_load %arg10[%get3A_584, %get3A_585] {strides = array<i32>} : memref<48x384xf32, #tpu.memory_space<vmem>>, vector<1x16xf32>,
        %get3A_587 = vector.shape_cast %get3A_586 : vector<1x16xf32> to vector<16xf32>
        %add3A_588 = arith.addf %get3A_581, %get3A_587 : vector<16xf32>
        %add3A_589 = arith.addf %scan3A_498, %add3A_588 : vector<16xf32>
        %get3A_590 = arith.index_cast %mul3A_518 : i32 to index
        %get3A_591 = arith.constant 96 : index
        %get3A_592 = tpu.vector_load %arg10[%get3A_590, %get3A_591] {strides = array<i32>} : memref<48x384xf32, #tpu.memory_space<vmem>>, vector<1x16xf32>,
        %get3A_593 = vector.shape_cast %get3A_592 : vector<1x16xf32> to vector<16xf32>
        %add3A_594 = arith.constant 1 : i32
        %add3A_595 = arith.addi %mul3A_518, %add3A_594 : i32
        %get3A_596 = arith.index_cast %add3A_595 : i32 to index
        %get3A_597 = arith.constant 96 : index
        %get3A_598 = tpu.vector_load %arg10[%get3A_596, %get3A_597] {strides = array<i32>} : memref<48x384xf32, #tpu.memory_space<vmem>>, vector<1x16xf32>,
        %get3A_599 = vector.shape_cast %get3A_598 : vector<1x16xf32> to vector<16xf32>
        %add3A_600 = arith.addf %get3A_593, %get3A_599 : vector<16xf32>
        %add3A_601 = arith.addf %scan3A_499, %add3A_600 : vector<16xf32>
        %get3A_602 = arith.index_cast %mul3A_518 : i32 to index
        %get3A_603 = arith.constant 112 : index
        %get3A_604 = tpu.vector_load %arg10[%get3A_602, %get3A_603] {strides = array<i32>} : memref<48x384xf32, #tpu.memory_space<vmem>>, vector<1x16xf32>,
        %get3A_605 = vector.shape_cast %get3A_604 : vector<1x16xf32> to vector<16xf32>
        %add3A_606 = arith.constant 1 : i32
        %add3A_607 = arith.addi %mul3A_518, %add3A_606 : i32
        %get3A_608 = arith.index_cast %add3A_607 : i32 to index
        %get3A_609 = arith.constant 112 : index
        %get3A_610 = tpu.vector_load %arg10[%get3A_608, %get3A_609] {strides = array<i32>} : memref<48x384xf32, #tpu.memory_space<vmem>>, vector<1x16xf32>,
        %get3A_611 = vector.shape_cast %get3A_610 : vector<1x16xf32> to vector<16xf32>
        %add3A_612 = arith.addf %get3A_605, %get3A_611 : vector<16xf32>
        %add3A_613 = arith.addf %scan3A_500, %add3A_612 : vector<16xf32>
        %get3A_614 = arith.index_cast %mul3A_518 : i32 to index
        %get3A_615 = arith.constant 128 : index
        %get3A_616 = tpu.vector_load %arg10[%get3A_614, %get3A_615] {strides = array<i32>} : memref<48x384xf32, #tpu.memory_space<vmem>>, vector<1x16xf32>,
        %get3A_617 = vector.shape_cast %get3A_616 : vector<1x16xf32> to vector<16xf32>
        %add3A_618 = arith.constant 1 : i32
        %add3A_619 = arith.addi %mul3A_518, %add3A_618 : i32
        %get3A_620 = arith.index_cast %add3A_619 : i32 to index
        %get3A_621 = arith.constant 128 : index
        %get3A_622 = tpu.vector_load %arg10[%get3A_620, %get3A_621] {strides = array<i32>} : memref<48x384xf32, #tpu.memory_space<vmem>>, vector<1x16xf32>,
        %get3A_623 = vector.shape_cast %get3A_622 : vector<1x16xf32> to vector<16xf32>
        %add3A_624 = arith.addf %get3A_617, %get3A_623 : vector<16xf32>
        %add3A_625 = arith.addf %scan3A_501, %add3A_624 : vector<16xf32>
        %get3A_626 = arith.index_cast %mul3A_518 : i32 to index
        %get3A_627 = arith.constant 144 : index
        %get3A_628 = tpu.vector_load %arg10[%get3A_626, %get3A_627] {strides = array<i32>} : memref<48x384xf32, #tpu.memory_space<vmem>>, vector<1x16xf32>,
        %get3A_629 = vector.shape_cast %get3A_628 : vector<1x16xf32> to vector<16xf32>
        %add3A_630 = arith.constant 1 : i32
        %add3A_631 = arith.addi %mul3A_518, %add3A_630 : i32
        %get3A_632 = arith.index_cast %add3A_631 : i32 to index
        %get3A_633 = arith.constant 144 : index
        %get3A_634 = tpu.vector_load %arg10[%get3A_632, %get3A_633] {strides = array<i32>} : memref<48x384xf32, #tpu.memory_space<vmem>>, vector<1x16xf32>,
        %get3A_635 = vector.shape_cast %get3A_634 : vector<1x16xf32> to vector<16xf32>
        %add3A_636 = arith.addf %get3A_629, %get3A_635 : vector<16xf32>
        %add3A_637 = arith.addf %scan3A_502, %add3A_636 : vector<16xf32>
        %get3A_638 = arith.index_cast %mul3A_518 : i32 to index
        %get3A_639 = arith.constant 160 : index
        %get3A_640 = tpu.vector_load %arg10[%get3A_638, %get3A_639] {strides = array<i32>} : memref<48x384xf32, #tpu.memory_space<vmem>>, vector<1x16xf32>,
        %get3A_641 = vector.shape_cast %get3A_640 : vector<1x16xf32> to vector<16xf32>
        %add3A_642 = arith.constant 1 : i32
        %add3A_643 = arith.addi %mul3A_518, %add3A_642 : i32
        %get3A_644 = arith.index_cast %add3A_643 : i32 to index
        %get3A_645 = arith.constant 160 : index
        %get3A_646 = tpu.vector_load %arg10[%get3A_644, %get3A_645] {strides = array<i32>} : memref<48x384xf32, #tpu.memory_space<vmem>>, vector<1x16xf32>,
        %get3A_647 = vector.shape_cast %get3A_646 : vector<1x16xf32> to vector<16xf32>
        %add3A_648 = arith.addf %get3A_641, %get3A_647 : vector<16xf32>
        %add3A_649 = arith.addf %scan3A_503, %add3A_648 : vector<16xf32>
        %get3A_650 = arith.index_cast %mul3A_518 : i32 to index
        %get3A_651 = arith.constant 176 : index
        %get3A_652 = tpu.vector_load %arg10[%get3A_650, %get3A_651] {strides = array<i32>} : memref<48x384xf32, #tpu.memory_space<vmem>>, vector<1x16xf32>,
        %get3A_653 = vector.shape_cast %get3A_652 : vector<1x16xf32> to vector<16xf32>
        %add3A_654 = arith.constant 1 : i32
        %add3A_655 = arith.addi %mul3A_518, %add3A_654 : i32
        %get3A_656 = arith.index_cast %add3A_655 : i32 to index
        %get3A_657 = arith.constant 176 : index
        %get3A_658 = tpu.vector_load %arg10[%get3A_656, %get3A_657] {strides = array<i32>} : memref<48x384xf32, #tpu.memory_space<vmem>>, vector<1x16xf32>,
        %get3A_659 = vector.shape_cast %get3A_658 : vector<1x16xf32> to vector<16xf32>
        %add3A_660 = arith.addf %get3A_653, %get3A_659 : vector<16xf32>
        %add3A_661 = arith.addf %scan3A_504, %add3A_660 : vector<16xf32>
        %get3A_662 = arith.index_cast %mul3A_518 : i32 to index
        %get3A_663 = arith.constant 192 : index
        %get3A_664 = tpu.vector_load %arg10[%get3A_662, %get3A_663] {strides = array<i32>} : memref<48x384xf32, #tpu.memory_space<vmem>>, vector<1x16xf32>,
        %get3A_665 = vector.shape_cast %get3A_664 : vector<1x16xf32> to vector<16xf32>
        %add3A_666 = arith.constant 1 : i32
        %add3A_667 = arith.addi %mul3A_518, %add3A_666 : i32
        %get3A_668 = arith.index_cast %add3A_667 : i32 to index
        %get3A_669 = arith.constant 192 : index
        %get3A_670 = tpu.vector_load %arg10[%get3A_668, %get3A_669] {strides = array<i32>} : memref<48x384xf32, #tpu.memory_space<vmem>>, vector<1x16xf32>,
        %get3A_671 = vector.shape_cast %get3A_670 : vector<1x16xf32> to vector<16xf32>
        %add3A_672 = arith.addf %get3A_665, %get3A_671 : vector<16xf32>
        %add3A_673 = arith.addf %scan3A_505, %add3A_672 : vector<16xf32>
        %get3A_674 = arith.index_cast %mul3A_518 : i32 to index
        %get3A_675 = arith.constant 208 : index
        %get3A_676 = tpu.vector_load %arg10[%get3A_674, %get3A_675] {strides = array<i32>} : memref<48x384xf32, #tpu.memory_space<vmem>>, vector<1x16xf32>,
        %get3A_677 = vector.shape_cast %get3A_676 : vector<1x16xf32> to vector<16xf32>
        %add3A_678 = arith.constant 1 : i32
        %add3A_679 = arith.addi %mul3A_518, %add3A_678 : i32
        %get3A_680 = arith.index_cast %add3A_679 : i32 to index
        %get3A_681 = arith.constant 208 : index
        %get3A_682 = tpu.vector_load %arg10[%get3A_680, %get3A_681] {strides = array<i32>} : memref<48x384xf32, #tpu.memory_space<vmem>>, vector<1x16xf32>,
        %get3A_683 = vector.shape_cast %get3A_682 : vector<1x16xf32> to vector<16xf32>
        %add3A_684 = arith.addf %get3A_677, %get3A_683 : vector<16xf32>
        %add3A_685 = arith.addf %scan3A_506, %add3A_684 : vector<16xf32>
        %get3A_686 = arith.index_cast %mul3A_518 : i32 to index
        %get3A_687 = arith.constant 224 : index
        %get3A_688 = tpu.vector_load %arg10[%get3A_686, %get3A_687] {strides = array<i32>} : memref<48x384xf32, #tpu.memory_space<vmem>>, vector<1x16xf32>,
        %get3A_689 = vector.shape_cast %get3A_688 : vector<1x16xf32> to vector<16xf32>
        %add3A_690 = arith.constant 1 : i32
        %add3A_691 = arith.addi %mul3A_518, %add3A_690 : i32
        %get3A_692 = arith.index_cast %add3A_691 : i32 to index
        %get3A_693 = arith.constant 224 : index
        %get3A_694 = tpu.vector_load %arg10[%get3A_692, %get3A_693] {strides = array<i32>} : memref<48x384xf32, #tpu.memory_space<vmem>>, vector<1x16xf32>,
        %get3A_695 = vector.shape_cast %get3A_694 : vector<1x16xf32> to vector<16xf32>
        %add3A_696 = arith.addf %get3A_689, %get3A_695 : vector<16xf32>
        %add3A_697 = arith.addf %scan3A_507, %add3A_696 : vector<16xf32>
        %get3A_698 = arith.index_cast %mul3A_518 : i32 to index
        %get3A_699 = arith.constant 240 : index
        %get3A_700 = tpu.vector_load %arg10[%get3A_698, %get3A_699] {strides = array<i32>} : memref<48x384xf32, #tpu.memory_space<vmem>>, vector<1x16xf32>,
        %get3A_701 = vector.shape_cast %get3A_700 : vector<1x16xf32> to vector<16xf32>
        %add3A_702 = arith.constant 1 : i32
        %add3A_703 = arith.addi %mul3A_518, %add3A_702 : i32
        %get3A_704 = arith.index_cast %add3A_703 : i32 to index
        %get3A_705 = arith.constant 240 : index
        %get3A_706 = tpu.vector_load %arg10[%get3A_704, %get3A_705] {strides = array<i32>} : memref<48x384xf32, #tpu.memory_space<vmem>>, vector<1x16xf32>,
        %get3A_707 = vector.shape_cast %get3A_706 : vector<1x16xf32> to vector<16xf32>
        %add3A_708 = arith.addf %get3A_701, %get3A_707 : vector<16xf32>
        %add3A_709 = arith.addf %scan3A_508, %add3A_708 : vector<16xf32>
        %get3A_710 = arith.index_cast %mul3A_518 : i32 to index
        %get3A_711 = arith.constant 256 : index
        %get3A_712 = tpu.vector_load %arg10[%get3A_710, %get3A_711] {strides = array<i32>} : memref<48x384xf32, #tpu.memory_space<vmem>>, vector<1x16xf32>,
        %get3A_713 = vector.shape_cast %get3A_712 : vector<1x16xf32> to vector<16xf32>
        %add3A_714 = arith.constant 1 : i32
        %add3A_715 = arith.addi %mul3A_518, %add3A_714 : i32
        %get3A_716 = arith.index_cast %add3A_715 : i32 to index
        %get3A_717 = arith.constant 256 : index
        %get3A_718 = tpu.vector_load %arg10[%get3A_716, %get3A_717] {strides = array<i32>} : memref<48x384xf32, #tpu.memory_space<vmem>>, vector<1x16xf32>,
        %get3A_719 = vector.shape_cast %get3A_718 : vector<1x16xf32> to vector<16xf32>
        %add3A_720 = arith.addf %get3A_713, %get3A_719 : vector<16xf32>
        %add3A_721 = arith.addf %scan3A_509, %add3A_720 : vector<16xf32>
        %get3A_722 = arith.index_cast %mul3A_518 : i32 to index
        %get3A_723 = arith.constant 272 : index
        %get3A_724 = tpu.vector_load %arg10[%get3A_722, %get3A_723] {strides = array<i32>} : memref<48x384xf32, #tpu.memory_space<vmem>>, vector<1x16xf32>,
        %get3A_725 = vector.shape_cast %get3A_724 : vector<1x16xf32> to vector<16xf32>
        %add3A_726 = arith.constant 1 : i32
        %add3A_727 = arith.addi %mul3A_518, %add3A_726 : i32
        %get3A_728 = arith.index_cast %add3A_727 : i32 to index
        %get3A_729 = arith.constant 272 : index
        %get3A_730 = tpu.vector_load %arg10[%get3A_728, %get3A_729] {strides = array<i32>} : memref<48x384xf32, #tpu.memory_space<vmem>>, vector<1x16xf32>,
        %get3A_731 = vector.shape_cast %get3A_730 : vector<1x16xf32> to vector<16xf32>
        %add3A_732 = arith.addf %get3A_725, %get3A_731 : vector<16xf32>
        %add3A_733 = arith.addf %scan3A_510, %add3A_732 : vector<16xf32>
        %get3A_734 = arith.index_cast %mul3A_518 : i32 to index
        %get3A_735 = arith.constant 288 : index
        %get3A_736 = tpu.vector_load %arg10[%get3A_734, %get3A_735] {strides = array<i32>} : memref<48x384xf32, #tpu.memory_space<vmem>>, vector<1x16xf32>,
        %get3A_737 = vector.shape_cast %get3A_736 : vector<1x16xf32> to vector<16xf32>
        %add3A_738 = arith.constant 1 : i32
        %add3A_739 = arith.addi %mul3A_518, %add3A_738 : i32
        %get3A_740 = arith.index_cast %add3A_739 : i32 to index
        %get3A_741 = arith.constant 288 : index
        %get3A_742 = tpu.vector_load %arg10[%get3A_740, %get3A_741] {strides = array<i32>} : memref<48x384xf32, #tpu.memory_space<vmem>>, vector<1x16xf32>,
        %get3A_743 = vector.shape_cast %get3A_742 : vector<1x16xf32> to vector<16xf32>
        %add3A_744 = arith.addf %get3A_737, %get3A_743 : vector<16xf32>
        %add3A_745 = arith.addf %scan3A_511, %add3A_744 : vector<16xf32>
        %get3A_746 = arith.index_cast %mul3A_518 : i32 to index
        %get3A_747 = arith.constant 304 : index
        %get3A_748 = tpu.vector_load %arg10[%get3A_746, %get3A_747] {strides = array<i32>} : memref<48x384xf32, #tpu.memory_space<vmem>>, vector<1x16xf32>,
        %get3A_749 = vector.shape_cast %get3A_748 : vector<1x16xf32> to vector<16xf32>
        %add3A_750 = arith.constant 1 : i32
        %add3A_751 = arith.addi %mul3A_518, %add3A_750 : i32
        %get3A_752 = arith.index_cast %add3A_751 : i32 to index
        %get3A_753 = arith.constant 304 : index
        %get3A_754 = tpu.vector_load %arg10[%get3A_752, %get3A_753] {strides = array<i32>} : memref<48x384xf32, #tpu.memory_space<vmem>>, vector<1x16xf32>,
        %get3A_755 = vector.shape_cast %get3A_754 : vector<1x16xf32> to vector<16xf32>
        %add3A_756 = arith.addf %get3A_749, %get3A_755 : vector<16xf32>
        %add3A_757 = arith.addf %scan3A_512, %add3A_756 : vector<16xf32>
        %get3A_758 = arith.index_cast %mul3A_518 : i32 to index
        %get3A_759 = arith.constant 320 : index
        %get3A_760 = tpu.vector_load %arg10[%get3A_758, %get3A_759] {strides = array<i32>} : memref<48x384xf32, #tpu.memory_space<vmem>>, vector<1x16xf32>,
        %get3A_761 = vector.shape_cast %get3A_760 : vector<1x16xf32> to vector<16xf32>
        %add3A_762 = arith.constant 1 : i32
        %add3A_763 = arith.addi %mul3A_518, %add3A_762 : i32
        %get3A_764 = arith.index_cast %add3A_763 : i32 to index
        %get3A_765 = arith.constant 320 : index
        %get3A_766 = tpu.vector_load %arg10[%get3A_764, %get3A_765] {strides = array<i32>} : memref<48x384xf32, #tpu.memory_space<vmem>>, vector<1x16xf32>,
        %get3A_767 = vector.shape_cast %get3A_766 : vector<1x16xf32> to vector<16xf32>
        %add3A_768 = arith.addf %get3A_761, %get3A_767 : vector<16xf32>
        %add3A_769 = arith.addf %scan3A_513, %add3A_768 : vector<16xf32>
        %get3A_770 = arith.index_cast %mul3A_518 : i32 to index
        %get3A_771 = arith.constant 336 : index
        %get3A_772 = tpu.vector_load %arg10[%get3A_770, %get3A_771] {strides = array<i32>} : memref<48x384xf32, #tpu.memory_space<vmem>>, vector<1x16xf32>,
        %get3A_773 = vector.shape_cast %get3A_772 : vector<1x16xf32> to vector<16xf32>
        %add3A_774 = arith.constant 1 : i32
        %add3A_775 = arith.addi %mul3A_518, %add3A_774 : i32
        %get3A_776 = arith.index_cast %add3A_775 : i32 to index
        %get3A_777 = arith.constant 336 : index
        %get3A_778 = tpu.vector_load %arg10[%get3A_776, %get3A_777] {strides = array<i32>} : memref<48x384xf32, #tpu.memory_space<vmem>>, vector<1x16xf32>,
        %get3A_779 = vector.shape_cast %get3A_778 : vector<1x16xf32> to vector<16xf32>
        %add3A_780 = arith.addf %get3A_773, %get3A_779 : vector<16xf32>
        %add3A_781 = arith.addf %scan3A_514, %add3A_780 : vector<16xf32>
        %get3A_782 = arith.index_cast %mul3A_518 : i32 to index
        %get3A_783 = arith.constant 352 : index
        %get3A_784 = tpu.vector_load %arg10[%get3A_782, %get3A_783] {strides = array<i32>} : memref<48x384xf32, #tpu.memory_space<vmem>>, vector<1x16xf32>,
        %get3A_785 = vector.shape_cast %get3A_784 : vector<1x16xf32> to vector<16xf32>
        %add3A_786 = arith.constant 1 : i32
        %add3A_787 = arith.addi %mul3A_518, %add3A_786 : i32
        %get3A_788 = arith.index_cast %add3A_787 : i32 to index
        %get3A_789 = arith.constant 352 : index
        %get3A_790 = tpu.vector_load %arg10[%get3A_788, %get3A_789] {strides = array<i32>} : memref<48x384xf32, #tpu.memory_space<vmem>>, vector<1x16xf32>,
        %get3A_791 = vector.shape_cast %get3A_790 : vector<1x16xf32> to vector<16xf32>
        %add3A_792 = arith.addf %get3A_785, %get3A_791 : vector<16xf32>
        %add3A_793 = arith.addf %scan3A_515, %add3A_792 : vector<16xf32>
        %get3A_794 = arith.index_cast %mul3A_518 : i32 to index
        %get3A_795 = arith.constant 368 : index
        %get3A_796 = tpu.vector_load %arg10[%get3A_794, %get3A_795] {strides = array<i32>} : memref<48x384xf32, #tpu.memory_space<vmem>>, vector<1x16xf32>,
        %get3A_797 = vector.shape_cast %get3A_796 : vector<1x16xf32> to vector<16xf32>
        %add3A_798 = arith.constant 1 : i32
        %add3A_799 = arith.addi %mul3A_518, %add3A_798 : i32
        %get3A_800 = arith.index_cast %add3A_799 : i32 to index
        %get3A_801 = arith.constant 368 : index
        %get3A_802 = tpu.vector_load %arg10[%get3A_800, %get3A_801] {strides = array<i32>} : memref<48x384xf32, #tpu.memory_space<vmem>>, vector<1x16xf32>,
        %get3A_803 = vector.shape_cast %get3A_802 : vector<1x16xf32> to vector<16xf32>
        %add3A_804 = arith.addf %get3A_797, %get3A_803 : vector<16xf32>
        %add3A_805 = arith.addf %scan3A_516, %add3A_804 : vector<16xf32>
        scf.yield %add3A_529, %add3A_541, %add3A_553, %add3A_565, %add3A_577, %add3A_589, %add3A_601, %add3A_613, %add3A_625, %add3A_637, %add3A_649, %add3A_661, %add3A_673, %add3A_685, %add3A_697, %add3A_709, %add3A_721, %add3A_733, %add3A_745, %add3A_757, %add3A_769, %add3A_781, %add3A_793, %add3A_805 : vector<16xf32>, vector<16xf32>, vector<16xf32>, vector<16xf32>, vector<16xf32>, vector<16xf32>, vector<16xf32>, vector<16xf32>, vector<16xf32>, vector<16xf32>, vector<16xf32>, vector<16xf32>, vector<16xf32>, vector<16xf32>, vector<16xf32>, vector<16xf32>, vector<16xf32>, vector<16xf32>, vector<16xf32>, vector<16xf32>, vector<16xf32>, vector<16xf32>, vector<16xf32>, vector<16xf32>
      }
      %scan3A_136 = arith.constant 24 : i32
      %convert_element_type3A_137 = arith.extui %lt3A_36 : i1 to i32
      %cond3A_138 = arith.constant 0 : i32
      %cond3A_139 = arith.cmpi ne, %convert_element_type3A_137, %cond3A_138 : i32
      scf.if %cond3A_139 {
        %dma_start3A_492 = arith.constant 152 : i32
        %dma_start3A_493 = tpu.memref_slice %arg6[%dma_start3A_492] : memref<200xi32, #tpu.memory_space<vmem>> -> memref<48xi32, #tpu.memory_space<vmem>>
        %dma_start3A_494 = arith.constant 0 : i32
        %dma_start3A_495 = arith.constant 0 : i32
        %dma_start3A_496 = tpu.memref_slice %arg3[%dma_start3A_494, %dma_start3A_495] : memref<100000x384xf32, #tpu.memory_space<hbm>> -> memref<100000x384xf32, #tpu.memory_space<hbm>>
        tpu.enqueue_indirect_dma source(%dma_start3A_496 : memref<100000x384xf32, #tpu.memory_space<hbm>>) target(%arg10 : memref<48x384xf32, #tpu.memory_space<vmem>>) offsets(%dma_start3A_493 : memref<48xi32, #tpu.memory_space<vmem>>) semaphore(%arg15 : memref<!tpu.dma_semaphore, #tpu.memory_space<semaphore_mem>>)
      } else {
      }
      %swap3A = arith.index_cast %mul3A_33 : i32 to index
      %swap3A_140 = arith.constant 0 : index
      %swap3A_141 = tpu.vector_load %arg11[%swap3A, %swap3A_140] {strides = array<i32>} : memref<128x384xf32, #tpu.memory_space<vmem>>, vector<1x16xf32>,
      %swap3A_142 = vector.shape_cast %swap3A_141 : vector<1x16xf32> to vector<16xf32>
      %swap3A_143 = vector.shape_cast %scan3A_135#0 : vector<16xf32> to vector<1x16xf32>
      tpu.vector_store %arg11[%swap3A, %swap3A_140], %swap3A_143 {strides = array<i32>} : memref<128x384xf32, #tpu.memory_space<vmem>>, vector<1x16xf32>,
      %swap3A_144 = arith.index_cast %mul3A_33 : i32 to index
      %swap3A_145 = arith.constant 16 : index
      %swap3A_146 = tpu.vector_load %arg11[%swap3A_144, %swap3A_145] {strides = array<i32>} : memref<128x384xf32, #tpu.memory_space<vmem>>, vector<1x16xf32>,
      %swap3A_147 = vector.shape_cast %swap3A_146 : vector<1x16xf32> to vector<16xf32>
      %swap3A_148 = vector.shape_cast %scan3A_135#1 : vector<16xf32> to vector<1x16xf32>
      tpu.vector_store %arg11[%swap3A_144, %swap3A_145], %swap3A_148 {strides = array<i32>} : memref<128x384xf32, #tpu.memory_space<vmem>>, vector<1x16xf32>,
      %swap3A_149 = arith.index_cast %mul3A_33 : i32 to index
      %swap3A_150 = arith.constant 32 : index
      %swap3A_151 = tpu.vector_load %arg11[%swap3A_149, %swap3A_150] {strides = array<i32>} : memref<128x384xf32, #tpu.memory_space<vmem>>, vector<1x16xf32>,
      %swap3A_152 = vector.shape_cast %swap3A_151 : vector<1x16xf32> to vector<16xf32>
      %swap3A_153 = vector.shape_cast %scan3A_135#2 : vector<16xf32> to vector<1x16xf32>
      tpu.vector_store %arg11[%swap3A_149, %swap3A_150], %swap3A_153 {strides = array<i32>} : memref<128x384xf32, #tpu.memory_space<vmem>>, vector<1x16xf32>,
      %swap3A_154 = arith.index_cast %mul3A_33 : i32 to index
      %swap3A_155 = arith.constant 48 : index
      %swap3A_156 = tpu.vector_load %arg11[%swap3A_154, %swap3A_155] {strides = array<i32>} : memref<128x384xf32, #tpu.memory_space<vmem>>, vector<1x16xf32>,
      %swap3A_157 = vector.shape_cast %swap3A_156 : vector<1x16xf32> to vector<16xf32>
      %swap3A_158 = vector.shape_cast %scan3A_135#3 : vector<16xf32> to vector<1x16xf32>
      tpu.vector_store %arg11[%swap3A_154, %swap3A_155], %swap3A_158 {strides = array<i32>} : memref<128x384xf32, #tpu.memory_space<vmem>>, vector<1x16xf32>,
      %swap3A_159 = arith.index_cast %mul3A_33 : i32 to index
      %swap3A_160 = arith.constant 64 : index
      %swap3A_161 = tpu.vector_load %arg11[%swap3A_159, %swap3A_160] {strides = array<i32>} : memref<128x384xf32, #tpu.memory_space<vmem>>, vector<1x16xf32>,
      %swap3A_162 = vector.shape_cast %swap3A_161 : vector<1x16xf32> to vector<16xf32>
      %swap3A_163 = vector.shape_cast %scan3A_135#4 : vector<16xf32> to vector<1x16xf32>
      tpu.vector_store %arg11[%swap3A_159, %swap3A_160], %swap3A_163 {strides = array<i32>} : memref<128x384xf32, #tpu.memory_space<vmem>>, vector<1x16xf32>,
      %swap3A_164 = arith.index_cast %mul3A_33 : i32 to index
      %swap3A_165 = arith.constant 80 : index
      %swap3A_166 = tpu.vector_load %arg11[%swap3A_164, %swap3A_165] {strides = array<i32>} : memref<128x384xf32, #tpu.memory_space<vmem>>, vector<1x16xf32>,
      %swap3A_167 = vector.shape_cast %swap3A_166 : vector<1x16xf32> to vector<16xf32>
      %swap3A_168 = vector.shape_cast %scan3A_135#5 : vector<16xf32> to vector<1x16xf32>
      tpu.vector_store %arg11[%swap3A_164, %swap3A_165], %swap3A_168 {strides = array<i32>} : memref<128x384xf32, #tpu.memory_space<vmem>>, vector<1x16xf32>,
      %swap3A_169 = arith.index_cast %mul3A_33 : i32 to index
      %swap3A_170 = arith.constant 96 : index
      %swap3A_171 = tpu.vector_load %arg11[%swap3A_169, %swap3A_170] {strides = array<i32>} : memref<128x384xf32, #tpu.memory_space<vmem>>, vector<1x16xf32>,
      %swap3A_172 = vector.shape_cast %swap3A_171 : vector<1x16xf32> to vector<16xf32>
      %swap3A_173 = vector.shape_cast %scan3A_135#6 : vector<16xf32> to vector<1x16xf32>
      tpu.vector_store %arg11[%swap3A_169, %swap3A_170], %swap3A_173 {strides = array<i32>} : memref<128x384xf32, #tpu.memory_space<vmem>>, vector<1x16xf32>,
      %swap3A_174 = arith.index_cast %mul3A_33 : i32 to index
      %swap3A_175 = arith.constant 112 : index
      %swap3A_176 = tpu.vector_load %arg11[%swap3A_174, %swap3A_175] {strides = array<i32>} : memref<128x384xf32, #tpu.memory_space<vmem>>, vector<1x16xf32>,
      %swap3A_177 = vector.shape_cast %swap3A_176 : vector<1x16xf32> to vector<16xf32>
      %swap3A_178 = vector.shape_cast %scan3A_135#7 : vector<16xf32> to vector<1x16xf32>
      tpu.vector_store %arg11[%swap3A_174, %swap3A_175], %swap3A_178 {strides = array<i32>} : memref<128x384xf32, #tpu.memory_space<vmem>>, vector<1x16xf32>,
      %swap3A_179 = arith.index_cast %mul3A_33 : i32 to index
      %swap3A_180 = arith.constant 128 : index
      %swap3A_181 = tpu.vector_load %arg11[%swap3A_179, %swap3A_180] {strides = array<i32>} : memref<128x384xf32, #tpu.memory_space<vmem>>, vector<1x16xf32>,
      %swap3A_182 = vector.shape_cast %swap3A_181 : vector<1x16xf32> to vector<16xf32>
      %swap3A_183 = vector.shape_cast %scan3A_135#8 : vector<16xf32> to vector<1x16xf32>
      tpu.vector_store %arg11[%swap3A_179, %swap3A_180], %swap3A_183 {strides = array<i32>} : memref<128x384xf32, #tpu.memory_space<vmem>>, vector<1x16xf32>,
      %swap3A_184 = arith.index_cast %mul3A_33 : i32 to index
      %swap3A_185 = arith.constant 144 : index
      %swap3A_186 = tpu.vector_load %arg11[%swap3A_184, %swap3A_185] {strides = array<i32>} : memref<128x384xf32, #tpu.memory_space<vmem>>, vector<1x16xf32>,
      %swap3A_187 = vector.shape_cast %swap3A_186 : vector<1x16xf32> to vector<16xf32>
      %swap3A_188 = vector.shape_cast %scan3A_135#9 : vector<16xf32> to vector<1x16xf32>
      tpu.vector_store %arg11[%swap3A_184, %swap3A_185], %swap3A_188 {strides = array<i32>} : memref<128x384xf32, #tpu.memory_space<vmem>>, vector<1x16xf32>,
      %swap3A_189 = arith.index_cast %mul3A_33 : i32 to index
      %swap3A_190 = arith.constant 160 : index
      %swap3A_191 = tpu.vector_load %arg11[%swap3A_189, %swap3A_190] {strides = array<i32>} : memref<128x384xf32, #tpu.memory_space<vmem>>, vector<1x16xf32>,
      %swap3A_192 = vector.shape_cast %swap3A_191 : vector<1x16xf32> to vector<16xf32>
      %swap3A_193 = vector.shape_cast %scan3A_135#10 : vector<16xf32> to vector<1x16xf32>
      tpu.vector_store %arg11[%swap3A_189, %swap3A_190], %swap3A_193 {strides = array<i32>} : memref<128x384xf32, #tpu.memory_space<vmem>>, vector<1x16xf32>,
      %swap3A_194 = arith.index_cast %mul3A_33 : i32 to index
      %swap3A_195 = arith.constant 176 : index
      %swap3A_196 = tpu.vector_load %arg11[%swap3A_194, %swap3A_195] {strides = array<i32>} : memref<128x384xf32, #tpu.memory_space<vmem>>, vector<1x16xf32>,
      %swap3A_197 = vector.shape_cast %swap3A_196 : vector<1x16xf32> to vector<16xf32>
      %swap3A_198 = vector.shape_cast %scan3A_135#11 : vector<16xf32> to vector<1x16xf32>
      tpu.vector_store %arg11[%swap3A_194, %swap3A_195], %swap3A_198 {strides = array<i32>} : memref<128x384xf32, #tpu.memory_space<vmem>>, vector<1x16xf32>,
      %swap3A_199 = arith.index_cast %mul3A_33 : i32 to index
      %swap3A_200 = arith.constant 192 : index
      %swap3A_201 = tpu.vector_load %arg11[%swap3A_199, %swap3A_200] {strides = array<i32>} : memref<128x384xf32, #tpu.memory_space<vmem>>, vector<1x16xf32>,
      %swap3A_202 = vector.shape_cast %swap3A_201 : vector<1x16xf32> to vector<16xf32>
      %swap3A_203 = vector.shape_cast %scan3A_135#12 : vector<16xf32> to vector<1x16xf32>
      tpu.vector_store %arg11[%swap3A_199, %swap3A_200], %swap3A_203 {strides = array<i32>} : memref<128x384xf32, #tpu.memory_space<vmem>>, vector<1x16xf32>,
      %swap3A_204 = arith.index_cast %mul3A_33 : i32 to index
      %swap3A_205 = arith.constant 208 : index
      %swap3A_206 = tpu.vector_load %arg11[%swap3A_204, %swap3A_205] {strides = array<i32>} : memref<128x384xf32, #tpu.memory_space<vmem>>, vector<1x16xf32>,
      %swap3A_207 = vector.shape_cast %swap3A_206 : vector<1x16xf32> to vector<16xf32>
      %swap3A_208 = vector.shape_cast %scan3A_135#13 : vector<16xf32> to vector<1x16xf32>
      tpu.vector_store %arg11[%swap3A_204, %swap3A_205], %swap3A_208 {strides = array<i32>} : memref<128x384xf32, #tpu.memory_space<vmem>>, vector<1x16xf32>,
      %swap3A_209 = arith.index_cast %mul3A_33 : i32 to index
      %swap3A_210 = arith.constant 224 : index
      %swap3A_211 = tpu.vector_load %arg11[%swap3A_209, %swap3A_210] {strides = array<i32>} : memref<128x384xf32, #tpu.memory_space<vmem>>, vector<1x16xf32>,
      %swap3A_212 = vector.shape_cast %swap3A_211 : vector<1x16xf32> to vector<16xf32>
      %swap3A_213 = vector.shape_cast %scan3A_135#14 : vector<16xf32> to vector<1x16xf32>
      tpu.vector_store %arg11[%swap3A_209, %swap3A_210], %swap3A_213 {strides = array<i32>} : memref<128x384xf32, #tpu.memory_space<vmem>>, vector<1x16xf32>,
      %swap3A_214 = arith.index_cast %mul3A_33 : i32 to index
      %swap3A_215 = arith.constant 240 : index
      %swap3A_216 = tpu.vector_load %arg11[%swap3A_214, %swap3A_215] {strides = array<i32>} : memref<128x384xf32, #tpu.memory_space<vmem>>, vector<1x16xf32>,
      %swap3A_217 = vector.shape_cast %swap3A_216 : vector<1x16xf32> to vector<16xf32>
      %swap3A_218 = vector.shape_cast %scan3A_135#15 : vector<16xf32> to vector<1x16xf32>
      tpu.vector_store %arg11[%swap3A_214, %swap3A_215], %swap3A_218 {strides = array<i32>} : memref<128x384xf32, #tpu.memory_space<vmem>>, vector<1x16xf32>,
      %swap3A_219 = arith.index_cast %mul3A_33 : i32 to index
      %swap3A_220 = arith.constant 256 : index
      %swap3A_221 = tpu.vector_load %arg11[%swap3A_219, %swap3A_220] {strides = array<i32>} : memref<128x384xf32, #tpu.memory_space<vmem>>, vector<1x16xf32>,
      %swap3A_222 = vector.shape_cast %swap3A_221 : vector<1x16xf32> to vector<16xf32>
      %swap3A_223 = vector.shape_cast %scan3A_135#16 : vector<16xf32> to vector<1x16xf32>
      tpu.vector_store %arg11[%swap3A_219, %swap3A_220], %swap3A_223 {strides = array<i32>} : memref<128x384xf32, #tpu.memory_space<vmem>>, vector<1x16xf32>,
      %swap3A_224 = arith.index_cast %mul3A_33 : i32 to index
      %swap3A_225 = arith.constant 272 : index
      %swap3A_226 = tpu.vector_load %arg11[%swap3A_224, %swap3A_225] {strides = array<i32>} : memref<128x384xf32, #tpu.memory_space<vmem>>, vector<1x16xf32>,
      %swap3A_227 = vector.shape_cast %swap3A_226 : vector<1x16xf32> to vector<16xf32>
      %swap3A_228 = vector.shape_cast %scan3A_135#17 : vector<16xf32> to vector<1x16xf32>
      tpu.vector_store %arg11[%swap3A_224, %swap3A_225], %swap3A_228 {strides = array<i32>} : memref<128x384xf32, #tpu.memory_space<vmem>>, vector<1x16xf32>,
      %swap3A_229 = arith.index_cast %mul3A_33 : i32 to index
      %swap3A_230 = arith.constant 288 : index
      %swap3A_231 = tpu.vector_load %arg11[%swap3A_229, %swap3A_230] {strides = array<i32>} : memref<128x384xf32, #tpu.memory_space<vmem>>, vector<1x16xf32>,
      %swap3A_232 = vector.shape_cast %swap3A_231 : vector<1x16xf32> to vector<16xf32>
      %swap3A_233 = vector.shape_cast %scan3A_135#18 : vector<16xf32> to vector<1x16xf32>
      tpu.vector_store %arg11[%swap3A_229, %swap3A_230], %swap3A_233 {strides = array<i32>} : memref<128x384xf32, #tpu.memory_space<vmem>>, vector<1x16xf32>,
      %swap3A_234 = arith.index_cast %mul3A_33 : i32 to index
      %swap3A_235 = arith.constant 304 : index
      %swap3A_236 = tpu.vector_load %arg11[%swap3A_234, %swap3A_235] {strides = array<i32>} : memref<128x384xf32, #tpu.memory_space<vmem>>, vector<1x16xf32>,
      %swap3A_237 = vector.shape_cast %swap3A_236 : vector<1x16xf32> to vector<16xf32>
      %swap3A_238 = vector.shape_cast %scan3A_135#19 : vector<16xf32> to vector<1x16xf32>
      tpu.vector_store %arg11[%swap3A_234, %swap3A_235], %swap3A_238 {strides = array<i32>} : memref<128x384xf32, #tpu.memory_space<vmem>>, vector<1x16xf32>,
      %swap3A_239 = arith.index_cast %mul3A_33 : i32 to index
      %swap3A_240 = arith.constant 320 : index
      %swap3A_241 = tpu.vector_load %arg11[%swap3A_239, %swap3A_240] {strides = array<i32>} : memref<128x384xf32, #tpu.memory_space<vmem>>, vector<1x16xf32>,
      %swap3A_242 = vector.shape_cast %swap3A_241 : vector<1x16xf32> to vector<16xf32>
      %swap3A_243 = vector.shape_cast %scan3A_135#20 : vector<16xf32> to vector<1x16xf32>
      tpu.vector_store %arg11[%swap3A_239, %swap3A_240], %swap3A_243 {strides = array<i32>} : memref<128x384xf32, #tpu.memory_space<vmem>>, vector<1x16xf32>,
      %swap3A_244 = arith.index_cast %mul3A_33 : i32 to index
      %swap3A_245 = arith.constant 336 : index
      %swap3A_246 = tpu.vector_load %arg11[%swap3A_244, %swap3A_245] {strides = array<i32>} : memref<128x384xf32, #tpu.memory_space<vmem>>, vector<1x16xf32>,
      %swap3A_247 = vector.shape_cast %swap3A_246 : vector<1x16xf32> to vector<16xf32>
      %swap3A_248 = vector.shape_cast %scan3A_135#21 : vector<16xf32> to vector<1x16xf32>
      tpu.vector_store %arg11[%swap3A_244, %swap3A_245], %swap3A_248 {strides = array<i32>} : memref<128x384xf32, #tpu.memory_space<vmem>>, vector<1x16xf32>,
      %swap3A_249 = arith.index_cast %mul3A_33 : i32 to index
      %swap3A_250 = arith.constant 352 : index
      %swap3A_251 = tpu.vector_load %arg11[%swap3A_249, %swap3A_250] {strides = array<i32>} : memref<128x384xf32, #tpu.memory_space<vmem>>, vector<1x16xf32>,
      %swap3A_252 = vector.shape_cast %swap3A_251 : vector<1x16xf32> to vector<16xf32>
      %swap3A_253 = vector.shape_cast %scan3A_135#22 : vector<16xf32> to vector<1x16xf32>
      tpu.vector_store %arg11[%swap3A_249, %swap3A_250], %swap3A_253 {strides = array<i32>} : memref<128x384xf32, #tpu.memory_space<vmem>>, vector<1x16xf32>,
      %swap3A_254 = arith.index_cast %mul3A_33 : i32 to index
      %swap3A_255 = arith.constant 368 : index
      %swap3A_256 = tpu.vector_load %arg11[%swap3A_254, %swap3A_255] {strides = array<i32>} : memref<128x384xf32, #tpu.memory_space<vmem>>, vector<1x16xf32>,
      %swap3A_257 = vector.shape_cast %swap3A_256 : vector<1x16xf32> to vector<16xf32>
      %swap3A_258 = vector.shape_cast %scan3A_135#23 : vector<16xf32> to vector<1x16xf32>
      tpu.vector_store %arg11[%swap3A_254, %swap3A_255], %swap3A_258 {strides = array<i32>} : memref<128x384xf32, #tpu.memory_space<vmem>>, vector<1x16xf32>,
      %add3A_259 = arith.constant 1 : i32
      %add3A_260 = arith.addi %mul3A_33, %add3A_259 : i32
      %add3A_261 = arith.constant 2 : i32
      %add3A_262 = arith.addi %mul3A_33, %add3A_261 : i32
      %lt3A_263 = arith.constant 128 : i32
      %lt3A_264 = arith.cmpi slt, %add3A_262, %lt3A_263 : i32
      %convert_element_type3A_265 = arith.extui %lt3A_264 : i1 to i32
      %cond3A_266 = arith.constant 0 : i32
      %cond3A_267 = arith.cmpi ne, %convert_element_type3A_265, %cond3A_266 : i32
      scf.if %cond3A_267 {
        %add3A_492 = arith.constant 1 : i32
        %add3A_493 = arith.addi %add3A_260, %add3A_492 : i32
        %add3A_494 = arith.addi %mul3A_2, %add3A_493 : i32
        %mul3A_495 = arith.constant 200 : i32
        %mul3A_496 = arith.muli %add3A_494, %mul3A_495 : i32
        "tpu.region"() ({
          %run_scoped3A = tpu.sem_alloc : memref<!tpu.dma_semaphore, #tpu.memory_space<semaphore_mem>>
          %dma_start3A_497 = tpu.memref_slice %arg2[%mul3A_496] : memref<819200xi32, #tpu.memory_space<hbm>> -> memref<200xi32, #tpu.memory_space<hbm>>
          %dma_start3A_498 = tpu.memref_slice %arg2[%mul3A_496] : memref<819200xi32, #tpu.memory_space<hbm>> -> memref<200xi32, #tpu.memory_space<hbm>>
          tpu.enqueue_dma source(%dma_start3A_498 : memref<200xi32, #tpu.memory_space<hbm>>) target(%arg5 : memref<200xi32, #tpu.memory_space<vmem>>) target_semaphore(%run_scoped3A : memref<!tpu.dma_semaphore, #tpu.memory_space<semaphore_mem>>)
          %dma_wait3A_499 = tpu.memref_slice %arg2[%mul3A_496] : memref<819200xi32, #tpu.memory_space<hbm>> -> memref<200xi32, #tpu.memory_space<hbm>>
          %dma_wait3A_500 = tpu.memref_slice %arg2[%mul3A_496] : memref<819200xi32, #tpu.memory_space<hbm>> -> memref<200xi32, #tpu.memory_space<hbm>>
          tpu.wait_dma2 semaphore(%run_scoped3A : memref<!tpu.dma_semaphore, #tpu.memory_space<semaphore_mem>>) src(%dma_wait3A_500 : memref<200xi32, #tpu.memory_space<hbm>>) dst(%arg5 : memref<200xi32, #tpu.memory_space<vmem>>)
          tpu.yield
        }) : () -> ()
      } else {
      }
      %broadcast_in_dim3A_268 = arith.constant 0.000000e+00 : f32
      %broadcast_in_dim3A_269 = vector.broadcast %broadcast_in_dim3A_268 : f32 to vector<16xf32>
      %broadcast_in_dim3A_270 = arith.constant 0.000000e+00 : f32
      %broadcast_in_dim3A_271 = vector.broadcast %broadcast_in_dim3A_270 : f32 to vector<16xf32>
      %broadcast_in_dim3A_272 = arith.constant 0.000000e+00 : f32
      %broadcast_in_dim3A_273 = vector.broadcast %broadcast_in_dim3A_272 : f32 to vector<16xf32>
      %broadcast_in_dim3A_274 = arith.constant 0.000000e+00 : f32
      %broadcast_in_dim3A_275 = vector.broadcast %broadcast_in_dim3A_274 : f32 to vector<16xf32>
      %broadcast_in_dim3A_276 = arith.constant 0.000000e+00 : f32
      %broadcast_in_dim3A_277 = vector.broadcast %broadcast_in_dim3A_276 : f32 to vector<16xf32>
      %broadcast_in_dim3A_278 = arith.constant 0.000000e+00 : f32
      %broadcast_in_dim3A_279 = vector.broadcast %broadcast_in_dim3A_278 : f32 to vector<16xf32>
      %broadcast_in_dim3A_280 = arith.constant 0.000000e+00 : f32
      %broadcast_in_dim3A_281 = vector.broadcast %broadcast_in_dim3A_280 : f32 to vector<16xf32>
      %broadcast_in_dim3A_282 = arith.constant 0.000000e+00 : f32
      %broadcast_in_dim3A_283 = vector.broadcast %broadcast_in_dim3A_282 : f32 to vector<16xf32>
      %broadcast_in_dim3A_284 = arith.constant 0.000000e+00 : f32
      %broadcast_in_dim3A_285 = vector.broadcast %broadcast_in_dim3A_284 : f32 to vector<16xf32>
      %broadcast_in_dim3A_286 = arith.constant 0.000000e+00 : f32
      %broadcast_in_dim3A_287 = vector.broadcast %broadcast_in_dim3A_286 : f32 to vector<16xf32>
      %broadcast_in_dim3A_288 = arith.constant 0.000000e+00 : f32
      %broadcast_in_dim3A_289 = vector.broadcast %broadcast_in_dim3A_288 : f32 to vector<16xf32>
      %broadcast_in_dim3A_290 = arith.constant 0.000000e+00 : f32
      %broadcast_in_dim3A_291 = vector.broadcast %broadcast_in_dim3A_290 : f32 to vector<16xf32>
      %broadcast_in_dim3A_292 = arith.constant 0.000000e+00 : f32
      %broadcast_in_dim3A_293 = vector.broadcast %broadcast_in_dim3A_292 : f32 to vector<16xf32>
      %broadcast_in_dim3A_294 = arith.constant 0.000000e+00 : f32
      %broadcast_in_dim3A_295 = vector.broadcast %broadcast_in_dim3A_294 : f32 to vector<16xf32>
      %broadcast_in_dim3A_296 = arith.constant 0.000000e+00 : f32
      %broadcast_in_dim3A_297 = vector.broadcast %broadcast_in_dim3A_296 : f32 to vector<16xf32>
      %broadcast_in_dim3A_298 = arith.constant 0.000000e+00 : f32
      %broadcast_in_dim3A_299 = vector.broadcast %broadcast_in_dim3A_298 : f32 to vector<16xf32>
      %broadcast_in_dim3A_300 = arith.constant 0.000000e+00 : f32
      %broadcast_in_dim3A_301 = vector.broadcast %broadcast_in_dim3A_300 : f32 to vector<16xf32>
      %broadcast_in_dim3A_302 = arith.constant 0.000000e+00 : f32
      %broadcast_in_dim3A_303 = vector.broadcast %broadcast_in_dim3A_302 : f32 to vector<16xf32>
      %broadcast_in_dim3A_304 = arith.constant 0.000000e+00 : f32
      %broadcast_in_dim3A_305 = vector.broadcast %broadcast_in_dim3A_304 : f32 to vector<16xf32>
      %broadcast_in_dim3A_306 = arith.constant 0.000000e+00 : f32
      %broadcast_in_dim3A_307 = vector.broadcast %broadcast_in_dim3A_306 : f32 to vector<16xf32>
      %broadcast_in_dim3A_308 = arith.constant 0.000000e+00 : f32
      %broadcast_in_dim3A_309 = vector.broadcast %broadcast_in_dim3A_308 : f32 to vector<16xf32>
      %broadcast_in_dim3A_310 = arith.constant 0.000000e+00 : f32
      %broadcast_in_dim3A_311 = vector.broadcast %broadcast_in_dim3A_310 : f32 to vector<16xf32>
      %broadcast_in_dim3A_312 = arith.constant 0.000000e+00 : f32
      %broadcast_in_dim3A_313 = vector.broadcast %broadcast_in_dim3A_312 : f32 to vector<16xf32>
      %broadcast_in_dim3A_314 = arith.constant 0.000000e+00 : f32
      %broadcast_in_dim3A_315 = vector.broadcast %broadcast_in_dim3A_314 : f32 to vector<16xf32>
      %dma_wait3A_316 = arith.constant 0 : i32
      %dma_wait3A_317 = tpu.memref_slice %arg5[%dma_wait3A_316] : memref<200xi32, #tpu.memory_space<vmem>> -> memref<56xi32, #tpu.memory_space<vmem>>
      %dma_wait3A_318 = arith.constant 0 : i32
      %dma_wait3A_319 = arith.constant 0 : i32
      %dma_wait3A_320 = tpu.memref_slice %arg3[%dma_wait3A_318, %dma_wait3A_319] : memref<100000x384xf32, #tpu.memory_space<hbm>> -> memref<100000x384xf32, #tpu.memory_space<hbm>>
      tpu.wait_indirect_dma semaphore(%arg12 : memref<!tpu.dma_semaphore, #tpu.memory_space<semaphore_mem>>) src(%dma_wait3A_320 : memref<100000x384xf32, #tpu.memory_space<hbm>>) dst(%arg7 : memref<56x384xf32, #tpu.memory_space<vmem>>)
      %scan3A_321 = arith.constant 0 : i32
      %scan3A_322 = arith.constant 28 : i32
      %scan3A_323 = arith.addi %scan3A_321, %scan3A_322 : i32
      %scan3A_324 = arith.constant 1 : i32
      %scan3A_325:24 = scf.for %scan3A_492 = %scan3A_321 to %scan3A_323 step %scan3A_324 iter_args(%scan3A_493 = %broadcast_in_dim3A_269, %scan3A_494 = %broadcast_in_dim3A_271, %scan3A_495 = %broadcast_in_dim3A_273, %scan3A_496 = %broadcast_in_dim3A_275, %scan3A_497 = %broadcast_in_dim3A_277, %scan3A_498 = %broadcast_in_dim3A_279, %scan3A_499 = %broadcast_in_dim3A_281, %scan3A_500 = %broadcast_in_dim3A_283, %scan3A_501 = %broadcast_in_dim3A_285, %scan3A_502 = %broadcast_in_dim3A_287, %scan3A_503 = %broadcast_in_dim3A_289, %scan3A_504 = %broadcast_in_dim3A_291, %scan3A_505 = %broadcast_in_dim3A_293, %scan3A_506 = %broadcast_in_dim3A_295, %scan3A_507 = %broadcast_in_dim3A_297, %scan3A_508 = %broadcast_in_dim3A_299, %scan3A_509 = %broadcast_in_dim3A_301, %scan3A_510 = %broadcast_in_dim3A_303, %scan3A_511 = %broadcast_in_dim3A_305, %scan3A_512 = %broadcast_in_dim3A_307, %scan3A_513 = %broadcast_in_dim3A_309, %scan3A_514 = %broadcast_in_dim3A_311, %scan3A_515 = %broadcast_in_dim3A_313, %scan3A_516 = %broadcast_in_dim3A_315) -> (vector<16xf32>, vector<16xf32>, vector<16xf32>, vector<16xf32>, vector<16xf32>, vector<16xf32>, vector<16xf32>, vector<16xf32>, vector<16xf32>, vector<16xf32>, vector<16xf32>, vector<16xf32>, vector<16xf32>, vector<16xf32>, vector<16xf32>, vector<16xf32>, vector<16xf32>, vector<16xf32>, vector<16xf32>, vector<16xf32>, vector<16xf32>, vector<16xf32>, vector<16xf32>, vector<16xf32>)  : i32 {
        %mul3A_517 = arith.constant 2 : i32
        %mul3A_518 = arith.muli %mul3A_517, %scan3A_492 : i32
        %get3A = arith.index_cast %mul3A_518 : i32 to index
        %get3A_519 = arith.constant 0 : index
        %get3A_520 = tpu.vector_load %arg7[%get3A, %get3A_519] {strides = array<i32>} : memref<56x384xf32, #tpu.memory_space<vmem>>, vector<1x16xf32>,
        %get3A_521 = vector.shape_cast %get3A_520 : vector<1x16xf32> to vector<16xf32>
        %add3A_522 = arith.constant 1 : i32
        %add3A_523 = arith.addi %mul3A_518, %add3A_522 : i32
        %get3A_524 = arith.index_cast %add3A_523 : i32 to index
        %get3A_525 = arith.constant 0 : index
        %get3A_526 = tpu.vector_load %arg7[%get3A_524, %get3A_525] {strides = array<i32>} : memref<56x384xf32, #tpu.memory_space<vmem>>, vector<1x16xf32>,
        %get3A_527 = vector.shape_cast %get3A_526 : vector<1x16xf32> to vector<16xf32>
        %add3A_528 = arith.addf %get3A_521, %get3A_527 : vector<16xf32>
        %add3A_529 = arith.addf %scan3A_493, %add3A_528 : vector<16xf32>
        %get3A_530 = arith.index_cast %mul3A_518 : i32 to index
        %get3A_531 = arith.constant 16 : index
        %get3A_532 = tpu.vector_load %arg7[%get3A_530, %get3A_531] {strides = array<i32>} : memref<56x384xf32, #tpu.memory_space<vmem>>, vector<1x16xf32>,
        %get3A_533 = vector.shape_cast %get3A_532 : vector<1x16xf32> to vector<16xf32>
        %add3A_534 = arith.constant 1 : i32
        %add3A_535 = arith.addi %mul3A_518, %add3A_534 : i32
        %get3A_536 = arith.index_cast %add3A_535 : i32 to index
        %get3A_537 = arith.constant 16 : index
        %get3A_538 = tpu.vector_load %arg7[%get3A_536, %get3A_537] {strides = array<i32>} : memref<56x384xf32, #tpu.memory_space<vmem>>, vector<1x16xf32>,
        %get3A_539 = vector.shape_cast %get3A_538 : vector<1x16xf32> to vector<16xf32>
        %add3A_540 = arith.addf %get3A_533, %get3A_539 : vector<16xf32>
        %add3A_541 = arith.addf %scan3A_494, %add3A_540 : vector<16xf32>
        %get3A_542 = arith.index_cast %mul3A_518 : i32 to index
        %get3A_543 = arith.constant 32 : index
        %get3A_544 = tpu.vector_load %arg7[%get3A_542, %get3A_543] {strides = array<i32>} : memref<56x384xf32, #tpu.memory_space<vmem>>, vector<1x16xf32>,
        %get3A_545 = vector.shape_cast %get3A_544 : vector<1x16xf32> to vector<16xf32>
        %add3A_546 = arith.constant 1 : i32
        %add3A_547 = arith.addi %mul3A_518, %add3A_546 : i32
        %get3A_548 = arith.index_cast %add3A_547 : i32 to index
        %get3A_549 = arith.constant 32 : index
        %get3A_550 = tpu.vector_load %arg7[%get3A_548, %get3A_549] {strides = array<i32>} : memref<56x384xf32, #tpu.memory_space<vmem>>, vector<1x16xf32>,
        %get3A_551 = vector.shape_cast %get3A_550 : vector<1x16xf32> to vector<16xf32>
        %add3A_552 = arith.addf %get3A_545, %get3A_551 : vector<16xf32>
        %add3A_553 = arith.addf %scan3A_495, %add3A_552 : vector<16xf32>
        %get3A_554 = arith.index_cast %mul3A_518 : i32 to index
        %get3A_555 = arith.constant 48 : index
        %get3A_556 = tpu.vector_load %arg7[%get3A_554, %get3A_555] {strides = array<i32>} : memref<56x384xf32, #tpu.memory_space<vmem>>, vector<1x16xf32>,
        %get3A_557 = vector.shape_cast %get3A_556 : vector<1x16xf32> to vector<16xf32>
        %add3A_558 = arith.constant 1 : i32
        %add3A_559 = arith.addi %mul3A_518, %add3A_558 : i32
        %get3A_560 = arith.index_cast %add3A_559 : i32 to index
        %get3A_561 = arith.constant 48 : index
        %get3A_562 = tpu.vector_load %arg7[%get3A_560, %get3A_561] {strides = array<i32>} : memref<56x384xf32, #tpu.memory_space<vmem>>, vector<1x16xf32>,
        %get3A_563 = vector.shape_cast %get3A_562 : vector<1x16xf32> to vector<16xf32>
        %add3A_564 = arith.addf %get3A_557, %get3A_563 : vector<16xf32>
        %add3A_565 = arith.addf %scan3A_496, %add3A_564 : vector<16xf32>
        %get3A_566 = arith.index_cast %mul3A_518 : i32 to index
        %get3A_567 = arith.constant 64 : index
        %get3A_568 = tpu.vector_load %arg7[%get3A_566, %get3A_567] {strides = array<i32>} : memref<56x384xf32, #tpu.memory_space<vmem>>, vector<1x16xf32>,
        %get3A_569 = vector.shape_cast %get3A_568 : vector<1x16xf32> to vector<16xf32>
        %add3A_570 = arith.constant 1 : i32
        %add3A_571 = arith.addi %mul3A_518, %add3A_570 : i32
        %get3A_572 = arith.index_cast %add3A_571 : i32 to index
        %get3A_573 = arith.constant 64 : index
        %get3A_574 = tpu.vector_load %arg7[%get3A_572, %get3A_573] {strides = array<i32>} : memref<56x384xf32, #tpu.memory_space<vmem>>, vector<1x16xf32>,
        %get3A_575 = vector.shape_cast %get3A_574 : vector<1x16xf32> to vector<16xf32>
        %add3A_576 = arith.addf %get3A_569, %get3A_575 : vector<16xf32>
        %add3A_577 = arith.addf %scan3A_497, %add3A_576 : vector<16xf32>
        %get3A_578 = arith.index_cast %mul3A_518 : i32 to index
        %get3A_579 = arith.constant 80 : index
        %get3A_580 = tpu.vector_load %arg7[%get3A_578, %get3A_579] {strides = array<i32>} : memref<56x384xf32, #tpu.memory_space<vmem>>, vector<1x16xf32>,
        %get3A_581 = vector.shape_cast %get3A_580 : vector<1x16xf32> to vector<16xf32>
        %add3A_582 = arith.constant 1 : i32
        %add3A_583 = arith.addi %mul3A_518, %add3A_582 : i32
        %get3A_584 = arith.index_cast %add3A_583 : i32 to index
        %get3A_585 = arith.constant 80 : index
        %get3A_586 = tpu.vector_load %arg7[%get3A_584, %get3A_585] {strides = array<i32>} : memref<56x384xf32, #tpu.memory_space<vmem>>, vector<1x16xf32>,
        %get3A_587 = vector.shape_cast %get3A_586 : vector<1x16xf32> to vector<16xf32>
        %add3A_588 = arith.addf %get3A_581, %get3A_587 : vector<16xf32>
        %add3A_589 = arith.addf %scan3A_498, %add3A_588 : vector<16xf32>
        %get3A_590 = arith.index_cast %mul3A_518 : i32 to index
        %get3A_591 = arith.constant 96 : index
        %get3A_592 = tpu.vector_load %arg7[%get3A_590, %get3A_591] {strides = array<i32>} : memref<56x384xf32, #tpu.memory_space<vmem>>, vector<1x16xf32>,
        %get3A_593 = vector.shape_cast %get3A_592 : vector<1x16xf32> to vector<16xf32>
        %add3A_594 = arith.constant 1 : i32
        %add3A_595 = arith.addi %mul3A_518, %add3A_594 : i32
        %get3A_596 = arith.index_cast %add3A_595 : i32 to index
        %get3A_597 = arith.constant 96 : index
        %get3A_598 = tpu.vector_load %arg7[%get3A_596, %get3A_597] {strides = array<i32>} : memref<56x384xf32, #tpu.memory_space<vmem>>, vector<1x16xf32>,
        %get3A_599 = vector.shape_cast %get3A_598 : vector<1x16xf32> to vector<16xf32>
        %add3A_600 = arith.addf %get3A_593, %get3A_599 : vector<16xf32>
        %add3A_601 = arith.addf %scan3A_499, %add3A_600 : vector<16xf32>
        %get3A_602 = arith.index_cast %mul3A_518 : i32 to index
        %get3A_603 = arith.constant 112 : index
        %get3A_604 = tpu.vector_load %arg7[%get3A_602, %get3A_603] {strides = array<i32>} : memref<56x384xf32, #tpu.memory_space<vmem>>, vector<1x16xf32>,
        %get3A_605 = vector.shape_cast %get3A_604 : vector<1x16xf32> to vector<16xf32>
        %add3A_606 = arith.constant 1 : i32
        %add3A_607 = arith.addi %mul3A_518, %add3A_606 : i32
        %get3A_608 = arith.index_cast %add3A_607 : i32 to index
        %get3A_609 = arith.constant 112 : index
        %get3A_610 = tpu.vector_load %arg7[%get3A_608, %get3A_609] {strides = array<i32>} : memref<56x384xf32, #tpu.memory_space<vmem>>, vector<1x16xf32>,
        %get3A_611 = vector.shape_cast %get3A_610 : vector<1x16xf32> to vector<16xf32>
        %add3A_612 = arith.addf %get3A_605, %get3A_611 : vector<16xf32>
        %add3A_613 = arith.addf %scan3A_500, %add3A_612 : vector<16xf32>
        %get3A_614 = arith.index_cast %mul3A_518 : i32 to index
        %get3A_615 = arith.constant 128 : index
        %get3A_616 = tpu.vector_load %arg7[%get3A_614, %get3A_615] {strides = array<i32>} : memref<56x384xf32, #tpu.memory_space<vmem>>, vector<1x16xf32>,
        %get3A_617 = vector.shape_cast %get3A_616 : vector<1x16xf32> to vector<16xf32>
        %add3A_618 = arith.constant 1 : i32
        %add3A_619 = arith.addi %mul3A_518, %add3A_618 : i32
        %get3A_620 = arith.index_cast %add3A_619 : i32 to index
        %get3A_621 = arith.constant 128 : index
        %get3A_622 = tpu.vector_load %arg7[%get3A_620, %get3A_621] {strides = array<i32>} : memref<56x384xf32, #tpu.memory_space<vmem>>, vector<1x16xf32>,
        %get3A_623 = vector.shape_cast %get3A_622 : vector<1x16xf32> to vector<16xf32>
        %add3A_624 = arith.addf %get3A_617, %get3A_623 : vector<16xf32>
        %add3A_625 = arith.addf %scan3A_501, %add3A_624 : vector<16xf32>
        %get3A_626 = arith.index_cast %mul3A_518 : i32 to index
        %get3A_627 = arith.constant 144 : index
        %get3A_628 = tpu.vector_load %arg7[%get3A_626, %get3A_627] {strides = array<i32>} : memref<56x384xf32, #tpu.memory_space<vmem>>, vector<1x16xf32>,
        %get3A_629 = vector.shape_cast %get3A_628 : vector<1x16xf32> to vector<16xf32>
        %add3A_630 = arith.constant 1 : i32
        %add3A_631 = arith.addi %mul3A_518, %add3A_630 : i32
        %get3A_632 = arith.index_cast %add3A_631 : i32 to index
        %get3A_633 = arith.constant 144 : index
        %get3A_634 = tpu.vector_load %arg7[%get3A_632, %get3A_633] {strides = array<i32>} : memref<56x384xf32, #tpu.memory_space<vmem>>, vector<1x16xf32>,
        %get3A_635 = vector.shape_cast %get3A_634 : vector<1x16xf32> to vector<16xf32>
        %add3A_636 = arith.addf %get3A_629, %get3A_635 : vector<16xf32>
        %add3A_637 = arith.addf %scan3A_502, %add3A_636 : vector<16xf32>
        %get3A_638 = arith.index_cast %mul3A_518 : i32 to index
        %get3A_639 = arith.constant 160 : index
        %get3A_640 = tpu.vector_load %arg7[%get3A_638, %get3A_639] {strides = array<i32>} : memref<56x384xf32, #tpu.memory_space<vmem>>, vector<1x16xf32>,
        %get3A_641 = vector.shape_cast %get3A_640 : vector<1x16xf32> to vector<16xf32>
        %add3A_642 = arith.constant 1 : i32
        %add3A_643 = arith.addi %mul3A_518, %add3A_642 : i32
        %get3A_644 = arith.index_cast %add3A_643 : i32 to index
        %get3A_645 = arith.constant 160 : index
        %get3A_646 = tpu.vector_load %arg7[%get3A_644, %get3A_645] {strides = array<i32>} : memref<56x384xf32, #tpu.memory_space<vmem>>, vector<1x16xf32>,
        %get3A_647 = vector.shape_cast %get3A_646 : vector<1x16xf32> to vector<16xf32>
        %add3A_648 = arith.addf %get3A_641, %get3A_647 : vector<16xf32>
        %add3A_649 = arith.addf %scan3A_503, %add3A_648 : vector<16xf32>
        %get3A_650 = arith.index_cast %mul3A_518 : i32 to index
        %get3A_651 = arith.constant 176 : index
        %get3A_652 = tpu.vector_load %arg7[%get3A_650, %get3A_651] {strides = array<i32>} : memref<56x384xf32, #tpu.memory_space<vmem>>, vector<1x16xf32>,
        %get3A_653 = vector.shape_cast %get3A_652 : vector<1x16xf32> to vector<16xf32>
        %add3A_654 = arith.constant 1 : i32
        %add3A_655 = arith.addi %mul3A_518, %add3A_654 : i32
        %get3A_656 = arith.index_cast %add3A_655 : i32 to index
        %get3A_657 = arith.constant 176 : index
        %get3A_658 = tpu.vector_load %arg7[%get3A_656, %get3A_657] {strides = array<i32>} : memref<56x384xf32, #tpu.memory_space<vmem>>, vector<1x16xf32>,
        %get3A_659 = vector.shape_cast %get3A_658 : vector<1x16xf32> to vector<16xf32>
        %add3A_660 = arith.addf %get3A_653, %get3A_659 : vector<16xf32>
        %add3A_661 = arith.addf %scan3A_504, %add3A_660 : vector<16xf32>
        %get3A_662 = arith.index_cast %mul3A_518 : i32 to index
        %get3A_663 = arith.constant 192 : index
        %get3A_664 = tpu.vector_load %arg7[%get3A_662, %get3A_663] {strides = array<i32>} : memref<56x384xf32, #tpu.memory_space<vmem>>, vector<1x16xf32>,
        %get3A_665 = vector.shape_cast %get3A_664 : vector<1x16xf32> to vector<16xf32>
        %add3A_666 = arith.constant 1 : i32
        %add3A_667 = arith.addi %mul3A_518, %add3A_666 : i32
        %get3A_668 = arith.index_cast %add3A_667 : i32 to index
        %get3A_669 = arith.constant 192 : index
        %get3A_670 = tpu.vector_load %arg7[%get3A_668, %get3A_669] {strides = array<i32>} : memref<56x384xf32, #tpu.memory_space<vmem>>, vector<1x16xf32>,
        %get3A_671 = vector.shape_cast %get3A_670 : vector<1x16xf32> to vector<16xf32>
        %add3A_672 = arith.addf %get3A_665, %get3A_671 : vector<16xf32>
        %add3A_673 = arith.addf %scan3A_505, %add3A_672 : vector<16xf32>
        %get3A_674 = arith.index_cast %mul3A_518 : i32 to index
        %get3A_675 = arith.constant 208 : index
        %get3A_676 = tpu.vector_load %arg7[%get3A_674, %get3A_675] {strides = array<i32>} : memref<56x384xf32, #tpu.memory_space<vmem>>, vector<1x16xf32>,
        %get3A_677 = vector.shape_cast %get3A_676 : vector<1x16xf32> to vector<16xf32>
        %add3A_678 = arith.constant 1 : i32
        %add3A_679 = arith.addi %mul3A_518, %add3A_678 : i32
        %get3A_680 = arith.index_cast %add3A_679 : i32 to index
        %get3A_681 = arith.constant 208 : index
        %get3A_682 = tpu.vector_load %arg7[%get3A_680, %get3A_681] {strides = array<i32>} : memref<56x384xf32, #tpu.memory_space<vmem>>, vector<1x16xf32>,
        %get3A_683 = vector.shape_cast %get3A_682 : vector<1x16xf32> to vector<16xf32>
        %add3A_684 = arith.addf %get3A_677, %get3A_683 : vector<16xf32>
        %add3A_685 = arith.addf %scan3A_506, %add3A_684 : vector<16xf32>
        %get3A_686 = arith.index_cast %mul3A_518 : i32 to index
        %get3A_687 = arith.constant 224 : index
        %get3A_688 = tpu.vector_load %arg7[%get3A_686, %get3A_687] {strides = array<i32>} : memref<56x384xf32, #tpu.memory_space<vmem>>, vector<1x16xf32>,
        %get3A_689 = vector.shape_cast %get3A_688 : vector<1x16xf32> to vector<16xf32>
        %add3A_690 = arith.constant 1 : i32
        %add3A_691 = arith.addi %mul3A_518, %add3A_690 : i32
        %get3A_692 = arith.index_cast %add3A_691 : i32 to index
        %get3A_693 = arith.constant 224 : index
        %get3A_694 = tpu.vector_load %arg7[%get3A_692, %get3A_693] {strides = array<i32>} : memref<56x384xf32, #tpu.memory_space<vmem>>, vector<1x16xf32>,
        %get3A_695 = vector.shape_cast %get3A_694 : vector<1x16xf32> to vector<16xf32>
        %add3A_696 = arith.addf %get3A_689, %get3A_695 : vector<16xf32>
        %add3A_697 = arith.addf %scan3A_507, %add3A_696 : vector<16xf32>
        %get3A_698 = arith.index_cast %mul3A_518 : i32 to index
        %get3A_699 = arith.constant 240 : index
        %get3A_700 = tpu.vector_load %arg7[%get3A_698, %get3A_699] {strides = array<i32>} : memref<56x384xf32, #tpu.memory_space<vmem>>, vector<1x16xf32>,
        %get3A_701 = vector.shape_cast %get3A_700 : vector<1x16xf32> to vector<16xf32>
        %add3A_702 = arith.constant 1 : i32
        %add3A_703 = arith.addi %mul3A_518, %add3A_702 : i32
        %get3A_704 = arith.index_cast %add3A_703 : i32 to index
        %get3A_705 = arith.constant 240 : index
        %get3A_706 = tpu.vector_load %arg7[%get3A_704, %get3A_705] {strides = array<i32>} : memref<56x384xf32, #tpu.memory_space<vmem>>, vector<1x16xf32>,
        %get3A_707 = vector.shape_cast %get3A_706 : vector<1x16xf32> to vector<16xf32>
        %add3A_708 = arith.addf %get3A_701, %get3A_707 : vector<16xf32>
        %add3A_709 = arith.addf %scan3A_508, %add3A_708 : vector<16xf32>
        %get3A_710 = arith.index_cast %mul3A_518 : i32 to index
        %get3A_711 = arith.constant 256 : index
        %get3A_712 = tpu.vector_load %arg7[%get3A_710, %get3A_711] {strides = array<i32>} : memref<56x384xf32, #tpu.memory_space<vmem>>, vector<1x16xf32>,
        %get3A_713 = vector.shape_cast %get3A_712 : vector<1x16xf32> to vector<16xf32>
        %add3A_714 = arith.constant 1 : i32
        %add3A_715 = arith.addi %mul3A_518, %add3A_714 : i32
        %get3A_716 = arith.index_cast %add3A_715 : i32 to index
        %get3A_717 = arith.constant 256 : index
        %get3A_718 = tpu.vector_load %arg7[%get3A_716, %get3A_717] {strides = array<i32>} : memref<56x384xf32, #tpu.memory_space<vmem>>, vector<1x16xf32>,
        %get3A_719 = vector.shape_cast %get3A_718 : vector<1x16xf32> to vector<16xf32>
        %add3A_720 = arith.addf %get3A_713, %get3A_719 : vector<16xf32>
        %add3A_721 = arith.addf %scan3A_509, %add3A_720 : vector<16xf32>
        %get3A_722 = arith.index_cast %mul3A_518 : i32 to index
        %get3A_723 = arith.constant 272 : index
        %get3A_724 = tpu.vector_load %arg7[%get3A_722, %get3A_723] {strides = array<i32>} : memref<56x384xf32, #tpu.memory_space<vmem>>, vector<1x16xf32>,
        %get3A_725 = vector.shape_cast %get3A_724 : vector<1x16xf32> to vector<16xf32>
        %add3A_726 = arith.constant 1 : i32
        %add3A_727 = arith.addi %mul3A_518, %add3A_726 : i32
        %get3A_728 = arith.index_cast %add3A_727 : i32 to index
        %get3A_729 = arith.constant 272 : index
        %get3A_730 = tpu.vector_load %arg7[%get3A_728, %get3A_729] {strides = array<i32>} : memref<56x384xf32, #tpu.memory_space<vmem>>, vector<1x16xf32>,
        %get3A_731 = vector.shape_cast %get3A_730 : vector<1x16xf32> to vector<16xf32>
        %add3A_732 = arith.addf %get3A_725, %get3A_731 : vector<16xf32>
        %add3A_733 = arith.addf %scan3A_510, %add3A_732 : vector<16xf32>
        %get3A_734 = arith.index_cast %mul3A_518 : i32 to index
        %get3A_735 = arith.constant 288 : index
        %get3A_736 = tpu.vector_load %arg7[%get3A_734, %get3A_735] {strides = array<i32>} : memref<56x384xf32, #tpu.memory_space<vmem>>, vector<1x16xf32>,
        %get3A_737 = vector.shape_cast %get3A_736 : vector<1x16xf32> to vector<16xf32>
        %add3A_738 = arith.constant 1 : i32
        %add3A_739 = arith.addi %mul3A_518, %add3A_738 : i32
        %get3A_740 = arith.index_cast %add3A_739 : i32 to index
        %get3A_741 = arith.constant 288 : index
        %get3A_742 = tpu.vector_load %arg7[%get3A_740, %get3A_741] {strides = array<i32>} : memref<56x384xf32, #tpu.memory_space<vmem>>, vector<1x16xf32>,
        %get3A_743 = vector.shape_cast %get3A_742 : vector<1x16xf32> to vector<16xf32>
        %add3A_744 = arith.addf %get3A_737, %get3A_743 : vector<16xf32>
        %add3A_745 = arith.addf %scan3A_511, %add3A_744 : vector<16xf32>
        %get3A_746 = arith.index_cast %mul3A_518 : i32 to index
        %get3A_747 = arith.constant 304 : index
        %get3A_748 = tpu.vector_load %arg7[%get3A_746, %get3A_747] {strides = array<i32>} : memref<56x384xf32, #tpu.memory_space<vmem>>, vector<1x16xf32>,
        %get3A_749 = vector.shape_cast %get3A_748 : vector<1x16xf32> to vector<16xf32>
        %add3A_750 = arith.constant 1 : i32
        %add3A_751 = arith.addi %mul3A_518, %add3A_750 : i32
        %get3A_752 = arith.index_cast %add3A_751 : i32 to index
        %get3A_753 = arith.constant 304 : index
        %get3A_754 = tpu.vector_load %arg7[%get3A_752, %get3A_753] {strides = array<i32>} : memref<56x384xf32, #tpu.memory_space<vmem>>, vector<1x16xf32>,
        %get3A_755 = vector.shape_cast %get3A_754 : vector<1x16xf32> to vector<16xf32>
        %add3A_756 = arith.addf %get3A_749, %get3A_755 : vector<16xf32>
        %add3A_757 = arith.addf %scan3A_512, %add3A_756 : vector<16xf32>
        %get3A_758 = arith.index_cast %mul3A_518 : i32 to index
        %get3A_759 = arith.constant 320 : index
        %get3A_760 = tpu.vector_load %arg7[%get3A_758, %get3A_759] {strides = array<i32>} : memref<56x384xf32, #tpu.memory_space<vmem>>, vector<1x16xf32>,
        %get3A_761 = vector.shape_cast %get3A_760 : vector<1x16xf32> to vector<16xf32>
        %add3A_762 = arith.constant 1 : i32
        %add3A_763 = arith.addi %mul3A_518, %add3A_762 : i32
        %get3A_764 = arith.index_cast %add3A_763 : i32 to index
        %get3A_765 = arith.constant 320 : index
        %get3A_766 = tpu.vector_load %arg7[%get3A_764, %get3A_765] {strides = array<i32>} : memref<56x384xf32, #tpu.memory_space<vmem>>, vector<1x16xf32>,
        %get3A_767 = vector.shape_cast %get3A_766 : vector<1x16xf32> to vector<16xf32>
        %add3A_768 = arith.addf %get3A_761, %get3A_767 : vector<16xf32>
        %add3A_769 = arith.addf %scan3A_513, %add3A_768 : vector<16xf32>
        %get3A_770 = arith.index_cast %mul3A_518 : i32 to index
        %get3A_771 = arith.constant 336 : index
        %get3A_772 = tpu.vector_load %arg7[%get3A_770, %get3A_771] {strides = array<i32>} : memref<56x384xf32, #tpu.memory_space<vmem>>, vector<1x16xf32>,
        %get3A_773 = vector.shape_cast %get3A_772 : vector<1x16xf32> to vector<16xf32>
        %add3A_774 = arith.constant 1 : i32
        %add3A_775 = arith.addi %mul3A_518, %add3A_774 : i32
        %get3A_776 = arith.index_cast %add3A_775 : i32 to index
        %get3A_777 = arith.constant 336 : index
        %get3A_778 = tpu.vector_load %arg7[%get3A_776, %get3A_777] {strides = array<i32>} : memref<56x384xf32, #tpu.memory_space<vmem>>, vector<1x16xf32>,
        %get3A_779 = vector.shape_cast %get3A_778 : vector<1x16xf32> to vector<16xf32>
        %add3A_780 = arith.addf %get3A_773, %get3A_779 : vector<16xf32>
        %add3A_781 = arith.addf %scan3A_514, %add3A_780 : vector<16xf32>
        %get3A_782 = arith.index_cast %mul3A_518 : i32 to index
        %get3A_783 = arith.constant 352 : index
        %get3A_784 = tpu.vector_load %arg7[%get3A_782, %get3A_783] {strides = array<i32>} : memref<56x384xf32, #tpu.memory_space<vmem>>, vector<1x16xf32>,
        %get3A_785 = vector.shape_cast %get3A_784 : vector<1x16xf32> to vector<16xf32>
        %add3A_786 = arith.constant 1 : i32
        %add3A_787 = arith.addi %mul3A_518, %add3A_786 : i32
        %get3A_788 = arith.index_cast %add3A_787 : i32 to index
        %get3A_789 = arith.constant 352 : index
        %get3A_790 = tpu.vector_load %arg7[%get3A_788, %get3A_789] {strides = array<i32>} : memref<56x384xf32, #tpu.memory_space<vmem>>, vector<1x16xf32>,
        %get3A_791 = vector.shape_cast %get3A_790 : vector<1x16xf32> to vector<16xf32>
        %add3A_792 = arith.addf %get3A_785, %get3A_791 : vector<16xf32>
        %add3A_793 = arith.addf %scan3A_515, %add3A_792 : vector<16xf32>
        %get3A_794 = arith.index_cast %mul3A_518 : i32 to index
        %get3A_795 = arith.constant 368 : index
        %get3A_796 = tpu.vector_load %arg7[%get3A_794, %get3A_795] {strides = array<i32>} : memref<56x384xf32, #tpu.memory_space<vmem>>, vector<1x16xf32>,
        %get3A_797 = vector.shape_cast %get3A_796 : vector<1x16xf32> to vector<16xf32>
        %add3A_798 = arith.constant 1 : i32
        %add3A_799 = arith.addi %mul3A_518, %add3A_798 : i32
        %get3A_800 = arith.index_cast %add3A_799 : i32 to index
        %get3A_801 = arith.constant 368 : index
        %get3A_802 = tpu.vector_load %arg7[%get3A_800, %get3A_801] {strides = array<i32>} : memref<56x384xf32, #tpu.memory_space<vmem>>, vector<1x16xf32>,
        %get3A_803 = vector.shape_cast %get3A_802 : vector<1x16xf32> to vector<16xf32>
        %add3A_804 = arith.addf %get3A_797, %get3A_803 : vector<16xf32>
        %add3A_805 = arith.addf %scan3A_516, %add3A_804 : vector<16xf32>
        scf.yield %add3A_529, %add3A_541, %add3A_553, %add3A_565, %add3A_577, %add3A_589, %add3A_601, %add3A_613, %add3A_625, %add3A_637, %add3A_649, %add3A_661, %add3A_673, %add3A_685, %add3A_697, %add3A_709, %add3A_721, %add3A_733, %add3A_745, %add3A_757, %add3A_769, %add3A_781, %add3A_793, %add3A_805 : vector<16xf32>, vector<16xf32>, vector<16xf32>, vector<16xf32>, vector<16xf32>, vector<16xf32>, vector<16xf32>, vector<16xf32>, vector<16xf32>, vector<16xf32>, vector<16xf32>, vector<16xf32>, vector<16xf32>, vector<16xf32>, vector<16xf32>, vector<16xf32>, vector<16xf32>, vector<16xf32>, vector<16xf32>, vector<16xf32>, vector<16xf32>, vector<16xf32>, vector<16xf32>, vector<16xf32>
      }
      %scan3A_326 = arith.constant 28 : i32
      %convert_element_type3A_327 = arith.extui %lt3A_264 : i1 to i32
      %cond3A_328 = arith.constant 0 : i32
      %cond3A_329 = arith.cmpi ne, %convert_element_type3A_327, %cond3A_328 : i32
      scf.if %cond3A_329 {
        %dma_start3A_492 = arith.constant 0 : i32
        %dma_start3A_493 = tpu.memref_slice %arg5[%dma_start3A_492] : memref<200xi32, #tpu.memory_space<vmem>> -> memref<56xi32, #tpu.memory_space<vmem>>
        %dma_start3A_494 = arith.constant 0 : i32
        %dma_start3A_495 = arith.constant 0 : i32
        %dma_start3A_496 = tpu.memref_slice %arg3[%dma_start3A_494, %dma_start3A_495] : memref<100000x384xf32, #tpu.memory_space<hbm>> -> memref<100000x384xf32, #tpu.memory_space<hbm>>
        tpu.enqueue_indirect_dma source(%dma_start3A_496 : memref<100000x384xf32, #tpu.memory_space<hbm>>) target(%arg7 : memref<56x384xf32, #tpu.memory_space<vmem>>) offsets(%dma_start3A_493 : memref<56xi32, #tpu.memory_space<vmem>>) semaphore(%arg12 : memref<!tpu.dma_semaphore, #tpu.memory_space<semaphore_mem>>)
      } else {
      }
      %dma_wait3A_330 = arith.constant 56 : i32
      %dma_wait3A_331 = tpu.memref_slice %arg5[%dma_wait3A_330] : memref<200xi32, #tpu.memory_space<vmem>> -> memref<48xi32, #tpu.memory_space<vmem>>
      %dma_wait3A_332 = arith.constant 0 : i32
      %dma_wait3A_333 = arith.constant 0 : i32
      %dma_wait3A_334 = tpu.memref_slice %arg3[%dma_wait3A_332, %dma_wait3A_333] : memref<100000x384xf32, #tpu.memory_space<hbm>> -> memref<100000x384xf32, #tpu.memory_space<hbm>>
      tpu.wait_indirect_dma semaphore(%arg13 : memref<!tpu.dma_semaphore, #tpu.memory_space<semaphore_mem>>) src(%dma_wait3A_334 : memref<100000x384xf32, #tpu.memory_space<hbm>>) dst(%arg8 : memref<48x384xf32, #tpu.memory_space<vmem>>)
      %scan3A_335 = arith.constant 0 : i32
      %scan3A_336 = arith.constant 24 : i32
      %scan3A_337 = arith.addi %scan3A_335, %scan3A_336 : i32
      %scan3A_338 = arith.constant 1 : i32
      %scan3A_339:24 = scf.for %scan3A_492 = %scan3A_335 to %scan3A_337 step %scan3A_338 iter_args(%scan3A_493 = %scan3A_325#0, %scan3A_494 = %scan3A_325#1, %scan3A_495 = %scan3A_325#2, %scan3A_496 = %scan3A_325#3, %scan3A_497 = %scan3A_325#4, %scan3A_498 = %scan3A_325#5, %scan3A_499 = %scan3A_325#6, %scan3A_500 = %scan3A_325#7, %scan3A_501 = %scan3A_325#8, %scan3A_502 = %scan3A_325#9, %scan3A_503 = %scan3A_325#10, %scan3A_504 = %scan3A_325#11, %scan3A_505 = %scan3A_325#12, %scan3A_506 = %scan3A_325#13, %scan3A_507 = %scan3A_325#14, %scan3A_508 = %scan3A_325#15, %scan3A_509 = %scan3A_325#16, %scan3A_510 = %scan3A_325#17, %scan3A_511 = %scan3A_325#18, %scan3A_512 = %scan3A_325#19, %scan3A_513 = %scan3A_325#20, %scan3A_514 = %scan3A_325#21, %scan3A_515 = %scan3A_325#22, %scan3A_516 = %scan3A_325#23) -> (vector<16xf32>, vector<16xf32>, vector<16xf32>, vector<16xf32>, vector<16xf32>, vector<16xf32>, vector<16xf32>, vector<16xf32>, vector<16xf32>, vector<16xf32>, vector<16xf32>, vector<16xf32>, vector<16xf32>, vector<16xf32>, vector<16xf32>, vector<16xf32>, vector<16xf32>, vector<16xf32>, vector<16xf32>, vector<16xf32>, vector<16xf32>, vector<16xf32>, vector<16xf32>, vector<16xf32>)  : i32 {
        %mul3A_517 = arith.constant 2 : i32
        %mul3A_518 = arith.muli %mul3A_517, %scan3A_492 : i32
        %get3A = arith.index_cast %mul3A_518 : i32 to index
        %get3A_519 = arith.constant 0 : index
        %get3A_520 = tpu.vector_load %arg8[%get3A, %get3A_519] {strides = array<i32>} : memref<48x384xf32, #tpu.memory_space<vmem>>, vector<1x16xf32>,
        %get3A_521 = vector.shape_cast %get3A_520 : vector<1x16xf32> to vector<16xf32>
        %add3A_522 = arith.constant 1 : i32
        %add3A_523 = arith.addi %mul3A_518, %add3A_522 : i32
        %get3A_524 = arith.index_cast %add3A_523 : i32 to index
        %get3A_525 = arith.constant 0 : index
        %get3A_526 = tpu.vector_load %arg8[%get3A_524, %get3A_525] {strides = array<i32>} : memref<48x384xf32, #tpu.memory_space<vmem>>, vector<1x16xf32>,
        %get3A_527 = vector.shape_cast %get3A_526 : vector<1x16xf32> to vector<16xf32>
        %add3A_528 = arith.addf %get3A_521, %get3A_527 : vector<16xf32>
        %add3A_529 = arith.addf %scan3A_493, %add3A_528 : vector<16xf32>
        %get3A_530 = arith.index_cast %mul3A_518 : i32 to index
        %get3A_531 = arith.constant 16 : index
        %get3A_532 = tpu.vector_load %arg8[%get3A_530, %get3A_531] {strides = array<i32>} : memref<48x384xf32, #tpu.memory_space<vmem>>, vector<1x16xf32>,
        %get3A_533 = vector.shape_cast %get3A_532 : vector<1x16xf32> to vector<16xf32>
        %add3A_534 = arith.constant 1 : i32
        %add3A_535 = arith.addi %mul3A_518, %add3A_534 : i32
        %get3A_536 = arith.index_cast %add3A_535 : i32 to index
        %get3A_537 = arith.constant 16 : index
        %get3A_538 = tpu.vector_load %arg8[%get3A_536, %get3A_537] {strides = array<i32>} : memref<48x384xf32, #tpu.memory_space<vmem>>, vector<1x16xf32>,
        %get3A_539 = vector.shape_cast %get3A_538 : vector<1x16xf32> to vector<16xf32>
        %add3A_540 = arith.addf %get3A_533, %get3A_539 : vector<16xf32>
        %add3A_541 = arith.addf %scan3A_494, %add3A_540 : vector<16xf32>
        %get3A_542 = arith.index_cast %mul3A_518 : i32 to index
        %get3A_543 = arith.constant 32 : index
        %get3A_544 = tpu.vector_load %arg8[%get3A_542, %get3A_543] {strides = array<i32>} : memref<48x384xf32, #tpu.memory_space<vmem>>, vector<1x16xf32>,
        %get3A_545 = vector.shape_cast %get3A_544 : vector<1x16xf32> to vector<16xf32>
        %add3A_546 = arith.constant 1 : i32
        %add3A_547 = arith.addi %mul3A_518, %add3A_546 : i32
        %get3A_548 = arith.index_cast %add3A_547 : i32 to index
        %get3A_549 = arith.constant 32 : index
        %get3A_550 = tpu.vector_load %arg8[%get3A_548, %get3A_549] {strides = array<i32>} : memref<48x384xf32, #tpu.memory_space<vmem>>, vector<1x16xf32>,
        %get3A_551 = vector.shape_cast %get3A_550 : vector<1x16xf32> to vector<16xf32>
        %add3A_552 = arith.addf %get3A_545, %get3A_551 : vector<16xf32>
        %add3A_553 = arith.addf %scan3A_495, %add3A_552 : vector<16xf32>
        %get3A_554 = arith.index_cast %mul3A_518 : i32 to index
        %get3A_555 = arith.constant 48 : index
        %get3A_556 = tpu.vector_load %arg8[%get3A_554, %get3A_555] {strides = array<i32>} : memref<48x384xf32, #tpu.memory_space<vmem>>, vector<1x16xf32>,
        %get3A_557 = vector.shape_cast %get3A_556 : vector<1x16xf32> to vector<16xf32>
        %add3A_558 = arith.constant 1 : i32
        %add3A_559 = arith.addi %mul3A_518, %add3A_558 : i32
        %get3A_560 = arith.index_cast %add3A_559 : i32 to index
        %get3A_561 = arith.constant 48 : index
        %get3A_562 = tpu.vector_load %arg8[%get3A_560, %get3A_561] {strides = array<i32>} : memref<48x384xf32, #tpu.memory_space<vmem>>, vector<1x16xf32>,
        %get3A_563 = vector.shape_cast %get3A_562 : vector<1x16xf32> to vector<16xf32>
        %add3A_564 = arith.addf %get3A_557, %get3A_563 : vector<16xf32>
        %add3A_565 = arith.addf %scan3A_496, %add3A_564 : vector<16xf32>
        %get3A_566 = arith.index_cast %mul3A_518 : i32 to index
        %get3A_567 = arith.constant 64 : index
        %get3A_568 = tpu.vector_load %arg8[%get3A_566, %get3A_567] {strides = array<i32>} : memref<48x384xf32, #tpu.memory_space<vmem>>, vector<1x16xf32>,
        %get3A_569 = vector.shape_cast %get3A_568 : vector<1x16xf32> to vector<16xf32>
        %add3A_570 = arith.constant 1 : i32
        %add3A_571 = arith.addi %mul3A_518, %add3A_570 : i32
        %get3A_572 = arith.index_cast %add3A_571 : i32 to index
        %get3A_573 = arith.constant 64 : index
        %get3A_574 = tpu.vector_load %arg8[%get3A_572, %get3A_573] {strides = array<i32>} : memref<48x384xf32, #tpu.memory_space<vmem>>, vector<1x16xf32>,
        %get3A_575 = vector.shape_cast %get3A_574 : vector<1x16xf32> to vector<16xf32>
        %add3A_576 = arith.addf %get3A_569, %get3A_575 : vector<16xf32>
        %add3A_577 = arith.addf %scan3A_497, %add3A_576 : vector<16xf32>
        %get3A_578 = arith.index_cast %mul3A_518 : i32 to index
        %get3A_579 = arith.constant 80 : index
        %get3A_580 = tpu.vector_load %arg8[%get3A_578, %get3A_579] {strides = array<i32>} : memref<48x384xf32, #tpu.memory_space<vmem>>, vector<1x16xf32>,
        %get3A_581 = vector.shape_cast %get3A_580 : vector<1x16xf32> to vector<16xf32>
        %add3A_582 = arith.constant 1 : i32
        %add3A_583 = arith.addi %mul3A_518, %add3A_582 : i32
        %get3A_584 = arith.index_cast %add3A_583 : i32 to index
        %get3A_585 = arith.constant 80 : index
        %get3A_586 = tpu.vector_load %arg8[%get3A_584, %get3A_585] {strides = array<i32>} : memref<48x384xf32, #tpu.memory_space<vmem>>, vector<1x16xf32>,
        %get3A_587 = vector.shape_cast %get3A_586 : vector<1x16xf32> to vector<16xf32>
        %add3A_588 = arith.addf %get3A_581, %get3A_587 : vector<16xf32>
        %add3A_589 = arith.addf %scan3A_498, %add3A_588 : vector<16xf32>
        %get3A_590 = arith.index_cast %mul3A_518 : i32 to index
        %get3A_591 = arith.constant 96 : index
        %get3A_592 = tpu.vector_load %arg8[%get3A_590, %get3A_591] {strides = array<i32>} : memref<48x384xf32, #tpu.memory_space<vmem>>, vector<1x16xf32>,
        %get3A_593 = vector.shape_cast %get3A_592 : vector<1x16xf32> to vector<16xf32>
        %add3A_594 = arith.constant 1 : i32
        %add3A_595 = arith.addi %mul3A_518, %add3A_594 : i32
        %get3A_596 = arith.index_cast %add3A_595 : i32 to index
        %get3A_597 = arith.constant 96 : index
        %get3A_598 = tpu.vector_load %arg8[%get3A_596, %get3A_597] {strides = array<i32>} : memref<48x384xf32, #tpu.memory_space<vmem>>, vector<1x16xf32>,
        %get3A_599 = vector.shape_cast %get3A_598 : vector<1x16xf32> to vector<16xf32>
        %add3A_600 = arith.addf %get3A_593, %get3A_599 : vector<16xf32>
        %add3A_601 = arith.addf %scan3A_499, %add3A_600 : vector<16xf32>
        %get3A_602 = arith.index_cast %mul3A_518 : i32 to index
        %get3A_603 = arith.constant 112 : index
        %get3A_604 = tpu.vector_load %arg8[%get3A_602, %get3A_603] {strides = array<i32>} : memref<48x384xf32, #tpu.memory_space<vmem>>, vector<1x16xf32>,
        %get3A_605 = vector.shape_cast %get3A_604 : vector<1x16xf32> to vector<16xf32>
        %add3A_606 = arith.constant 1 : i32
        %add3A_607 = arith.addi %mul3A_518, %add3A_606 : i32
        %get3A_608 = arith.index_cast %add3A_607 : i32 to index
        %get3A_609 = arith.constant 112 : index
        %get3A_610 = tpu.vector_load %arg8[%get3A_608, %get3A_609] {strides = array<i32>} : memref<48x384xf32, #tpu.memory_space<vmem>>, vector<1x16xf32>,
        %get3A_611 = vector.shape_cast %get3A_610 : vector<1x16xf32> to vector<16xf32>
        %add3A_612 = arith.addf %get3A_605, %get3A_611 : vector<16xf32>
        %add3A_613 = arith.addf %scan3A_500, %add3A_612 : vector<16xf32>
        %get3A_614 = arith.index_cast %mul3A_518 : i32 to index
        %get3A_615 = arith.constant 128 : index
        %get3A_616 = tpu.vector_load %arg8[%get3A_614, %get3A_615] {strides = array<i32>} : memref<48x384xf32, #tpu.memory_space<vmem>>, vector<1x16xf32>,
        %get3A_617 = vector.shape_cast %get3A_616 : vector<1x16xf32> to vector<16xf32>
        %add3A_618 = arith.constant 1 : i32
        %add3A_619 = arith.addi %mul3A_518, %add3A_618 : i32
        %get3A_620 = arith.index_cast %add3A_619 : i32 to index
        %get3A_621 = arith.constant 128 : index
        %get3A_622 = tpu.vector_load %arg8[%get3A_620, %get3A_621] {strides = array<i32>} : memref<48x384xf32, #tpu.memory_space<vmem>>, vector<1x16xf32>,
        %get3A_623 = vector.shape_cast %get3A_622 : vector<1x16xf32> to vector<16xf32>
        %add3A_624 = arith.addf %get3A_617, %get3A_623 : vector<16xf32>
        %add3A_625 = arith.addf %scan3A_501, %add3A_624 : vector<16xf32>
        %get3A_626 = arith.index_cast %mul3A_518 : i32 to index
        %get3A_627 = arith.constant 144 : index
        %get3A_628 = tpu.vector_load %arg8[%get3A_626, %get3A_627] {strides = array<i32>} : memref<48x384xf32, #tpu.memory_space<vmem>>, vector<1x16xf32>,
        %get3A_629 = vector.shape_cast %get3A_628 : vector<1x16xf32> to vector<16xf32>
        %add3A_630 = arith.constant 1 : i32
        %add3A_631 = arith.addi %mul3A_518, %add3A_630 : i32
        %get3A_632 = arith.index_cast %add3A_631 : i32 to index
        %get3A_633 = arith.constant 144 : index
        %get3A_634 = tpu.vector_load %arg8[%get3A_632, %get3A_633] {strides = array<i32>} : memref<48x384xf32, #tpu.memory_space<vmem>>, vector<1x16xf32>,
        %get3A_635 = vector.shape_cast %get3A_634 : vector<1x16xf32> to vector<16xf32>
        %add3A_636 = arith.addf %get3A_629, %get3A_635 : vector<16xf32>
        %add3A_637 = arith.addf %scan3A_502, %add3A_636 : vector<16xf32>
        %get3A_638 = arith.index_cast %mul3A_518 : i32 to index
        %get3A_639 = arith.constant 160 : index
        %get3A_640 = tpu.vector_load %arg8[%get3A_638, %get3A_639] {strides = array<i32>} : memref<48x384xf32, #tpu.memory_space<vmem>>, vector<1x16xf32>,
        %get3A_641 = vector.shape_cast %get3A_640 : vector<1x16xf32> to vector<16xf32>
        %add3A_642 = arith.constant 1 : i32
        %add3A_643 = arith.addi %mul3A_518, %add3A_642 : i32
        %get3A_644 = arith.index_cast %add3A_643 : i32 to index
        %get3A_645 = arith.constant 160 : index
        %get3A_646 = tpu.vector_load %arg8[%get3A_644, %get3A_645] {strides = array<i32>} : memref<48x384xf32, #tpu.memory_space<vmem>>, vector<1x16xf32>,
        %get3A_647 = vector.shape_cast %get3A_646 : vector<1x16xf32> to vector<16xf32>
        %add3A_648 = arith.addf %get3A_641, %get3A_647 : vector<16xf32>
        %add3A_649 = arith.addf %scan3A_503, %add3A_648 : vector<16xf32>
        %get3A_650 = arith.index_cast %mul3A_518 : i32 to index
        %get3A_651 = arith.constant 176 : index
        %get3A_652 = tpu.vector_load %arg8[%get3A_650, %get3A_651] {strides = array<i32>} : memref<48x384xf32, #tpu.memory_space<vmem>>, vector<1x16xf32>,
        %get3A_653 = vector.shape_cast %get3A_652 : vector<1x16xf32> to vector<16xf32>
        %add3A_654 = arith.constant 1 : i32
        %add3A_655 = arith.addi %mul3A_518, %add3A_654 : i32
        %get3A_656 = arith.index_cast %add3A_655 : i32 to index
        %get3A_657 = arith.constant 176 : index
        %get3A_658 = tpu.vector_load %arg8[%get3A_656, %get3A_657] {strides = array<i32>} : memref<48x384xf32, #tpu.memory_space<vmem>>, vector<1x16xf32>,
        %get3A_659 = vector.shape_cast %get3A_658 : vector<1x16xf32> to vector<16xf32>
        %add3A_660 = arith.addf %get3A_653, %get3A_659 : vector<16xf32>
        %add3A_661 = arith.addf %scan3A_504, %add3A_660 : vector<16xf32>
        %get3A_662 = arith.index_cast %mul3A_518 : i32 to index
        %get3A_663 = arith.constant 192 : index
        %get3A_664 = tpu.vector_load %arg8[%get3A_662, %get3A_663] {strides = array<i32>} : memref<48x384xf32, #tpu.memory_space<vmem>>, vector<1x16xf32>,
        %get3A_665 = vector.shape_cast %get3A_664 : vector<1x16xf32> to vector<16xf32>
        %add3A_666 = arith.constant 1 : i32
        %add3A_667 = arith.addi %mul3A_518, %add3A_666 : i32
        %get3A_668 = arith.index_cast %add3A_667 : i32 to index
        %get3A_669 = arith.constant 192 : index
        %get3A_670 = tpu.vector_load %arg8[%get3A_668, %get3A_669] {strides = array<i32>} : memref<48x384xf32, #tpu.memory_space<vmem>>, vector<1x16xf32>,
        %get3A_671 = vector.shape_cast %get3A_670 : vector<1x16xf32> to vector<16xf32>
        %add3A_672 = arith.addf %get3A_665, %get3A_671 : vector<16xf32>
        %add3A_673 = arith.addf %scan3A_505, %add3A_672 : vector<16xf32>
        %get3A_674 = arith.index_cast %mul3A_518 : i32 to index
        %get3A_675 = arith.constant 208 : index
        %get3A_676 = tpu.vector_load %arg8[%get3A_674, %get3A_675] {strides = array<i32>} : memref<48x384xf32, #tpu.memory_space<vmem>>, vector<1x16xf32>,
        %get3A_677 = vector.shape_cast %get3A_676 : vector<1x16xf32> to vector<16xf32>
        %add3A_678 = arith.constant 1 : i32
        %add3A_679 = arith.addi %mul3A_518, %add3A_678 : i32
        %get3A_680 = arith.index_cast %add3A_679 : i32 to index
        %get3A_681 = arith.constant 208 : index
        %get3A_682 = tpu.vector_load %arg8[%get3A_680, %get3A_681] {strides = array<i32>} : memref<48x384xf32, #tpu.memory_space<vmem>>, vector<1x16xf32>,
        %get3A_683 = vector.shape_cast %get3A_682 : vector<1x16xf32> to vector<16xf32>
        %add3A_684 = arith.addf %get3A_677, %get3A_683 : vector<16xf32>
        %add3A_685 = arith.addf %scan3A_506, %add3A_684 : vector<16xf32>
        %get3A_686 = arith.index_cast %mul3A_518 : i32 to index
        %get3A_687 = arith.constant 224 : index
        %get3A_688 = tpu.vector_load %arg8[%get3A_686, %get3A_687] {strides = array<i32>} : memref<48x384xf32, #tpu.memory_space<vmem>>, vector<1x16xf32>,
        %get3A_689 = vector.shape_cast %get3A_688 : vector<1x16xf32> to vector<16xf32>
        %add3A_690 = arith.constant 1 : i32
        %add3A_691 = arith.addi %mul3A_518, %add3A_690 : i32
        %get3A_692 = arith.index_cast %add3A_691 : i32 to index
        %get3A_693 = arith.constant 224 : index
        %get3A_694 = tpu.vector_load %arg8[%get3A_692, %get3A_693] {strides = array<i32>} : memref<48x384xf32, #tpu.memory_space<vmem>>, vector<1x16xf32>,
        %get3A_695 = vector.shape_cast %get3A_694 : vector<1x16xf32> to vector<16xf32>
        %add3A_696 = arith.addf %get3A_689, %get3A_695 : vector<16xf32>
        %add3A_697 = arith.addf %scan3A_507, %add3A_696 : vector<16xf32>
        %get3A_698 = arith.index_cast %mul3A_518 : i32 to index
        %get3A_699 = arith.constant 240 : index
        %get3A_700 = tpu.vector_load %arg8[%get3A_698, %get3A_699] {strides = array<i32>} : memref<48x384xf32, #tpu.memory_space<vmem>>, vector<1x16xf32>,
        %get3A_701 = vector.shape_cast %get3A_700 : vector<1x16xf32> to vector<16xf32>
        %add3A_702 = arith.constant 1 : i32
        %add3A_703 = arith.addi %mul3A_518, %add3A_702 : i32
        %get3A_704 = arith.index_cast %add3A_703 : i32 to index
        %get3A_705 = arith.constant 240 : index
        %get3A_706 = tpu.vector_load %arg8[%get3A_704, %get3A_705] {strides = array<i32>} : memref<48x384xf32, #tpu.memory_space<vmem>>, vector<1x16xf32>,
        %get3A_707 = vector.shape_cast %get3A_706 : vector<1x16xf32> to vector<16xf32>
        %add3A_708 = arith.addf %get3A_701, %get3A_707 : vector<16xf32>
        %add3A_709 = arith.addf %scan3A_508, %add3A_708 : vector<16xf32>
        %get3A_710 = arith.index_cast %mul3A_518 : i32 to index
        %get3A_711 = arith.constant 256 : index
        %get3A_712 = tpu.vector_load %arg8[%get3A_710, %get3A_711] {strides = array<i32>} : memref<48x384xf32, #tpu.memory_space<vmem>>, vector<1x16xf32>,
        %get3A_713 = vector.shape_cast %get3A_712 : vector<1x16xf32> to vector<16xf32>
        %add3A_714 = arith.constant 1 : i32
        %add3A_715 = arith.addi %mul3A_518, %add3A_714 : i32
        %get3A_716 = arith.index_cast %add3A_715 : i32 to index
        %get3A_717 = arith.constant 256 : index
        %get3A_718 = tpu.vector_load %arg8[%get3A_716, %get3A_717] {strides = array<i32>} : memref<48x384xf32, #tpu.memory_space<vmem>>, vector<1x16xf32>,
        %get3A_719 = vector.shape_cast %get3A_718 : vector<1x16xf32> to vector<16xf32>
        %add3A_720 = arith.addf %get3A_713, %get3A_719 : vector<16xf32>
        %add3A_721 = arith.addf %scan3A_509, %add3A_720 : vector<16xf32>
        %get3A_722 = arith.index_cast %mul3A_518 : i32 to index
        %get3A_723 = arith.constant 272 : index
        %get3A_724 = tpu.vector_load %arg8[%get3A_722, %get3A_723] {strides = array<i32>} : memref<48x384xf32, #tpu.memory_space<vmem>>, vector<1x16xf32>,
        %get3A_725 = vector.shape_cast %get3A_724 : vector<1x16xf32> to vector<16xf32>
        %add3A_726 = arith.constant 1 : i32
        %add3A_727 = arith.addi %mul3A_518, %add3A_726 : i32
        %get3A_728 = arith.index_cast %add3A_727 : i32 to index
        %get3A_729 = arith.constant 272 : index
        %get3A_730 = tpu.vector_load %arg8[%get3A_728, %get3A_729] {strides = array<i32>} : memref<48x384xf32, #tpu.memory_space<vmem>>, vector<1x16xf32>,
        %get3A_731 = vector.shape_cast %get3A_730 : vector<1x16xf32> to vector<16xf32>
        %add3A_732 = arith.addf %get3A_725, %get3A_731 : vector<16xf32>
        %add3A_733 = arith.addf %scan3A_510, %add3A_732 : vector<16xf32>
        %get3A_734 = arith.index_cast %mul3A_518 : i32 to index
        %get3A_735 = arith.constant 288 : index
        %get3A_736 = tpu.vector_load %arg8[%get3A_734, %get3A_735] {strides = array<i32>} : memref<48x384xf32, #tpu.memory_space<vmem>>, vector<1x16xf32>,
        %get3A_737 = vector.shape_cast %get3A_736 : vector<1x16xf32> to vector<16xf32>
        %add3A_738 = arith.constant 1 : i32
        %add3A_739 = arith.addi %mul3A_518, %add3A_738 : i32
        %get3A_740 = arith.index_cast %add3A_739 : i32 to index
        %get3A_741 = arith.constant 288 : index
        %get3A_742 = tpu.vector_load %arg8[%get3A_740, %get3A_741] {strides = array<i32>} : memref<48x384xf32, #tpu.memory_space<vmem>>, vector<1x16xf32>,
        %get3A_743 = vector.shape_cast %get3A_742 : vector<1x16xf32> to vector<16xf32>
        %add3A_744 = arith.addf %get3A_737, %get3A_743 : vector<16xf32>
        %add3A_745 = arith.addf %scan3A_511, %add3A_744 : vector<16xf32>
        %get3A_746 = arith.index_cast %mul3A_518 : i32 to index
        %get3A_747 = arith.constant 304 : index
        %get3A_748 = tpu.vector_load %arg8[%get3A_746, %get3A_747] {strides = array<i32>} : memref<48x384xf32, #tpu.memory_space<vmem>>, vector<1x16xf32>,
        %get3A_749 = vector.shape_cast %get3A_748 : vector<1x16xf32> to vector<16xf32>
        %add3A_750 = arith.constant 1 : i32
        %add3A_751 = arith.addi %mul3A_518, %add3A_750 : i32
        %get3A_752 = arith.index_cast %add3A_751 : i32 to index
        %get3A_753 = arith.constant 304 : index
        %get3A_754 = tpu.vector_load %arg8[%get3A_752, %get3A_753] {strides = array<i32>} : memref<48x384xf32, #tpu.memory_space<vmem>>, vector<1x16xf32>,
        %get3A_755 = vector.shape_cast %get3A_754 : vector<1x16xf32> to vector<16xf32>
        %add3A_756 = arith.addf %get3A_749, %get3A_755 : vector<16xf32>
        %add3A_757 = arith.addf %scan3A_512, %add3A_756 : vector<16xf32>
        %get3A_758 = arith.index_cast %mul3A_518 : i32 to index
        %get3A_759 = arith.constant 320 : index
        %get3A_760 = tpu.vector_load %arg8[%get3A_758, %get3A_759] {strides = array<i32>} : memref<48x384xf32, #tpu.memory_space<vmem>>, vector<1x16xf32>,
        %get3A_761 = vector.shape_cast %get3A_760 : vector<1x16xf32> to vector<16xf32>
        %add3A_762 = arith.constant 1 : i32
        %add3A_763 = arith.addi %mul3A_518, %add3A_762 : i32
        %get3A_764 = arith.index_cast %add3A_763 : i32 to index
        %get3A_765 = arith.constant 320 : index
        %get3A_766 = tpu.vector_load %arg8[%get3A_764, %get3A_765] {strides = array<i32>} : memref<48x384xf32, #tpu.memory_space<vmem>>, vector<1x16xf32>,
        %get3A_767 = vector.shape_cast %get3A_766 : vector<1x16xf32> to vector<16xf32>
        %add3A_768 = arith.addf %get3A_761, %get3A_767 : vector<16xf32>
        %add3A_769 = arith.addf %scan3A_513, %add3A_768 : vector<16xf32>
        %get3A_770 = arith.index_cast %mul3A_518 : i32 to index
        %get3A_771 = arith.constant 336 : index
        %get3A_772 = tpu.vector_load %arg8[%get3A_770, %get3A_771] {strides = array<i32>} : memref<48x384xf32, #tpu.memory_space<vmem>>, vector<1x16xf32>,
        %get3A_773 = vector.shape_cast %get3A_772 : vector<1x16xf32> to vector<16xf32>
        %add3A_774 = arith.constant 1 : i32
        %add3A_775 = arith.addi %mul3A_518, %add3A_774 : i32
        %get3A_776 = arith.index_cast %add3A_775 : i32 to index
        %get3A_777 = arith.constant 336 : index
        %get3A_778 = tpu.vector_load %arg8[%get3A_776, %get3A_777] {strides = array<i32>} : memref<48x384xf32, #tpu.memory_space<vmem>>, vector<1x16xf32>,
        %get3A_779 = vector.shape_cast %get3A_778 : vector<1x16xf32> to vector<16xf32>
        %add3A_780 = arith.addf %get3A_773, %get3A_779 : vector<16xf32>
        %add3A_781 = arith.addf %scan3A_514, %add3A_780 : vector<16xf32>
        %get3A_782 = arith.index_cast %mul3A_518 : i32 to index
        %get3A_783 = arith.constant 352 : index
        %get3A_784 = tpu.vector_load %arg8[%get3A_782, %get3A_783] {strides = array<i32>} : memref<48x384xf32, #tpu.memory_space<vmem>>, vector<1x16xf32>,
        %get3A_785 = vector.shape_cast %get3A_784 : vector<1x16xf32> to vector<16xf32>
        %add3A_786 = arith.constant 1 : i32
        %add3A_787 = arith.addi %mul3A_518, %add3A_786 : i32
        %get3A_788 = arith.index_cast %add3A_787 : i32 to index
        %get3A_789 = arith.constant 352 : index
        %get3A_790 = tpu.vector_load %arg8[%get3A_788, %get3A_789] {strides = array<i32>} : memref<48x384xf32, #tpu.memory_space<vmem>>, vector<1x16xf32>,
        %get3A_791 = vector.shape_cast %get3A_790 : vector<1x16xf32> to vector<16xf32>
        %add3A_792 = arith.addf %get3A_785, %get3A_791 : vector<16xf32>
        %add3A_793 = arith.addf %scan3A_515, %add3A_792 : vector<16xf32>
        %get3A_794 = arith.index_cast %mul3A_518 : i32 to index
        %get3A_795 = arith.constant 368 : index
        %get3A_796 = tpu.vector_load %arg8[%get3A_794, %get3A_795] {strides = array<i32>} : memref<48x384xf32, #tpu.memory_space<vmem>>, vector<1x16xf32>,
        %get3A_797 = vector.shape_cast %get3A_796 : vector<1x16xf32> to vector<16xf32>
        %add3A_798 = arith.constant 1 : i32
        %add3A_799 = arith.addi %mul3A_518, %add3A_798 : i32
        %get3A_800 = arith.index_cast %add3A_799 : i32 to index
        %get3A_801 = arith.constant 368 : index
        %get3A_802 = tpu.vector_load %arg8[%get3A_800, %get3A_801] {strides = array<i32>} : memref<48x384xf32, #tpu.memory_space<vmem>>, vector<1x16xf32>,
        %get3A_803 = vector.shape_cast %get3A_802 : vector<1x16xf32> to vector<16xf32>
        %add3A_804 = arith.addf %get3A_797, %get3A_803 : vector<16xf32>
        %add3A_805 = arith.addf %scan3A_516, %add3A_804 : vector<16xf32>
        scf.yield %add3A_529, %add3A_541, %add3A_553, %add3A_565, %add3A_577, %add3A_589, %add3A_601, %add3A_613, %add3A_625, %add3A_637, %add3A_649, %add3A_661, %add3A_673, %add3A_685, %add3A_697, %add3A_709, %add3A_721, %add3A_733, %add3A_745, %add3A_757, %add3A_769, %add3A_781, %add3A_793, %add3A_805 : vector<16xf32>, vector<16xf32>, vector<16xf32>, vector<16xf32>, vector<16xf32>, vector<16xf32>, vector<16xf32>, vector<16xf32>, vector<16xf32>, vector<16xf32>, vector<16xf32>, vector<16xf32>, vector<16xf32>, vector<16xf32>, vector<16xf32>, vector<16xf32>, vector<16xf32>, vector<16xf32>, vector<16xf32>, vector<16xf32>, vector<16xf32>, vector<16xf32>, vector<16xf32>, vector<16xf32>
      }
      %scan3A_340 = arith.constant 24 : i32
      %convert_element_type3A_341 = arith.extui %lt3A_264 : i1 to i32
      %cond3A_342 = arith.constant 0 : i32
      %cond3A_343 = arith.cmpi ne, %convert_element_type3A_341, %cond3A_342 : i32
      scf.if %cond3A_343 {
        %dma_start3A_492 = arith.constant 56 : i32
        %dma_start3A_493 = tpu.memref_slice %arg5[%dma_start3A_492] : memref<200xi32, #tpu.memory_space<vmem>> -> memref<48xi32, #tpu.memory_space<vmem>>
        %dma_start3A_494 = arith.constant 0 : i32
        %dma_start3A_495 = arith.constant 0 : i32
        %dma_start3A_496 = tpu.memref_slice %arg3[%dma_start3A_494, %dma_start3A_495] : memref<100000x384xf32, #tpu.memory_space<hbm>> -> memref<100000x384xf32, #tpu.memory_space<hbm>>
        tpu.enqueue_indirect_dma source(%dma_start3A_496 : memref<100000x384xf32, #tpu.memory_space<hbm>>) target(%arg8 : memref<48x384xf32, #tpu.memory_space<vmem>>) offsets(%dma_start3A_493 : memref<48xi32, #tpu.memory_space<vmem>>) semaphore(%arg13 : memref<!tpu.dma_semaphore, #tpu.memory_space<semaphore_mem>>)
      } else {
      }
      %dma_wait3A_344 = arith.constant 104 : i32
      %dma_wait3A_345 = tpu.memref_slice %arg5[%dma_wait3A_344] : memref<200xi32, #tpu.memory_space<vmem>> -> memref<48xi32, #tpu.memory_space<vmem>>
      %dma_wait3A_346 = arith.constant 0 : i32
      %dma_wait3A_347 = arith.constant 0 : i32
      %dma_wait3A_348 = tpu.memref_slice %arg3[%dma_wait3A_346, %dma_wait3A_347] : memref<100000x384xf32, #tpu.memory_space<hbm>> -> memref<100000x384xf32, #tpu.memory_space<hbm>>
      tpu.wait_indirect_dma semaphore(%arg14 : memref<!tpu.dma_semaphore, #tpu.memory_space<semaphore_mem>>) src(%dma_wait3A_348 : memref<100000x384xf32, #tpu.memory_space<hbm>>) dst(%arg9 : memref<48x384xf32, #tpu.memory_space<vmem>>)
      %scan3A_349 = arith.constant 0 : i32
      %scan3A_350 = arith.constant 24 : i32
      %scan3A_351 = arith.addi %scan3A_349, %scan3A_350 : i32
      %scan3A_352 = arith.constant 1 : i32
      %scan3A_353:24 = scf.for %scan3A_492 = %scan3A_349 to %scan3A_351 step %scan3A_352 iter_args(%scan3A_493 = %scan3A_339#0, %scan3A_494 = %scan3A_339#1, %scan3A_495 = %scan3A_339#2, %scan3A_496 = %scan3A_339#3, %scan3A_497 = %scan3A_339#4, %scan3A_498 = %scan3A_339#5, %scan3A_499 = %scan3A_339#6, %scan3A_500 = %scan3A_339#7, %scan3A_501 = %scan3A_339#8, %scan3A_502 = %scan3A_339#9, %scan3A_503 = %scan3A_339#10, %scan3A_504 = %scan3A_339#11, %scan3A_505 = %scan3A_339#12, %scan3A_506 = %scan3A_339#13, %scan3A_507 = %scan3A_339#14, %scan3A_508 = %scan3A_339#15, %scan3A_509 = %scan3A_339#16, %scan3A_510 = %scan3A_339#17, %scan3A_511 = %scan3A_339#18, %scan3A_512 = %scan3A_339#19, %scan3A_513 = %scan3A_339#20, %scan3A_514 = %scan3A_339#21, %scan3A_515 = %scan3A_339#22, %scan3A_516 = %scan3A_339#23) -> (vector<16xf32>, vector<16xf32>, vector<16xf32>, vector<16xf32>, vector<16xf32>, vector<16xf32>, vector<16xf32>, vector<16xf32>, vector<16xf32>, vector<16xf32>, vector<16xf32>, vector<16xf32>, vector<16xf32>, vector<16xf32>, vector<16xf32>, vector<16xf32>, vector<16xf32>, vector<16xf32>, vector<16xf32>, vector<16xf32>, vector<16xf32>, vector<16xf32>, vector<16xf32>, vector<16xf32>)  : i32 {
        %mul3A_517 = arith.constant 2 : i32
        %mul3A_518 = arith.muli %mul3A_517, %scan3A_492 : i32
        %get3A = arith.index_cast %mul3A_518 : i32 to index
        %get3A_519 = arith.constant 0 : index
        %get3A_520 = tpu.vector_load %arg9[%get3A, %get3A_519] {strides = array<i32>} : memref<48x384xf32, #tpu.memory_space<vmem>>, vector<1x16xf32>,
        %get3A_521 = vector.shape_cast %get3A_520 : vector<1x16xf32> to vector<16xf32>
        %add3A_522 = arith.constant 1 : i32
        %add3A_523 = arith.addi %mul3A_518, %add3A_522 : i32
        %get3A_524 = arith.index_cast %add3A_523 : i32 to index
        %get3A_525 = arith.constant 0 : index
        %get3A_526 = tpu.vector_load %arg9[%get3A_524, %get3A_525] {strides = array<i32>} : memref<48x384xf32, #tpu.memory_space<vmem>>, vector<1x16xf32>,
        %get3A_527 = vector.shape_cast %get3A_526 : vector<1x16xf32> to vector<16xf32>
        %add3A_528 = arith.addf %get3A_521, %get3A_527 : vector<16xf32>
        %add3A_529 = arith.addf %scan3A_493, %add3A_528 : vector<16xf32>
        %get3A_530 = arith.index_cast %mul3A_518 : i32 to index
        %get3A_531 = arith.constant 16 : index
        %get3A_532 = tpu.vector_load %arg9[%get3A_530, %get3A_531] {strides = array<i32>} : memref<48x384xf32, #tpu.memory_space<vmem>>, vector<1x16xf32>,
        %get3A_533 = vector.shape_cast %get3A_532 : vector<1x16xf32> to vector<16xf32>
        %add3A_534 = arith.constant 1 : i32
        %add3A_535 = arith.addi %mul3A_518, %add3A_534 : i32
        %get3A_536 = arith.index_cast %add3A_535 : i32 to index
        %get3A_537 = arith.constant 16 : index
        %get3A_538 = tpu.vector_load %arg9[%get3A_536, %get3A_537] {strides = array<i32>} : memref<48x384xf32, #tpu.memory_space<vmem>>, vector<1x16xf32>,
        %get3A_539 = vector.shape_cast %get3A_538 : vector<1x16xf32> to vector<16xf32>
        %add3A_540 = arith.addf %get3A_533, %get3A_539 : vector<16xf32>
        %add3A_541 = arith.addf %scan3A_494, %add3A_540 : vector<16xf32>
        %get3A_542 = arith.index_cast %mul3A_518 : i32 to index
        %get3A_543 = arith.constant 32 : index
        %get3A_544 = tpu.vector_load %arg9[%get3A_542, %get3A_543] {strides = array<i32>} : memref<48x384xf32, #tpu.memory_space<vmem>>, vector<1x16xf32>,
        %get3A_545 = vector.shape_cast %get3A_544 : vector<1x16xf32> to vector<16xf32>
        %add3A_546 = arith.constant 1 : i32
        %add3A_547 = arith.addi %mul3A_518, %add3A_546 : i32
        %get3A_548 = arith.index_cast %add3A_547 : i32 to index
        %get3A_549 = arith.constant 32 : index
        %get3A_550 = tpu.vector_load %arg9[%get3A_548, %get3A_549] {strides = array<i32>} : memref<48x384xf32, #tpu.memory_space<vmem>>, vector<1x16xf32>,
        %get3A_551 = vector.shape_cast %get3A_550 : vector<1x16xf32> to vector<16xf32>
        %add3A_552 = arith.addf %get3A_545, %get3A_551 : vector<16xf32>
        %add3A_553 = arith.addf %scan3A_495, %add3A_552 : vector<16xf32>
        %get3A_554 = arith.index_cast %mul3A_518 : i32 to index
        %get3A_555 = arith.constant 48 : index
        %get3A_556 = tpu.vector_load %arg9[%get3A_554, %get3A_555] {strides = array<i32>} : memref<48x384xf32, #tpu.memory_space<vmem>>, vector<1x16xf32>,
        %get3A_557 = vector.shape_cast %get3A_556 : vector<1x16xf32> to vector<16xf32>
        %add3A_558 = arith.constant 1 : i32
        %add3A_559 = arith.addi %mul3A_518, %add3A_558 : i32
        %get3A_560 = arith.index_cast %add3A_559 : i32 to index
        %get3A_561 = arith.constant 48 : index
        %get3A_562 = tpu.vector_load %arg9[%get3A_560, %get3A_561] {strides = array<i32>} : memref<48x384xf32, #tpu.memory_space<vmem>>, vector<1x16xf32>,
        %get3A_563 = vector.shape_cast %get3A_562 : vector<1x16xf32> to vector<16xf32>
        %add3A_564 = arith.addf %get3A_557, %get3A_563 : vector<16xf32>
        %add3A_565 = arith.addf %scan3A_496, %add3A_564 : vector<16xf32>
        %get3A_566 = arith.index_cast %mul3A_518 : i32 to index
        %get3A_567 = arith.constant 64 : index
        %get3A_568 = tpu.vector_load %arg9[%get3A_566, %get3A_567] {strides = array<i32>} : memref<48x384xf32, #tpu.memory_space<vmem>>, vector<1x16xf32>,
        %get3A_569 = vector.shape_cast %get3A_568 : vector<1x16xf32> to vector<16xf32>
        %add3A_570 = arith.constant 1 : i32
        %add3A_571 = arith.addi %mul3A_518, %add3A_570 : i32
        %get3A_572 = arith.index_cast %add3A_571 : i32 to index
        %get3A_573 = arith.constant 64 : index
        %get3A_574 = tpu.vector_load %arg9[%get3A_572, %get3A_573] {strides = array<i32>} : memref<48x384xf32, #tpu.memory_space<vmem>>, vector<1x16xf32>,
        %get3A_575 = vector.shape_cast %get3A_574 : vector<1x16xf32> to vector<16xf32>
        %add3A_576 = arith.addf %get3A_569, %get3A_575 : vector<16xf32>
        %add3A_577 = arith.addf %scan3A_497, %add3A_576 : vector<16xf32>
        %get3A_578 = arith.index_cast %mul3A_518 : i32 to index
        %get3A_579 = arith.constant 80 : index
        %get3A_580 = tpu.vector_load %arg9[%get3A_578, %get3A_579] {strides = array<i32>} : memref<48x384xf32, #tpu.memory_space<vmem>>, vector<1x16xf32>,
        %get3A_581 = vector.shape_cast %get3A_580 : vector<1x16xf32> to vector<16xf32>
        %add3A_582 = arith.constant 1 : i32
        %add3A_583 = arith.addi %mul3A_518, %add3A_582 : i32
        %get3A_584 = arith.index_cast %add3A_583 : i32 to index
        %get3A_585 = arith.constant 80 : index
        %get3A_586 = tpu.vector_load %arg9[%get3A_584, %get3A_585] {strides = array<i32>} : memref<48x384xf32, #tpu.memory_space<vmem>>, vector<1x16xf32>,
        %get3A_587 = vector.shape_cast %get3A_586 : vector<1x16xf32> to vector<16xf32>
        %add3A_588 = arith.addf %get3A_581, %get3A_587 : vector<16xf32>
        %add3A_589 = arith.addf %scan3A_498, %add3A_588 : vector<16xf32>
        %get3A_590 = arith.index_cast %mul3A_518 : i32 to index
        %get3A_591 = arith.constant 96 : index
        %get3A_592 = tpu.vector_load %arg9[%get3A_590, %get3A_591] {strides = array<i32>} : memref<48x384xf32, #tpu.memory_space<vmem>>, vector<1x16xf32>,
        %get3A_593 = vector.shape_cast %get3A_592 : vector<1x16xf32> to vector<16xf32>
        %add3A_594 = arith.constant 1 : i32
        %add3A_595 = arith.addi %mul3A_518, %add3A_594 : i32
        %get3A_596 = arith.index_cast %add3A_595 : i32 to index
        %get3A_597 = arith.constant 96 : index
        %get3A_598 = tpu.vector_load %arg9[%get3A_596, %get3A_597] {strides = array<i32>} : memref<48x384xf32, #tpu.memory_space<vmem>>, vector<1x16xf32>,
        %get3A_599 = vector.shape_cast %get3A_598 : vector<1x16xf32> to vector<16xf32>
        %add3A_600 = arith.addf %get3A_593, %get3A_599 : vector<16xf32>
        %add3A_601 = arith.addf %scan3A_499, %add3A_600 : vector<16xf32>
        %get3A_602 = arith.index_cast %mul3A_518 : i32 to index
        %get3A_603 = arith.constant 112 : index
        %get3A_604 = tpu.vector_load %arg9[%get3A_602, %get3A_603] {strides = array<i32>} : memref<48x384xf32, #tpu.memory_space<vmem>>, vector<1x16xf32>,
        %get3A_605 = vector.shape_cast %get3A_604 : vector<1x16xf32> to vector<16xf32>
        %add3A_606 = arith.constant 1 : i32
        %add3A_607 = arith.addi %mul3A_518, %add3A_606 : i32
        %get3A_608 = arith.index_cast %add3A_607 : i32 to index
        %get3A_609 = arith.constant 112 : index
        %get3A_610 = tpu.vector_load %arg9[%get3A_608, %get3A_609] {strides = array<i32>} : memref<48x384xf32, #tpu.memory_space<vmem>>, vector<1x16xf32>,
        %get3A_611 = vector.shape_cast %get3A_610 : vector<1x16xf32> to vector<16xf32>
        %add3A_612 = arith.addf %get3A_605, %get3A_611 : vector<16xf32>
        %add3A_613 = arith.addf %scan3A_500, %add3A_612 : vector<16xf32>
        %get3A_614 = arith.index_cast %mul3A_518 : i32 to index
        %get3A_615 = arith.constant 128 : index
        %get3A_616 = tpu.vector_load %arg9[%get3A_614, %get3A_615] {strides = array<i32>} : memref<48x384xf32, #tpu.memory_space<vmem>>, vector<1x16xf32>,
        %get3A_617 = vector.shape_cast %get3A_616 : vector<1x16xf32> to vector<16xf32>
        %add3A_618 = arith.constant 1 : i32
        %add3A_619 = arith.addi %mul3A_518, %add3A_618 : i32
        %get3A_620 = arith.index_cast %add3A_619 : i32 to index
        %get3A_621 = arith.constant 128 : index
        %get3A_622 = tpu.vector_load %arg9[%get3A_620, %get3A_621] {strides = array<i32>} : memref<48x384xf32, #tpu.memory_space<vmem>>, vector<1x16xf32>,
        %get3A_623 = vector.shape_cast %get3A_622 : vector<1x16xf32> to vector<16xf32>
        %add3A_624 = arith.addf %get3A_617, %get3A_623 : vector<16xf32>
        %add3A_625 = arith.addf %scan3A_501, %add3A_624 : vector<16xf32>
        %get3A_626 = arith.index_cast %mul3A_518 : i32 to index
        %get3A_627 = arith.constant 144 : index
        %get3A_628 = tpu.vector_load %arg9[%get3A_626, %get3A_627] {strides = array<i32>} : memref<48x384xf32, #tpu.memory_space<vmem>>, vector<1x16xf32>,
        %get3A_629 = vector.shape_cast %get3A_628 : vector<1x16xf32> to vector<16xf32>
        %add3A_630 = arith.constant 1 : i32
        %add3A_631 = arith.addi %mul3A_518, %add3A_630 : i32
        %get3A_632 = arith.index_cast %add3A_631 : i32 to index
        %get3A_633 = arith.constant 144 : index
        %get3A_634 = tpu.vector_load %arg9[%get3A_632, %get3A_633] {strides = array<i32>} : memref<48x384xf32, #tpu.memory_space<vmem>>, vector<1x16xf32>,
        %get3A_635 = vector.shape_cast %get3A_634 : vector<1x16xf32> to vector<16xf32>
        %add3A_636 = arith.addf %get3A_629, %get3A_635 : vector<16xf32>
        %add3A_637 = arith.addf %scan3A_502, %add3A_636 : vector<16xf32>
        %get3A_638 = arith.index_cast %mul3A_518 : i32 to index
        %get3A_639 = arith.constant 160 : index
        %get3A_640 = tpu.vector_load %arg9[%get3A_638, %get3A_639] {strides = array<i32>} : memref<48x384xf32, #tpu.memory_space<vmem>>, vector<1x16xf32>,
        %get3A_641 = vector.shape_cast %get3A_640 : vector<1x16xf32> to vector<16xf32>
        %add3A_642 = arith.constant 1 : i32
        %add3A_643 = arith.addi %mul3A_518, %add3A_642 : i32
        %get3A_644 = arith.index_cast %add3A_643 : i32 to index
        %get3A_645 = arith.constant 160 : index
        %get3A_646 = tpu.vector_load %arg9[%get3A_644, %get3A_645] {strides = array<i32>} : memref<48x384xf32, #tpu.memory_space<vmem>>, vector<1x16xf32>,
        %get3A_647 = vector.shape_cast %get3A_646 : vector<1x16xf32> to vector<16xf32>
        %add3A_648 = arith.addf %get3A_641, %get3A_647 : vector<16xf32>
        %add3A_649 = arith.addf %scan3A_503, %add3A_648 : vector<16xf32>
        %get3A_650 = arith.index_cast %mul3A_518 : i32 to index
        %get3A_651 = arith.constant 176 : index
        %get3A_652 = tpu.vector_load %arg9[%get3A_650, %get3A_651] {strides = array<i32>} : memref<48x384xf32, #tpu.memory_space<vmem>>, vector<1x16xf32>,
        %get3A_653 = vector.shape_cast %get3A_652 : vector<1x16xf32> to vector<16xf32>
        %add3A_654 = arith.constant 1 : i32
        %add3A_655 = arith.addi %mul3A_518, %add3A_654 : i32
        %get3A_656 = arith.index_cast %add3A_655 : i32 to index
        %get3A_657 = arith.constant 176 : index
        %get3A_658 = tpu.vector_load %arg9[%get3A_656, %get3A_657] {strides = array<i32>} : memref<48x384xf32, #tpu.memory_space<vmem>>, vector<1x16xf32>,
        %get3A_659 = vector.shape_cast %get3A_658 : vector<1x16xf32> to vector<16xf32>
        %add3A_660 = arith.addf %get3A_653, %get3A_659 : vector<16xf32>
        %add3A_661 = arith.addf %scan3A_504, %add3A_660 : vector<16xf32>
        %get3A_662 = arith.index_cast %mul3A_518 : i32 to index
        %get3A_663 = arith.constant 192 : index
        %get3A_664 = tpu.vector_load %arg9[%get3A_662, %get3A_663] {strides = array<i32>} : memref<48x384xf32, #tpu.memory_space<vmem>>, vector<1x16xf32>,
        %get3A_665 = vector.shape_cast %get3A_664 : vector<1x16xf32> to vector<16xf32>
        %add3A_666 = arith.constant 1 : i32
        %add3A_667 = arith.addi %mul3A_518, %add3A_666 : i32
        %get3A_668 = arith.index_cast %add3A_667 : i32 to index
        %get3A_669 = arith.constant 192 : index
        %get3A_670 = tpu.vector_load %arg9[%get3A_668, %get3A_669] {strides = array<i32>} : memref<48x384xf32, #tpu.memory_space<vmem>>, vector<1x16xf32>,
        %get3A_671 = vector.shape_cast %get3A_670 : vector<1x16xf32> to vector<16xf32>
        %add3A_672 = arith.addf %get3A_665, %get3A_671 : vector<16xf32>
        %add3A_673 = arith.addf %scan3A_505, %add3A_672 : vector<16xf32>
        %get3A_674 = arith.index_cast %mul3A_518 : i32 to index
        %get3A_675 = arith.constant 208 : index
        %get3A_676 = tpu.vector_load %arg9[%get3A_674, %get3A_675] {strides = array<i32>} : memref<48x384xf32, #tpu.memory_space<vmem>>, vector<1x16xf32>,
        %get3A_677 = vector.shape_cast %get3A_676 : vector<1x16xf32> to vector<16xf32>
        %add3A_678 = arith.constant 1 : i32
        %add3A_679 = arith.addi %mul3A_518, %add3A_678 : i32
        %get3A_680 = arith.index_cast %add3A_679 : i32 to index
        %get3A_681 = arith.constant 208 : index
        %get3A_682 = tpu.vector_load %arg9[%get3A_680, %get3A_681] {strides = array<i32>} : memref<48x384xf32, #tpu.memory_space<vmem>>, vector<1x16xf32>,
        %get3A_683 = vector.shape_cast %get3A_682 : vector<1x16xf32> to vector<16xf32>
        %add3A_684 = arith.addf %get3A_677, %get3A_683 : vector<16xf32>
        %add3A_685 = arith.addf %scan3A_506, %add3A_684 : vector<16xf32>
        %get3A_686 = arith.index_cast %mul3A_518 : i32 to index
        %get3A_687 = arith.constant 224 : index
        %get3A_688 = tpu.vector_load %arg9[%get3A_686, %get3A_687] {strides = array<i32>} : memref<48x384xf32, #tpu.memory_space<vmem>>, vector<1x16xf32>,
        %get3A_689 = vector.shape_cast %get3A_688 : vector<1x16xf32> to vector<16xf32>
        %add3A_690 = arith.constant 1 : i32
        %add3A_691 = arith.addi %mul3A_518, %add3A_690 : i32
        %get3A_692 = arith.index_cast %add3A_691 : i32 to index
        %get3A_693 = arith.constant 224 : index
        %get3A_694 = tpu.vector_load %arg9[%get3A_692, %get3A_693] {strides = array<i32>} : memref<48x384xf32, #tpu.memory_space<vmem>>, vector<1x16xf32>,
        %get3A_695 = vector.shape_cast %get3A_694 : vector<1x16xf32> to vector<16xf32>
        %add3A_696 = arith.addf %get3A_689, %get3A_695 : vector<16xf32>
        %add3A_697 = arith.addf %scan3A_507, %add3A_696 : vector<16xf32>
        %get3A_698 = arith.index_cast %mul3A_518 : i32 to index
        %get3A_699 = arith.constant 240 : index
        %get3A_700 = tpu.vector_load %arg9[%get3A_698, %get3A_699] {strides = array<i32>} : memref<48x384xf32, #tpu.memory_space<vmem>>, vector<1x16xf32>,
        %get3A_701 = vector.shape_cast %get3A_700 : vector<1x16xf32> to vector<16xf32>
        %add3A_702 = arith.constant 1 : i32
        %add3A_703 = arith.addi %mul3A_518, %add3A_702 : i32
        %get3A_704 = arith.index_cast %add3A_703 : i32 to index
        %get3A_705 = arith.constant 240 : index
        %get3A_706 = tpu.vector_load %arg9[%get3A_704, %get3A_705] {strides = array<i32>} : memref<48x384xf32, #tpu.memory_space<vmem>>, vector<1x16xf32>,
        %get3A_707 = vector.shape_cast %get3A_706 : vector<1x16xf32> to vector<16xf32>
        %add3A_708 = arith.addf %get3A_701, %get3A_707 : vector<16xf32>
        %add3A_709 = arith.addf %scan3A_508, %add3A_708 : vector<16xf32>
        %get3A_710 = arith.index_cast %mul3A_518 : i32 to index
        %get3A_711 = arith.constant 256 : index
        %get3A_712 = tpu.vector_load %arg9[%get3A_710, %get3A_711] {strides = array<i32>} : memref<48x384xf32, #tpu.memory_space<vmem>>, vector<1x16xf32>,
        %get3A_713 = vector.shape_cast %get3A_712 : vector<1x16xf32> to vector<16xf32>
        %add3A_714 = arith.constant 1 : i32
        %add3A_715 = arith.addi %mul3A_518, %add3A_714 : i32
        %get3A_716 = arith.index_cast %add3A_715 : i32 to index
        %get3A_717 = arith.constant 256 : index
        %get3A_718 = tpu.vector_load %arg9[%get3A_716, %get3A_717] {strides = array<i32>} : memref<48x384xf32, #tpu.memory_space<vmem>>, vector<1x16xf32>,
        %get3A_719 = vector.shape_cast %get3A_718 : vector<1x16xf32> to vector<16xf32>
        %add3A_720 = arith.addf %get3A_713, %get3A_719 : vector<16xf32>
        %add3A_721 = arith.addf %scan3A_509, %add3A_720 : vector<16xf32>
        %get3A_722 = arith.index_cast %mul3A_518 : i32 to index
        %get3A_723 = arith.constant 272 : index
        %get3A_724 = tpu.vector_load %arg9[%get3A_722, %get3A_723] {strides = array<i32>} : memref<48x384xf32, #tpu.memory_space<vmem>>, vector<1x16xf32>,
        %get3A_725 = vector.shape_cast %get3A_724 : vector<1x16xf32> to vector<16xf32>
        %add3A_726 = arith.constant 1 : i32
        %add3A_727 = arith.addi %mul3A_518, %add3A_726 : i32
        %get3A_728 = arith.index_cast %add3A_727 : i32 to index
        %get3A_729 = arith.constant 272 : index
        %get3A_730 = tpu.vector_load %arg9[%get3A_728, %get3A_729] {strides = array<i32>} : memref<48x384xf32, #tpu.memory_space<vmem>>, vector<1x16xf32>,
        %get3A_731 = vector.shape_cast %get3A_730 : vector<1x16xf32> to vector<16xf32>
        %add3A_732 = arith.addf %get3A_725, %get3A_731 : vector<16xf32>
        %add3A_733 = arith.addf %scan3A_510, %add3A_732 : vector<16xf32>
        %get3A_734 = arith.index_cast %mul3A_518 : i32 to index
        %get3A_735 = arith.constant 288 : index
        %get3A_736 = tpu.vector_load %arg9[%get3A_734, %get3A_735] {strides = array<i32>} : memref<48x384xf32, #tpu.memory_space<vmem>>, vector<1x16xf32>,
        %get3A_737 = vector.shape_cast %get3A_736 : vector<1x16xf32> to vector<16xf32>
        %add3A_738 = arith.constant 1 : i32
        %add3A_739 = arith.addi %mul3A_518, %add3A_738 : i32
        %get3A_740 = arith.index_cast %add3A_739 : i32 to index
        %get3A_741 = arith.constant 288 : index
        %get3A_742 = tpu.vector_load %arg9[%get3A_740, %get3A_741] {strides = array<i32>} : memref<48x384xf32, #tpu.memory_space<vmem>>, vector<1x16xf32>,
        %get3A_743 = vector.shape_cast %get3A_742 : vector<1x16xf32> to vector<16xf32>
        %add3A_744 = arith.addf %get3A_737, %get3A_743 : vector<16xf32>
        %add3A_745 = arith.addf %scan3A_511, %add3A_744 : vector<16xf32>
        %get3A_746 = arith.index_cast %mul3A_518 : i32 to index
        %get3A_747 = arith.constant 304 : index
        %get3A_748 = tpu.vector_load %arg9[%get3A_746, %get3A_747] {strides = array<i32>} : memref<48x384xf32, #tpu.memory_space<vmem>>, vector<1x16xf32>,
        %get3A_749 = vector.shape_cast %get3A_748 : vector<1x16xf32> to vector<16xf32>
        %add3A_750 = arith.constant 1 : i32
        %add3A_751 = arith.addi %mul3A_518, %add3A_750 : i32
        %get3A_752 = arith.index_cast %add3A_751 : i32 to index
        %get3A_753 = arith.constant 304 : index
        %get3A_754 = tpu.vector_load %arg9[%get3A_752, %get3A_753] {strides = array<i32>} : memref<48x384xf32, #tpu.memory_space<vmem>>, vector<1x16xf32>,
        %get3A_755 = vector.shape_cast %get3A_754 : vector<1x16xf32> to vector<16xf32>
        %add3A_756 = arith.addf %get3A_749, %get3A_755 : vector<16xf32>
        %add3A_757 = arith.addf %scan3A_512, %add3A_756 : vector<16xf32>
        %get3A_758 = arith.index_cast %mul3A_518 : i32 to index
        %get3A_759 = arith.constant 320 : index
        %get3A_760 = tpu.vector_load %arg9[%get3A_758, %get3A_759] {strides = array<i32>} : memref<48x384xf32, #tpu.memory_space<vmem>>, vector<1x16xf32>,
        %get3A_761 = vector.shape_cast %get3A_760 : vector<1x16xf32> to vector<16xf32>
        %add3A_762 = arith.constant 1 : i32
        %add3A_763 = arith.addi %mul3A_518, %add3A_762 : i32
        %get3A_764 = arith.index_cast %add3A_763 : i32 to index
        %get3A_765 = arith.constant 320 : index
        %get3A_766 = tpu.vector_load %arg9[%get3A_764, %get3A_765] {strides = array<i32>} : memref<48x384xf32, #tpu.memory_space<vmem>>, vector<1x16xf32>,
        %get3A_767 = vector.shape_cast %get3A_766 : vector<1x16xf32> to vector<16xf32>
        %add3A_768 = arith.addf %get3A_761, %get3A_767 : vector<16xf32>
        %add3A_769 = arith.addf %scan3A_513, %add3A_768 : vector<16xf32>
        %get3A_770 = arith.index_cast %mul3A_518 : i32 to index
        %get3A_771 = arith.constant 336 : index
        %get3A_772 = tpu.vector_load %arg9[%get3A_770, %get3A_771] {strides = array<i32>} : memref<48x384xf32, #tpu.memory_space<vmem>>, vector<1x16xf32>,
        %get3A_773 = vector.shape_cast %get3A_772 : vector<1x16xf32> to vector<16xf32>
        %add3A_774 = arith.constant 1 : i32
        %add3A_775 = arith.addi %mul3A_518, %add3A_774 : i32
        %get3A_776 = arith.index_cast %add3A_775 : i32 to index
        %get3A_777 = arith.constant 336 : index
        %get3A_778 = tpu.vector_load %arg9[%get3A_776, %get3A_777] {strides = array<i32>} : memref<48x384xf32, #tpu.memory_space<vmem>>, vector<1x16xf32>,
        %get3A_779 = vector.shape_cast %get3A_778 : vector<1x16xf32> to vector<16xf32>
        %add3A_780 = arith.addf %get3A_773, %get3A_779 : vector<16xf32>
        %add3A_781 = arith.addf %scan3A_514, %add3A_780 : vector<16xf32>
        %get3A_782 = arith.index_cast %mul3A_518 : i32 to index
        %get3A_783 = arith.constant 352 : index
        %get3A_784 = tpu.vector_load %arg9[%get3A_782, %get3A_783] {strides = array<i32>} : memref<48x384xf32, #tpu.memory_space<vmem>>, vector<1x16xf32>,
        %get3A_785 = vector.shape_cast %get3A_784 : vector<1x16xf32> to vector<16xf32>
        %add3A_786 = arith.constant 1 : i32
        %add3A_787 = arith.addi %mul3A_518, %add3A_786 : i32
        %get3A_788 = arith.index_cast %add3A_787 : i32 to index
        %get3A_789 = arith.constant 352 : index
        %get3A_790 = tpu.vector_load %arg9[%get3A_788, %get3A_789] {strides = array<i32>} : memref<48x384xf32, #tpu.memory_space<vmem>>, vector<1x16xf32>,
        %get3A_791 = vector.shape_cast %get3A_790 : vector<1x16xf32> to vector<16xf32>
        %add3A_792 = arith.addf %get3A_785, %get3A_791 : vector<16xf32>
        %add3A_793 = arith.addf %scan3A_515, %add3A_792 : vector<16xf32>
        %get3A_794 = arith.index_cast %mul3A_518 : i32 to index
        %get3A_795 = arith.constant 368 : index
        %get3A_796 = tpu.vector_load %arg9[%get3A_794, %get3A_795] {strides = array<i32>} : memref<48x384xf32, #tpu.memory_space<vmem>>, vector<1x16xf32>,
        %get3A_797 = vector.shape_cast %get3A_796 : vector<1x16xf32> to vector<16xf32>
        %add3A_798 = arith.constant 1 : i32
        %add3A_799 = arith.addi %mul3A_518, %add3A_798 : i32
        %get3A_800 = arith.index_cast %add3A_799 : i32 to index
        %get3A_801 = arith.constant 368 : index
        %get3A_802 = tpu.vector_load %arg9[%get3A_800, %get3A_801] {strides = array<i32>} : memref<48x384xf32, #tpu.memory_space<vmem>>, vector<1x16xf32>,
        %get3A_803 = vector.shape_cast %get3A_802 : vector<1x16xf32> to vector<16xf32>
        %add3A_804 = arith.addf %get3A_797, %get3A_803 : vector<16xf32>
        %add3A_805 = arith.addf %scan3A_516, %add3A_804 : vector<16xf32>
        scf.yield %add3A_529, %add3A_541, %add3A_553, %add3A_565, %add3A_577, %add3A_589, %add3A_601, %add3A_613, %add3A_625, %add3A_637, %add3A_649, %add3A_661, %add3A_673, %add3A_685, %add3A_697, %add3A_709, %add3A_721, %add3A_733, %add3A_745, %add3A_757, %add3A_769, %add3A_781, %add3A_793, %add3A_805 : vector<16xf32>, vector<16xf32>, vector<16xf32>, vector<16xf32>, vector<16xf32>, vector<16xf32>, vector<16xf32>, vector<16xf32>, vector<16xf32>, vector<16xf32>, vector<16xf32>, vector<16xf32>, vector<16xf32>, vector<16xf32>, vector<16xf32>, vector<16xf32>, vector<16xf32>, vector<16xf32>, vector<16xf32>, vector<16xf32>, vector<16xf32>, vector<16xf32>, vector<16xf32>, vector<16xf32>
      }
      %scan3A_354 = arith.constant 24 : i32
      %convert_element_type3A_355 = arith.extui %lt3A_264 : i1 to i32
      %cond3A_356 = arith.constant 0 : i32
      %cond3A_357 = arith.cmpi ne, %convert_element_type3A_355, %cond3A_356 : i32
      scf.if %cond3A_357 {
        %dma_start3A_492 = arith.constant 104 : i32
        %dma_start3A_493 = tpu.memref_slice %arg5[%dma_start3A_492] : memref<200xi32, #tpu.memory_space<vmem>> -> memref<48xi32, #tpu.memory_space<vmem>>
        %dma_start3A_494 = arith.constant 0 : i32
        %dma_start3A_495 = arith.constant 0 : i32
        %dma_start3A_496 = tpu.memref_slice %arg3[%dma_start3A_494, %dma_start3A_495] : memref<100000x384xf32, #tpu.memory_space<hbm>> -> memref<100000x384xf32, #tpu.memory_space<hbm>>
        tpu.enqueue_indirect_dma source(%dma_start3A_496 : memref<100000x384xf32, #tpu.memory_space<hbm>>) target(%arg9 : memref<48x384xf32, #tpu.memory_space<vmem>>) offsets(%dma_start3A_493 : memref<48xi32, #tpu.memory_space<vmem>>) semaphore(%arg14 : memref<!tpu.dma_semaphore, #tpu.memory_space<semaphore_mem>>)
      } else {
      }
      %dma_wait3A_358 = arith.constant 152 : i32
      %dma_wait3A_359 = tpu.memref_slice %arg5[%dma_wait3A_358] : memref<200xi32, #tpu.memory_space<vmem>> -> memref<48xi32, #tpu.memory_space<vmem>>
      %dma_wait3A_360 = arith.constant 0 : i32
      %dma_wait3A_361 = arith.constant 0 : i32
      %dma_wait3A_362 = tpu.memref_slice %arg3[%dma_wait3A_360, %dma_wait3A_361] : memref<100000x384xf32, #tpu.memory_space<hbm>> -> memref<100000x384xf32, #tpu.memory_space<hbm>>
      tpu.wait_indirect_dma semaphore(%arg15 : memref<!tpu.dma_semaphore, #tpu.memory_space<semaphore_mem>>) src(%dma_wait3A_362 : memref<100000x384xf32, #tpu.memory_space<hbm>>) dst(%arg10 : memref<48x384xf32, #tpu.memory_space<vmem>>)
      %scan3A_363 = arith.constant 0 : i32
      %scan3A_364 = arith.constant 24 : i32
      %scan3A_365 = arith.addi %scan3A_363, %scan3A_364 : i32
      %scan3A_366 = arith.constant 1 : i32
      %scan3A_367:24 = scf.for %scan3A_492 = %scan3A_363 to %scan3A_365 step %scan3A_366 iter_args(%scan3A_493 = %scan3A_353#0, %scan3A_494 = %scan3A_353#1, %scan3A_495 = %scan3A_353#2, %scan3A_496 = %scan3A_353#3, %scan3A_497 = %scan3A_353#4, %scan3A_498 = %scan3A_353#5, %scan3A_499 = %scan3A_353#6, %scan3A_500 = %scan3A_353#7, %scan3A_501 = %scan3A_353#8, %scan3A_502 = %scan3A_353#9, %scan3A_503 = %scan3A_353#10, %scan3A_504 = %scan3A_353#11, %scan3A_505 = %scan3A_353#12, %scan3A_506 = %scan3A_353#13, %scan3A_507 = %scan3A_353#14, %scan3A_508 = %scan3A_353#15, %scan3A_509 = %scan3A_353#16, %scan3A_510 = %scan3A_353#17, %scan3A_511 = %scan3A_353#18, %scan3A_512 = %scan3A_353#19, %scan3A_513 = %scan3A_353#20, %scan3A_514 = %scan3A_353#21, %scan3A_515 = %scan3A_353#22, %scan3A_516 = %scan3A_353#23) -> (vector<16xf32>, vector<16xf32>, vector<16xf32>, vector<16xf32>, vector<16xf32>, vector<16xf32>, vector<16xf32>, vector<16xf32>, vector<16xf32>, vector<16xf32>, vector<16xf32>, vector<16xf32>, vector<16xf32>, vector<16xf32>, vector<16xf32>, vector<16xf32>, vector<16xf32>, vector<16xf32>, vector<16xf32>, vector<16xf32>, vector<16xf32>, vector<16xf32>, vector<16xf32>, vector<16xf32>)  : i32 {
        %mul3A_517 = arith.constant 2 : i32
        %mul3A_518 = arith.muli %mul3A_517, %scan3A_492 : i32
        %get3A = arith.index_cast %mul3A_518 : i32 to index
        %get3A_519 = arith.constant 0 : index
        %get3A_520 = tpu.vector_load %arg10[%get3A, %get3A_519] {strides = array<i32>} : memref<48x384xf32, #tpu.memory_space<vmem>>, vector<1x16xf32>,
        %get3A_521 = vector.shape_cast %get3A_520 : vector<1x16xf32> to vector<16xf32>
        %add3A_522 = arith.constant 1 : i32
        %add3A_523 = arith.addi %mul3A_518, %add3A_522 : i32
        %get3A_524 = arith.index_cast %add3A_523 : i32 to index
        %get3A_525 = arith.constant 0 : index
        %get3A_526 = tpu.vector_load %arg10[%get3A_524, %get3A_525] {strides = array<i32>} : memref<48x384xf32, #tpu.memory_space<vmem>>, vector<1x16xf32>,
        %get3A_527 = vector.shape_cast %get3A_526 : vector<1x16xf32> to vector<16xf32>
        %add3A_528 = arith.addf %get3A_521, %get3A_527 : vector<16xf32>
        %add3A_529 = arith.addf %scan3A_493, %add3A_528 : vector<16xf32>
        %get3A_530 = arith.index_cast %mul3A_518 : i32 to index
        %get3A_531 = arith.constant 16 : index
        %get3A_532 = tpu.vector_load %arg10[%get3A_530, %get3A_531] {strides = array<i32>} : memref<48x384xf32, #tpu.memory_space<vmem>>, vector<1x16xf32>,
        %get3A_533 = vector.shape_cast %get3A_532 : vector<1x16xf32> to vector<16xf32>
        %add3A_534 = arith.constant 1 : i32
        %add3A_535 = arith.addi %mul3A_518, %add3A_534 : i32
        %get3A_536 = arith.index_cast %add3A_535 : i32 to index
        %get3A_537 = arith.constant 16 : index
        %get3A_538 = tpu.vector_load %arg10[%get3A_536, %get3A_537] {strides = array<i32>} : memref<48x384xf32, #tpu.memory_space<vmem>>, vector<1x16xf32>,
        %get3A_539 = vector.shape_cast %get3A_538 : vector<1x16xf32> to vector<16xf32>
        %add3A_540 = arith.addf %get3A_533, %get3A_539 : vector<16xf32>
        %add3A_541 = arith.addf %scan3A_494, %add3A_540 : vector<16xf32>
        %get3A_542 = arith.index_cast %mul3A_518 : i32 to index
        %get3A_543 = arith.constant 32 : index
        %get3A_544 = tpu.vector_load %arg10[%get3A_542, %get3A_543] {strides = array<i32>} : memref<48x384xf32, #tpu.memory_space<vmem>>, vector<1x16xf32>,
        %get3A_545 = vector.shape_cast %get3A_544 : vector<1x16xf32> to vector<16xf32>
        %add3A_546 = arith.constant 1 : i32
        %add3A_547 = arith.addi %mul3A_518, %add3A_546 : i32
        %get3A_548 = arith.index_cast %add3A_547 : i32 to index
        %get3A_549 = arith.constant 32 : index
        %get3A_550 = tpu.vector_load %arg10[%get3A_548, %get3A_549] {strides = array<i32>} : memref<48x384xf32, #tpu.memory_space<vmem>>, vector<1x16xf32>,
        %get3A_551 = vector.shape_cast %get3A_550 : vector<1x16xf32> to vector<16xf32>
        %add3A_552 = arith.addf %get3A_545, %get3A_551 : vector<16xf32>
        %add3A_553 = arith.addf %scan3A_495, %add3A_552 : vector<16xf32>
        %get3A_554 = arith.index_cast %mul3A_518 : i32 to index
        %get3A_555 = arith.constant 48 : index
        %get3A_556 = tpu.vector_load %arg10[%get3A_554, %get3A_555] {strides = array<i32>} : memref<48x384xf32, #tpu.memory_space<vmem>>, vector<1x16xf32>,
        %get3A_557 = vector.shape_cast %get3A_556 : vector<1x16xf32> to vector<16xf32>
        %add3A_558 = arith.constant 1 : i32
        %add3A_559 = arith.addi %mul3A_518, %add3A_558 : i32
        %get3A_560 = arith.index_cast %add3A_559 : i32 to index
        %get3A_561 = arith.constant 48 : index
        %get3A_562 = tpu.vector_load %arg10[%get3A_560, %get3A_561] {strides = array<i32>} : memref<48x384xf32, #tpu.memory_space<vmem>>, vector<1x16xf32>,
        %get3A_563 = vector.shape_cast %get3A_562 : vector<1x16xf32> to vector<16xf32>
        %add3A_564 = arith.addf %get3A_557, %get3A_563 : vector<16xf32>
        %add3A_565 = arith.addf %scan3A_496, %add3A_564 : vector<16xf32>
        %get3A_566 = arith.index_cast %mul3A_518 : i32 to index
        %get3A_567 = arith.constant 64 : index
        %get3A_568 = tpu.vector_load %arg10[%get3A_566, %get3A_567] {strides = array<i32>} : memref<48x384xf32, #tpu.memory_space<vmem>>, vector<1x16xf32>,
        %get3A_569 = vector.shape_cast %get3A_568 : vector<1x16xf32> to vector<16xf32>
        %add3A_570 = arith.constant 1 : i32
        %add3A_571 = arith.addi %mul3A_518, %add3A_570 : i32
        %get3A_572 = arith.index_cast %add3A_571 : i32 to index
        %get3A_573 = arith.constant 64 : index
        %get3A_574 = tpu.vector_load %arg10[%get3A_572, %get3A_573] {strides = array<i32>} : memref<48x384xf32, #tpu.memory_space<vmem>>, vector<1x16xf32>,
        %get3A_575 = vector.shape_cast %get3A_574 : vector<1x16xf32> to vector<16xf32>
        %add3A_576 = arith.addf %get3A_569, %get3A_575 : vector<16xf32>
        %add3A_577 = arith.addf %scan3A_497, %add3A_576 : vector<16xf32>
        %get3A_578 = arith.index_cast %mul3A_518 : i32 to index
        %get3A_579 = arith.constant 80 : index
        %get3A_580 = tpu.vector_load %arg10[%get3A_578, %get3A_579] {strides = array<i32>} : memref<48x384xf32, #tpu.memory_space<vmem>>, vector<1x16xf32>,
        %get3A_581 = vector.shape_cast %get3A_580 : vector<1x16xf32> to vector<16xf32>
        %add3A_582 = arith.constant 1 : i32
        %add3A_583 = arith.addi %mul3A_518, %add3A_582 : i32
        %get3A_584 = arith.index_cast %add3A_583 : i32 to index
        %get3A_585 = arith.constant 80 : index
        %get3A_586 = tpu.vector_load %arg10[%get3A_584, %get3A_585] {strides = array<i32>} : memref<48x384xf32, #tpu.memory_space<vmem>>, vector<1x16xf32>,
        %get3A_587 = vector.shape_cast %get3A_586 : vector<1x16xf32> to vector<16xf32>
        %add3A_588 = arith.addf %get3A_581, %get3A_587 : vector<16xf32>
        %add3A_589 = arith.addf %scan3A_498, %add3A_588 : vector<16xf32>
        %get3A_590 = arith.index_cast %mul3A_518 : i32 to index
        %get3A_591 = arith.constant 96 : index
        %get3A_592 = tpu.vector_load %arg10[%get3A_590, %get3A_591] {strides = array<i32>} : memref<48x384xf32, #tpu.memory_space<vmem>>, vector<1x16xf32>,
        %get3A_593 = vector.shape_cast %get3A_592 : vector<1x16xf32> to vector<16xf32>
        %add3A_594 = arith.constant 1 : i32
        %add3A_595 = arith.addi %mul3A_518, %add3A_594 : i32
        %get3A_596 = arith.index_cast %add3A_595 : i32 to index
        %get3A_597 = arith.constant 96 : index
        %get3A_598 = tpu.vector_load %arg10[%get3A_596, %get3A_597] {strides = array<i32>} : memref<48x384xf32, #tpu.memory_space<vmem>>, vector<1x16xf32>,
        %get3A_599 = vector.shape_cast %get3A_598 : vector<1x16xf32> to vector<16xf32>
        %add3A_600 = arith.addf %get3A_593, %get3A_599 : vector<16xf32>
        %add3A_601 = arith.addf %scan3A_499, %add3A_600 : vector<16xf32>
        %get3A_602 = arith.index_cast %mul3A_518 : i32 to index
        %get3A_603 = arith.constant 112 : index
        %get3A_604 = tpu.vector_load %arg10[%get3A_602, %get3A_603] {strides = array<i32>} : memref<48x384xf32, #tpu.memory_space<vmem>>, vector<1x16xf32>,
        %get3A_605 = vector.shape_cast %get3A_604 : vector<1x16xf32> to vector<16xf32>
        %add3A_606 = arith.constant 1 : i32
        %add3A_607 = arith.addi %mul3A_518, %add3A_606 : i32
        %get3A_608 = arith.index_cast %add3A_607 : i32 to index
        %get3A_609 = arith.constant 112 : index
        %get3A_610 = tpu.vector_load %arg10[%get3A_608, %get3A_609] {strides = array<i32>} : memref<48x384xf32, #tpu.memory_space<vmem>>, vector<1x16xf32>,
        %get3A_611 = vector.shape_cast %get3A_610 : vector<1x16xf32> to vector<16xf32>
        %add3A_612 = arith.addf %get3A_605, %get3A_611 : vector<16xf32>
        %add3A_613 = arith.addf %scan3A_500, %add3A_612 : vector<16xf32>
        %get3A_614 = arith.index_cast %mul3A_518 : i32 to index
        %get3A_615 = arith.constant 128 : index
        %get3A_616 = tpu.vector_load %arg10[%get3A_614, %get3A_615] {strides = array<i32>} : memref<48x384xf32, #tpu.memory_space<vmem>>, vector<1x16xf32>,
        %get3A_617 = vector.shape_cast %get3A_616 : vector<1x16xf32> to vector<16xf32>
        %add3A_618 = arith.constant 1 : i32
        %add3A_619 = arith.addi %mul3A_518, %add3A_618 : i32
        %get3A_620 = arith.index_cast %add3A_619 : i32 to index
        %get3A_621 = arith.constant 128 : index
        %get3A_622 = tpu.vector_load %arg10[%get3A_620, %get3A_621] {strides = array<i32>} : memref<48x384xf32, #tpu.memory_space<vmem>>, vector<1x16xf32>,
        %get3A_623 = vector.shape_cast %get3A_622 : vector<1x16xf32> to vector<16xf32>
        %add3A_624 = arith.addf %get3A_617, %get3A_623 : vector<16xf32>
        %add3A_625 = arith.addf %scan3A_501, %add3A_624 : vector<16xf32>
        %get3A_626 = arith.index_cast %mul3A_518 : i32 to index
        %get3A_627 = arith.constant 144 : index
        %get3A_628 = tpu.vector_load %arg10[%get3A_626, %get3A_627] {strides = array<i32>} : memref<48x384xf32, #tpu.memory_space<vmem>>, vector<1x16xf32>,
        %get3A_629 = vector.shape_cast %get3A_628 : vector<1x16xf32> to vector<16xf32>
        %add3A_630 = arith.constant 1 : i32
        %add3A_631 = arith.addi %mul3A_518, %add3A_630 : i32
        %get3A_632 = arith.index_cast %add3A_631 : i32 to index
        %get3A_633 = arith.constant 144 : index
        %get3A_634 = tpu.vector_load %arg10[%get3A_632, %get3A_633] {strides = array<i32>} : memref<48x384xf32, #tpu.memory_space<vmem>>, vector<1x16xf32>,
        %get3A_635 = vector.shape_cast %get3A_634 : vector<1x16xf32> to vector<16xf32>
        %add3A_636 = arith.addf %get3A_629, %get3A_635 : vector<16xf32>
        %add3A_637 = arith.addf %scan3A_502, %add3A_636 : vector<16xf32>
        %get3A_638 = arith.index_cast %mul3A_518 : i32 to index
        %get3A_639 = arith.constant 160 : index
        %get3A_640 = tpu.vector_load %arg10[%get3A_638, %get3A_639] {strides = array<i32>} : memref<48x384xf32, #tpu.memory_space<vmem>>, vector<1x16xf32>,
        %get3A_641 = vector.shape_cast %get3A_640 : vector<1x16xf32> to vector<16xf32>
        %add3A_642 = arith.constant 1 : i32
        %add3A_643 = arith.addi %mul3A_518, %add3A_642 : i32
        %get3A_644 = arith.index_cast %add3A_643 : i32 to index
        %get3A_645 = arith.constant 160 : index
        %get3A_646 = tpu.vector_load %arg10[%get3A_644, %get3A_645] {strides = array<i32>} : memref<48x384xf32, #tpu.memory_space<vmem>>, vector<1x16xf32>,
        %get3A_647 = vector.shape_cast %get3A_646 : vector<1x16xf32> to vector<16xf32>
        %add3A_648 = arith.addf %get3A_641, %get3A_647 : vector<16xf32>
        %add3A_649 = arith.addf %scan3A_503, %add3A_648 : vector<16xf32>
        %get3A_650 = arith.index_cast %mul3A_518 : i32 to index
        %get3A_651 = arith.constant 176 : index
        %get3A_652 = tpu.vector_load %arg10[%get3A_650, %get3A_651] {strides = array<i32>} : memref<48x384xf32, #tpu.memory_space<vmem>>, vector<1x16xf32>,
        %get3A_653 = vector.shape_cast %get3A_652 : vector<1x16xf32> to vector<16xf32>
        %add3A_654 = arith.constant 1 : i32
        %add3A_655 = arith.addi %mul3A_518, %add3A_654 : i32
        %get3A_656 = arith.index_cast %add3A_655 : i32 to index
        %get3A_657 = arith.constant 176 : index
        %get3A_658 = tpu.vector_load %arg10[%get3A_656, %get3A_657] {strides = array<i32>} : memref<48x384xf32, #tpu.memory_space<vmem>>, vector<1x16xf32>,
        %get3A_659 = vector.shape_cast %get3A_658 : vector<1x16xf32> to vector<16xf32>
        %add3A_660 = arith.addf %get3A_653, %get3A_659 : vector<16xf32>
        %add3A_661 = arith.addf %scan3A_504, %add3A_660 : vector<16xf32>
        %get3A_662 = arith.index_cast %mul3A_518 : i32 to index
        %get3A_663 = arith.constant 192 : index
        %get3A_664 = tpu.vector_load %arg10[%get3A_662, %get3A_663] {strides = array<i32>} : memref<48x384xf32, #tpu.memory_space<vmem>>, vector<1x16xf32>,
        %get3A_665 = vector.shape_cast %get3A_664 : vector<1x16xf32> to vector<16xf32>
        %add3A_666 = arith.constant 1 : i32
        %add3A_667 = arith.addi %mul3A_518, %add3A_666 : i32
        %get3A_668 = arith.index_cast %add3A_667 : i32 to index
        %get3A_669 = arith.constant 192 : index
        %get3A_670 = tpu.vector_load %arg10[%get3A_668, %get3A_669] {strides = array<i32>} : memref<48x384xf32, #tpu.memory_space<vmem>>, vector<1x16xf32>,
        %get3A_671 = vector.shape_cast %get3A_670 : vector<1x16xf32> to vector<16xf32>
        %add3A_672 = arith.addf %get3A_665, %get3A_671 : vector<16xf32>
        %add3A_673 = arith.addf %scan3A_505, %add3A_672 : vector<16xf32>
        %get3A_674 = arith.index_cast %mul3A_518 : i32 to index
        %get3A_675 = arith.constant 208 : index
        %get3A_676 = tpu.vector_load %arg10[%get3A_674, %get3A_675] {strides = array<i32>} : memref<48x384xf32, #tpu.memory_space<vmem>>, vector<1x16xf32>,
        %get3A_677 = vector.shape_cast %get3A_676 : vector<1x16xf32> to vector<16xf32>
        %add3A_678 = arith.constant 1 : i32
        %add3A_679 = arith.addi %mul3A_518, %add3A_678 : i32
        %get3A_680 = arith.index_cast %add3A_679 : i32 to index
        %get3A_681 = arith.constant 208 : index
        %get3A_682 = tpu.vector_load %arg10[%get3A_680, %get3A_681] {strides = array<i32>} : memref<48x384xf32, #tpu.memory_space<vmem>>, vector<1x16xf32>,
        %get3A_683 = vector.shape_cast %get3A_682 : vector<1x16xf32> to vector<16xf32>
        %add3A_684 = arith.addf %get3A_677, %get3A_683 : vector<16xf32>
        %add3A_685 = arith.addf %scan3A_506, %add3A_684 : vector<16xf32>
        %get3A_686 = arith.index_cast %mul3A_518 : i32 to index
        %get3A_687 = arith.constant 224 : index
        %get3A_688 = tpu.vector_load %arg10[%get3A_686, %get3A_687] {strides = array<i32>} : memref<48x384xf32, #tpu.memory_space<vmem>>, vector<1x16xf32>,
        %get3A_689 = vector.shape_cast %get3A_688 : vector<1x16xf32> to vector<16xf32>
        %add3A_690 = arith.constant 1 : i32
        %add3A_691 = arith.addi %mul3A_518, %add3A_690 : i32
        %get3A_692 = arith.index_cast %add3A_691 : i32 to index
        %get3A_693 = arith.constant 224 : index
        %get3A_694 = tpu.vector_load %arg10[%get3A_692, %get3A_693] {strides = array<i32>} : memref<48x384xf32, #tpu.memory_space<vmem>>, vector<1x16xf32>,
        %get3A_695 = vector.shape_cast %get3A_694 : vector<1x16xf32> to vector<16xf32>
        %add3A_696 = arith.addf %get3A_689, %get3A_695 : vector<16xf32>
        %add3A_697 = arith.addf %scan3A_507, %add3A_696 : vector<16xf32>
        %get3A_698 = arith.index_cast %mul3A_518 : i32 to index
        %get3A_699 = arith.constant 240 : index
        %get3A_700 = tpu.vector_load %arg10[%get3A_698, %get3A_699] {strides = array<i32>} : memref<48x384xf32, #tpu.memory_space<vmem>>, vector<1x16xf32>,
        %get3A_701 = vector.shape_cast %get3A_700 : vector<1x16xf32> to vector<16xf32>
        %add3A_702 = arith.constant 1 : i32
        %add3A_703 = arith.addi %mul3A_518, %add3A_702 : i32
        %get3A_704 = arith.index_cast %add3A_703 : i32 to index
        %get3A_705 = arith.constant 240 : index
        %get3A_706 = tpu.vector_load %arg10[%get3A_704, %get3A_705] {strides = array<i32>} : memref<48x384xf32, #tpu.memory_space<vmem>>, vector<1x16xf32>,
        %get3A_707 = vector.shape_cast %get3A_706 : vector<1x16xf32> to vector<16xf32>
        %add3A_708 = arith.addf %get3A_701, %get3A_707 : vector<16xf32>
        %add3A_709 = arith.addf %scan3A_508, %add3A_708 : vector<16xf32>
        %get3A_710 = arith.index_cast %mul3A_518 : i32 to index
        %get3A_711 = arith.constant 256 : index
        %get3A_712 = tpu.vector_load %arg10[%get3A_710, %get3A_711] {strides = array<i32>} : memref<48x384xf32, #tpu.memory_space<vmem>>, vector<1x16xf32>,
        %get3A_713 = vector.shape_cast %get3A_712 : vector<1x16xf32> to vector<16xf32>
        %add3A_714 = arith.constant 1 : i32
        %add3A_715 = arith.addi %mul3A_518, %add3A_714 : i32
        %get3A_716 = arith.index_cast %add3A_715 : i32 to index
        %get3A_717 = arith.constant 256 : index
        %get3A_718 = tpu.vector_load %arg10[%get3A_716, %get3A_717] {strides = array<i32>} : memref<48x384xf32, #tpu.memory_space<vmem>>, vector<1x16xf32>,
        %get3A_719 = vector.shape_cast %get3A_718 : vector<1x16xf32> to vector<16xf32>
        %add3A_720 = arith.addf %get3A_713, %get3A_719 : vector<16xf32>
        %add3A_721 = arith.addf %scan3A_509, %add3A_720 : vector<16xf32>
        %get3A_722 = arith.index_cast %mul3A_518 : i32 to index
        %get3A_723 = arith.constant 272 : index
        %get3A_724 = tpu.vector_load %arg10[%get3A_722, %get3A_723] {strides = array<i32>} : memref<48x384xf32, #tpu.memory_space<vmem>>, vector<1x16xf32>,
        %get3A_725 = vector.shape_cast %get3A_724 : vector<1x16xf32> to vector<16xf32>
        %add3A_726 = arith.constant 1 : i32
        %add3A_727 = arith.addi %mul3A_518, %add3A_726 : i32
        %get3A_728 = arith.index_cast %add3A_727 : i32 to index
        %get3A_729 = arith.constant 272 : index
        %get3A_730 = tpu.vector_load %arg10[%get3A_728, %get3A_729] {strides = array<i32>} : memref<48x384xf32, #tpu.memory_space<vmem>>, vector<1x16xf32>,
        %get3A_731 = vector.shape_cast %get3A_730 : vector<1x16xf32> to vector<16xf32>
        %add3A_732 = arith.addf %get3A_725, %get3A_731 : vector<16xf32>
        %add3A_733 = arith.addf %scan3A_510, %add3A_732 : vector<16xf32>
        %get3A_734 = arith.index_cast %mul3A_518 : i32 to index
        %get3A_735 = arith.constant 288 : index
        %get3A_736 = tpu.vector_load %arg10[%get3A_734, %get3A_735] {strides = array<i32>} : memref<48x384xf32, #tpu.memory_space<vmem>>, vector<1x16xf32>,
        %get3A_737 = vector.shape_cast %get3A_736 : vector<1x16xf32> to vector<16xf32>
        %add3A_738 = arith.constant 1 : i32
        %add3A_739 = arith.addi %mul3A_518, %add3A_738 : i32
        %get3A_740 = arith.index_cast %add3A_739 : i32 to index
        %get3A_741 = arith.constant 288 : index
        %get3A_742 = tpu.vector_load %arg10[%get3A_740, %get3A_741] {strides = array<i32>} : memref<48x384xf32, #tpu.memory_space<vmem>>, vector<1x16xf32>,
        %get3A_743 = vector.shape_cast %get3A_742 : vector<1x16xf32> to vector<16xf32>
        %add3A_744 = arith.addf %get3A_737, %get3A_743 : vector<16xf32>
        %add3A_745 = arith.addf %scan3A_511, %add3A_744 : vector<16xf32>
        %get3A_746 = arith.index_cast %mul3A_518 : i32 to index
        %get3A_747 = arith.constant 304 : index
        %get3A_748 = tpu.vector_load %arg10[%get3A_746, %get3A_747] {strides = array<i32>} : memref<48x384xf32, #tpu.memory_space<vmem>>, vector<1x16xf32>,
        %get3A_749 = vector.shape_cast %get3A_748 : vector<1x16xf32> to vector<16xf32>
        %add3A_750 = arith.constant 1 : i32
        %add3A_751 = arith.addi %mul3A_518, %add3A_750 : i32
        %get3A_752 = arith.index_cast %add3A_751 : i32 to index
        %get3A_753 = arith.constant 304 : index
        %get3A_754 = tpu.vector_load %arg10[%get3A_752, %get3A_753] {strides = array<i32>} : memref<48x384xf32, #tpu.memory_space<vmem>>, vector<1x16xf32>,
        %get3A_755 = vector.shape_cast %get3A_754 : vector<1x16xf32> to vector<16xf32>
        %add3A_756 = arith.addf %get3A_749, %get3A_755 : vector<16xf32>
        %add3A_757 = arith.addf %scan3A_512, %add3A_756 : vector<16xf32>
        %get3A_758 = arith.index_cast %mul3A_518 : i32 to index
        %get3A_759 = arith.constant 320 : index
        %get3A_760 = tpu.vector_load %arg10[%get3A_758, %get3A_759] {strides = array<i32>} : memref<48x384xf32, #tpu.memory_space<vmem>>, vector<1x16xf32>,
        %get3A_761 = vector.shape_cast %get3A_760 : vector<1x16xf32> to vector<16xf32>
        %add3A_762 = arith.constant 1 : i32
        %add3A_763 = arith.addi %mul3A_518, %add3A_762 : i32
        %get3A_764 = arith.index_cast %add3A_763 : i32 to index
        %get3A_765 = arith.constant 320 : index
        %get3A_766 = tpu.vector_load %arg10[%get3A_764, %get3A_765] {strides = array<i32>} : memref<48x384xf32, #tpu.memory_space<vmem>>, vector<1x16xf32>,
        %get3A_767 = vector.shape_cast %get3A_766 : vector<1x16xf32> to vector<16xf32>
        %add3A_768 = arith.addf %get3A_761, %get3A_767 : vector<16xf32>
        %add3A_769 = arith.addf %scan3A_513, %add3A_768 : vector<16xf32>
        %get3A_770 = arith.index_cast %mul3A_518 : i32 to index
        %get3A_771 = arith.constant 336 : index
        %get3A_772 = tpu.vector_load %arg10[%get3A_770, %get3A_771] {strides = array<i32>} : memref<48x384xf32, #tpu.memory_space<vmem>>, vector<1x16xf32>,
        %get3A_773 = vector.shape_cast %get3A_772 : vector<1x16xf32> to vector<16xf32>
        %add3A_774 = arith.constant 1 : i32
        %add3A_775 = arith.addi %mul3A_518, %add3A_774 : i32
        %get3A_776 = arith.index_cast %add3A_775 : i32 to index
        %get3A_777 = arith.constant 336 : index
        %get3A_778 = tpu.vector_load %arg10[%get3A_776, %get3A_777] {strides = array<i32>} : memref<48x384xf32, #tpu.memory_space<vmem>>, vector<1x16xf32>,
        %get3A_779 = vector.shape_cast %get3A_778 : vector<1x16xf32> to vector<16xf32>
        %add3A_780 = arith.addf %get3A_773, %get3A_779 : vector<16xf32>
        %add3A_781 = arith.addf %scan3A_514, %add3A_780 : vector<16xf32>
        %get3A_782 = arith.index_cast %mul3A_518 : i32 to index
        %get3A_783 = arith.constant 352 : index
        %get3A_784 = tpu.vector_load %arg10[%get3A_782, %get3A_783] {strides = array<i32>} : memref<48x384xf32, #tpu.memory_space<vmem>>, vector<1x16xf32>,
        %get3A_785 = vector.shape_cast %get3A_784 : vector<1x16xf32> to vector<16xf32>
        %add3A_786 = arith.constant 1 : i32
        %add3A_787 = arith.addi %mul3A_518, %add3A_786 : i32
        %get3A_788 = arith.index_cast %add3A_787 : i32 to index
        %get3A_789 = arith.constant 352 : index
        %get3A_790 = tpu.vector_load %arg10[%get3A_788, %get3A_789] {strides = array<i32>} : memref<48x384xf32, #tpu.memory_space<vmem>>, vector<1x16xf32>,
        %get3A_791 = vector.shape_cast %get3A_790 : vector<1x16xf32> to vector<16xf32>
        %add3A_792 = arith.addf %get3A_785, %get3A_791 : vector<16xf32>
        %add3A_793 = arith.addf %scan3A_515, %add3A_792 : vector<16xf32>
        %get3A_794 = arith.index_cast %mul3A_518 : i32 to index
        %get3A_795 = arith.constant 368 : index
        %get3A_796 = tpu.vector_load %arg10[%get3A_794, %get3A_795] {strides = array<i32>} : memref<48x384xf32, #tpu.memory_space<vmem>>, vector<1x16xf32>,
        %get3A_797 = vector.shape_cast %get3A_796 : vector<1x16xf32> to vector<16xf32>
        %add3A_798 = arith.constant 1 : i32
        %add3A_799 = arith.addi %mul3A_518, %add3A_798 : i32
        %get3A_800 = arith.index_cast %add3A_799 : i32 to index
        %get3A_801 = arith.constant 368 : index
        %get3A_802 = tpu.vector_load %arg10[%get3A_800, %get3A_801] {strides = array<i32>} : memref<48x384xf32, #tpu.memory_space<vmem>>, vector<1x16xf32>,
        %get3A_803 = vector.shape_cast %get3A_802 : vector<1x16xf32> to vector<16xf32>
        %add3A_804 = arith.addf %get3A_797, %get3A_803 : vector<16xf32>
        %add3A_805 = arith.addf %scan3A_516, %add3A_804 : vector<16xf32>
        scf.yield %add3A_529, %add3A_541, %add3A_553, %add3A_565, %add3A_577, %add3A_589, %add3A_601, %add3A_613, %add3A_625, %add3A_637, %add3A_649, %add3A_661, %add3A_673, %add3A_685, %add3A_697, %add3A_709, %add3A_721, %add3A_733, %add3A_745, %add3A_757, %add3A_769, %add3A_781, %add3A_793, %add3A_805 : vector<16xf32>, vector<16xf32>, vector<16xf32>, vector<16xf32>, vector<16xf32>, vector<16xf32>, vector<16xf32>, vector<16xf32>, vector<16xf32>, vector<16xf32>, vector<16xf32>, vector<16xf32>, vector<16xf32>, vector<16xf32>, vector<16xf32>, vector<16xf32>, vector<16xf32>, vector<16xf32>, vector<16xf32>, vector<16xf32>, vector<16xf32>, vector<16xf32>, vector<16xf32>, vector<16xf32>
      }
      %scan3A_368 = arith.constant 24 : i32
      %convert_element_type3A_369 = arith.extui %lt3A_264 : i1 to i32
      %cond3A_370 = arith.constant 0 : i32
      %cond3A_371 = arith.cmpi ne, %convert_element_type3A_369, %cond3A_370 : i32
      scf.if %cond3A_371 {
        %dma_start3A_492 = arith.constant 152 : i32
        %dma_start3A_493 = tpu.memref_slice %arg5[%dma_start3A_492] : memref<200xi32, #tpu.memory_space<vmem>> -> memref<48xi32, #tpu.memory_space<vmem>>
        %dma_start3A_494 = arith.constant 0 : i32
        %dma_start3A_495 = arith.constant 0 : i32
        %dma_start3A_496 = tpu.memref_slice %arg3[%dma_start3A_494, %dma_start3A_495] : memref<100000x384xf32, #tpu.memory_space<hbm>> -> memref<100000x384xf32, #tpu.memory_space<hbm>>
        tpu.enqueue_indirect_dma source(%dma_start3A_496 : memref<100000x384xf32, #tpu.memory_space<hbm>>) target(%arg10 : memref<48x384xf32, #tpu.memory_space<vmem>>) offsets(%dma_start3A_493 : memref<48xi32, #tpu.memory_space<vmem>>) semaphore(%arg15 : memref<!tpu.dma_semaphore, #tpu.memory_space<semaphore_mem>>)
      } else {
      }
      %swap3A_372 = arith.index_cast %add3A_260 : i32 to index
      %swap3A_373 = arith.constant 0 : index
      %swap3A_374 = tpu.vector_load %arg11[%swap3A_372, %swap3A_373] {strides = array<i32>} : memref<128x384xf32, #tpu.memory_space<vmem>>, vector<1x16xf32>,
      %swap3A_375 = vector.shape_cast %swap3A_374 : vector<1x16xf32> to vector<16xf32>
      %swap3A_376 = vector.shape_cast %scan3A_367#0 : vector<16xf32> to vector<1x16xf32>
      tpu.vector_store %arg11[%swap3A_372, %swap3A_373], %swap3A_376 {strides = array<i32>} : memref<128x384xf32, #tpu.memory_space<vmem>>, vector<1x16xf32>,
      %swap3A_377 = arith.index_cast %add3A_260 : i32 to index
      %swap3A_378 = arith.constant 16 : index
      %swap3A_379 = tpu.vector_load %arg11[%swap3A_377, %swap3A_378] {strides = array<i32>} : memref<128x384xf32, #tpu.memory_space<vmem>>, vector<1x16xf32>,
      %swap3A_380 = vector.shape_cast %swap3A_379 : vector<1x16xf32> to vector<16xf32>
      %swap3A_381 = vector.shape_cast %scan3A_367#1 : vector<16xf32> to vector<1x16xf32>
      tpu.vector_store %arg11[%swap3A_377, %swap3A_378], %swap3A_381 {strides = array<i32>} : memref<128x384xf32, #tpu.memory_space<vmem>>, vector<1x16xf32>,
      %swap3A_382 = arith.index_cast %add3A_260 : i32 to index
      %swap3A_383 = arith.constant 32 : index
      %swap3A_384 = tpu.vector_load %arg11[%swap3A_382, %swap3A_383] {strides = array<i32>} : memref<128x384xf32, #tpu.memory_space<vmem>>, vector<1x16xf32>,
      %swap3A_385 = vector.shape_cast %swap3A_384 : vector<1x16xf32> to vector<16xf32>
      %swap3A_386 = vector.shape_cast %scan3A_367#2 : vector<16xf32> to vector<1x16xf32>
      tpu.vector_store %arg11[%swap3A_382, %swap3A_383], %swap3A_386 {strides = array<i32>} : memref<128x384xf32, #tpu.memory_space<vmem>>, vector<1x16xf32>,
      %swap3A_387 = arith.index_cast %add3A_260 : i32 to index
      %swap3A_388 = arith.constant 48 : index
      %swap3A_389 = tpu.vector_load %arg11[%swap3A_387, %swap3A_388] {strides = array<i32>} : memref<128x384xf32, #tpu.memory_space<vmem>>, vector<1x16xf32>,
      %swap3A_390 = vector.shape_cast %swap3A_389 : vector<1x16xf32> to vector<16xf32>
      %swap3A_391 = vector.shape_cast %scan3A_367#3 : vector<16xf32> to vector<1x16xf32>
      tpu.vector_store %arg11[%swap3A_387, %swap3A_388], %swap3A_391 {strides = array<i32>} : memref<128x384xf32, #tpu.memory_space<vmem>>, vector<1x16xf32>,
      %swap3A_392 = arith.index_cast %add3A_260 : i32 to index
      %swap3A_393 = arith.constant 64 : index
      %swap3A_394 = tpu.vector_load %arg11[%swap3A_392, %swap3A_393] {strides = array<i32>} : memref<128x384xf32, #tpu.memory_space<vmem>>, vector<1x16xf32>,
      %swap3A_395 = vector.shape_cast %swap3A_394 : vector<1x16xf32> to vector<16xf32>
      %swap3A_396 = vector.shape_cast %scan3A_367#4 : vector<16xf32> to vector<1x16xf32>
      tpu.vector_store %arg11[%swap3A_392, %swap3A_393], %swap3A_396 {strides = array<i32>} : memref<128x384xf32, #tpu.memory_space<vmem>>, vector<1x16xf32>,
      %swap3A_397 = arith.index_cast %add3A_260 : i32 to index
      %swap3A_398 = arith.constant 80 : index
      %swap3A_399 = tpu.vector_load %arg11[%swap3A_397, %swap3A_398] {strides = array<i32>} : memref<128x384xf32, #tpu.memory_space<vmem>>, vector<1x16xf32>,
      %swap3A_400 = vector.shape_cast %swap3A_399 : vector<1x16xf32> to vector<16xf32>
      %swap3A_401 = vector.shape_cast %scan3A_367#5 : vector<16xf32> to vector<1x16xf32>
      tpu.vector_store %arg11[%swap3A_397, %swap3A_398], %swap3A_401 {strides = array<i32>} : memref<128x384xf32, #tpu.memory_space<vmem>>, vector<1x16xf32>,
      %swap3A_402 = arith.index_cast %add3A_260 : i32 to index
      %swap3A_403 = arith.constant 96 : index
      %swap3A_404 = tpu.vector_load %arg11[%swap3A_402, %swap3A_403] {strides = array<i32>} : memref<128x384xf32, #tpu.memory_space<vmem>>, vector<1x16xf32>,
      %swap3A_405 = vector.shape_cast %swap3A_404 : vector<1x16xf32> to vector<16xf32>
      %swap3A_406 = vector.shape_cast %scan3A_367#6 : vector<16xf32> to vector<1x16xf32>
      tpu.vector_store %arg11[%swap3A_402, %swap3A_403], %swap3A_406 {strides = array<i32>} : memref<128x384xf32, #tpu.memory_space<vmem>>, vector<1x16xf32>,
      %swap3A_407 = arith.index_cast %add3A_260 : i32 to index
      %swap3A_408 = arith.constant 112 : index
      %swap3A_409 = tpu.vector_load %arg11[%swap3A_407, %swap3A_408] {strides = array<i32>} : memref<128x384xf32, #tpu.memory_space<vmem>>, vector<1x16xf32>,
      %swap3A_410 = vector.shape_cast %swap3A_409 : vector<1x16xf32> to vector<16xf32>
      %swap3A_411 = vector.shape_cast %scan3A_367#7 : vector<16xf32> to vector<1x16xf32>
      tpu.vector_store %arg11[%swap3A_407, %swap3A_408], %swap3A_411 {strides = array<i32>} : memref<128x384xf32, #tpu.memory_space<vmem>>, vector<1x16xf32>,
      %swap3A_412 = arith.index_cast %add3A_260 : i32 to index
      %swap3A_413 = arith.constant 128 : index
      %swap3A_414 = tpu.vector_load %arg11[%swap3A_412, %swap3A_413] {strides = array<i32>} : memref<128x384xf32, #tpu.memory_space<vmem>>, vector<1x16xf32>,
      %swap3A_415 = vector.shape_cast %swap3A_414 : vector<1x16xf32> to vector<16xf32>
      %swap3A_416 = vector.shape_cast %scan3A_367#8 : vector<16xf32> to vector<1x16xf32>
      tpu.vector_store %arg11[%swap3A_412, %swap3A_413], %swap3A_416 {strides = array<i32>} : memref<128x384xf32, #tpu.memory_space<vmem>>, vector<1x16xf32>,
      %swap3A_417 = arith.index_cast %add3A_260 : i32 to index
      %swap3A_418 = arith.constant 144 : index
      %swap3A_419 = tpu.vector_load %arg11[%swap3A_417, %swap3A_418] {strides = array<i32>} : memref<128x384xf32, #tpu.memory_space<vmem>>, vector<1x16xf32>,
      %swap3A_420 = vector.shape_cast %swap3A_419 : vector<1x16xf32> to vector<16xf32>
      %swap3A_421 = vector.shape_cast %scan3A_367#9 : vector<16xf32> to vector<1x16xf32>
      tpu.vector_store %arg11[%swap3A_417, %swap3A_418], %swap3A_421 {strides = array<i32>} : memref<128x384xf32, #tpu.memory_space<vmem>>, vector<1x16xf32>,
      %swap3A_422 = arith.index_cast %add3A_260 : i32 to index
      %swap3A_423 = arith.constant 160 : index
      %swap3A_424 = tpu.vector_load %arg11[%swap3A_422, %swap3A_423] {strides = array<i32>} : memref<128x384xf32, #tpu.memory_space<vmem>>, vector<1x16xf32>,
      %swap3A_425 = vector.shape_cast %swap3A_424 : vector<1x16xf32> to vector<16xf32>
      %swap3A_426 = vector.shape_cast %scan3A_367#10 : vector<16xf32> to vector<1x16xf32>
      tpu.vector_store %arg11[%swap3A_422, %swap3A_423], %swap3A_426 {strides = array<i32>} : memref<128x384xf32, #tpu.memory_space<vmem>>, vector<1x16xf32>,
      %swap3A_427 = arith.index_cast %add3A_260 : i32 to index
      %swap3A_428 = arith.constant 176 : index
      %swap3A_429 = tpu.vector_load %arg11[%swap3A_427, %swap3A_428] {strides = array<i32>} : memref<128x384xf32, #tpu.memory_space<vmem>>, vector<1x16xf32>,
      %swap3A_430 = vector.shape_cast %swap3A_429 : vector<1x16xf32> to vector<16xf32>
      %swap3A_431 = vector.shape_cast %scan3A_367#11 : vector<16xf32> to vector<1x16xf32>
      tpu.vector_store %arg11[%swap3A_427, %swap3A_428], %swap3A_431 {strides = array<i32>} : memref<128x384xf32, #tpu.memory_space<vmem>>, vector<1x16xf32>,
      %swap3A_432 = arith.index_cast %add3A_260 : i32 to index
      %swap3A_433 = arith.constant 192 : index
      %swap3A_434 = tpu.vector_load %arg11[%swap3A_432, %swap3A_433] {strides = array<i32>} : memref<128x384xf32, #tpu.memory_space<vmem>>, vector<1x16xf32>,
      %swap3A_435 = vector.shape_cast %swap3A_434 : vector<1x16xf32> to vector<16xf32>
      %swap3A_436 = vector.shape_cast %scan3A_367#12 : vector<16xf32> to vector<1x16xf32>
      tpu.vector_store %arg11[%swap3A_432, %swap3A_433], %swap3A_436 {strides = array<i32>} : memref<128x384xf32, #tpu.memory_space<vmem>>, vector<1x16xf32>,
      %swap3A_437 = arith.index_cast %add3A_260 : i32 to index
      %swap3A_438 = arith.constant 208 : index
      %swap3A_439 = tpu.vector_load %arg11[%swap3A_437, %swap3A_438] {strides = array<i32>} : memref<128x384xf32, #tpu.memory_space<vmem>>, vector<1x16xf32>,
      %swap3A_440 = vector.shape_cast %swap3A_439 : vector<1x16xf32> to vector<16xf32>
      %swap3A_441 = vector.shape_cast %scan3A_367#13 : vector<16xf32> to vector<1x16xf32>
      tpu.vector_store %arg11[%swap3A_437, %swap3A_438], %swap3A_441 {strides = array<i32>} : memref<128x384xf32, #tpu.memory_space<vmem>>, vector<1x16xf32>,
      %swap3A_442 = arith.index_cast %add3A_260 : i32 to index
      %swap3A_443 = arith.constant 224 : index
      %swap3A_444 = tpu.vector_load %arg11[%swap3A_442, %swap3A_443] {strides = array<i32>} : memref<128x384xf32, #tpu.memory_space<vmem>>, vector<1x16xf32>,
      %swap3A_445 = vector.shape_cast %swap3A_444 : vector<1x16xf32> to vector<16xf32>
      %swap3A_446 = vector.shape_cast %scan3A_367#14 : vector<16xf32> to vector<1x16xf32>
      tpu.vector_store %arg11[%swap3A_442, %swap3A_443], %swap3A_446 {strides = array<i32>} : memref<128x384xf32, #tpu.memory_space<vmem>>, vector<1x16xf32>,
      %swap3A_447 = arith.index_cast %add3A_260 : i32 to index
      %swap3A_448 = arith.constant 240 : index
      %swap3A_449 = tpu.vector_load %arg11[%swap3A_447, %swap3A_448] {strides = array<i32>} : memref<128x384xf32, #tpu.memory_space<vmem>>, vector<1x16xf32>,
      %swap3A_450 = vector.shape_cast %swap3A_449 : vector<1x16xf32> to vector<16xf32>
      %swap3A_451 = vector.shape_cast %scan3A_367#15 : vector<16xf32> to vector<1x16xf32>
      tpu.vector_store %arg11[%swap3A_447, %swap3A_448], %swap3A_451 {strides = array<i32>} : memref<128x384xf32, #tpu.memory_space<vmem>>, vector<1x16xf32>,
      %swap3A_452 = arith.index_cast %add3A_260 : i32 to index
      %swap3A_453 = arith.constant 256 : index
      %swap3A_454 = tpu.vector_load %arg11[%swap3A_452, %swap3A_453] {strides = array<i32>} : memref<128x384xf32, #tpu.memory_space<vmem>>, vector<1x16xf32>,
      %swap3A_455 = vector.shape_cast %swap3A_454 : vector<1x16xf32> to vector<16xf32>
      %swap3A_456 = vector.shape_cast %scan3A_367#16 : vector<16xf32> to vector<1x16xf32>
      tpu.vector_store %arg11[%swap3A_452, %swap3A_453], %swap3A_456 {strides = array<i32>} : memref<128x384xf32, #tpu.memory_space<vmem>>, vector<1x16xf32>,
      %swap3A_457 = arith.index_cast %add3A_260 : i32 to index
      %swap3A_458 = arith.constant 272 : index
      %swap3A_459 = tpu.vector_load %arg11[%swap3A_457, %swap3A_458] {strides = array<i32>} : memref<128x384xf32, #tpu.memory_space<vmem>>, vector<1x16xf32>,
      %swap3A_460 = vector.shape_cast %swap3A_459 : vector<1x16xf32> to vector<16xf32>
      %swap3A_461 = vector.shape_cast %scan3A_367#17 : vector<16xf32> to vector<1x16xf32>
      tpu.vector_store %arg11[%swap3A_457, %swap3A_458], %swap3A_461 {strides = array<i32>} : memref<128x384xf32, #tpu.memory_space<vmem>>, vector<1x16xf32>,
      %swap3A_462 = arith.index_cast %add3A_260 : i32 to index
      %swap3A_463 = arith.constant 288 : index
      %swap3A_464 = tpu.vector_load %arg11[%swap3A_462, %swap3A_463] {strides = array<i32>} : memref<128x384xf32, #tpu.memory_space<vmem>>, vector<1x16xf32>,
      %swap3A_465 = vector.shape_cast %swap3A_464 : vector<1x16xf32> to vector<16xf32>
      %swap3A_466 = vector.shape_cast %scan3A_367#18 : vector<16xf32> to vector<1x16xf32>
      tpu.vector_store %arg11[%swap3A_462, %swap3A_463], %swap3A_466 {strides = array<i32>} : memref<128x384xf32, #tpu.memory_space<vmem>>, vector<1x16xf32>,
      %swap3A_467 = arith.index_cast %add3A_260 : i32 to index
      %swap3A_468 = arith.constant 304 : index
      %swap3A_469 = tpu.vector_load %arg11[%swap3A_467, %swap3A_468] {strides = array<i32>} : memref<128x384xf32, #tpu.memory_space<vmem>>, vector<1x16xf32>,
      %swap3A_470 = vector.shape_cast %swap3A_469 : vector<1x16xf32> to vector<16xf32>
      %swap3A_471 = vector.shape_cast %scan3A_367#19 : vector<16xf32> to vector<1x16xf32>
      tpu.vector_store %arg11[%swap3A_467, %swap3A_468], %swap3A_471 {strides = array<i32>} : memref<128x384xf32, #tpu.memory_space<vmem>>, vector<1x16xf32>,
      %swap3A_472 = arith.index_cast %add3A_260 : i32 to index
      %swap3A_473 = arith.constant 320 : index
      %swap3A_474 = tpu.vector_load %arg11[%swap3A_472, %swap3A_473] {strides = array<i32>} : memref<128x384xf32, #tpu.memory_space<vmem>>, vector<1x16xf32>,
      %swap3A_475 = vector.shape_cast %swap3A_474 : vector<1x16xf32> to vector<16xf32>
      %swap3A_476 = vector.shape_cast %scan3A_367#20 : vector<16xf32> to vector<1x16xf32>
      tpu.vector_store %arg11[%swap3A_472, %swap3A_473], %swap3A_476 {strides = array<i32>} : memref<128x384xf32, #tpu.memory_space<vmem>>, vector<1x16xf32>,
      %swap3A_477 = arith.index_cast %add3A_260 : i32 to index
      %swap3A_478 = arith.constant 336 : index
      %swap3A_479 = tpu.vector_load %arg11[%swap3A_477, %swap3A_478] {strides = array<i32>} : memref<128x384xf32, #tpu.memory_space<vmem>>, vector<1x16xf32>,
      %swap3A_480 = vector.shape_cast %swap3A_479 : vector<1x16xf32> to vector<16xf32>
      %swap3A_481 = vector.shape_cast %scan3A_367#21 : vector<16xf32> to vector<1x16xf32>
      tpu.vector_store %arg11[%swap3A_477, %swap3A_478], %swap3A_481 {strides = array<i32>} : memref<128x384xf32, #tpu.memory_space<vmem>>, vector<1x16xf32>,
      %swap3A_482 = arith.index_cast %add3A_260 : i32 to index
      %swap3A_483 = arith.constant 352 : index
      %swap3A_484 = tpu.vector_load %arg11[%swap3A_482, %swap3A_483] {strides = array<i32>} : memref<128x384xf32, #tpu.memory_space<vmem>>, vector<1x16xf32>,
      %swap3A_485 = vector.shape_cast %swap3A_484 : vector<1x16xf32> to vector<16xf32>
      %swap3A_486 = vector.shape_cast %scan3A_367#22 : vector<16xf32> to vector<1x16xf32>
      tpu.vector_store %arg11[%swap3A_482, %swap3A_483], %swap3A_486 {strides = array<i32>} : memref<128x384xf32, #tpu.memory_space<vmem>>, vector<1x16xf32>,
      %swap3A_487 = arith.index_cast %add3A_260 : i32 to index
      %swap3A_488 = arith.constant 368 : index
      %swap3A_489 = tpu.vector_load %arg11[%swap3A_487, %swap3A_488] {strides = array<i32>} : memref<128x384xf32, #tpu.memory_space<vmem>>, vector<1x16xf32>,
      %swap3A_490 = vector.shape_cast %swap3A_489 : vector<1x16xf32> to vector<16xf32>
      %swap3A_491 = vector.shape_cast %scan3A_367#23 : vector<16xf32> to vector<1x16xf32>
      tpu.vector_store %arg11[%swap3A_487, %swap3A_488], %swap3A_491 {strides = array<i32>} : memref<128x384xf32, #tpu.memory_space<vmem>>, vector<1x16xf32>,
    }
    %scan3A_30 = arith.constant 64 : i32
    "tpu.region"() ({
      %run_scoped3A = tpu.sem_alloc : memref<!tpu.dma_semaphore, #tpu.memory_space<semaphore_mem>>
      %dma_start3A_31 = arith.constant 0 : i32
      %dma_start3A_32 = tpu.memref_slice %arg4[%mul3A_2, %dma_start3A_31] : memref<4096x384xf32, #tpu.memory_space<hbm>> -> memref<128x384xf32, #tpu.memory_space<hbm>>
      %dma_start3A_33 = arith.constant 0 : i32
      %dma_start3A_34 = tpu.memref_slice %arg4[%mul3A_2, %dma_start3A_33] : memref<4096x384xf32, #tpu.memory_space<hbm>> -> memref<128x384xf32, #tpu.memory_space<hbm>>
      tpu.enqueue_dma source(%arg11 : memref<128x384xf32, #tpu.memory_space<vmem>>) target(%dma_start3A_34 : memref<128x384xf32, #tpu.memory_space<hbm>>) target_semaphore(%run_scoped3A : memref<!tpu.dma_semaphore, #tpu.memory_space<semaphore_mem>>)
      %dma_wait3A = arith.constant 0 : i32
      %dma_wait3A_35 = tpu.memref_slice %arg4[%mul3A_2, %dma_wait3A] : memref<4096x384xf32, #tpu.memory_space<hbm>> -> memref<128x384xf32, #tpu.memory_space<hbm>>
      %dma_wait3A_36 = arith.constant 0 : i32
      %dma_wait3A_37 = tpu.memref_slice %arg4[%mul3A_2, %dma_wait3A_36] : memref<4096x384xf32, #tpu.memory_space<hbm>> -> memref<128x384xf32, #tpu.memory_space<hbm>>
      tpu.wait_dma2 semaphore(%run_scoped3A : memref<!tpu.dma_semaphore, #tpu.memory_space<semaphore_mem>>) src(%arg11 : memref<128x384xf32, #tpu.memory_space<vmem>>) dst(%dma_wait3A_37 : memref<128x384xf32, #tpu.memory_space<hbm>>)
      tpu.yield
    }) : () -> ()
    return
  }
}

module attributes {stable_mosaic.version = 14 : i64} {
  func.func @_mlp_body(%arg0: memref<4096x384xf32, #tpu.memory_space<vmem>>, %arg1: memref<4096x1xf32, #tpu.memory_space<vmem>>, %arg2: memref<150x300xf32, #tpu.memory_space<vmem>>, %arg3: memref<1x150xf32, #tpu.memory_space<vmem>>, %arg4: memref<150x150xf32, #tpu.memory_space<vmem>>, %arg5: memref<1x150xf32, #tpu.memory_space<vmem>>, %arg6: memref<1x150xf32, #tpu.memory_space<vmem>>, %arg7: memref<1x1xf32, #tpu.memory_space<vmem>>, %arg8: memref<4096x1xf32, #tpu.memory_space<vmem>>) attributes {dimension_semantics = [], scalar_prefetch = 0 : i64, scratch_operands = 0 : i64, tpu.core_type = #tpu.core_type<tc>} {
    %get3A = arith.constant 0 : index
    %get3A_0 = arith.constant 0 : index
    %get3A_1 = vector.load %arg0[%get3A, %get3A_0] : memref<4096x384xf32, #tpu.memory_space<vmem>>, vector<4096x300xf32>
    %get3A_2 = arith.constant 0 : index
    %get3A_3 = arith.constant 0 : index
    %get3A_4 = vector.load %arg1[%get3A_2, %get3A_3] : memref<4096x1xf32, #tpu.memory_space<vmem>>, vector<4096x1xf32>
    %div3A = vector.broadcast %get3A_4 : vector<4096x1xf32> to vector<4096x300xf32>
    %div3A_5 = arith.divf %get3A_1, %div3A : vector<4096x300xf32>
    %convert_element_type3A = arith.truncf %div3A_5 : vector<4096x300xf32> to vector<4096x300xbf16>
    %get3A_6 = arith.constant 0 : index
    %get3A_7 = arith.constant 0 : index
    %get3A_8 = vector.load %arg2[%get3A_6, %get3A_7] : memref<150x300xf32, #tpu.memory_space<vmem>>, vector<150x300xf32>
    %convert_element_type3A_9 = arith.truncf %get3A_8 : vector<150x300xf32> to vector<150x300xbf16>
    %dot_general3A = arith.constant dense<0.000000e+00> : vector<4096x150xf32>
    %dot_general3A_10 = tpu.matmul %convert_element_type3A, %convert_element_type3A_9, %dot_general3A {dimension_numbers = #tpu.dot_dimension_numbers<[1], [1], [0], [0], [0, 0, 1, 0], [], []>, transpose_lhs_hint = false} : vector<4096x300xbf16>, vector<150x300xbf16>, vector<4096x150xf32> -> vector<4096x150xf32>
    %get3A_11 = arith.constant 0 : index
    %get3A_12 = arith.constant 0 : index
    %get3A_13 = vector.load %arg3[%get3A_11, %get3A_12] : memref<1x150xf32, #tpu.memory_space<vmem>>, vector<1x150xf32>
    %add3A = vector.broadcast %get3A_13 : vector<1x150xf32> to vector<4096x150xf32>
    %add3A_14 = arith.addf %dot_general3A_10, %add3A : vector<4096x150xf32>
    %logistic3A = arith.negf %add3A_14 : vector<4096x150xf32>
    %logistic3A_15 = math.exp %logistic3A : vector<4096x150xf32>
    %logistic3A_16 = arith.constant 1.000000e+00 : f32
    %logistic3A_17 = vector.broadcast %logistic3A_16 : f32 to vector<4096x150xf32>
    %logistic3A_18 = arith.addf %logistic3A_17, %logistic3A_15 : vector<4096x150xf32>
    %logistic3A_19 = arith.divf %logistic3A_17, %logistic3A_18 : vector<4096x150xf32>
    %convert_element_type3A_20 = arith.truncf %logistic3A_19 : vector<4096x150xf32> to vector<4096x150xbf16>
    %get3A_21 = arith.constant 0 : index
    %get3A_22 = arith.constant 0 : index
    %get3A_23 = vector.load %arg4[%get3A_21, %get3A_22] : memref<150x150xf32, #tpu.memory_space<vmem>>, vector<150x150xf32>
    %convert_element_type3A_24 = arith.truncf %get3A_23 : vector<150x150xf32> to vector<150x150xbf16>
    %dot_general3A_25 = arith.constant dense<0.000000e+00> : vector<4096x150xf32>
    %dot_general3A_26 = tpu.matmul %convert_element_type3A_20, %convert_element_type3A_24, %dot_general3A_25 {dimension_numbers = #tpu.dot_dimension_numbers<[1], [1], [0], [0], [0, 0, 1, 0], [], []>, transpose_lhs_hint = false} : vector<4096x150xbf16>, vector<150x150xbf16>, vector<4096x150xf32> -> vector<4096x150xf32>
    %get3A_27 = arith.constant 0 : index
    %get3A_28 = arith.constant 0 : index
    %get3A_29 = vector.load %arg5[%get3A_27, %get3A_28] : memref<1x150xf32, #tpu.memory_space<vmem>>, vector<1x150xf32>
    %add3A_30 = vector.broadcast %get3A_29 : vector<1x150xf32> to vector<4096x150xf32>
    %add3A_31 = arith.addf %dot_general3A_26, %add3A_30 : vector<4096x150xf32>
    %logistic3A_32 = arith.negf %add3A_31 : vector<4096x150xf32>
    %logistic3A_33 = math.exp %logistic3A_32 : vector<4096x150xf32>
    %logistic3A_34 = arith.constant 1.000000e+00 : f32
    %logistic3A_35 = vector.broadcast %logistic3A_34 : f32 to vector<4096x150xf32>
    %logistic3A_36 = arith.addf %logistic3A_35, %logistic3A_33 : vector<4096x150xf32>
    %logistic3A_37 = arith.divf %logistic3A_35, %logistic3A_36 : vector<4096x150xf32>
    %get3A_38 = arith.constant 0 : index
    %get3A_39 = arith.constant 0 : index
    %get3A_40 = vector.load %arg6[%get3A_38, %get3A_39] : memref<1x150xf32, #tpu.memory_space<vmem>>, vector<1x150xf32>
    %convert_element_type3A_41 = arith.truncf %get3A_40 : vector<1x150xf32> to vector<1x150xbf16>
    %convert_element_type3A_42 = arith.extf %convert_element_type3A_41 : vector<1x150xbf16> to vector<1x150xf32>
    %convert_element_type3A_43 = arith.truncf %logistic3A_37 : vector<4096x150xf32> to vector<4096x150xbf16>
    %convert_element_type3A_44 = arith.extf %convert_element_type3A_43 : vector<4096x150xbf16> to vector<4096x150xf32>
    %mul3A = vector.broadcast %convert_element_type3A_42 : vector<1x150xf32> to vector<4096x150xf32>
    %mul3A_45 = arith.mulf %convert_element_type3A_44, %mul3A : vector<4096x150xf32>
    %reduce_sum3A = arith.constant dense<0.000000e+00> : vector<4096xf32>
    %reduce_sum3A_46 = vector.multi_reduction <add>, %mul3A_45, %reduce_sum3A [1] : vector<4096x150xf32> to vector<4096xf32>
    %broadcast_in_dim3A = vector.shape_cast %reduce_sum3A_46 : vector<4096xf32> to vector<4096x1xf32>
    %get3A_47 = arith.constant 0 : index
    %get3A_48 = arith.constant 0 : index
    %get3A_49 = vector.load %arg7[%get3A_47, %get3A_48] : memref<1x1xf32, #tpu.memory_space<vmem>>, vector<1x1xf32>
    %get3A_50 = vector.extract %get3A_49[0, 0] : f32 from vector<1x1xf32>
    %add3A_51 = vector.broadcast %get3A_50 : f32 to vector<4096x1xf32>
    %add3A_52 = arith.addf %broadcast_in_dim3A, %add3A_51 : vector<4096x1xf32>
    %swap3A = arith.constant 0 : index
    %swap3A_53 = arith.constant 0 : index
    %swap3A_54 = vector.load %arg8[%swap3A, %swap3A_53] : memref<4096x1xf32, #tpu.memory_space<vmem>>, vector<4096x1xf32>
    tpu.vector_store %arg8[%swap3A, %swap3A_53], %add3A_52 {strides = array<i32>} : memref<4096x1xf32, #tpu.memory_space<vmem>>, vector<4096x1xf32>,
    return
  }
}

</mosaic_0001>

<sc_bundles>
// kernel: kernel.4.cloned.1.call-start
scs
__scs_entry_jumppad:
0x0: {  	(pc) =	sbr.rel $0x88, $3  }
0x1: {  	(tag) =	ssettag $0x0;
	lr =	simm.s32 $0x1  }
0x2: {  	[smem:$0x3F98] =	sst lr;
	_ =	strace $0xD0000000  }
0x3: {  	_ = 	snop  }
0x4: {  	_ = 	snop  }
0x5: {  	_ = 	snop  }
0x6: {  	_ = 	snop  }
0x7: {  	_ = 	snop  }
__scs_overlays_trampoline_lowered:
0x8: {  	[smem:$0x3FA7] =	sst s0  }
0x9: {  	[smem:$0x3FA8] =	sst s1  }
0xa: {  	[smem:$0x3FA9] =	sst s2  }
0xb: {  	[smem:$0x3FAA] =	sst s3  }
0xc: {  	[smem:$0x3FAB] =	sst s4  }
0xd: {  	[smem:$0x3FAC] =	sst s5  }
0xe: {  	[smem:$0x3FAD] =	sst s6  }
0xf: {  	[smem:$0x3FAE] =	sst s7  }
0x10: {  	[smem:$0x3FAF] =	sst s8  }
0x11: {  	[smem:$0x3FB0] =	sst s9;
	s0 =	simm.s32 @!p0 $0x0  }
0x12: {  	s1 =	sld [smem:$0x3F96];
	s0 =	simm.s32 @p0 $0x1  }
0x13: {  	[smem:$0x3FB1] =	sst s0;
	s0 =	simm.s32 @!p1 $0x0  }
0x14: {  	s2 =	sld [smem:$0x3F95];
	s0 =	simm.s32 @p1 $0x1  }
0x15: {  	[smem:$0x3FB2] =	sst s0;
	s0 =	simm.s32 @!p2 $0x0  }
0x16: {  	s3 =	sld [smem:$0x3FDB];
	s0 =	simm.s32 @p2 $0x1  }
0x17: {  	s4 =	simm.s32 $0x1BF5;
	[smem:$0x3FB4] =	sst s0  }
0x18: {  	s0 =	sld [smem:$0x3F97];
	_ =	swait.ge [sflag:s4], $0x0  }
0x19: {  	s7 =	sld [smem:$0x3F98]  }
0x1a: {  	s8 =	sadd.s32 $0xFFFFE003, lr  }
0x1b: {  	s9 =	sadd.s32 $0xFFFFFEF7, lr;
	s5 =	simm.s32 $0xFFFFFFFF;
	p2 =	slt.u32 s8, $0xFFFFF086  }
0x1c: {  	p1 =	slt.u32 s9, $0xF7A;
	s5 =	simm.s32 @!p2 $0x0  }
0x1d: {  	s5 =	simm.s32 @p1 $0x1;
	p0 =	seq.s32 s7, s2  }
0x1e: {  	s7 =	smul.u32 @!p0 $0xF7A, s2;
	p2 =	seq.s32 @!p0 s5, $0x0  }
0x1f: {  	s9 =	smul.u32 $0xF7A, s1;
	s8 =	simm.s32 @!p0 $0x1BF5;
	p2 =	por !p2, p0  }
0x20: {  	[sflag:s8] =	ssyncset.s32 @!p0 $0xFFFFF086;
	s6 =	sadd.s32 @!p0 s3, s7;
	s7 =	simm.s32 @!p0 $0x108  }
0x21: {  	s3 =	sadd.s32 s3, s9;
	s6 =	sadd.s32 @!p0 $0x88, s6;
	s7 =	simm.s32 @p2 $0x1082  }
0x22: {  	[simem:s7], [sflag:s8] =	dma.local @!p0 [hbm:s6], $0xF7A  }
0x23: {  	s9 =	sor.u32 $0xD0000000, s2;
	s6 =	simm.s32 $0x108;
	_ =	swait.ge @!p0 [sflag:s8], $0x0  }
0x24: {  	s3 =	sadd.s32 $0x88, s3;
	s6 =	simm.s32 @!p1 $0x1082;
	[sflag:s4] =	ssyncset.s32 $0xFFFFF086  }
0x25: {  	[simem:s6], [sflag:s4] =	dma.local [hbm:s3], $0xF7A  }
0x26: {  	[smem:$0x3F98] =	sst s1;
	(tag) =	ssettag s2;
	_ =	strace s9  }
0x27: {  	s1 =	sld [smem:$0x3FA8]  }
0x28: {  	s2 =	sld [smem:$0x3FA9]  }
0x29: {  	s4 =	sld [smem:$0x3FAB]  }
0x2a: {  	p0 =	seq.s32 s5, $0x0;
	s5 =	sld [smem:$0x3FAC]  }
0x2b: {  	s6 =	sld [smem:$0x3FAD]  }
0x2c: {  	s7 =	sld [smem:$0x3FAE]  }
0x2d: {  	s3 =	simm.s32 $0x108;
	s8 =	sld [smem:$0x3FAF]  }
0x2e: {  	s3 =	simm.s32 @!p0 $0x1082;
	s9 =	sld [smem:$0x3FB0]  }
0x2f: {  	lr =	sadd.s32 s0, s3;
	s0 =	sld [smem:$0x3FA7]  }
0x30: {  	s3 =	sld [smem:$0x3FAA]  }
0x31: {  	[smem:$0x3FB3] =	sst s10  }
0x32: {  	s10 =	sld [smem:$0x3FB1];
	_ =	sdelay $0x3  }
0x33: {  	p0 =	seq.s32 s10, $0x1;
	s10 =	sld [smem:$0x3FB3];
	_ =	sdelay $0x3  }
0x34: {  	[smem:$0x3FB3] =	sst s10  }
0x35: {  	s10 =	sld [smem:$0x3FB2];
	_ =	sdelay $0x3  }
0x36: {  	p1 =	seq.s32 s10, $0x1;
	s10 =	sld [smem:$0x3FB3];
	_ =	sdelay $0x3  }
0x37: {  	[smem:$0x3FB3] =	sst s10  }
0x38: {  	s10 =	sld [smem:$0x3FB4]  }
0x39: {  	_ = 	snop;
	(pc) =	sbr.ind lr, $3  }
0x3a: {  	_ = 	snop  }
0x3b: {  	_ = 	snop  }
0x3c: {  	p2 =	seq.s32 s10, $0x1;
	s10 =	sld [smem:$0x3FB3]  }
0x3d: {  	_ =	shalt  }
0x3e: {  	_ =	shalt  }
0x3f: {  	_ =	shalt  }
0x40: {  	_ =	shalt  }
0x41: {  	_ =	shalt  }
0x42: {  	_ =	shalt  }
0x43: {  	_ =	shalt  }
0x44: {  	_ =	shalt  }
0x45: {  	_ =	shalt  }
0x46: {  	_ =	shalt  }
0x47: {  	_ =	shalt  }
0x48: {  	_ =	shalt  }
0x49: {  	_ =	shalt  }
0x4a: {  	_ =	shalt  }
0x4b: {  	_ =	shalt  }
0x4c: {  	_ =	shalt  }
0x4d: {  	_ =	shalt  }
0x4e: {  	_ =	shalt  }
0x4f: {  	_ =	shalt  }
0x50: {  	_ =	shalt  }
0x51: {  	_ =	shalt  }
0x52: {  	_ =	shalt  }
0x53: {  	_ =	shalt  }
0x54: {  	_ =	shalt  }
0x55: {  	_ =	shalt  }
0x56: {  	_ =	shalt  }
0x57: {  	_ =	shalt  }
0x58: {  	_ =	shalt  }
0x59: {  	_ =	shalt  }
0x5a: {  	_ =	shalt  }
0x5b: {  	_ =	shalt  }
0x5c: {  	_ =	shalt  }
0x5d: {  	_ =	shalt  }
0x5e: {  	_ =	shalt  }
0x5f: {  	_ =	shalt  }
0x60: {  	_ =	shalt  }
0x61: {  	_ =	shalt  }
0x62: {  	_ =	shalt  }
0x63: {  	_ =	shalt  }
0x64: {  	_ =	shalt  }
0x65: {  	_ =	shalt  }
0x66: {  	_ =	shalt  }
0x67: {  	_ =	shalt  }
0x68: {  	_ =	shalt  }
0x69: {  	_ =	shalt  }
0x6a: {  	_ =	shalt  }
0x6b: {  	_ =	shalt  }
0x6c: {  	_ =	shalt  }
0x6d: {  	_ =	shalt  }
0x6e: {  	_ =	shalt  }
0x6f: {  	_ =	shalt  }
0x70: {  	_ =	shalt  }
0x71: {  	_ =	shalt  }
0x72: {  	_ =	shalt  }
0x73: {  	_ =	shalt  }
0x74: {  	_ =	shalt  }
0x75: {  	_ =	shalt  }
0x76: {  	_ =	shalt  }
0x77: {  	_ =	shalt  }
0x78: {  	_ =	shalt  }
0x79: {  	_ =	shalt  }
0x7a: {  	_ =	shalt  }
0x7b: {  	_ =	shalt  }
0x7c: {  	_ =	shalt  }
0x7d: {  	_ =	shalt  }
0x7e: {  	_ =	shalt  }
0x7f: {  	_ =	shalt  }
0x80: {  	_ =	shalt  }
0x81: {  	_ =	shalt  }
0x82: {  	_ =	shalt  }
0x83: {  	_ =	shalt  }
0x84: {  	_ =	shalt  }
0x85: {  	_ =	shalt  }
0x86: {  	_ =	shalt  }
0x87: {  	_ =	shalt  }
.Lfunc_end0:
.L_simem_size_0:
called_computation_lowered:
.L_overlay_start_0:
0x88: {  	s2 =	sld [smem:$0x3FD9]  }
0x89: {  	s3 =	sld [smem:$0x3FFE];
	_ =	sdelay $0x1  }
0x8a: {  	s1 =	srdreg.scid  }
0x8b: {  	s0 =	sand.u32 $0x1, s1  }
0x8c: {  	s16 =	sshll.u32 s0, $0xA;
	s2 =	sadd.s32 s3, s2  }
0x8d: {  	s2 =	sadd.s32 s2, s16  }
0x8e: {  	[smem:$0x3FBF] =	sst s2  }
0x8f: {  	_ = 	snop  }
0x90: {  	(tm) =	ssettm $0x1  }
0x91: {  	s17 =	sld [smem:$0x3FFB];
	_ =	sdelay $0x3  }
0x92: {  	_ =	strace s17  }
0x93: {  	s2 =	sld [smem:$0x3FFC];
	_ =	sdelay $0x3  }
0x94: {  	_ =	strace s2  }
0x95: {  	s2 =	sld [smem:$0x3FFD];
	_ =	sdelay $0x3  }
0x96: {  	_ =	strace s2  }
0x97: {  	_ =	strace $0x8FFFFFFF  }
0x98: {  	s18 =	sld [smem:$0x3FDB];
	_ =	sdelay $0x1  }
0x99: {  	s19 =	simm.s32 $_scs_section_size  }
0x9a: {  	s4 =	simm.s32 $_size__tile_overlayer_lowered;
	s5 =	simm.s32 $_tile_overlayer_lowered  }
0x9b: {  	s22 =	simm.s32 $0x1BFF;
	s21 =	sshll.u32 s5, $0x1;
	s2 =	sadd.s32 s19, s18  }
0x9c: {  	s6 =	simm.s32 $0x0;
	s20 =	sshll.u32 s4, $0x1;
	s4 =	sadd.s32 s21, s2  }
0x9d: {  	[timem:s6], [sflag:s22] =	dma.local [hbm:s4], s20  }
0x9e: {  	_ =	swait.ge [sflag:s22], s20  }
0x9f: {  	s3 =	ssub.s32 $0x0, s20;
	[sflag:s22] =	ssyncset.done $0x0  }
0xa0: {  	[sflag:s22] =	ssyncadd.s32 s3;
	_ =	sdelay $0x1  }
0xa1: {  	s23 =	simm.s32 $0x1B8B  }
0xa2: {  	_ =	swait.ge [sflag:s23], $0x1  }
0xa3: {  	[sflag:s23] =	ssyncset.done $0x0  }
0xa4: {  	s25 =	simm.s32 $0x1B8E;
	s24 =	sld [smem:$0x3FFE];
	[sflag:s23] =	ssyncadd.s32 $0xFFFFFFFF  }
0xa5: {  	s26 =	simm.s32 $execute0_lowered;
	[smem:$0x3FD2] =	sst s25  }
0xa6: {  	s4 =	sshll.u32 s26, $0x1;
	_ =	strace $0x80000046;
	[dreg:$0x1] =	wrdreg $0xFFFFFFFF  }
0xa7: {  	s28 =	simm.s32 $_size_execute0_lowered;
	s2 =	sadd.s32 s2, s4;
	[dreg:$0x0] =	wrdreg $0x0  }
0xa8: {  	s4 =	sshll.u32 s28, $0x1;
	[dreg:$0x2] =	wrdreg s2  }
0xa9: {  	[dreg:$0x3] =	wrdreg s4  }
0xaa: {  	[dreg:$0x4] =	wrdreg $0xC0  }
0xab: {  	_ =	task [dreg:s6], $0x5FFFF  }
0xac: {  	[dreg:$0x1] =	wrdreg $0xFFFFFFFF  }
0xad: {  	[dreg:$0x0] =	wrdreg $0x60  }
0xae: {  	[dreg:$0x2] =	wrdreg s24  }
0xaf: {  	[dreg:$0x3] =	wrdreg $0x9  }
0xb0: {  	_ =	task.clear_ibuf [dreg:s6], $0x4FFFF;
	_ =	strace $0x90000046  }
0xb1: {  	s29 =	simm.s32 $0x9;
	_ =	strace $0x80000048  }
0xb2: {  	_ =	swait.ge [sflag:s29], $0x1  }
0xb3: {  	[sflag:s29] =	ssyncadd.s32 $0xFFFFFFFF  }
0xb4: {  	_ =	strace $0x90000048  }
0xb5: {  	_ =	sfence  }
0xb6: {  	s30 =	sld [smem:$0x0];
	_ =	sdelay $0x2  }
0xb7: {  	s31 =	sshll.u32 s1, $0xD;
	s1 =	sshrl.u32 s1, $0x2  }
0xb8: {  	s3 =	sand.u32 $0x4000, s31;
	s1 =	sadd.s32 s1, s30  }
0xb9: {  	s0 =	sor.u32 s3, s0;
	s1 =	sshll.u32 s1, $0x11  }
0xba: {  	s0 =	sor.u32 s1, s0  }
0xbb: {  	s0 =	sadd.s32 $0x8F2B, s0  }
0xbc: {  	[sflag:s0] =	ssyncadd.remote.s32 $0x1  }
0xbd: {  	_ =	sfence.sel $0xFFFF  }
0xbe: {  	[dreg:$0x0] =	wrdreg $0xFFFFFFFF;
	(pc) =	sbr.abs _section_cstart, $3  }
0xbf: {  	[dreg:$0x1] =	wrdreg $0xFFFFFFFF  }
0xc0: {  	_ =	task.clear_ibuf [dreg:s6], $0x2FFFF;
	_ =	strace $0x9FFFFFFF  }
0xc1: {  	(tm) =	ssettm $0x7FFFFFFF  }
tec
execute0_lowered:
.L_overlay_start_1:
0x0: {  	(tag) =	ssettag $0x1  }
0x1: {  	s0 =	rddreg [dreg:$0x0]  }
0x2: {  	s2 =	simm.s32 $0x0;
	s1 =	srdreg.scid;
	s3 =	stileid.u32  }
0x3: {  	s11 =	simm.s32 $0x5;
	s21 =	simm.s32 $0x3A00;
	s22 =	simm.s32 $0x3E00  }
0x4: {  	s23 =	simm.s32 $0x4600;
	s24 =	simm.s32 $0x4A00;
	s25 =	simm.s32 $0x5200  }
0x5: {  	s9 =	simm.s32 $0x3;
	s10 =	simm.s32 $0x4;
	s12 =	simm.s32 $0x0  }
0x6: {  	[smem:$0x7FF] =	sst s2;
	s1 =	sand.u32 $0x1, s1;
	s3 =	sshll.u32 s3, $0x1  }
0x7: {  	s4 =	sadd.s32 $0x4AE200, s0;
	_ =	strace $0x80000047;
	s5 =	sor.u32 s1, s3  }
0x8: {  	s3 =	sadd.s32 $0x495200, s0;
	s1 =	ssub.s32 $0x2, s1;
	s8 =	smul.u32 $0xC80, s5  }
0x9: {  	v0 =	vlaneseq.u32;
	s6 =	smul.u32 $0x1800, s5;
	s7 =	sshrl.u32 s1, $0x1;
	s5 =	sshll.u32 s5, $0x7  }
0xa: {  	v1 =	vshrl.u32 v0, $0x3;
	v2 =	vand.u32 $0x7, v0;
	s1 =	ssub.s32 s1, s7;
	s7 =	sadd.s32 $0x4AE300, s0;
	s29 =	sadd.s32 s3, s8  }
0xb: {  	v0 =	vor.u32 $0x8, v0;
	[tilespmem:$0x1FFD0] =	vst v2;
	v1 =	vmul.u32 $0x8, v1;
	s6 =	sadd.s32 s6, s0;
	s31 =	smax.u32 s1, $0x1;
	[dreg:$0x2] =	wrdreg s29  }
0xc: {  	[tilespmem:$0x1FFF0] =	vst v0;
	s8 =	sor.u32 $0x2, s5;
	s30 =	sadd.s32 $0x1400, s6;
	[dreg:$0x4] =	wrdreg s31  }
0xd: {  	vm0 =	vmmov $0xffff;
	vm1 =	vmmov $0xff;
	[tilespmem:$0x1FFE0] =	vst v1;
	s1 =	simm.s32 $0x1;
	s6 =	simm.s32 $0x2;
	[dreg:$0x3] =	wrdreg s30  }
.LBB2_1:
0xe: {  	[dreg:$0x5] =	wrdreg s12  }
0xf: {  	s0 =	rddreg [dreg:$0x2]  }
0x10: {  	[tilespmem:s2], [sflag:$0x5] =	stream.linear.gather [hbm4b:s0+s2], $0xC8, $0x38;
	[tilespmem:$0x1EE00] =	vst v63  }
0x11: {  	_ =	swait.ge [sflag:s11], $0xC8  }
0x12: {  	[sflag:s11] =	ssyncset.done $0x0  }
0x13: {  	[sflag:s11] =	ssyncadd.s32 $0xFFFFFF38  }
0x14: {  	v0 =	vld [tilespmem:$0x0];
	_ =	sdelay $0x3  }
0x15: {  	v2 =	vld [tilespmem:$0x1FFD0]  }
0x16: {  	v1 =	vshrl.u32 v0, $0x3  }
0x17: {  	v3 =	vld [tilespmem:$0x1FFE0];
	v1 =	vmul.u32 $0x18, v1  }
0x18: {  	v0 =	vand.u32 $0x7, v0  }
0x19: {  	v4 =	vld [tilespmem:$0x1FFF0];
	v0 =	vor.u32 v0, v1  }
0x1a: {  	v1 =	vperm.xlane v0, v2;
	_ =	sdelay $0x1  }
0x1b: {  	v1 =	vadd.s32 v3, v1;
	_ =	sdelay $0x1  }
0x1c: {  	v0 =	vperm.xlane v0, v4;
	_ =	sdelay $0x1  }
0x1d: {  	s29 =	simm.s32 $0x200;
	v0 =	vadd.s32 v3, v0  }
0x1e: {  	[tilespmem:s29], [sflag:$0x1] =	stream.indirect_vreg.gather [hbm4b:s4+s2], $0x80, v1, vm0, $0xb8;
	[tilespmem:$0x1EE00] =	vst v63  }
0x1f: {  	s30 =	simm.s32 $0xA00  }
0x20: {  	[tilespmem:s30], [sflag:$0x1] =	stream.indirect_vreg.gather [hbm4b:s7+s2], $0x80, v1, vm1, $0xb8;
	[tilespmem:$0x1EE00] =	vst v63  }
0x21: {  	s31 =	simm.s32 $0xE00  }
0x22: {  	[tilespmem:s31], [sflag:$0x1] =	stream.indirect_vreg.gather [hbm4b:s4+s2], $0x80, v0, vm0, $0xb8;
	[tilespmem:$0x1EE00] =	vst v63  }
0x23: {  	s12 =	simm.s32 $0x1600  }
0x24: {  	[tilespmem:s12], [sflag:$0x1] =	stream.indirect_vreg.gather [hbm4b:s7+s2], $0x80, v0, vm1, $0xb8;
	[tilespmem:$0x1EE00] =	vst v63  }
0x25: {  	v0 =	vld [tilespmem:$0x10];
	_ =	sdelay $0x4  }
0x26: {  	v52 =	vshrl.u32 v0, $0x3  }
0x27: {  	v1 =	vmul.u32 $0x18, v52  }
0x28: {  	v0 =	vand.u32 $0x7, v0  }
0x29: {  	v0 =	vor.u32 v0, v1  }
0x2a: {  	v1 =	vperm.xlane v0, v2;
	_ =	sdelay $0x1  }
0x2b: {  	v1 =	vadd.s32 v3, v1;
	_ =	sdelay $0x1  }
0x2c: {  	v0 =	vperm.xlane v0, v4;
	_ =	sdelay $0x1  }
0x2d: {  	s13 =	simm.s32 $0x1A00;
	v0 =	vadd.s32 v3, v0  }
0x2e: {  	[tilespmem:s13], [sflag:$0x1] =	stream.indirect_vreg.gather [hbm4b:s4+s2], $0x80, v1, vm0, $0xb8;
	[tilespmem:$0x1EE00] =	vst v63  }
0x2f: {  	s14 =	simm.s32 $0x2200  }
0x30: {  	[tilespmem:s14], [sflag:$0x1] =	stream.indirect_vreg.gather [hbm4b:s7+s2], $0x80, v1, vm1, $0xb8;
	[tilespmem:$0x1EE00] =	vst v63  }
0x31: {  	s15 =	simm.s32 $0x2600  }
0x32: {  	[tilespmem:s15], [sflag:$0x1] =	stream.indirect_vreg.gather [hbm4b:s4+s2], $0x80, v0, vm0, $0xb8;
	[tilespmem:$0x1EE00] =	vst v63  }
0x33: {  	s16 =	simm.s32 $0x2E00  }
0x34: {  	[tilespmem:s16], [sflag:$0x1] =	stream.indirect_vreg.gather [hbm4b:s7+s2], $0x80, v0, vm1, $0xb8;
	[tilespmem:$0x1EE00] =	vst v63  }
0x35: {  	v0 =	vld [tilespmem:$0x20];
	_ =	sdelay $0x4  }
0x36: {  	v53 =	vshrl.u32 v0, $0x3  }
0x37: {  	v1 =	vmul.u32 $0x18, v53  }
0x38: {  	v0 =	vand.u32 $0x7, v0  }
0x39: {  	v0 =	vor.u32 v0, v1  }
0x3a: {  	v1 =	vperm.xlane v0, v2;
	_ =	sdelay $0x1  }
0x3b: {  	v1 =	vadd.s32 v3, v1;
	_ =	sdelay $0x1  }
0x3c: {  	v0 =	vperm.xlane v0, v4;
	_ =	sdelay $0x1  }
0x3d: {  	s17 =	simm.s32 $0x3200;
	v0 =	vadd.s32 v3, v0  }
0x3e: {  	[tilespmem:s17], [sflag:$0x1] =	stream.indirect_vreg.gather [hbm4b:s4+s2], $0x80, v1, vm0, $0xb8;
	[tilespmem:$0x1EE00] =	vst v63  }
0x3f: {  	_ = 	snop  }
0x40: {  	[tilespmem:s21], [sflag:$0x1] =	stream.indirect_vreg.gather [hbm4b:s7+s2], $0x80, v1, vm1, $0xb8;
	[tilespmem:$0x1EE00] =	vst v63  }
0x41: {  	_ = 	snop  }
0x42: {  	[tilespmem:s22], [sflag:$0x1] =	stream.indirect_vreg.gather [hbm4b:s4+s2], $0x80, v0, vm0, $0xb8;
	[tilespmem:$0x1EE00] =	vst v63  }
0x43: {  	_ = 	snop  }
0x44: {  	[tilespmem:s23], [sflag:$0x1] =	stream.indirect_vreg.gather [hbm4b:s7+s2], $0x80, v0, vm1, $0xb8;
	[tilespmem:$0x1EE00] =	vst v63  }
0x45: {  	v0 =	vld.msk [tilespmem:$0x30], $0xff;
	_ =	sdelay $0x4  }
0x46: {  	v54 =	vshrl.u32 v0, $0x3  }
0x47: {  	v1 =	vmul.u32 $0x18, v54  }
0x48: {  	v0 =	vand.u32 $0x7, v0  }
0x49: {  	v0 =	vor.u32 v0, v1  }
0x4a: {  	v0 =	vperm.xlane v0, v2;
	_ =	sdelay $0x1  }
0x4b: {  	v0 =	vadd.s32 v3, v0;
	_ =	sdelay $0x4  }
0x4c: {  	[tilespmem:s24], [sflag:$0x1] =	stream.indirect_vreg.gather [hbm4b:s4+s2], $0x80, v0, vm0, $0xb8;
	[tilespmem:$0x1EE00] =	vst v63  }
0x4d: {  	_ = 	snop  }
0x4e: {  	[tilespmem:s25], [sflag:$0x1] =	stream.indirect_vreg.gather [hbm4b:s7+s2], $0x80, v0, vm1, $0xb8;
	[tilespmem:$0x1EE00] =	vst v63  }
0x4f: {  	v0 =	vld [tilespmem:$0x38];
	_ =	sdelay $0x4  }
0x50: {  	v55 =	vshrl.u32 v0, $0x3  }
0x51: {  	v1 =	vmul.u32 $0x18, v55  }
0x52: {  	v0 =	vand.u32 $0x7, v0  }
0x53: {  	v0 =	vor.u32 v0, v1  }
0x54: {  	v1 =	vperm.xlane v0, v2;
	_ =	sdelay $0x1  }
0x55: {  	v1 =	vadd.s32 v3, v1;
	_ =	sdelay $0x1  }
0x56: {  	v0 =	vperm.xlane v0, v4;
	_ =	sdelay $0x1  }
0x57: {  	s18 =	simm.s32 $0x5600;
	v0 =	vadd.s32 v3, v0  }
0x58: {  	[tilespmem:s18], [sflag:$0x2] =	stream.indirect_vreg.gather [hbm4b:s4+s2], $0x80, v1, vm0, $0xb8;
	[tilespmem:$0x1EE00] =	vst v63  }
0x59: {  	s19 =	simm.s32 $0x5E00  }
0x5a: {  	[tilespmem:s19], [sflag:$0x2] =	stream.indirect_vreg.gather [hbm4b:s7+s2], $0x80, v1, vm1, $0xb8;
	[tilespmem:$0x1EE00] =	vst v63  }
0x5b: {  	s20 =	simm.s32 $0x6200  }
0x5c: {  	[tilespmem:s20], [sflag:$0x2] =	stream.indirect_vreg.gather [hbm4b:s4+s2], $0x80, v0, vm0, $0xb8;
	[tilespmem:$0x1EE00] =	vst v63  }
0x5d: {  	s26 =	simm.s32 $0x6A00  }
0x5e: {  	[tilespmem:s26], [sflag:$0x2] =	stream.indirect_vreg.gather [hbm4b:s7+s2], $0x80, v0, vm1, $0xb8;
	[tilespmem:$0x1EE00] =	vst v63  }
0x5f: {  	v0 =	vld [tilespmem:$0x48];
	_ =	sdelay $0x4  }
0x60: {  	v56 =	vshrl.u32 v0, $0x3  }
0x61: {  	v1 =	vmul.u32 $0x18, v56  }
0x62: {  	v0 =	vand.u32 $0x7, v0  }
0x63: {  	v0 =	vor.u32 v0, v1  }
0x64: {  	v1 =	vperm.xlane v0, v2;
	_ =	sdelay $0x1  }
0x65: {  	v1 =	vadd.s32 v3, v1;
	_ =	sdelay $0x1  }
0x66: {  	v0 =	vperm.xlane v0, v4;
	_ =	sdelay $0x1  }
0x67: {  	s28 =	simm.s32 $0x6E00;
	v0 =	vadd.s32 v3, v0  }
0x68: {  	[tilespmem:s28], [sflag:$0x2] =	stream.indirect_vreg.gather [hbm4b:s4+s2], $0x80, v1, vm0, $0xb8;
	[tilespmem:$0x1EE00] =	vst v63  }
0x69: {  	s29 =	simm.s32 $0x7600  }
0x6a: {  	[tilespmem:s29], [sflag:$0x2] =	stream.indirect_vreg.gather [hbm4b:s7+s2], $0x80, v1, vm1, $0xb8;
	[tilespmem:$0x1EE00] =	vst v63  }
0x6b: {  	s30 =	simm.s32 $0x7A00  }
0x6c: {  	[tilespmem:s30], [sflag:$0x2] =	stream.indirect_vreg.gather [hbm4b:s4+s2], $0x80, v0, vm0, $0xb8;
	[tilespmem:$0x1EE00] =	vst v63  }
0x6d: {  	s31 =	simm.s32 $0x8200  }
0x6e: {  	[tilespmem:s31], [sflag:$0x2] =	stream.indirect_vreg.gather [hbm4b:s7+s2], $0x80, v0, vm1, $0xb8;
	[tilespmem:$0x1EE00] =	vst v63  }
0x6f: {  	v0 =	vld [tilespmem:$0x58];
	_ =	sdelay $0x4  }
0x70: {  	v57 =	vshrl.u32 v0, $0x3  }
0x71: {  	v1 =	vmul.u32 $0x18, v57  }
0x72: {  	v0 =	vand.u32 $0x7, v0  }
0x73: {  	v0 =	vor.u32 v0, v1  }
0x74: {  	v1 =	vperm.xlane v0, v2;
	_ =	sdelay $0x1  }
0x75: {  	v1 =	vadd.s32 v3, v1;
	_ =	sdelay $0x1  }
0x76: {  	v0 =	vperm.xlane v0, v4;
	_ =	sdelay $0x1  }
0x77: {  	s12 =	simm.s32 $0x8600;
	v0 =	vadd.s32 v3, v0  }
0x78: {  	[tilespmem:s12], [sflag:$0x2] =	stream.indirect_vreg.gather [hbm4b:s4+s2], $0x80, v1, vm0, $0xb8;
	[tilespmem:$0x1EE00] =	vst v63  }
0x79: {  	s13 =	simm.s32 $0x8E00  }
0x7a: {  	[tilespmem:s13], [sflag:$0x2] =	stream.indirect_vreg.gather [hbm4b:s7+s2], $0x80, v1, vm1, $0xb8;
	[tilespmem:$0x1EE00] =	vst v63  }
0x7b: {  	s14 =	simm.s32 $0x9200  }
0x7c: {  	[tilespmem:s14], [sflag:$0x2] =	stream.indirect_vreg.gather [hbm4b:s4+s2], $0x80, v0, vm0, $0xb8;
	[tilespmem:$0x1EE00] =	vst v63  }
0x7d: {  	s15 =	simm.s32 $0x9A00  }
0x7e: {  	[tilespmem:s15], [sflag:$0x2] =	stream.indirect_vreg.gather [hbm4b:s7+s2], $0x80, v0, vm1, $0xb8;
	[tilespmem:$0x1EE00] =	vst v63  }
0x7f: {  	v0 =	vld [tilespmem:$0x68];
	_ =	sdelay $0x4  }
0x80: {  	v58 =	vshrl.u32 v0, $0x3  }
0x81: {  	v1 =	vmul.u32 $0x18, v58  }
0x82: {  	v0 =	vand.u32 $0x7, v0  }
0x83: {  	v0 =	vor.u32 v0, v1  }
0x84: {  	v1 =	vperm.xlane v0, v2;
	_ =	sdelay $0x1  }
0x85: {  	v1 =	vadd.s32 v3, v1;
	_ =	sdelay $0x1  }
0x86: {  	v0 =	vperm.xlane v0, v4;
	_ =	sdelay $0x1  }
0x87: {  	s16 =	simm.s32 $0x9E00;
	v0 =	vadd.s32 v3, v0  }
0x88: {  	[tilespmem:s16], [sflag:$0x3] =	stream.indirect_vreg.gather [hbm4b:s4+s2], $0x80, v1, vm0, $0xb8;
	[tilespmem:$0x1EE00] =	vst v63  }
0x89: {  	s17 =	simm.s32 $0xA600  }
0x8a: {  	[tilespmem:s17], [sflag:$0x3] =	stream.indirect_vreg.gather [hbm4b:s7+s2], $0x80, v1, vm1, $0xb8;
	[tilespmem:$0x1EE00] =	vst v63  }
0x8b: {  	s18 =	simm.s32 $0xAA00  }
0x8c: {  	[tilespmem:s18], [sflag:$0x3] =	stream.indirect_vreg.gather [hbm4b:s4+s2], $0x80, v0, vm0, $0xb8;
	[tilespmem:$0x1EE00] =	vst v63  }
0x8d: {  	s19 =	simm.s32 $0xB200  }
0x8e: {  	[tilespmem:s19], [sflag:$0x3] =	stream.indirect_vreg.gather [hbm4b:s7+s2], $0x80, v0, vm1, $0xb8;
	[tilespmem:$0x1EE00] =	vst v63  }
0x8f: {  	v0 =	vld [tilespmem:$0x78];
	_ =	sdelay $0x4  }
0x90: {  	v59 =	vshrl.u32 v0, $0x3  }
0x91: {  	v1 =	vmul.u32 $0x18, v59  }
0x92: {  	v0 =	vand.u32 $0x7, v0  }
0x93: {  	v0 =	vor.u32 v0, v1  }
0x94: {  	v1 =	vperm.xlane v0, v2;
	_ =	sdelay $0x1  }
0x95: {  	v1 =	vadd.s32 v3, v1;
	_ =	sdelay $0x1  }
0x96: {  	v0 =	vperm.xlane v0, v4;
	_ =	sdelay $0x1  }
0x97: {  	s20 =	simm.s32 $0xB600;
	v0 =	vadd.s32 v3, v0  }
0x98: {  	[tilespmem:s20], [sflag:$0x3] =	stream.indirect_vreg.gather [hbm4b:s4+s2], $0x80, v1, vm0, $0xb8;
	[tilespmem:$0x1EE00] =	vst v63  }
0x99: {  	s26 =	simm.s32 $0xBE00  }
0x9a: {  	[tilespmem:s26], [sflag:$0x3] =	stream.indirect_vreg.gather [hbm4b:s7+s2], $0x80, v1, vm1, $0xb8;
	[tilespmem:$0x1EE00] =	vst v63  }
0x9b: {  	s28 =	simm.s32 $0xC200  }
0x9c: {  	[tilespmem:s28], [sflag:$0x3] =	stream.indirect_vreg.gather [hbm4b:s4+s2], $0x80, v0, vm0, $0xb8;
	[tilespmem:$0x1EE00] =	vst v63  }
0x9d: {  	s29 =	simm.s32 $0xCA00  }
0x9e: {  	[tilespmem:s29], [sflag:$0x3] =	stream.indirect_vreg.gather [hbm4b:s7+s2], $0x80, v0, vm1, $0xb8;
	[tilespmem:$0x1EE00] =	vst v63  }
0x9f: {  	v0 =	vld [tilespmem:$0x88];
	_ =	sdelay $0x4  }
0xa0: {  	v60 =	vshrl.u32 v0, $0x3  }
0xa1: {  	v1 =	vmul.u32 $0x18, v60  }
0xa2: {  	v0 =	vand.u32 $0x7, v0  }
0xa3: {  	v0 =	vor.u32 v0, v1  }
0xa4: {  	v1 =	vperm.xlane v0, v2;
	_ =	sdelay $0x1  }
0xa5: {  	v1 =	vadd.s32 v3, v1;
	_ =	sdelay $0x1  }
0xa6: {  	v0 =	vperm.xlane v0, v4;
	_ =	sdelay $0x1  }
0xa7: {  	s30 =	simm.s32 $0xCE00;
	v0 =	vadd.s32 v3, v0  }
0xa8: {  	[tilespmem:s30], [sflag:$0x3] =	stream.indirect_vreg.gather [hbm4b:s4+s2], $0x80, v1, vm0, $0xb8;
	[tilespmem:$0x1EE00] =	vst v63  }
0xa9: {  	s31 =	simm.s32 $0xD600  }
0xaa: {  	[tilespmem:s31], [sflag:$0x3] =	stream.indirect_vreg.gather [hbm4b:s7+s2], $0x80, v1, vm1, $0xb8;
	[tilespmem:$0x1EE00] =	vst v63  }
0xab: {  	s12 =	simm.s32 $0xDA00  }
0xac: {  	[tilespmem:s12], [sflag:$0x3] =	stream.indirect_vreg.gather [hbm4b:s4+s2], $0x80, v0, vm0, $0xb8;
	[tilespmem:$0x1EE00] =	vst v63  }
0xad: {  	s13 =	simm.s32 $0xE200  }
0xae: {  	[tilespmem:s13], [sflag:$0x3] =	stream.indirect_vreg.gather [hbm4b:s7+s2], $0x80, v0, vm1, $0xb8;
	[tilespmem:$0x1EE00] =	vst v63  }
0xaf: {  	v0 =	vld [tilespmem:$0x98];
	_ =	sdelay $0x4  }
0xb0: {  	v61 =	vshrl.u32 v0, $0x3  }
0xb1: {  	v1 =	vmul.u32 $0x18, v61  }
0xb2: {  	v0 =	vand.u32 $0x7, v0  }
0xb3: {  	v0 =	vor.u32 v0, v1  }
0xb4: {  	v1 =	vperm.xlane v0, v2;
	_ =	sdelay $0x1  }
0xb5: {  	v1 =	vadd.s32 v3, v1;
	_ =	sdelay $0x1  }
0xb6: {  	v0 =	vperm.xlane v0, v4;
	_ =	sdelay $0x1  }
0xb7: {  	s14 =	simm.s32 $0xE600;
	v0 =	vadd.s32 v3, v0  }
0xb8: {  	[tilespmem:s14], [sflag:$0x4] =	stream.indirect_vreg.gather [hbm4b:s4+s2], $0x80, v1, vm0, $0xb8;
	[tilespmem:$0x1EE00] =	vst v63  }
0xb9: {  	s15 =	simm.s32 $0xEE00  }
0xba: {  	[tilespmem:s15], [sflag:$0x4] =	stream.indirect_vreg.gather [hbm4b:s7+s2], $0x80, v1, vm1, $0xb8;
	[tilespmem:$0x1EE00] =	vst v63  }
0xbb: {  	s16 =	simm.s32 $0xF200  }
0xbc: {  	[tilespmem:s16], [sflag:$0x4] =	stream.indirect_vreg.gather [hbm4b:s4+s2], $0x80, v0, vm0, $0xb8;
	[tilespmem:$0x1EE00] =	vst v63  }
0xbd: {  	s17 =	simm.s32 $0xFA00  }
0xbe: {  	[tilespmem:s17], [sflag:$0x4] =	stream.indirect_vreg.gather [hbm4b:s7+s2], $0x80, v0, vm1, $0xb8;
	[tilespmem:$0x1EE00] =	vst v63  }
0xbf: {  	v0 =	vld [tilespmem:$0xA8];
	_ =	sdelay $0x4  }
0xc0: {  	v62 =	vshrl.u32 v0, $0x3  }
0xc1: {  	v1 =	vmul.u32 $0x18, v62  }
0xc2: {  	v0 =	vand.u32 $0x7, v0  }
0xc3: {  	v0 =	vor.u32 v0, v1  }
0xc4: {  	v1 =	vperm.xlane v0, v2;
	_ =	sdelay $0x1  }
0xc5: {  	v1 =	vadd.s32 v3, v1;
	_ =	sdelay $0x1  }
0xc6: {  	v0 =	vperm.xlane v0, v4;
	_ =	sdelay $0x1  }
0xc7: {  	s18 =	simm.s32 $0xFE00;
	v0 =	vadd.s32 v3, v0  }
0xc8: {  	[tilespmem:s18], [sflag:$0x4] =	stream.indirect_vreg.gather [hbm4b:s4+s2], $0x80, v1, vm0, $0xb8;
	[tilespmem:$0x1EE00] =	vst v63  }
0xc9: {  	s19 =	simm.s32 $0x10600  }
0xca: {  	[tilespmem:s19], [sflag:$0x4] =	stream.indirect_vreg.gather [hbm4b:s7+s2], $0x80, v1, vm1, $0xb8;
	[tilespmem:$0x1EE00] =	vst v63  }
0xcb: {  	s20 =	simm.s32 $0x10A00  }
0xcc: {  	[tilespmem:s20], [sflag:$0x4] =	stream.indirect_vreg.gather [hbm4b:s4+s2], $0x80, v0, vm0, $0xb8;
	[tilespmem:$0x1EE00] =	vst v63  }
0xcd: {  	s26 =	simm.s32 $0x11200  }
0xce: {  	[tilespmem:s26], [sflag:$0x4] =	stream.indirect_vreg.gather [hbm4b:s7+s2], $0x80, v0, vm1, $0xb8;
	[tilespmem:$0x1EE00] =	vst v63  }
0xcf: {  	v0 =	vld [tilespmem:$0xB8];
	_ =	sdelay $0x4  }
0xd0: {  	v63 =	vshrl.u32 v0, $0x3  }
0xd1: {  	v1 =	vmul.u32 $0x18, v63  }
0xd2: {  	v0 =	vand.u32 $0x7, v0  }
0xd3: {  	v0 =	vor.u32 v0, v1  }
0xd4: {  	v1 =	vperm.xlane v0, v2;
	_ =	sdelay $0x1  }
0xd5: {  	v1 =	vadd.s32 v3, v1;
	_ =	sdelay $0x1  }
0xd6: {  	v0 =	vperm.xlane v0, v4;
	_ =	sdelay $0x1  }
0xd7: {  	s28 =	simm.s32 $0x11600;
	v0 =	vadd.s32 v3, v0  }
0xd8: {  	[tilespmem:s28], [sflag:$0x4] =	stream.indirect_vreg.gather [hbm4b:s4+s2], $0x80, v1, vm0, $0xb8;
	[tilespmem:$0x1EE00] =	vst v63  }
0xd9: {  	s29 =	simm.s32 $0x11E00  }
0xda: {  	[tilespmem:s29], [sflag:$0x4] =	stream.indirect_vreg.gather [hbm4b:s7+s2], $0x80, v1, vm1, $0xb8;
	[tilespmem:$0x1EE00] =	vst v63  }
0xdb: {  	s30 =	simm.s32 $0x12200  }
0xdc: {  	[tilespmem:s30], [sflag:$0x4] =	stream.indirect_vreg.gather [hbm4b:s4+s2], $0x80, v0, vm0, $0xb8;
	[tilespmem:$0x1EE00] =	vst v63  }
0xdd: {  	s31 =	simm.s32 $0x12A00;
	s26 =	simm.s32 $0x0  }
0xde: {  	[tilespmem:s31], [sflag:$0x4] =	stream.indirect_vreg.gather [hbm4b:s7+s2], $0x80, v0, vm1, $0xb8;
	[tilespmem:$0x1EE00] =	vst v63  }
.LBB2_2:
0xdf: {  	s28 =	sshllo.u32 s26, $0x1  }
0xe0: {  	s0 =	sadd.s32 s5, s28  }
0xe1: {  	s0 =	smul.u32 $0x19, s0;
	_ =	sdelay $0x1  }
0xe2: {  	s12 =	simm.s32 $0x0;
	s13 =	simm.s32 $0x100;
	s0 =	sadd.s32 s3, s0  }
0xe3: {  	[tilespmem:s13], [sflag:$0x5] =	stream.linear.gather [hbm4b:s0+s12], $0xC8, $0x38;
	[tilespmem:$0x1EE00] =	vst v63  }
0xe4: {  	s19 =	simm.s32 $0x0;
	_ =	swait.ge [sflag:s11], $0xC8  }
0xe5: {  	s0 =	smul.u32 $0x3000, s19;
	[sflag:s11] =	ssyncset.done $0x0  }
0xe6: {  	[sflag:s11] =	ssyncadd.s32 $0xFFFFFF38  }
0xe7: {  	s0 =	sshra.s32 s0, $0x2;
	_ =	swait.ge [sflag:s1], $0x5400  }
0xe8: {  	s14 =	sand.u32 $0x300, s12;
	s20 =	sadd.s32 $0xA00, s0;
	[sflag:s1] =	ssyncset.done $0x0  }
0xe9: {  	s15 =	sor.u32 $0x80, s14;
	s29 =	sadd.s32 s14, s20;
	[sflag:s1] =	ssyncadd.s32 $0xFFFFAC00  }
0xea: {  	s16 =	sor.u32 $0x200, s0;
	s13 =	sadd.s32 s15, s20;
	v0 =	vld [tilespmem:s29+$0x70]  }
0xeb: {  	s30 =	sadd.s32 s14, s16;
	v1 =	vld [tilespmem:s13+$0x70]  }
0xec: {  	s16 =	sadd.s32 s15, s16;
	v2 =	vld [tilespmem:s30+$0x0]  }
0xed: {  	v3 =	vld [tilespmem:s16+$0x0]  }
0xee: {  	v4 =	vld [tilespmem:s30+$0x10]  }
0xef: {  	v5 =	vld [tilespmem:s16+$0x10]  }
0xf0: {  	v6 =	vld [tilespmem:s30+$0x20]  }
0xf1: {  	v7 =	vld [tilespmem:s16+$0x20]  }
0xf2: {  	v9 =	vld [tilespmem:s30+$0x30]  }
0xf3: {  	v10 =	vld [tilespmem:s16+$0x30]  }
0xf4: {  	v11 =	vld [tilespmem:s30+$0x40]  }
0xf5: {  	v12 =	vld [tilespmem:s16+$0x40]  }
0xf6: {  	v13 =	vld [tilespmem:s30+$0x50]  }
0xf7: {  	v14 =	vld [tilespmem:s16+$0x50]  }
0xf8: {  	v16 =	vld [tilespmem:s30+$0x60]  }
0xf9: {  	v17 =	vld [tilespmem:s16+$0x60]  }
0xfa: {  	s0 =	sadd.s32 $0x600, s0;
	v20 =	vld [tilespmem:s30+$0x70]  }
0xfb: {  	s14 =	sadd.s32 s14, s0;
	v22 =	vld [tilespmem:s16+$0x70]  }
0xfc: {  	s0 =	sadd.s32 s15, s0;
	v23 =	vld [tilespmem:s14+$0x0]  }
0xfd: {  	v24 =	vld [tilespmem:s0+$0x0]  }
0xfe: {  	v25 =	vld [tilespmem:s14+$0x10]  }
0xff: {  	v26 =	vld [tilespmem:s0+$0x10]  }
0x100: {  	v27 =	vld [tilespmem:s14+$0x20]  }
0x101: {  	v28 =	vld [tilespmem:s0+$0x20];
	v0 =	vadd.f32 v1, v0  }
0x102: {  	v21 =	vimm.f32 $0.0e+00;
	v29 =	vld [tilespmem:s14+$0x50];
	v1 =	vadd.f32 v3, v2  }
0x103: {  	v2 =	vld [tilespmem:s14+$0x30];
	v18 =	vadd.f32 v0, v21  }
0x104: {  	v3 =	vld [tilespmem:s0+$0x30];
	v8 =	vadd.f32 v1, v21;
	v1 =	vadd.f32 v5, v4  }
0x105: {  	v0 =	vld [tilespmem:s14+$0x40];
	v4 =	vadd.f32 v7, v6;
	v6 =	vadd.f32 v10, v9  }
0x106: {  	v5 =	vld [tilespmem:s0+$0x40];
	v7 =	vadd.f32 v12, v11;
	v12 =	vadd.f32 v22, v20  }
0x107: {  	v22 =	vld [tilespmem:s14+$0x70];
	v19 =	vadd.f32 v1, v21;
	v9 =	vadd.f32 v4, v21  }
0x108: {  	v1 =	vld [tilespmem:s0+$0x50];
	v15 =	vadd.f32 v6, v21;
	v10 =	vadd.f32 v7, v21  }
0x109: {  	v4 =	vld [tilespmem:s14+$0x60];
	v6 =	vadd.f32 v14, v13;
	v7 =	vadd.f32 v17, v16  }
0x10a: {  	v14 =	vld [tilespmem:s0+$0x60];
	v13 =	vadd.f32 v24, v23;
	v16 =	vadd.f32 v12, v21  }
0x10b: {  	v23 =	vld [tilespmem:s0+$0x70];
	v2 =	vadd.f32 v3, v2;
	v20 =	vadd.f32 v6, v21  }
0x10c: {  	v24 =	vld [tilespmem:s29+$0x0];
	v11 =	vadd.f32 v7, v21;
	v6 =	vadd.f32 v26, v25  }
0x10d: {  	v7 =	vadd.f32 v28, v27;
	v25 =	vld [tilespmem:s13+$0x0];
	v0 =	vadd.f32 v5, v0  }
0x10e: {  	v12 =	vadd.f32 v13, v21;
	v26 =	vld [tilespmem:s29+$0x10];
	v17 =	vadd.f32 v6, v21  }
0x10f: {  	v6 =	vadd.f32 v7, v21;
	v7 =	vadd.f32 v0, v21;
	v0 =	vld [tilespmem:s13+$0x10]  }
0x110: {  	v30 =	vld [tilespmem:s13+$0x20];
	v13 =	vadd.f32 v2, v21;
	v1 =	vadd.f32 v1, v29  }
0x111: {  	v28 =	vld [tilespmem:s29+$0x20];
	v2 =	vadd.f32 v14, v4;
	v4 =	vadd.f32 v23, v22  }
0x112: {  	v31 =	vld [tilespmem:s13+$0x30];
	v22 =	vadd.f32 v25, v24;
	v14 =	vadd.f32 v1, v21  }
0x113: {  	v29 =	vld [tilespmem:s29+$0x30];
	v23 =	vimm.f32 $0.0e+00;
	v3 =	vadd.f32 v2, v21;
	v5 =	vadd.f32 v4, v21  }
0x114: {  	s31 =	simm.s32 $0x0;
	v32 =	vld [tilespmem:s13+$0x40];
	v24 =	vimm.f32 $0.0e+00;
	v25 =	vimm.f32 $0.0e+00;
	v0 =	vadd.f32 v0, v26  }
0x115: {  	s30 =	simm.s32 $0x2;
	s0 =	sshll.u32 s26, $0x1;
	s14 =	smul.u32 $0x3000, s31;
	v27 =	vld [tilespmem:s29+$0x40];
	v4 =	vadd.f32 v22, v21;
	v22 =	vimm.f32 $0.0e+00;
	v26 =	vimm.f32 $0.0e+00  }
.LBB2_3:
0x116: {  	p0 =	sne.s32 s30, $0x1B;
	v21 =	vadd.f32 v0, v21;
	v0 =	vadd.f32 v30, v28;
	v1 =	vld [tilespmem:s29+$0x50]  }
0x117: {  	s12 =	sadd.s32 $0x100, s12;
	s14 =	sshra.s32 s14, $0x2;
	v2 =	vld [tilespmem:s13+$0x50]  }
0x118: {  	s15 =	sand.u32 $0x300, s12;
	s16 =	sor.u32 $0x200, s14;
	s31 =	sadd.s32 $0xA00, s14;
	v24 =	vadd.f32 v0, v24;
	v0 =	vadd.f32 v31, v29;
	v28 =	vld [tilespmem:s29+$0x60]  }
0x119: {  	s17 =	sor.u32 $0x80, s15;
	s14 =	sadd.s32 $0x600, s14;
	s29 =	sadd.s32 s15, s31;
	v29 =	vld [tilespmem:s13+$0x60]  }
0x11a: {  	s18 =	sadd.s32 s15, s16;
	s16 =	sadd.s32 s17, s16;
	s13 =	sadd.s32 s17, s31;
	v30 =	vld [tilespmem:s29+$0x70];
	v25 =	vadd.f32 v0, v25;
	v0 =	vadd.f32 v32, v27  }
0x11b: {  	s15 =	sadd.s32 s15, s14;
	s14 =	sadd.s32 s17, s14;
	v27 =	vld [tilespmem:s13+$0x70]  }
0x11c: {  	v31 =	vld [tilespmem:s18+$0x0];
	v26 =	vadd.f32 v0, v26;
	v0 =	vadd.f32 v2, v1  }
0x11d: {  	v1 =	vld [tilespmem:s16+$0x0]  }
0x11e: {  	v2 =	vld [tilespmem:s18+$0x10];
	v23 =	vadd.f32 v0, v23;
	v0 =	vadd.f32 v29, v28  }
0x11f: {  	v28 =	vld [tilespmem:s16+$0x10]  }
0x120: {  	v29 =	vld [tilespmem:s18+$0x20];
	v27 =	vadd.f32 v27, v30;
	v22 =	vadd.f32 v0, v22  }
0x121: {  	v0 =	vld [tilespmem:s16+$0x20]  }
0x122: {  	v1 =	vadd.f32 v1, v31;
	v30 =	vld [tilespmem:s18+$0x30];
	v18 =	vadd.f32 v27, v18  }
0x123: {  	v27 =	vld [tilespmem:s16+$0x30]  }
0x124: {  	v8 =	vadd.f32 v1, v8;
	v1 =	vadd.f32 v28, v2;
	v2 =	vld [tilespmem:s18+$0x40]  }
0x125: {  	v28 =	vld [tilespmem:s16+$0x40]  }
0x126: {  	v19 =	vadd.f32 v1, v19;
	v0 =	vadd.f32 v0, v29;
	v1 =	vld [tilespmem:s18+$0x50]  }
0x127: {  	v29 =	vld [tilespmem:s16+$0x50]  }
0x128: {  	v9 =	vadd.f32 v0, v9;
	v0 =	vadd.f32 v27, v30;
	v27 =	vld [tilespmem:s18+$0x60]  }
0x129: {  	v30 =	vld [tilespmem:s16+$0x60]  }
0x12a: {  	v15 =	vadd.f32 v0, v15;
	v0 =	vadd.f32 v28, v2;
	v2 =	vld [tilespmem:s18+$0x70]  }
0x12b: {  	v28 =	vld [tilespmem:s16+$0x70]  }
0x12c: {  	v10 =	vadd.f32 v0, v10;
	v0 =	vadd.f32 v29, v1;
	v1 =	vld [tilespmem:s15+$0x0]  }
0x12d: {  	v29 =	vld [tilespmem:s14+$0x0]  }
0x12e: {  	v20 =	vadd.f32 v0, v20;
	v0 =	vadd.f32 v30, v27;
	v27 =	vld [tilespmem:s15+$0x10]  }
0x12f: {  	v30 =	vld [tilespmem:s14+$0x10]  }
0x130: {  	v11 =	vadd.f32 v0, v11;
	v0 =	vadd.f32 v28, v2;
	v2 =	vld [tilespmem:s15+$0x20]  }
0x131: {  	v28 =	vld [tilespmem:s14+$0x20]  }
0x132: {  	v16 =	vadd.f32 v0, v16;
	v0 =	vadd.f32 v29, v1;
	v1 =	vld [tilespmem:s15+$0x30]  }
0x133: {  	v29 =	vld [tilespmem:s14+$0x30]  }
0x134: {  	v12 =	vadd.f32 v0, v12;
	v0 =	vadd.f32 v30, v27;
	v27 =	vld [tilespmem:s15+$0x40]  }
0x135: {  	v30 =	vld [tilespmem:s14+$0x40]  }
0x136: {  	v17 =	vadd.f32 v0, v17;
	v0 =	vadd.f32 v28, v2;
	v2 =	vld [tilespmem:s15+$0x50]  }
0x137: {  	v28 =	vld [tilespmem:s14+$0x50]  }
0x138: {  	v6 =	vadd.f32 v0, v6;
	v0 =	vadd.f32 v29, v1;
	v1 =	vld [tilespmem:s15+$0x60]  }
0x139: {  	v29 =	vld [tilespmem:s14+$0x60]  }
0x13a: {  	v13 =	vadd.f32 v0, v13;
	v0 =	vadd.f32 v30, v27;
	v27 =	vld [tilespmem:s15+$0x70]  }
0x13b: {  	v30 =	vld [tilespmem:s14+$0x70]  }
0x13c: {  	v7 =	vadd.f32 v0, v7;
	v0 =	vadd.f32 v28, v2;
	v2 =	vld [tilespmem:s29+$0x0]  }
0x13d: {  	v31 =	vld [tilespmem:s13+$0x0]  }
0x13e: {  	v14 =	vadd.f32 v0, v14;
	v0 =	vadd.f32 v29, v1;
	v1 =	vld [tilespmem:s29+$0x10]  }
0x13f: {  	v32 =	vld [tilespmem:s13+$0x10]  }
0x140: {  	v3 =	vadd.f32 v0, v3;
	v0 =	vadd.f32 v30, v27;
	v28 =	vld [tilespmem:s29+$0x20]  }
.Ltmp0:
0x141: {  	v30 =	vld [tilespmem:s13+$0x20];
	(pc) =	sbr.rel @p0 .LBB2_3-.Ltmp0, $4  }
0x142: {  	v5 =	vadd.f32 v0, v5;
	v0 =	vadd.f32 v31, v2;
	v29 =	vld [tilespmem:s29+$0x30]  }
0x143: {  	v31 =	vld [tilespmem:s13+$0x30]  }
0x144: {  	s14 =	sshrl.u32 s30, $0x2;
	v4 =	vadd.f32 v0, v4;
	v0 =	vadd.f32 v32, v1;
	v27 =	vld [tilespmem:s29+$0x40]  }
0x145: {  	s30 =	sadd.s32 $0x1, s30;
	s14 =	smul.u32 $0x3000, s14;
	v32 =	vld [tilespmem:s13+$0x40]  }
0x146: {  	_ = 	snop  }
0x147: {  	s12 =	sadd.s32 $0x100, s12;
	s14 =	sshra.s32 s14, $0x2  }
0x148: {  	s15 =	sand.u32 $0x300, s12;
	s18 =	sor.u32 $0x200, s14  }
0x149: {  	s31 =	sadd.s32 s15, s18  }
0x14a: {  	v1 =	vld [tilespmem:s31+$0x50];
	_ =	sdelay $0x3  }
0x14b: {  	s16 =	sadd.s32 $0xA00, s14;
	s17 =	sor.u32 $0x80, s15;
	s14 =	sadd.s32 $0x600, s14  }
0x14c: {  	s12 =	sadd.s32 s15, s16;
	s15 =	sadd.s32 s15, s14;
	s14 =	sadd.s32 s17, s14;
	[tilespmem:$0x1FE50] =	vst v1;
	v1 =	vld [tilespmem:s31+$0x60]  }
0x14d: {  	v2 =	vld [tilespmem:s14+$0x70];
	_ =	sdelay $0x3  }
0x14e: {  	[tilespmem:$0x1FE60] =	vst v1;
	v1 =	vld [tilespmem:s15+$0x10]  }
0x14f: {  	[tilespmem:$0x1FEF0] =	vst v2;
	v2 =	vld [tilespmem:s12+$0x0];
	_ =	sdelay $0x3  }
0x150: {  	s20 =	sadd.s32 s17, s16;
	[tilespmem:$0x1FE70] =	vst v1;
	v1 =	vld [tilespmem:s15+$0x20]  }
0x151: {  	[tilespmem:$0x1FF00] =	vst v2;
	v2 =	vld [tilespmem:s20+$0x0];
	_ =	sdelay $0x1  }
0x152: {  	v49 =	vld [tilespmem:s29+$0x50]  }
0x153: {  	v40 =	vld [tilespmem:s13+$0x50]  }
0x154: {  	[tilespmem:$0x1FE80] =	vst v1;
	v1 =	vld [tilespmem:s15+$0x40]  }
0x155: {  	[tilespmem:$0x1FF10] =	vst v2;
	v2 =	vld [tilespmem:s12+$0x10]  }
0x156: {  	v42 =	vld [tilespmem:s29+$0x60]  }
0x157: {  	v39 =	vld [tilespmem:s13+$0x60]  }
0x158: {  	v34 =	vld [tilespmem:$0x1FFD0]  }
0x159: {  	[tilespmem:$0x1FE90] =	vst v1;
	v1 =	vld [tilespmem:s15+$0x50]  }
0x15a: {  	[tilespmem:$0x1FF20] =	vst v2;
	v2 =	vld [tilespmem:s20+$0x10]  }
0x15b: {  	v36 =	vld [tilespmem:s12+$0x70]  }
0x15c: {  	v35 =	vld [tilespmem:s20+$0x70]  }
0x15d: {  	v38 =	vld [tilespmem:s31+$0x0]  }
0x15e: {  	[tilespmem:$0x1FEA0] =	vst v1;
	v1 =	vld [tilespmem:s14+$0x50]  }
0x15f: {  	s18 =	sadd.s32 s17, s18;
	[tilespmem:$0x1FF30] =	vst v2;
	v2 =	vld [tilespmem:s12+$0x20]  }
0x160: {  	v37 =	vld [tilespmem:s18+$0x0]  }
0x161: {  	v53 =	vld [tilespmem:s31+$0x10]  }
0x162: {  	v45 =	vld [tilespmem:s18+$0x10]  }
0x163: {  	[tilespmem:$0x1FEB0] =	vst v1;
	v1 =	vld [tilespmem:s15+$0x60]  }
0x164: {  	[tilespmem:$0x1FF40] =	vst v2;
	v2 =	vld [tilespmem:s20+$0x20]  }
0x165: {  	v50 =	vld [tilespmem:s31+$0x20]  }
0x166: {  	v43 =	vld [tilespmem:s18+$0x20]  }
0x167: {  	v44 =	vld [tilespmem:s31+$0x30]  }
0x168: {  	[tilespmem:$0x1FEC0] =	vst v1;
	v1 =	vld [tilespmem:s14+$0x60]  }
0x169: {  	[tilespmem:$0x1FF50] =	vst v2;
	v2 =	vld [tilespmem:s12+$0x30]  }
0x16a: {  	v41 =	vld [tilespmem:s18+$0x30]  }
0x16b: {  	v52 =	vld [tilespmem:s31+$0x40]  }
0x16c: {  	v46 =	vld [tilespmem:s18+$0x40]  }
0x16d: {  	[tilespmem:$0x1FED0] =	vst v1;
	v1 =	vld [tilespmem:s15+$0x70]  }
0x16e: {  	[tilespmem:$0x1FF60] =	vst v2;
	v2 =	vld [tilespmem:s20+$0x30]  }
0x16f: {  	v60 =	vld [tilespmem:s18+$0x50]  }
0x170: {  	v61 =	vld [tilespmem:s18+$0x60]  }
0x171: {  	v55 =	vld [tilespmem:s12+$0x50]  }
0x172: {  	[tilespmem:$0x1FEE0] =	vst v1;
	v1 =	vld [tilespmem:$0x100]  }
0x173: {  	[tilespmem:$0x1FF70] =	vst v2;
	v2 =	vld [tilespmem:s12+$0x40]  }
0x174: {  	v63 =	vld [tilespmem:s31+$0x70]  }
0x175: {  	v33 =	vld [tilespmem:s20+$0x40]  }
0x176: {  	v47 =	vld [tilespmem:s18+$0x70]  }
0x177: {  	[tilespmem:$0x1FFA0] =	vst v55;
	v55 =	vld [tilespmem:s20+$0x50];
	v51 =	vshrl.u32 v1, $0x3  }
0x178: {  	[tilespmem:$0x1FF80] =	vst v2;
	v2 =	vld [tilespmem:$0x1FFE0];
	v51 =	vmul.u32 $0x18, v51  }
0x179: {  	v54 =	vld [tilespmem:s15+$0x0];
	v1 =	vand.u32 $0x7, v1  }
0x17a: {  	[tilespmem:$0x1FF90] =	vst v33;
	v33 =	vld [tilespmem:$0x1FFF0];
	v1 =	vor.u32 v1, v51  }
0x17b: {  	v48 =	vld [tilespmem:s14+$0x0];
	v51 =	vperm.xlane v1, v34  }
0x17c: {  	v56 =	vld [tilespmem:s14+$0x10]  }
0x17d: {  	[tilespmem:$0x1FFB0] =	vst v55;
	v55 =	vld [tilespmem:s12+$0x60];
	v51 =	vadd.s32 v2, v51  }
0x17e: {  	v57 =	vld [tilespmem:s14+$0x20]  }
0x17f: {  	v58 =	vld [tilespmem:s15+$0x30];
	v1 =	vperm.xlane v1, v33  }
0x180: {  	v62 =	vld [tilespmem:s14+$0x30]  }
0x181: {  	s29 =	simm.s32 $0x0;
	s13 =	simm.s32 $0x200;
	v59 =	vld [tilespmem:s14+$0x40];
	v1 =	vadd.s32 v2, v1  }
0x182: {  	[tilespmem:$0x1FFC0] =	vst v55;
	v55 =	vld [tilespmem:s20+$0x60];
	[tilespmem:s13], [sflag:$0x1] =	stream.indirect_vreg.gather [hbm4b:s4+s29], $0x80, v51, vm0, $0xb8  }
0x183: {  	s14 =	simm.s32 $0xA00  }
0x184: {  	[tilespmem:s14], [sflag:$0x1] =	stream.indirect_vreg.gather [hbm4b:s7+s29], $0x80, v51, vm1, $0xb8;
	[tilespmem:$0x1EE00] =	vst v63  }
0x185: {  	s15 =	simm.s32 $0xE00  }
0x186: {  	[tilespmem:s15], [sflag:$0x1] =	stream.indirect_vreg.gather [hbm4b:s4+s29], $0x80, v1, vm0, $0xb8;
	[tilespmem:$0x1EE00] =	vst v63  }
0x187: {  	s16 =	simm.s32 $0x1600  }
0x188: {  	[tilespmem:s16], [sflag:$0x1] =	stream.indirect_vreg.gather [hbm4b:s7+s29], $0x80, v1, vm1, $0xb8;
	[tilespmem:$0x1EE00] =	vst v63  }
0x189: {  	v1 =	vld [tilespmem:$0x110];
	_ =	sdelay $0x4  }
0x18a: {  	v51 =	vshrl.u32 v1, $0x3  }
0x18b: {  	v51 =	vmul.u32 $0x18, v51  }
0x18c: {  	v1 =	vand.u32 $0x7, v1  }
0x18d: {  	v1 =	vor.u32 v1, v51  }
0x18e: {  	v51 =	vperm.xlane v1, v34;
	_ =	sdelay $0x1  }
0x18f: {  	v51 =	vadd.s32 v2, v51;
	_ =	sdelay $0x1  }
0x190: {  	v1 =	vperm.xlane v1, v33;
	_ =	sdelay $0x1  }
0x191: {  	s17 =	simm.s32 $0x1A00;
	v1 =	vadd.s32 v2, v1  }
0x192: {  	[tilespmem:s17], [sflag:$0x1] =	stream.indirect_vreg.gather [hbm4b:s4+s29], $0x80, v51, vm0, $0xb8;
	[tilespmem:$0x1EE00] =	vst v63  }
0x193: {  	s18 =	simm.s32 $0x2200  }
0x194: {  	[tilespmem:s18], [sflag:$0x1] =	stream.indirect_vreg.gather [hbm4b:s7+s29], $0x80, v51, vm1, $0xb8;
	[tilespmem:$0x1EE00] =	vst v63  }
0x195: {  	s19 =	simm.s32 $0x2600  }
0x196: {  	[tilespmem:s19], [sflag:$0x1] =	stream.indirect_vreg.gather [hbm4b:s4+s29], $0x80, v1, vm0, $0xb8;
	[tilespmem:$0x1EE00] =	vst v63  }
0x197: {  	s20 =	simm.s32 $0x2E00  }
0x198: {  	[tilespmem:s20], [sflag:$0x1] =	stream.indirect_vreg.gather [hbm4b:s7+s29], $0x80, v1, vm1, $0xb8;
	[tilespmem:$0x1EE00] =	vst v63  }
0x199: {  	v1 =	vld [tilespmem:$0x120];
	_ =	sdelay $0x4  }
0x19a: {  	v51 =	vshrl.u32 v1, $0x3  }
0x19b: {  	v51 =	vmul.u32 $0x18, v51  }
0x19c: {  	v1 =	vand.u32 $0x7, v1  }
0x19d: {  	v1 =	vor.u32 v1, v51  }
0x19e: {  	v51 =	vperm.xlane v1, v34;
	_ =	sdelay $0x1  }
0x19f: {  	v51 =	vadd.s32 v2, v51;
	_ =	sdelay $0x1  }
0x1a0: {  	v1 =	vperm.xlane v1, v33;
	_ =	sdelay $0x1  }
0x1a1: {  	s31 =	simm.s32 $0x3200;
	v1 =	vadd.s32 v2, v1  }
0x1a2: {  	[tilespmem:s31], [sflag:$0x1] =	stream.indirect_vreg.gather [hbm4b:s4+s29], $0x80, v51, vm0, $0xb8;
	[tilespmem:$0x1EE00] =	vst v63  }
0x1a3: {  	_ = 	snop  }
0x1a4: {  	[tilespmem:s21], [sflag:$0x1] =	stream.indirect_vreg.gather [hbm4b:s7+s29], $0x80, v51, vm1, $0xb8;
	[tilespmem:$0x1EE00] =	vst v63  }
0x1a5: {  	_ = 	snop  }
0x1a6: {  	[tilespmem:s22], [sflag:$0x1] =	stream.indirect_vreg.gather [hbm4b:s4+s29], $0x80, v1, vm0, $0xb8;
	[tilespmem:$0x1EE00] =	vst v63  }
0x1a7: {  	_ = 	snop  }
0x1a8: {  	[tilespmem:s23], [sflag:$0x1] =	stream.indirect_vreg.gather [hbm4b:s7+s29], $0x80, v1, vm1, $0xb8;
	[tilespmem:$0x1EE00] =	vst v63  }
0x1a9: {  	v1 =	vld.msk [tilespmem:$0x130], $0xff;
	_ =	sdelay $0x4  }
0x1aa: {  	v33 =	vshrl.u32 v1, $0x3  }
0x1ab: {  	v51 =	vmul.u32 $0x18, v33  }
0x1ac: {  	v1 =	vand.u32 $0x7, v1  }
0x1ad: {  	v1 =	vor.u32 v1, v51  }
0x1ae: {  	v1 =	vperm.xlane v1, v34;
	_ =	sdelay $0x1  }
0x1af: {  	v1 =	vadd.s32 v2, v1;
	_ =	sdelay $0x4  }
0x1b0: {  	[tilespmem:s24], [sflag:$0x1] =	stream.indirect_vreg.gather [hbm4b:s4+s29], $0x80, v1, vm0, $0xb8;
	[tilespmem:$0x1EE00] =	vst v63  }
0x1b1: {  	_ = 	snop  }
0x1b2: {  	[tilespmem:s25], [sflag:$0x1] =	stream.indirect_vreg.gather [hbm4b:s7+s29], $0x80, v1, vm1, $0xb8;
	v1 =	vadd.f32 v32, v27;
	[tilespmem:$0x1EE00] =	vst v63  }
0x1b3: {  	_ = 	snop  }
0x1b4: {  	v1 =	vadd.f32 v1, v26;
	v26 =	vadd.f32 v39, v42  }
0x1b5: {  	v28 =	vadd.f32 v30, v28  }
0x1b6: {  	v30 =	vadd.f32 v26, v22;
	v22 =	vadd.f32 v45, v53;
	_ =	sdelay $0x1  }
0x1b7: {  	v19 =	vadd.f32 v22, v19;
	v22 =	vadd.f32 v46, v52  }
0x1b8: {  	_ =	swait.ge [sflag:s6], $0x4800  }
0x1b9: {  	v2 =	vadd.f32 v35, v36;
	v35 =	vadd.f32 v22, v10;
	v10 =	vld [tilespmem:$0x1FE50];
	_ =	sdelay $0x2  }
0x1ba: {  	v0 =	vadd.f32 v0, v21  }
0x1bb: {  	v21 =	vadd.f32 v28, v24;
	v24 =	vadd.f32 v40, v49  }
0x1bc: {  	v10 =	vadd.f32 v60, v10  }
0x1bd: {  	v28 =	vadd.f32 v24, v23;
	v23 =	vadd.f32 v37, v38  }
0x1be: {  	v38 =	vadd.f32 v10, v20;
	v10 =	vadd.f32 v48, v54;
	_ =	sdelay $0x1  }
0x1bf: {  	v24 =	vadd.f32 v41, v44;
	v41 =	vadd.f32 v10, v12;
	v10 =	vld [tilespmem:$0x1FE70];
	_ =	sdelay $0x1  }
0x1c0: {  	s13 =	simm.s32 $0x0  }
0x1c1: {  	s12 =	smul.u32 $0x3000, s13;
	_ =	sdelay $0x1  }
0x1c2: {  	s14 =	sshra.s32 s12, $0x2;
	v10 =	vadd.f32 v56, v10  }
0x1c3: {  	s15 =	sand.u32 $0x300, s29;
	s12 =	sadd.s32 $0x5E00, s14;
	[sflag:s6] =	ssyncset.done $0x0  }
0x1c4: {  	v29 =	vadd.f32 v31, v29;
	s30 =	sadd.s32 s15, s12;
	s18 =	sor.u32 $0x80, s15;
	[sflag:s6] =	ssyncadd.s32 $0xFFFFB800;
	v17 =	vadd.f32 v10, v17;
	v10 =	vld [tilespmem:$0x1FE90]  }
0x1c5: {  	s12 =	sadd.s32 s18, s12;
	s19 =	sadd.s32 $0x5600, s14;
	v27 =	vld [tilespmem:s30+$0x70]  }
0x1c6: {  	v25 =	vadd.f32 v29, v25;
	s20 =	sadd.s32 s15, s19;
	v29 =	vld [tilespmem:s12+$0x70]  }
0x1c7: {  	s16 =	sadd.s32 s18, s19;
	v2 =	vadd.f32 v2, v18;
	v18 =	vld [tilespmem:s20+$0x0]  }
0x1c8: {  	v31 =	vld [tilespmem:s16+$0x0]  }
0x1c9: {  	v32 =	vld [tilespmem:s20+$0x10];
	v10 =	vadd.f32 v59, v10  }
0x1ca: {  	v33 =	vld [tilespmem:s16+$0x10]  }
0x1cb: {  	v45 =	vadd.f32 v10, v7;
	v7 =	vld [tilespmem:$0x1FEA0]  }
0x1cc: {  	v10 =	vld [tilespmem:$0x1FEB0]  }
0x1cd: {  	v34 =	vld [tilespmem:s20+$0x20]  }
0x1ce: {  	v36 =	vld [tilespmem:s16+$0x20]  }
0x1cf: {  	v37 =	vld [tilespmem:s20+$0x30]  }
0x1d0: {  	v39 =	vld [tilespmem:s16+$0x30]  }
0x1d1: {  	v22 =	vld [tilespmem:$0x1FE60];
	v7 =	vadd.f32 v10, v7  }
0x1d2: {  	v20 =	vld [tilespmem:$0x1FE80]  }
0x1d3: {  	v48 =	vadd.f32 v7, v14;
	v7 =	vld [tilespmem:$0x1FF00]  }
0x1d4: {  	v8 =	vadd.f32 v23, v8;
	v23 =	vadd.f32 v43, v50;
	s13 =	sadd.s32 $0x5A00, s14;
	v14 =	vld [tilespmem:$0x1FF10]  }
0x1d5: {  	s14 =	sadd.s32 s15, s13;
	v42 =	vld [tilespmem:s20+$0x50]  }
0x1d6: {  	v9 =	vadd.f32 v23, v9;
	v23 =	vadd.f32 v47, v63;
	v63 =	vld [tilespmem:s14+$0x0]  }
0x1d7: {  	v60 =	vld [tilespmem:s16+$0x50];
	v20 =	vadd.f32 v57, v20  }
0x1d8: {  	v22 =	vadd.f32 v61, v22;
	v61 =	vld [tilespmem:s16+$0x60]  }
0x1d9: {  	v6 =	vadd.f32 v20, v6;
	v20 =	vld [tilespmem:$0x1FED0];
	v7 =	vadd.f32 v14, v7  }
0x1da: {  	v10 =	vld [tilespmem:$0x1FEC0]  }
0x1db: {  	v50 =	vadd.f32 v7, v4;
	v4 =	vld [tilespmem:$0x1FF20]  }
0x1dc: {  	v7 =	vld [tilespmem:$0x1FF30]  }
0x1dd: {  	v40 =	vadd.f32 v22, v11;
	v11 =	vld [tilespmem:s20+$0x40]  }
0x1de: {  	v22 =	vadd.f32 v62, v58;
	v62 =	vld [tilespmem:s20+$0x70]  }
0x1df: {  	v58 =	vld [tilespmem:s14+$0x20]  }
0x1e0: {  	v44 =	vadd.f32 v22, v13;
	v22 =	vld [tilespmem:$0x1FEF0];
	v10 =	vadd.f32 v20, v10  }
0x1e1: {  	v20 =	vld [tilespmem:$0x1FEE0];
	v4 =	vadd.f32 v7, v4  }
0x1e2: {  	v3 =	vadd.f32 v10, v3;
	v10 =	vld [tilespmem:$0x1FF50]  }
0x1e3: {  	v26 =	vadd.f32 v4, v0;
	v0 =	vld [tilespmem:$0x1FF80]  }
0x1e4: {  	v4 =	vld [tilespmem:$0x1FF90]  }
0x1e5: {  	v7 =	vld [tilespmem:$0x1FF40]  }
0x1e6: {  	v12 =	vld [tilespmem:s16+$0x40]  }
0x1e7: {  	v13 =	vld [tilespmem:s20+$0x60];
	v20 =	vadd.f32 v22, v20  }
0x1e8: {  	v14 =	vld [tilespmem:s16+$0x70]  }
0x1e9: {  	v5 =	vadd.f32 v20, v5;
	v20 =	vld [tilespmem:$0x1FF70];
	v0 =	vadd.f32 v4, v0  }
0x1ea: {  	v7 =	vadd.f32 v10, v7;
	v10 =	vld [tilespmem:$0x1FF60]  }
0x1eb: {  	v16 =	vadd.f32 v23, v16;
	v23 =	vadd.f32 v0, v1;
	v0 =	vld [tilespmem:$0x1FFA0]  }
0x1ec: {  	v1 =	vld [tilespmem:$0x1FFB0]  }
0x1ed: {  	v15 =	vadd.f32 v24, v15;
	v24 =	vadd.f32 v7, v21;
	v7 =	vld [tilespmem:$0x1FFC0]  }
0x1ee: {  	s13 =	sadd.s32 s18, s13;
	v57 =	vld [tilespmem:s14+$0x10]  }
0x1ef: {  	v56 =	vld [tilespmem:s13+$0x0]  }
0x1f0: {  	v13 =	vadd.f32 v61, v13;
	v61 =	vld [tilespmem:s13+$0x70];
	v10 =	vadd.f32 v20, v10  }
0x1f1: {  	v59 =	vld [tilespmem:s13+$0x60];
	v14 =	vadd.f32 v14, v62;
	v0 =	vadd.f32 v1, v0  }
0x1f2: {  	v62 =	vld [tilespmem:s30+$0x0];
	v25 =	vadd.f32 v10, v25;
	v7 =	vadd.f32 v55, v7  }
0x1f3: {  	v4 =	vld [tilespmem:s13+$0x10];
	v22 =	vadd.f32 v0, v28;
	v0 =	vadd.f32 v31, v18  }
0x1f4: {  	v10 =	vadd.f32 v29, v27;
	v27 =	vld [tilespmem:s14+$0x30];
	v20 =	vadd.f32 v7, v30  }
0x1f5: {  	v1 =	vld [tilespmem:s13+$0x20];
	v7 =	vadd.f32 v0, v8;
	v0 =	vadd.f32 v33, v32  }
0x1f6: {  	v21 =	vadd.f32 v10, v2;
	v2 =	vld [tilespmem:s14+$0x40]  }
0x1f7: {  	v30 =	vld [tilespmem:s14+$0x50];
	v8 =	vadd.f32 v0, v19;
	v0 =	vadd.f32 v12, v11  }
0x1f8: {  	v13 =	vadd.f32 v13, v40;
	v14 =	vadd.f32 v14, v16;
	v18 =	vld [tilespmem:s13+$0x30]  }
0x1f9: {  	v28 =	vld [tilespmem:s13+$0x40];
	v11 =	vadd.f32 v0, v35;
	v0 =	vadd.f32 v60, v42  }
0x1fa: {  	v29 =	vadd.f32 v39, v37;
	v10 =	vadd.f32 v36, v34;
	v31 =	vld [tilespmem:s13+$0x50]  }
0x1fb: {  	v60 =	vld [tilespmem:s14+$0x70];
	v12 =	vadd.f32 v0, v38;
	v0 =	vadd.f32 v56, v63  }
0x1fc: {  	v9 =	vadd.f32 v10, v9;
	v10 =	vadd.f32 v29, v15;
	v29 =	vld [tilespmem:s14+$0x60]  }
0x1fd: {  	v63 =	vld [tilespmem:s30+$0x10];
	v15 =	vadd.f32 v0, v41;
	v0 =	vadd.f32 v4, v57  }
0x1fe: {  	v1 =	vadd.f32 v1, v58;
	v18 =	vadd.f32 v18, v27;
	v4 =	vld [tilespmem:s12+$0x0]  }
0x1ff: {  	v16 =	vadd.f32 v0, v17;
	v0 =	vadd.f32 v28, v2;
	v2 =	vld [tilespmem:s12+$0x10]  }
0x200: {  	v18 =	vadd.f32 v18, v44;
	v27 =	vadd.f32 v61, v60;
	v28 =	vld [tilespmem:s30+$0x20]  }
0x201: {  	v19 =	vadd.f32 v0, v45;
	v0 =	vadd.f32 v31, v30;
	v30 =	vld [tilespmem:s12+$0x20]  }
0x202: {  	v17 =	vadd.f32 v1, v6;
	v1 =	vadd.f32 v59, v29;
	v29 =	vld [tilespmem:s30+$0x30]  }
0x203: {  	v31 =	vld [tilespmem:s12+$0x30];
	v6 =	vadd.f32 v0, v48;
	v0 =	vadd.f32 v4, v62  }
0x204: {  	s31 =	simm.s32 $0x0;
	v32 =	vld [tilespmem:s12+$0x40];
	v3 =	vadd.f32 v1, v3;
	v39 =	vadd.f32 v2, v63  }
0x205: {  	s13 =	simm.s32 $0x2;
	s14 =	smul.u32 $0x3000, s31;
	v4 =	vadd.f32 v27, v5;
	v27 =	vld [tilespmem:s30+$0x40];
	v5 =	vadd.f32 v0, v50  }
.LBB2_5:
0x206: {  	p0 =	sne.s32 s13, $0x17;
	v26 =	vadd.f32 v39, v26;
	v0 =	vadd.f32 v30, v28;
	v1 =	vld [tilespmem:s30+$0x50]  }
0x207: {  	s29 =	sadd.s32 $0x100, s29;
	s14 =	sshra.s32 s14, $0x2;
	v2 =	vld [tilespmem:s12+$0x50]  }
0x208: {  	s15 =	sand.u32 $0x300, s29;
	s16 =	sadd.s32 $0x5600, s14;
	s17 =	sadd.s32 $0x5E00, s14;
	v24 =	vadd.f32 v0, v24;
	v0 =	vadd.f32 v31, v29;
	v28 =	vld [tilespmem:s30+$0x60]  }
0x209: {  	s18 =	sor.u32 $0x80, s15;
	s14 =	sadd.s32 $0x5A00, s14;
	s30 =	sadd.s32 s15, s17;
	v29 =	vld [tilespmem:s12+$0x60]  }
0x20a: {  	s31 =	sadd.s32 s15, s16;
	s16 =	sadd.s32 s18, s16;
	s12 =	sadd.s32 s18, s17;
	v30 =	vld [tilespmem:s30+$0x70];
	v25 =	vadd.f32 v0, v25;
	v0 =	vadd.f32 v32, v27  }
0x20b: {  	s15 =	sadd.s32 s15, s14;
	s14 =	sadd.s32 s18, s14;
	v27 =	vld [tilespmem:s12+$0x70]  }
0x20c: {  	v31 =	vld [tilespmem:s31+$0x0];
	v23 =	vadd.f32 v0, v23;
	v0 =	vadd.f32 v2, v1  }
0x20d: {  	v1 =	vld [tilespmem:s16+$0x0]  }
0x20e: {  	v2 =	vld [tilespmem:s31+$0x10];
	v22 =	vadd.f32 v0, v22;
	v0 =	vadd.f32 v29, v28  }
0x20f: {  	v28 =	vld [tilespmem:s16+$0x10]  }
0x210: {  	v29 =	vld [tilespmem:s31+$0x20];
	v27 =	vadd.f32 v27, v30;
	v20 =	vadd.f32 v0, v20  }
0x211: {  	v0 =	vld [tilespmem:s16+$0x20]  }
0x212: {  	v1 =	vadd.f32 v1, v31;
	v30 =	vld [tilespmem:s31+$0x30];
	v21 =	vadd.f32 v27, v21  }
0x213: {  	v27 =	vld [tilespmem:s16+$0x30]  }
0x214: {  	v7 =	vadd.f32 v1, v7;
	v1 =	vadd.f32 v28, v2;
	v2 =	vld [tilespmem:s31+$0x40]  }
0x215: {  	v28 =	vld [tilespmem:s16+$0x40]  }
0x216: {  	v8 =	vadd.f32 v1, v8;
	v0 =	vadd.f32 v0, v29;
	v1 =	vld [tilespmem:s31+$0x50]  }
0x217: {  	v29 =	vld [tilespmem:s16+$0x50]  }
0x218: {  	v9 =	vadd.f32 v0, v9;
	v0 =	vadd.f32 v27, v30;
	v27 =	vld [tilespmem:s31+$0x60]  }
0x219: {  	v30 =	vld [tilespmem:s16+$0x60]  }
0x21a: {  	v10 =	vadd.f32 v0, v10;
	v0 =	vadd.f32 v28, v2;
	v2 =	vld [tilespmem:s31+$0x70]  }
0x21b: {  	v28 =	vld [tilespmem:s16+$0x70]  }
0x21c: {  	v11 =	vadd.f32 v0, v11;
	v0 =	vadd.f32 v29, v1;
	v1 =	vld [tilespmem:s15+$0x0]  }
0x21d: {  	v29 =	vld [tilespmem:s14+$0x0]  }
0x21e: {  	v12 =	vadd.f32 v0, v12;
	v0 =	vadd.f32 v30, v27;
	v27 =	vld [tilespmem:s15+$0x10]  }
0x21f: {  	v30 =	vld [tilespmem:s14+$0x10]  }
0x220: {  	v13 =	vadd.f32 v0, v13;
	v0 =	vadd.f32 v28, v2;
	v2 =	vld [tilespmem:s15+$0x20]  }
0x221: {  	v28 =	vld [tilespmem:s14+$0x20]  }
0x222: {  	v14 =	vadd.f32 v0, v14;
	v0 =	vadd.f32 v29, v1;
	v1 =	vld [tilespmem:s15+$0x30]  }
0x223: {  	v29 =	vld [tilespmem:s14+$0x30]  }
0x224: {  	v15 =	vadd.f32 v0, v15;
	v0 =	vadd.f32 v30, v27;
	v27 =	vld [tilespmem:s15+$0x40]  }
0x225: {  	v30 =	vld [tilespmem:s14+$0x40]  }
0x226: {  	v16 =	vadd.f32 v0, v16;
	v0 =	vadd.f32 v28, v2;
	v2 =	vld [tilespmem:s15+$0x50]  }
0x227: {  	v28 =	vld [tilespmem:s14+$0x50]  }
0x228: {  	v17 =	vadd.f32 v0, v17;
	v0 =	vadd.f32 v29, v1;
	v1 =	vld [tilespmem:s15+$0x60]  }
0x229: {  	v29 =	vld [tilespmem:s14+$0x60]  }
0x22a: {  	v18 =	vadd.f32 v0, v18;
	v0 =	vadd.f32 v30, v27;
	v27 =	vld [tilespmem:s15+$0x70]  }
0x22b: {  	v30 =	vld [tilespmem:s14+$0x70]  }
0x22c: {  	v19 =	vadd.f32 v0, v19;
	v0 =	vadd.f32 v28, v2;
	v2 =	vld [tilespmem:s30+$0x0]  }
0x22d: {  	v31 =	vld [tilespmem:s12+$0x0]  }
0x22e: {  	v6 =	vadd.f32 v0, v6;
	v0 =	vadd.f32 v29, v1;
	v1 =	vld [tilespmem:s30+$0x10]  }
0x22f: {  	v32 =	vld [tilespmem:s12+$0x10]  }
0x230: {  	v3 =	vadd.f32 v0, v3;
	v0 =	vadd.f32 v30, v27;
	v28 =	vld [tilespmem:s30+$0x20]  }
.Ltmp1:
0x231: {  	v30 =	vld [tilespmem:s12+$0x20];
	(pc) =	sbr.rel @p0 .LBB2_5-.Ltmp1, $4  }
0x232: {  	v4 =	vadd.f32 v0, v4;
	v0 =	vadd.f32 v31, v2;
	v29 =	vld [tilespmem:s30+$0x30]  }
0x233: {  	v31 =	vld [tilespmem:s12+$0x30]  }
0x234: {  	s14 =	sshrl.u32 s13, $0x2;
	v5 =	vadd.f32 v0, v5;
	v39 =	vadd.f32 v32, v1;
	v27 =	vld [tilespmem:s30+$0x40]  }
0x235: {  	s13 =	sadd.s32 $0x1, s13;
	s14 =	smul.u32 $0x3000, s14;
	v32 =	vld [tilespmem:s12+$0x40]  }
0x236: {  	_ = 	snop  }
0x237: {  	s13 =	sadd.s32 $0x100, s29;
	s14 =	sshra.s32 s14, $0x2  }
0x238: {  	s15 =	sand.u32 $0x300, s13;
	s16 =	sadd.s32 $0x5E00, s14  }
0x239: {  	s17 =	sor.u32 $0x80, s15;
	s18 =	sadd.s32 $0x5600, s14;
	s14 =	sadd.s32 $0x5A00, s14  }
0x23a: {  	s13 =	sadd.s32 s15, s16;
	s31 =	sadd.s32 s15, s18;
	s15 =	sadd.s32 s15, s14  }
0x23b: {  	v0 =	vld [tilespmem:s15+$0x10];
	_ =	sdelay $0x3  }
0x23c: {  	s14 =	sadd.s32 s17, s14  }
0x23d: {  	[tilespmem:$0x1FCC0] =	vst v0;
	v0 =	vld [tilespmem:s14+$0x10];
	_ =	sdelay $0x4  }
0x23e: {  	[tilespmem:$0x1FCD0] =	vst v0;
	v0 =	vld [tilespmem:s15+$0x20];
	_ =	sdelay $0x4  }
0x23f: {  	[tilespmem:$0x1FCE0] =	vst v0;
	v0 =	vld [tilespmem:s14+$0x20];
	_ =	sdelay $0x4  }
0x240: {  	[tilespmem:$0x1FCF0] =	vst v0;
	v0 =	vld [tilespmem:s15+$0x40]  }
0x241: {  	v1 =	vld [tilespmem:s14+$0x70];
	_ =	sdelay $0x2  }
0x242: {  	v40 =	vld [tilespmem:s30+$0x50]  }
0x243: {  	[tilespmem:$0x1FD00] =	vst v0;
	v0 =	vld [tilespmem:s15+$0x50]  }
0x244: {  	[tilespmem:$0x1FD60] =	vst v1;
	v1 =	vld [tilespmem:s13+$0x0]  }
0x245: {  	v41 =	vld [tilespmem:s12+$0x50]  }
0x246: {  	v42 =	vld [tilespmem:s30+$0x60]  }
0x247: {  	v43 =	vld [tilespmem:s12+$0x60]  }
0x248: {  	s20 =	sadd.s32 s17, s16;
	[tilespmem:$0x1FD10] =	vst v0;
	v0 =	vld [tilespmem:s14+$0x50]  }
0x249: {  	[tilespmem:$0x1FD70] =	vst v1;
	v1 =	vld [tilespmem:s20+$0x0]  }
0x24a: {  	v34 =	vld [tilespmem:$0x1FFD0]  }
0x24b: {  	v44 =	vld [tilespmem:s13+$0x70]  }
0x24c: {  	v45 =	vld [tilespmem:s20+$0x70]  }
0x24d: {  	[tilespmem:$0x1FD20] =	vst v0;
	v0 =	vld [tilespmem:s15+$0x60]  }
0x24e: {  	[tilespmem:$0x1FD80] =	vst v1;
	v1 =	vld [tilespmem:s13+$0x10]  }
0x24f: {  	s18 =	sadd.s32 s17, s18;
	v46 =	vld [tilespmem:s31+$0x0]  }
0x250: {  	v47 =	vld [tilespmem:s18+$0x0]  }
0x251: {  	v48 =	vld [tilespmem:s31+$0x10]  }
0x252: {  	[tilespmem:$0x1FD30] =	vst v0;
	v0 =	vld [tilespmem:s14+$0x60]  }
0x253: {  	[tilespmem:$0x1FD90] =	vst v1;
	v1 =	vld [tilespmem:s20+$0x10]  }
0x254: {  	v49 =	vld [tilespmem:s18+$0x10]  }
0x255: {  	v50 =	vld [tilespmem:s31+$0x20]  }
0x256: {  	v51 =	vld [tilespmem:s18+$0x20]  }
0x257: {  	[tilespmem:$0x1FD40] =	vst v0;
	v0 =	vld [tilespmem:s15+$0x70]  }
0x258: {  	[tilespmem:$0x1FDA0] =	vst v1;
	v1 =	vld [tilespmem:s13+$0x20]  }
0x259: {  	v52 =	vld [tilespmem:s31+$0x30]  }
0x25a: {  	v53 =	vld [tilespmem:s18+$0x30]  }
0x25b: {  	v54 =	vld [tilespmem:s31+$0x40]  }
0x25c: {  	[tilespmem:$0x1FD50] =	vst v0;
	v0 =	vld [tilespmem:$0x138]  }
0x25d: {  	[tilespmem:$0x1FDB0] =	vst v1;
	v1 =	vld [tilespmem:s20+$0x20]  }
0x25e: {  	v55 =	vld [tilespmem:s18+$0x40]  }
0x25f: {  	v56 =	vld [tilespmem:s31+$0x50]  }
0x260: {  	v57 =	vld [tilespmem:s18+$0x50]  }
0x261: {  	v58 =	vld [tilespmem:s31+$0x60];
	v36 =	vshrl.u32 v0, $0x3  }
0x262: {  	[tilespmem:$0x1FDC0] =	vst v1;
	v1 =	vld [tilespmem:s13+$0x30];
	v36 =	vmul.u32 $0x18, v36  }
0x263: {  	v2 =	vld [tilespmem:s13+$0x40];
	v0 =	vand.u32 $0x7, v0  }
0x264: {  	v0 =	vor.u32 v0, v36;
	v36 =	vld [tilespmem:s13+$0x50]  }
0x265: {  	v59 =	vld [tilespmem:s18+$0x60]  }
0x266: {  	v33 =	vld [tilespmem:s20+$0x40]  }
0x267: {  	[tilespmem:$0x1FDD0] =	vst v1;
	v1 =	vld [tilespmem:s20+$0x30]  }
0x268: {  	[tilespmem:$0x1FDF0] =	vst v2;
	v2 =	vld [tilespmem:$0x1FFE0]  }
0x269: {  	[tilespmem:$0x1FE10] =	vst v36;
	v36 =	vld [tilespmem:s20+$0x50]  }
0x26a: {  	v60 =	vld [tilespmem:s31+$0x70]  }
0x26b: {  	[tilespmem:$0x1FE00] =	vst v33;
	v33 =	vld [tilespmem:$0x1FFF0]  }
0x26c: {  	v61 =	vld [tilespmem:s18+$0x70];
	[tilespmem:$0x1FDE0] =	vst v1;
	v1 =	vperm.xlane v0, v34  }
0x26d: {  	v62 =	vld [tilespmem:s15+$0x0]  }
0x26e: {  	v1 =	vadd.s32 v2, v1;
	[tilespmem:$0x1FE20] =	vst v36;
	v36 =	vld [tilespmem:s13+$0x60]  }
0x26f: {  	v63 =	vld [tilespmem:s14+$0x0]  }
0x270: {  	v37 =	vld [tilespmem:s15+$0x30];
	v0 =	vperm.xlane v0, v33  }
0x271: {  	v35 =	vld [tilespmem:s14+$0x30]  }
0x272: {  	s29 =	simm.s32 $0x0;
	v38 =	vld [tilespmem:s14+$0x40];
	s18 =	simm.s32 $0x5600;
	v0 =	vadd.s32 v2, v0  }
0x273: {  	[tilespmem:$0x1FE30] =	vst v36;
	v36 =	vld [tilespmem:s20+$0x60];
	[tilespmem:s18], [sflag:$0x2] =	stream.indirect_vreg.gather [hbm4b:s4+s29], $0x80, v1, vm0, $0xb8  }
0x274: {  	s19 =	simm.s32 $0x5E00  }
0x275: {  	[tilespmem:s19], [sflag:$0x2] =	stream.indirect_vreg.gather [hbm4b:s7+s29], $0x80, v1, vm1, $0xb8;
	[tilespmem:$0x1EE00] =	vst v63  }
0x276: {  	s20 =	simm.s32 $0x6200  }
0x277: {  	[tilespmem:s20], [sflag:$0x2] =	stream.indirect_vreg.gather [hbm4b:s4+s29], $0x80, v0, vm0, $0xb8;
	[tilespmem:$0x1EE00] =	vst v63  }
0x278: {  	s31 =	simm.s32 $0x6A00  }
0x279: {  	[tilespmem:s31], [sflag:$0x2] =	stream.indirect_vreg.gather [hbm4b:s7+s29], $0x80, v0, vm1, $0xb8;
	[tilespmem:$0x1EE00] =	vst v63  }
0x27a: {  	v0 =	vld [tilespmem:$0x148];
	_ =	sdelay $0x4  }
0x27b: {  	v1 =	vshrl.u32 v0, $0x3  }
0x27c: {  	v1 =	vmul.u32 $0x18, v1  }
0x27d: {  	v0 =	vand.u32 $0x7, v0  }
0x27e: {  	v0 =	vor.u32 v0, v1  }
0x27f: {  	v1 =	vperm.xlane v0, v34;
	_ =	sdelay $0x1  }
0x280: {  	v1 =	vadd.s32 v2, v1;
	_ =	sdelay $0x1  }
0x281: {  	v0 =	vperm.xlane v0, v33;
	_ =	sdelay $0x1  }
0x282: {  	s13 =	simm.s32 $0x6E00;
	v0 =	vadd.s32 v2, v0  }
0x283: {  	[tilespmem:s13], [sflag:$0x2] =	stream.indirect_vreg.gather [hbm4b:s4+s29], $0x80, v1, vm0, $0xb8;
	[tilespmem:$0x1EE00] =	vst v63  }
0x284: {  	s14 =	simm.s32 $0x7600  }
0x285: {  	[tilespmem:s14], [sflag:$0x2] =	stream.indirect_vreg.gather [hbm4b:s7+s29], $0x80, v1, vm1, $0xb8;
	[tilespmem:$0x1EE00] =	vst v63  }
0x286: {  	s15 =	simm.s32 $0x7A00  }
0x287: {  	[tilespmem:s15], [sflag:$0x2] =	stream.indirect_vreg.gather [hbm4b:s4+s29], $0x80, v0, vm0, $0xb8;
	[tilespmem:$0x1EE00] =	vst v63  }
0x288: {  	s16 =	simm.s32 $0x8200  }
0x289: {  	[tilespmem:s16], [sflag:$0x2] =	stream.indirect_vreg.gather [hbm4b:s7+s29], $0x80, v0, vm1, $0xb8;
	[tilespmem:$0x1EE00] =	vst v63  }
0x28a: {  	v0 =	vld [tilespmem:$0x158];
	_ =	sdelay $0x4  }
0x28b: {  	v1 =	vshrl.u32 v0, $0x3  }
0x28c: {  	v1 =	vmul.u32 $0x18, v1  }
0x28d: {  	v0 =	vand.u32 $0x7, v0  }
0x28e: {  	v0 =	vor.u32 v0, v1  }
0x28f: {  	v1 =	vperm.xlane v0, v34;
	_ =	sdelay $0x1  }
0x290: {  	v1 =	vadd.s32 v2, v1;
	_ =	sdelay $0x3  }
0x291: {  	s17 =	simm.s32 $0x8600  }
0x292: {  	[tilespmem:s17], [sflag:$0x2] =	stream.indirect_vreg.gather [hbm4b:s4+s29], $0x80, v1, vm0, $0xb8;
	[tilespmem:$0x1EE00] =	vst v63  }
0x293: {  	s18 =	simm.s32 $0x8E00  }
0x294: {  	[tilespmem:s18], [sflag:$0x2] =	stream.indirect_vreg.gather [hbm4b:s7+s29], $0x80, v1, vm1, $0xb8;
	v1 =	vadd.f32 v30, v28;
	[tilespmem:$0x1EE00] =	vst v63  }
0x295: {  	_ = 	snop  }
0x296: {  	v0 =	vperm.xlane v0, v33;
	v1 =	vadd.f32 v1, v24;
	v24 =	vadd.f32 v41, v40;
	_ =	sdelay $0x1  }
0x297: {  	v0 =	vadd.s32 v2, v0;
	v22 =	vadd.f32 v24, v22;
	v24 =	vadd.f32 v47, v46;
	_ =	sdelay $0x1  }
0x298: {  	v7 =	vadd.f32 v24, v7;
	v24 =	vadd.f32 v49, v48;
	_ =	sdelay $0x1  }
0x299: {  	s19 =	simm.s32 $0x9200;
	v8 =	vadd.f32 v24, v8;
	v24 =	vadd.f32 v55, v54  }
0x29a: {  	[tilespmem:s19], [sflag:$0x2] =	stream.indirect_vreg.gather [hbm4b:s4+s29], $0x80, v0, vm0, $0xb8;
	[tilespmem:$0x1EE00] =	vst v63  }
0x29b: {  	[tilespmem:$0x1FE40] =	vst v36;
	s31 =	simm.s32 $0x9A00;
	v11 =	vadd.f32 v24, v11;
	v24 =	vadd.f32 v57, v56  }
0x29c: {  	[tilespmem:s31], [sflag:$0x2] =	stream.indirect_vreg.gather [hbm4b:s7+s29], $0x80, v0, vm1, $0xb8;
	v0 =	vadd.f32 v39, v26;
	v26 =	vadd.f32 v32, v27;
	[tilespmem:$0x1EE00] =	vst v63  }
0x29d: {  	_ =	swait.ge [sflag:s9], $0x4800;
	v12 =	vadd.f32 v24, v12;
	v24 =	vadd.f32 v63, v62  }
0x29e: {  	v23 =	vadd.f32 v26, v23;
	v26 =	vadd.f32 v43, v42;
	v2 =	vld [tilespmem:$0x1FCC0]  }
0x29f: {  	v15 =	vadd.f32 v24, v15;
	v24 =	vld [tilespmem:$0x1FCD0]  }
0x2a0: {  	v20 =	vadd.f32 v26, v20;
	v26 =	vadd.f32 v51, v50;
	_ =	sdelay $0x1  }
0x2a1: {  	v9 =	vadd.f32 v26, v9;
	v26 =	vadd.f32 v59, v58;
	_ =	sdelay $0x1  }
0x2a2: {  	v13 =	vadd.f32 v26, v13;
	v26 =	vld [tilespmem:$0x1FCF0];
	v24 =	vadd.f32 v24, v2  }
0x2a3: {  	v2 =	vld [tilespmem:$0x1FCE0]  }
0x2a4: {  	v16 =	vadd.f32 v24, v16;
	v24 =	vld [tilespmem:$0x1FD00];
	_ =	sdelay $0x3  }
0x2a5: {  	v26 =	vadd.f32 v26, v2  }
0x2a6: {  	s20 =	simm.s32 $0x0;
	v24 =	vadd.f32 v38, v24  }
0x2a7: {  	s12 =	smul.u32 $0x3000, s20;
	v17 =	vadd.f32 v26, v17;
	v26 =	vld [tilespmem:$0x1FD20]  }
0x2a8: {  	v28 =	vadd.f32 v31, v29;
	v19 =	vadd.f32 v24, v19;
	v24 =	vld [tilespmem:$0x1FD10]  }
0x2a9: {  	s14 =	sshra.s32 s12, $0x2;
	v31 =	vadd.f32 v53, v52;
	v52 =	vadd.f32 v61, v60;
	v53 =	vld [tilespmem:$0x1FD40]  }
0x2aa: {  	s12 =	sadd.s32 $0xA600, s14;
	s15 =	sand.u32 $0x300, s29;
	[sflag:s9] =	ssyncset.done $0x0;
	v61 =	vld [tilespmem:$0x1FE20]  }
0x2ab: {  	s30 =	sadd.s32 s15, s12;
	v14 =	vadd.f32 v52, v14;
	v52 =	vld [tilespmem:$0x1FE40];
	[sflag:s9] =	ssyncadd.s32 $0xFFFFB800  }
0x2ac: {  	v25 =	vadd.f32 v28, v25;
	v28 =	vld [tilespmem:s30+$0x70]  }
0x2ad: {  	v56 =	vld [tilespmem:$0x1FD80];
	v24 =	vadd.f32 v26, v24  }
0x2ae: {  	s18 =	sor.u32 $0x80, s15;
	v26 =	vld [tilespmem:$0x1FD30]  }
0x2af: {  	s12 =	sadd.s32 s18, s12;
	s19 =	sadd.s32 $0x9E00, s14;
	v27 =	vadd.f32 v45, v44;
	v6 =	vadd.f32 v24, v6;
	v24 =	vld [tilespmem:$0x1FD70]  }
0x2b0: {  	s20 =	sadd.s32 s15, s19;
	v29 =	vld [tilespmem:s12+$0x70]  }
0x2b1: {  	s16 =	sadd.s32 s18, s19;
	v21 =	vadd.f32 v27, v21;
	v27 =	vld [tilespmem:s20+$0x0]  }
0x2b2: {  	v30 =	vld [tilespmem:s16+$0x0]  }
0x2b3: {  	v32 =	vld [tilespmem:s20+$0x10];
	v26 =	vadd.f32 v53, v26  }
0x2b4: {  	v39 =	vld [tilespmem:s16+$0x10];
	v24 =	vadd.f32 v56, v24  }
0x2b5: {  	v3 =	vadd.f32 v26, v3;
	v26 =	vld [tilespmem:$0x1FDA0]  }
0x2b6: {  	v5 =	vadd.f32 v24, v5;
	v24 =	vld [tilespmem:$0x1FD90]  }
0x2b7: {  	v10 =	vadd.f32 v31, v10;
	v31 =	vld [tilespmem:s20+$0x20]  }
0x2b8: {  	v40 =	vld [tilespmem:s16+$0x20]  }
0x2b9: {  	v42 =	vld [tilespmem:s20+$0x30]  }
0x2ba: {  	v57 =	vld [tilespmem:$0x1FDC0]  }
0x2bb: {  	v24 =	vadd.f32 v26, v24;
	v26 =	vld [tilespmem:$0x1FDB0]  }
0x2bc: {  	v43 =	vld [tilespmem:s16+$0x30]  }
0x2bd: {  	v41 =	vld [tilespmem:s20+$0x40]  }
0x2be: {  	v33 =	vld [tilespmem:s16+$0x40]  }
0x2bf: {  	v59 =	vld [tilespmem:$0x1FDE0]  }
0x2c0: {  	v58 =	vadd.f32 v57, v26;
	v26 =	vld [tilespmem:$0x1FDD0]  }
0x2c1: {  	v34 =	vld [tilespmem:s16+$0x50]  }
0x2c2: {  	v54 =	vld [tilespmem:$0x1FD50]  }
0x2c3: {  	v55 =	vld [tilespmem:$0x1FD60]  }
0x2c4: {  	v44 =	vld [tilespmem:s20+$0x70]  }
0x2c5: {  	v60 =	vadd.f32 v59, v26;
	v26 =	vadd.f32 v24, v0;
	v0 =	vld [tilespmem:$0x1FDF0]  }
0x2c6: {  	s13 =	sadd.s32 $0xA200, s14;
	v24 =	vld [tilespmem:$0x1FE00]  }
0x2c7: {  	s14 =	sadd.s32 s15, s13;
	s13 =	sadd.s32 s18, s13;
	v45 =	vld [tilespmem:s16+$0x70]  }
0x2c8: {  	v46 =	vld [tilespmem:s13+$0x0]  }
0x2c9: {  	v49 =	vld [tilespmem:s14+$0x10]  }
0x2ca: {  	v36 =	vld [tilespmem:s13+$0x10]  }
0x2cb: {  	v62 =	vld [tilespmem:s13+$0x20];
	v0 =	vadd.f32 v24, v0  }
0x2cc: {  	v63 =	vld [tilespmem:$0x1FE30]  }
0x2cd: {  	v28 =	vadd.f32 v29, v28;
	v23 =	vadd.f32 v0, v23;
	v0 =	vld [tilespmem:$0x1FE10]  }
0x2ce: {  	v29 =	vld [tilespmem:s14+$0x30];
	v31 =	vadd.f32 v40, v31  }
0x2cf: {  	v21 =	vadd.f32 v28, v21;
	v28 =	vld [tilespmem:s14+$0x40]  }
0x2d0: {  	v9 =	vadd.f32 v31, v9;
	v31 =	vld [tilespmem:s14+$0x60];
	v2 =	vadd.f32 v35, v37  }
0x2d1: {  	v37 =	vld [tilespmem:s16+$0x60]  }
0x2d2: {  	v2 =	vadd.f32 v2, v18;
	v18 =	vld [tilespmem:s20+$0x60];
	v0 =	vadd.f32 v61, v0  }
0x2d3: {  	v48 =	vadd.f32 v52, v63;
	v63 =	vld [tilespmem:s12+$0x10];
	v38 =	vadd.f32 v55, v54  }
0x2d4: {  	v35 =	vld [tilespmem:s20+$0x50];
	v22 =	vadd.f32 v0, v22;
	v0 =	vadd.f32 v30, v27  }
0x2d5: {  	v20 =	vadd.f32 v48, v20;
	v54 =	vld [tilespmem:s14+$0x50];
	v4 =	vadd.f32 v38, v4  }
0x2d6: {  	v55 =	vld [tilespmem:s13+$0x50];
	v7 =	vadd.f32 v0, v7;
	v0 =	vadd.f32 v39, v32  }
0x2d7: {  	v38 =	vld [tilespmem:s14+$0x0];
	v18 =	vadd.f32 v37, v18;
	v24 =	vadd.f32 v58, v1  }
0x2d8: {  	v1 =	vld [tilespmem:s14+$0x20];
	v8 =	vadd.f32 v0, v8;
	v0 =	vadd.f32 v33, v41  }
0x2d9: {  	v13 =	vadd.f32 v18, v13;
	v53 =	vadd.f32 v43, v42;
	v56 =	vld [tilespmem:s13+$0x60]  }
0x2da: {  	v59 =	vld [tilespmem:s13+$0x70];
	v11 =	vadd.f32 v0, v11;
	v0 =	vadd.f32 v34, v35  }
0x2db: {  	v10 =	vadd.f32 v53, v10;
	v57 =	vadd.f32 v45, v44;
	v30 =	vld [tilespmem:s13+$0x40]  }
0x2dc: {  	v27 =	vld [tilespmem:s13+$0x30];
	v12 =	vadd.f32 v0, v12;
	v0 =	vadd.f32 v46, v38  }
0x2dd: {  	v25 =	vadd.f32 v60, v25;
	v60 =	vld [tilespmem:s30+$0x0];
	v1 =	vadd.f32 v62, v1  }
0x2de: {  	v58 =	vld [tilespmem:s14+$0x70];
	v15 =	vadd.f32 v0, v15;
	v0 =	vadd.f32 v36, v49  }
0x2df: {  	v14 =	vadd.f32 v57, v14;
	v61 =	vld [tilespmem:s12+$0x0];
	v17 =	vadd.f32 v1, v17  }
0x2e0: {  	v62 =	vld [tilespmem:s30+$0x10];
	v16 =	vadd.f32 v0, v16;
	v0 =	vadd.f32 v30, v28  }
0x2e1: {  	v1 =	vadd.f32 v56, v31;
	v18 =	vadd.f32 v27, v29;
	v28 =	vld [tilespmem:s30+$0x20]  }
0x2e2: {  	v30 =	vld [tilespmem:s12+$0x20];
	v19 =	vadd.f32 v0, v19;
	v0 =	vadd.f32 v55, v54  }
0x2e3: {  	v31 =	vld [tilespmem:s12+$0x30];
	v18 =	vadd.f32 v18, v2;
	v2 =	vadd.f32 v59, v58  }
0x2e4: {  	v29 =	vld [tilespmem:s30+$0x30];
	v6 =	vadd.f32 v0, v6;
	v0 =	vadd.f32 v61, v60  }
0x2e5: {  	s31 =	simm.s32 $0x0;
	v3 =	vadd.f32 v1, v3;
	v39 =	vadd.f32 v63, v62;
	v32 =	vld [tilespmem:s12+$0x40]  }
0x2e6: {  	s14 =	smul.u32 $0x3000, s31;
	s13 =	simm.s32 $0x2;
	v27 =	vld [tilespmem:s30+$0x40];
	v4 =	vadd.f32 v2, v4;
	v5 =	vadd.f32 v0, v5  }
.LBB2_7:
0x2e7: {  	p0 =	sne.s32 s13, $0x17;
	v26 =	vadd.f32 v39, v26;
	v0 =	vadd.f32 v30, v28;
	v1 =	vld [tilespmem:s30+$0x50]  }
0x2e8: {  	s29 =	sadd.s32 $0x100, s29;
	s14 =	sshra.s32 s14, $0x2;
	v2 =	vld [tilespmem:s12+$0x50]  }
0x2e9: {  	s15 =	sand.u32 $0x300, s29;
	s16 =	sadd.s32 $0x9E00, s14;
	s17 =	sadd.s32 $0xA600, s14;
	v24 =	vadd.f32 v0, v24;
	v0 =	vadd.f32 v31, v29;
	v28 =	vld [tilespmem:s30+$0x60]  }
0x2ea: {  	s18 =	sor.u32 $0x80, s15;
	s14 =	sadd.s32 $0xA200, s14;
	s30 =	sadd.s32 s15, s17;
	v29 =	vld [tilespmem:s12+$0x60]  }
0x2eb: {  	s31 =	sadd.s32 s15, s16;
	s16 =	sadd.s32 s18, s16;
	s12 =	sadd.s32 s18, s17;
	v30 =	vld [tilespmem:s30+$0x70];
	v25 =	vadd.f32 v0, v25;
	v0 =	vadd.f32 v32, v27  }
0x2ec: {  	s15 =	sadd.s32 s15, s14;
	s14 =	sadd.s32 s18, s14;
	v27 =	vld [tilespmem:s12+$0x70]  }
0x2ed: {  	v31 =	vld [tilespmem:s31+$0x0];
	v23 =	vadd.f32 v0, v23;
	v0 =	vadd.f32 v2, v1  }
0x2ee: {  	v1 =	vld [tilespmem:s16+$0x0]  }
0x2ef: {  	v2 =	vld [tilespmem:s31+$0x10];
	v22 =	vadd.f32 v0, v22;
	v0 =	vadd.f32 v29, v28  }
0x2f0: {  	v28 =	vld [tilespmem:s16+$0x10]  }
0x2f1: {  	v29 =	vld [tilespmem:s31+$0x20];
	v27 =	vadd.f32 v27, v30;
	v20 =	vadd.f32 v0, v20  }
0x2f2: {  	v0 =	vld [tilespmem:s16+$0x20]  }
0x2f3: {  	v1 =	vadd.f32 v1, v31;
	v30 =	vld [tilespmem:s31+$0x30];
	v21 =	vadd.f32 v27, v21  }
0x2f4: {  	v27 =	vld [tilespmem:s16+$0x30]  }
0x2f5: {  	v7 =	vadd.f32 v1, v7;
	v1 =	vadd.f32 v28, v2;
	v2 =	vld [tilespmem:s31+$0x40]  }
0x2f6: {  	v28 =	vld [tilespmem:s16+$0x40]  }
0x2f7: {  	v8 =	vadd.f32 v1, v8;
	v0 =	vadd.f32 v0, v29;
	v1 =	vld [tilespmem:s31+$0x50]  }
0x2f8: {  	v29 =	vld [tilespmem:s16+$0x50]  }
0x2f9: {  	v9 =	vadd.f32 v0, v9;
	v0 =	vadd.f32 v27, v30;
	v27 =	vld [tilespmem:s31+$0x60]  }
0x2fa: {  	v30 =	vld [tilespmem:s16+$0x60]  }
0x2fb: {  	v10 =	vadd.f32 v0, v10;
	v0 =	vadd.f32 v28, v2;
	v2 =	vld [tilespmem:s31+$0x70]  }
0x2fc: {  	v28 =	vld [tilespmem:s16+$0x70]  }
0x2fd: {  	v11 =	vadd.f32 v0, v11;
	v0 =	vadd.f32 v29, v1;
	v1 =	vld [tilespmem:s15+$0x0]  }
0x2fe: {  	v29 =	vld [tilespmem:s14+$0x0]  }
0x2ff: {  	v12 =	vadd.f32 v0, v12;
	v0 =	vadd.f32 v30, v27;
	v27 =	vld [tilespmem:s15+$0x10]  }
0x300: {  	v30 =	vld [tilespmem:s14+$0x10]  }
0x301: {  	v13 =	vadd.f32 v0, v13;
	v0 =	vadd.f32 v28, v2;
	v2 =	vld [tilespmem:s15+$0x20]  }
0x302: {  	v28 =	vld [tilespmem:s14+$0x20]  }
0x303: {  	v14 =	vadd.f32 v0, v14;
	v0 =	vadd.f32 v29, v1;
	v1 =	vld [tilespmem:s15+$0x30]  }
0x304: {  	v29 =	vld [tilespmem:s14+$0x30]  }
0x305: {  	v15 =	vadd.f32 v0, v15;
	v0 =	vadd.f32 v30, v27;
	v27 =	vld [tilespmem:s15+$0x40]  }
0x306: {  	v30 =	vld [tilespmem:s14+$0x40]  }
0x307: {  	v16 =	vadd.f32 v0, v16;
	v0 =	vadd.f32 v28, v2;
	v2 =	vld [tilespmem:s15+$0x50]  }
0x308: {  	v28 =	vld [tilespmem:s14+$0x50]  }
0x309: {  	v17 =	vadd.f32 v0, v17;
	v0 =	vadd.f32 v29, v1;
	v1 =	vld [tilespmem:s15+$0x60]  }
0x30a: {  	v29 =	vld [tilespmem:s14+$0x60]  }
0x30b: {  	v18 =	vadd.f32 v0, v18;
	v0 =	vadd.f32 v30, v27;
	v27 =	vld [tilespmem:s15+$0x70]  }
0x30c: {  	v30 =	vld [tilespmem:s14+$0x70]  }
0x30d: {  	v19 =	vadd.f32 v0, v19;
	v0 =	vadd.f32 v28, v2;
	v2 =	vld [tilespmem:s30+$0x0]  }
0x30e: {  	v31 =	vld [tilespmem:s12+$0x0]  }
0x30f: {  	v6 =	vadd.f32 v0, v6;
	v0 =	vadd.f32 v29, v1;
	v1 =	vld [tilespmem:s30+$0x10]  }
0x310: {  	v32 =	vld [tilespmem:s12+$0x10]  }
0x311: {  	v3 =	vadd.f32 v0, v3;
	v0 =	vadd.f32 v30, v27;
	v28 =	vld [tilespmem:s30+$0x20]  }
.Ltmp2:
0x312: {  	v30 =	vld [tilespmem:s12+$0x20];
	(pc) =	sbr.rel @p0 .LBB2_7-.Ltmp2, $4  }
0x313: {  	v4 =	vadd.f32 v0, v4;
	v0 =	vadd.f32 v31, v2;
	v29 =	vld [tilespmem:s30+$0x30]  }
0x314: {  	v31 =	vld [tilespmem:s12+$0x30]  }
0x315: {  	s14 =	sshrl.u32 s13, $0x2;
	v5 =	vadd.f32 v0, v5;
	v39 =	vadd.f32 v32, v1;
	v27 =	vld [tilespmem:s30+$0x40]  }
0x316: {  	s13 =	sadd.s32 $0x1, s13;
	s14 =	smul.u32 $0x3000, s14;
	v32 =	vld [tilespmem:s12+$0x40]  }
0x317: {  	_ = 	snop  }
0x318: {  	s13 =	sadd.s32 $0x100, s29;
	s14 =	sshra.s32 s14, $0x2  }
0x319: {  	s15 =	sand.u32 $0x300, s13;
	s16 =	sadd.s32 $0xA600, s14  }
0x31a: {  	s17 =	sor.u32 $0x80, s15;
	s18 =	sadd.s32 $0x9E00, s14;
	s14 =	sadd.s32 $0xA200, s14  }
0x31b: {  	s13 =	sadd.s32 s15, s16;
	s31 =	sadd.s32 s15, s18;
	s15 =	sadd.s32 s15, s14  }
0x31c: {  	v0 =	vld [tilespmem:s15+$0x10];
	_ =	sdelay $0x4  }
0x31d: {  	[tilespmem:$0x1FB30] =	vst v0;
	v0 =	vld [tilespmem:s15+$0x20];
	_ =	sdelay $0x3  }
0x31e: {  	s14 =	sadd.s32 s17, s14  }
0x31f: {  	[tilespmem:$0x1FB40] =	vst v0;
	v0 =	vld [tilespmem:s14+$0x20];
	_ =	sdelay $0x4  }
0x320: {  	[tilespmem:$0x1FB50] =	vst v0;
	v0 =	vld [tilespmem:s15+$0x40];
	_ =	sdelay $0x4  }
0x321: {  	[tilespmem:$0x1FB60] =	vst v0;
	v0 =	vld [tilespmem:s14+$0x40]  }
0x322: {  	v1 =	vld [tilespmem:s14+$0x70];
	_ =	sdelay $0x2  }
0x323: {  	v40 =	vld [tilespmem:s30+$0x50]  }
0x324: {  	[tilespmem:$0x1FB70] =	vst v0;
	v0 =	vld [tilespmem:s15+$0x50]  }
0x325: {  	[tilespmem:$0x1FBD0] =	vst v1;
	v1 =	vld [tilespmem:s13+$0x0]  }
0x326: {  	v41 =	vld [tilespmem:s12+$0x50]  }
0x327: {  	v42 =	vld [tilespmem:s30+$0x60]  }
0x328: {  	v43 =	vld [tilespmem:s12+$0x60]  }
0x329: {  	s20 =	sadd.s32 s17, s16;
	[tilespmem:$0x1FB80] =	vst v0;
	v0 =	vld [tilespmem:s14+$0x50]  }
0x32a: {  	[tilespmem:$0x1FBE0] =	vst v1;
	v1 =	vld [tilespmem:s20+$0x0]  }
0x32b: {  	v34 =	vld [tilespmem:$0x1FFD0]  }
0x32c: {  	v44 =	vld [tilespmem:s13+$0x70]  }
0x32d: {  	v45 =	vld [tilespmem:s20+$0x70]  }
0x32e: {  	[tilespmem:$0x1FB90] =	vst v0;
	v0 =	vld [tilespmem:s15+$0x60]  }
0x32f: {  	[tilespmem:$0x1FBF0] =	vst v1;
	v1 =	vld [tilespmem:s13+$0x10]  }
0x330: {  	s18 =	sadd.s32 s17, s18;
	v46 =	vld [tilespmem:s31+$0x0]  }
0x331: {  	v47 =	vld [tilespmem:s18+$0x0]  }
0x332: {  	v48 =	vld [tilespmem:s31+$0x10]  }
0x333: {  	[tilespmem:$0x1FBA0] =	vst v0;
	v0 =	vld [tilespmem:s14+$0x60]  }
0x334: {  	[tilespmem:$0x1FC00] =	vst v1;
	v1 =	vld [tilespmem:s20+$0x10]  }
0x335: {  	v49 =	vld [tilespmem:s18+$0x10]  }
0x336: {  	v50 =	vld [tilespmem:s31+$0x20]  }
0x337: {  	v51 =	vld [tilespmem:s18+$0x20]  }
0x338: {  	[tilespmem:$0x1FBB0] =	vst v0;
	v0 =	vld [tilespmem:s15+$0x70]  }
0x339: {  	[tilespmem:$0x1FC10] =	vst v1;
	v1 =	vld [tilespmem:s13+$0x20]  }
0x33a: {  	v52 =	vld [tilespmem:s31+$0x30]  }
0x33b: {  	v53 =	vld [tilespmem:s18+$0x30]  }
0x33c: {  	v54 =	vld [tilespmem:s31+$0x40]  }
0x33d: {  	[tilespmem:$0x1FBC0] =	vst v0;
	v0 =	vld [tilespmem:$0x168]  }
0x33e: {  	[tilespmem:$0x1FC20] =	vst v1;
	v1 =	vld [tilespmem:s20+$0x20]  }
0x33f: {  	v55 =	vld [tilespmem:s18+$0x40]  }
0x340: {  	v56 =	vld [tilespmem:s31+$0x50]  }
0x341: {  	v57 =	vld [tilespmem:s18+$0x50]  }
0x342: {  	v58 =	vld [tilespmem:s31+$0x60];
	v36 =	vshrl.u32 v0, $0x3  }
0x343: {  	[tilespmem:$0x1FC30] =	vst v1;
	v1 =	vld [tilespmem:s13+$0x30];
	v36 =	vmul.u32 $0x18, v36  }
0x344: {  	v2 =	vld [tilespmem:s13+$0x40];
	v0 =	vand.u32 $0x7, v0  }
0x345: {  	v0 =	vor.u32 v0, v36;
	v36 =	vld [tilespmem:s13+$0x50]  }
0x346: {  	v59 =	vld [tilespmem:s18+$0x60]  }
0x347: {  	v33 =	vld [tilespmem:s20+$0x40]  }
0x348: {  	[tilespmem:$0x1FC40] =	vst v1;
	v1 =	vld [tilespmem:s20+$0x30]  }
0x349: {  	[tilespmem:$0x1FC60] =	vst v2;
	v2 =	vld [tilespmem:$0x1FFE0]  }
0x34a: {  	[tilespmem:$0x1FC80] =	vst v36;
	v36 =	vld [tilespmem:s20+$0x50]  }
0x34b: {  	v60 =	vld [tilespmem:s31+$0x70]  }
0x34c: {  	[tilespmem:$0x1FC70] =	vst v33;
	v33 =	vld [tilespmem:$0x1FFF0]  }
0x34d: {  	v61 =	vld [tilespmem:s18+$0x70];
	[tilespmem:$0x1FC50] =	vst v1;
	v1 =	vperm.xlane v0, v34  }
0x34e: {  	v62 =	vld [tilespmem:s15+$0x0]  }
0x34f: {  	v1 =	vadd.s32 v2, v1;
	[tilespmem:$0x1FC90] =	vst v36;
	v36 =	vld [tilespmem:s13+$0x60]  }
0x350: {  	v63 =	vld [tilespmem:s14+$0x0]  }
0x351: {  	v38 =	vld [tilespmem:s14+$0x10];
	v0 =	vperm.xlane v0, v33  }
0x352: {  	v37 =	vld [tilespmem:s15+$0x30]  }
0x353: {  	s29 =	simm.s32 $0x0;
	v35 =	vld [tilespmem:s14+$0x30];
	s18 =	simm.s32 $0x9E00;
	v0 =	vadd.s32 v2, v0  }
0x354: {  	[tilespmem:$0x1FCA0] =	vst v36;
	v36 =	vld [tilespmem:s20+$0x60];
	[tilespmem:s18], [sflag:$0x3] =	stream.indirect_vreg.gather [hbm4b:s4+s29], $0x80, v1, vm0, $0xb8  }
0x355: {  	s19 =	simm.s32 $0xA600  }
0x356: {  	[tilespmem:s19], [sflag:$0x3] =	stream.indirect_vreg.gather [hbm4b:s7+s29], $0x80, v1, vm1, $0xb8;
	[tilespmem:$0x1EE00] =	vst v63  }
0x357: {  	s20 =	simm.s32 $0xAA00  }
0x358: {  	[tilespmem:s20], [sflag:$0x3] =	stream.indirect_vreg.gather [hbm4b:s4+s29], $0x80, v0, vm0, $0xb8;
	[tilespmem:$0x1EE00] =	vst v63  }
0x359: {  	s31 =	simm.s32 $0xB200  }
0x35a: {  	[tilespmem:s31], [sflag:$0x3] =	stream.indirect_vreg.gather [hbm4b:s7+s29], $0x80, v0, vm1, $0xb8;
	[tilespmem:$0x1EE00] =	vst v63  }
0x35b: {  	v0 =	vld [tilespmem:$0x178];
	_ =	sdelay $0x4  }
0x35c: {  	v1 =	vshrl.u32 v0, $0x3  }
0x35d: {  	v1 =	vmul.u32 $0x18, v1  }
0x35e: {  	v0 =	vand.u32 $0x7, v0  }
0x35f: {  	v0 =	vor.u32 v0, v1  }
0x360: {  	v1 =	vperm.xlane v0, v34;
	_ =	sdelay $0x1  }
0x361: {  	v1 =	vadd.s32 v2, v1;
	_ =	sdelay $0x1  }
0x362: {  	v0 =	vperm.xlane v0, v33;
	_ =	sdelay $0x1  }
0x363: {  	s13 =	simm.s32 $0xB600;
	v0 =	vadd.s32 v2, v0  }
0x364: {  	[tilespmem:s13], [sflag:$0x3] =	stream.indirect_vreg.gather [hbm4b:s4+s29], $0x80, v1, vm0, $0xb8;
	[tilespmem:$0x1EE00] =	vst v63  }
0x365: {  	s14 =	simm.s32 $0xBE00  }
0x366: {  	[tilespmem:s14], [sflag:$0x3] =	stream.indirect_vreg.gather [hbm4b:s7+s29], $0x80, v1, vm1, $0xb8;
	[tilespmem:$0x1EE00] =	vst v63  }
0x367: {  	s15 =	simm.s32 $0xC200  }
0x368: {  	[tilespmem:s15], [sflag:$0x3] =	stream.indirect_vreg.gather [hbm4b:s4+s29], $0x80, v0, vm0, $0xb8;
	[tilespmem:$0x1EE00] =	vst v63  }
0x369: {  	s16 =	simm.s32 $0xCA00  }
0x36a: {  	[tilespmem:s16], [sflag:$0x3] =	stream.indirect_vreg.gather [hbm4b:s7+s29], $0x80, v0, vm1, $0xb8;
	[tilespmem:$0x1EE00] =	vst v63  }
0x36b: {  	v0 =	vld [tilespmem:$0x188];
	_ =	sdelay $0x4  }
0x36c: {  	v1 =	vshrl.u32 v0, $0x3  }
0x36d: {  	v1 =	vmul.u32 $0x18, v1  }
0x36e: {  	v0 =	vand.u32 $0x7, v0  }
0x36f: {  	v0 =	vor.u32 v0, v1  }
0x370: {  	v1 =	vperm.xlane v0, v34;
	_ =	sdelay $0x1  }
0x371: {  	v1 =	vadd.s32 v2, v1;
	_ =	sdelay $0x1  }
0x372: {  	v0 =	vperm.xlane v0, v33;
	_ =	sdelay $0x1  }
0x373: {  	s17 =	simm.s32 $0xCE00;
	v0 =	vadd.s32 v2, v0  }
0x374: {  	[tilespmem:s17], [sflag:$0x3] =	stream.indirect_vreg.gather [hbm4b:s4+s29], $0x80, v1, vm0, $0xb8;
	[tilespmem:$0x1EE00] =	vst v63  }
0x375: {  	s18 =	simm.s32 $0xD600  }
0x376: {  	[tilespmem:s18], [sflag:$0x3] =	stream.indirect_vreg.gather [hbm4b:s7+s29], $0x80, v1, vm1, $0xb8;
	v1 =	vadd.f32 v30, v28;
	[tilespmem:$0x1EE00] =	vst v63  }
0x377: {  	s19 =	simm.s32 $0xDA00;
	v28 =	vadd.f32 v31, v29  }
0x378: {  	v30 =	vadd.f32 v51, v50;
	[tilespmem:s19], [sflag:$0x3] =	stream.indirect_vreg.gather [hbm4b:s4+s29], $0x80, v0, vm0, $0xb8;
	v1 =	vadd.f32 v1, v24;
	[tilespmem:$0x1EE00] =	vst v63  }
0x379: {  	[tilespmem:$0x1FCB0] =	vst v36;
	s31 =	simm.s32 $0xE200;
	v24 =	vadd.f32 v28, v25;
	v25 =	vadd.f32 v41, v40  }
0x37a: {  	[tilespmem:s31], [sflag:$0x3] =	stream.indirect_vreg.gather [hbm4b:s7+s29], $0x80, v0, vm1, $0xb8;
	v0 =	vadd.f32 v39, v26;
	v26 =	vadd.f32 v32, v27;
	[tilespmem:$0x1EE00] =	vst v63  }
0x37b: {  	v30 =	vadd.f32 v30, v9;
	v9 =	vadd.f32 v57, v56;
	_ =	swait.ge [sflag:s10], $0x4800  }
0x37c: {  	v23 =	vadd.f32 v26, v23;
	v26 =	vadd.f32 v43, v42;
	v2 =	vld [tilespmem:$0x1FB30]  }
0x37d: {  	v22 =	vadd.f32 v25, v22;
	v25 =	vadd.f32 v47, v46  }
0x37e: {  	v26 =	vadd.f32 v26, v20;
	v20 =	vadd.f32 v49, v48  }
0x37f: {  	v43 =	vadd.f32 v9, v12;
	v9 =	vadd.f32 v63, v62  }
0x380: {  	v8 =	vadd.f32 v20, v8;
	v20 =	vadd.f32 v55, v54  }
0x381: {  	v12 =	vld [tilespmem:$0x1FB50];
	v46 =	vadd.f32 v9, v15;
	v9 =	vadd.f32 v38, v2  }
0x382: {  	v2 =	vld [tilespmem:$0x1FB40];
	v11 =	vadd.f32 v20, v11;
	v20 =	vadd.f32 v59, v58  }
0x383: {  	v16 =	vadd.f32 v9, v16;
	v9 =	vld [tilespmem:$0x1FB60]  }
0x384: {  	v27 =	vadd.f32 v45, v44;
	v45 =	vadd.f32 v20, v13;
	v13 =	vld [tilespmem:$0x1FB70];
	_ =	sdelay $0x3  }
0x385: {  	v12 =	vadd.f32 v12, v2  }
0x386: {  	v9 =	vadd.f32 v13, v9  }
0x387: {  	v17 =	vadd.f32 v12, v17;
	v12 =	vld [tilespmem:$0x1FB90]  }
0x388: {  	v2 =	vadd.f32 v35, v37;
	v35 =	vadd.f32 v9, v19;
	v9 =	vld [tilespmem:$0x1FB80];
	_ =	sdelay $0x3  }
0x389: {  	s20 =	simm.s32 $0x0  }
0x38a: {  	s12 =	smul.u32 $0x3000, s20;
	v13 =	vld [tilespmem:$0x1FBB0];
	v9 =	vadd.f32 v12, v9  }
0x38b: {  	v12 =	vld [tilespmem:$0x1FBA0]  }
0x38c: {  	s14 =	sshra.s32 s12, $0x2;
	v47 =	vadd.f32 v9, v6;
	v6 =	vld [tilespmem:$0x1FBE0]  }
0x38d: {  	s12 =	sadd.s32 $0xEE00, s14;
	s15 =	sand.u32 $0x300, s29;
	[sflag:s10] =	ssyncset.done $0x0;
	v9 =	vld [tilespmem:$0x1FBF0]  }
0x38e: {  	s30 =	sadd.s32 s15, s12;
	s18 =	sor.u32 $0x80, s15;
	[sflag:s10] =	ssyncadd.s32 $0xFFFFB800  }
0x38f: {  	s12 =	sadd.s32 s18, s12;
	s19 =	sadd.s32 $0xE600, s14;
	v28 =	vld [tilespmem:s30+$0x70]  }
0x390: {  	s20 =	sadd.s32 s15, s19;
	v29 =	vld [tilespmem:s12+$0x70]  }
0x391: {  	s16 =	sadd.s32 s18, s19;
	v27 =	vadd.f32 v27, v21;
	v21 =	vld [tilespmem:s20+$0x0];
	v12 =	vadd.f32 v13, v12  }
0x392: {  	v7 =	vadd.f32 v25, v7;
	v25 =	vld [tilespmem:s16+$0x0];
	v6 =	vadd.f32 v9, v6  }
0x393: {  	v49 =	vadd.f32 v12, v3;
	v3 =	vld [tilespmem:$0x1FC00]  }
0x394: {  	v56 =	vadd.f32 v6, v5;
	v5 =	vld [tilespmem:$0x1FC10]  }
0x395: {  	v31 =	vadd.f32 v53, v52;
	v32 =	vld [tilespmem:s20+$0x10]  }
0x396: {  	v39 =	vld [tilespmem:s16+$0x10]  }
0x397: {  	v10 =	vadd.f32 v31, v10;
	v31 =	vld [tilespmem:s20+$0x20]  }
0x398: {  	v9 =	vld [tilespmem:$0x1FC30]  }
0x399: {  	v3 =	vadd.f32 v5, v3;
	v5 =	vld [tilespmem:$0x1FC20]  }
0x39a: {  	v40 =	vld [tilespmem:s16+$0x20]  }
0x39b: {  	v42 =	vld [tilespmem:s20+$0x30]  }
0x39c: {  	v44 =	vld [tilespmem:s16+$0x30]  }
0x39d: {  	v12 =	vld [tilespmem:$0x1FC50]  }
0x39e: {  	v5 =	vadd.f32 v9, v5;
	v9 =	vld [tilespmem:$0x1FC40]  }
0x39f: {  	v15 =	vld [tilespmem:s16+$0x40]  }
0x3a0: {  	v33 =	vld [tilespmem:s20+$0x50]  }
0x3a1: {  	v62 =	vld [tilespmem:s20+$0x70]  }
0x3a2: {  	v19 =	vld [tilespmem:$0x1FBD0]  }
0x3a3: {  	v9 =	vadd.f32 v12, v9;
	v12 =	vadd.f32 v3, v0;
	v0 =	vld [tilespmem:$0x1FC60]  }
0x3a4: {  	v3 =	vld [tilespmem:$0x1FC70]  }
0x3a5: {  	s13 =	sadd.s32 $0xEA00, s14;
	v13 =	vld [tilespmem:$0x1FBC0]  }
0x3a6: {  	s14 =	sadd.s32 s15, s13;
	v63 =	vld [tilespmem:s16+$0x70]  }
0x3a7: {  	v57 =	vld [tilespmem:s14+$0x10]  }
0x3a8: {  	v59 =	vadd.f32 v61, v60;
	v60 =	vld [tilespmem:s16+$0x50]  }
0x3a9: {  	v61 =	vld [tilespmem:s16+$0x60];
	v0 =	vadd.f32 v3, v0  }
0x3aa: {  	v13 =	vadd.f32 v19, v13;
	v3 =	vld [tilespmem:$0x1FC90]  }
0x3ab: {  	s13 =	sadd.s32 s18, s13;
	v19 =	vadd.f32 v5, v1;
	v5 =	vadd.f32 v0, v23;
	v0 =	vld [tilespmem:$0x1FC80]  }
0x3ac: {  	v58 =	vld [tilespmem:s13+$0x10]  }
0x3ad: {  	v41 =	vadd.f32 v59, v14;
	v14 =	vld [tilespmem:s20+$0x40]  }
0x3ae: {  	v59 =	vld [tilespmem:s13+$0x20]  }
0x3af: {  	v50 =	vadd.f32 v13, v4;
	v13 =	vld [tilespmem:$0x1FCB0]  }
0x3b0: {  	v0 =	vadd.f32 v3, v0;
	v3 =	vld [tilespmem:$0x1FCA0]  }
0x3b1: {  	v2 =	vadd.f32 v2, v18;
	v18 =	vld [tilespmem:s20+$0x60]  }
0x3b2: {  	v6 =	vld [tilespmem:s13+$0x0];
	v9 =	vadd.f32 v9, v24;
	v24 =	vadd.f32 v40, v31  }
0x3b3: {  	v4 =	vld [tilespmem:s14+$0x0]  }
0x3b4: {  	v1 =	vld [tilespmem:s14+$0x20];
	v24 =	vadd.f32 v24, v30  }
0x3b5: {  	v30 =	vld [tilespmem:s14+$0x60];
	v3 =	vadd.f32 v13, v3;
	v13 =	vadd.f32 v29, v28  }
0x3b6: {  	v20 =	vadd.f32 v0, v22;
	v0 =	vadd.f32 v25, v21;
	v22 =	vld [tilespmem:s13+$0x30]  }
0x3b7: {  	v28 =	vld [tilespmem:s14+$0x30];
	v21 =	vadd.f32 v3, v26;
	v3 =	vadd.f32 v13, v27  }
0x3b8: {  	v29 =	vld [tilespmem:s14+$0x50];
	v13 =	vadd.f32 v0, v7;
	v0 =	vadd.f32 v39, v32  }
0x3b9: {  	v25 =	vadd.f32 v44, v42;
	v27 =	vld [tilespmem:s14+$0x40]  }
0x3ba: {  	v7 =	vld [tilespmem:s13+$0x40];
	v23 =	vadd.f32 v0, v8;
	v0 =	vadd.f32 v15, v14  }
0x3bb: {  	v8 =	vld [tilespmem:s13+$0x50];
	v14 =	vadd.f32 v25, v10;
	v15 =	vadd.f32 v63, v62  }
0x3bc: {  	v62 =	vld [tilespmem:s30+$0x0];
	v10 =	vadd.f32 v0, v11;
	v0 =	vadd.f32 v60, v33  }
0x3bd: {  	v63 =	vld [tilespmem:s12+$0x0];
	v11 =	vadd.f32 v61, v18  }
0x3be: {  	v60 =	vld [tilespmem:s13+$0x60];
	v25 =	vadd.f32 v0, v43;
	v0 =	vadd.f32 v6, v4  }
0x3bf: {  	v1 =	vadd.f32 v59, v1;
	v18 =	vld [tilespmem:s14+$0x70];
	v26 =	vadd.f32 v11, v45  }
0x3c0: {  	v61 =	vld [tilespmem:s13+$0x70];
	v11 =	vadd.f32 v0, v46;
	v0 =	vadd.f32 v58, v57  }
0x3c1: {  	v15 =	vadd.f32 v15, v41;
	v4 =	vadd.f32 v22, v28;
	v28 =	vld [tilespmem:s30+$0x10]  }
0x3c2: {  	v22 =	vadd.f32 v0, v16;
	v0 =	vadd.f32 v7, v27;
	v27 =	vld [tilespmem:s12+$0x10]  }
0x3c3: {  	v31 =	vld [tilespmem:s30+$0x20];
	v6 =	vadd.f32 v4, v2;
	v16 =	vadd.f32 v1, v17  }
0x3c4: {  	v1 =	vadd.f32 v8, v29;
	v4 =	vadd.f32 v0, v35;
	v0 =	vld [tilespmem:s12+$0x20]  }
0x3c5: {  	v2 =	vld [tilespmem:s12+$0x30];
	v7 =	vadd.f32 v60, v30;
	v8 =	vadd.f32 v61, v18  }
0x3c6: {  	v30 =	vld [tilespmem:s30+$0x30];
	v17 =	vadd.f32 v1, v47;
	v1 =	vadd.f32 v63, v62  }
0x3c7: {  	s31 =	simm.s32 $0x0;
	v29 =	vld [tilespmem:s30+$0x40];
	v18 =	vadd.f32 v7, v49;
	v32 =	vadd.f32 v27, v28  }
0x3c8: {  	s14 =	smul.u32 $0x3000, s31;
	s13 =	simm.s32 $0x2;
	v7 =	vadd.f32 v8, v50;
	v8 =	vadd.f32 v1, v56;
	v1 =	vld [tilespmem:s12+$0x40]  }
.LBB2_9:
0x3c9: {  	p0 =	sne.s32 s13, $0x17;
	v12 =	vadd.f32 v32, v12;
	v0 =	vadd.f32 v0, v31;
	v27 =	vld [tilespmem:s30+$0x50]  }
0x3ca: {  	s29 =	sadd.s32 $0x100, s29;
	s14 =	sshra.s32 s14, $0x2;
	v28 =	vld [tilespmem:s12+$0x50]  }
0x3cb: {  	s15 =	sand.u32 $0x300, s29;
	s16 =	sadd.s32 $0xE600, s14;
	s17 =	sadd.s32 $0xEE00, s14;
	v19 =	vadd.f32 v0, v19;
	v0 =	vadd.f32 v2, v30;
	v2 =	vld [tilespmem:s30+$0x60]  }
0x3cc: {  	s18 =	sor.u32 $0x80, s15;
	s14 =	sadd.s32 $0xEA00, s14;
	s30 =	sadd.s32 s15, s17;
	v30 =	vld [tilespmem:s12+$0x60]  }
0x3cd: {  	s31 =	sadd.s32 s15, s16;
	s16 =	sadd.s32 s18, s16;
	s12 =	sadd.s32 s18, s17;
	v31 =	vld [tilespmem:s30+$0x70];
	v9 =	vadd.f32 v0, v9;
	v0 =	vadd.f32 v1, v29  }
0x3ce: {  	s15 =	sadd.s32 s15, s14;
	s14 =	sadd.s32 s18, s14;
	v1 =	vld [tilespmem:s12+$0x70]  }
0x3cf: {  	v29 =	vld [tilespmem:s31+$0x0];
	v5 =	vadd.f32 v0, v5;
	v0 =	vadd.f32 v28, v27  }
0x3d0: {  	v27 =	vld [tilespmem:s16+$0x0]  }
0x3d1: {  	v28 =	vld [tilespmem:s31+$0x10];
	v20 =	vadd.f32 v0, v20;
	v0 =	vadd.f32 v30, v2  }
0x3d2: {  	v2 =	vld [tilespmem:s16+$0x10]  }
0x3d3: {  	v30 =	vld [tilespmem:s31+$0x20];
	v1 =	vadd.f32 v1, v31;
	v21 =	vadd.f32 v0, v21  }
0x3d4: {  	v0 =	vld [tilespmem:s16+$0x20]  }
0x3d5: {  	v27 =	vadd.f32 v27, v29;
	v29 =	vld [tilespmem:s31+$0x30];
	v3 =	vadd.f32 v1, v3  }
0x3d6: {  	v1 =	vld [tilespmem:s16+$0x30]  }
0x3d7: {  	v13 =	vadd.f32 v27, v13;
	v2 =	vadd.f32 v2, v28;
	v27 =	vld [tilespmem:s31+$0x40]  }
0x3d8: {  	v28 =	vld [tilespmem:s16+$0x40]  }
0x3d9: {  	v23 =	vadd.f32 v2, v23;
	v0 =	vadd.f32 v0, v30;
	v2 =	vld [tilespmem:s31+$0x50]  }
0x3da: {  	v30 =	vld [tilespmem:s16+$0x50]  }
0x3db: {  	v24 =	vadd.f32 v0, v24;
	v0 =	vadd.f32 v1, v29;
	v1 =	vld [tilespmem:s31+$0x60]  }
0x3dc: {  	v29 =	vld [tilespmem:s16+$0x60]  }
0x3dd: {  	v14 =	vadd.f32 v0, v14;
	v0 =	vadd.f32 v28, v27;
	v27 =	vld [tilespmem:s31+$0x70]  }
0x3de: {  	v28 =	vld [tilespmem:s16+$0x70]  }
0x3df: {  	v10 =	vadd.f32 v0, v10;
	v0 =	vadd.f32 v30, v2;
	v2 =	vld [tilespmem:s15+$0x0]  }
0x3e0: {  	v30 =	vld [tilespmem:s14+$0x0]  }
0x3e1: {  	v25 =	vadd.f32 v0, v25;
	v0 =	vadd.f32 v29, v1;
	v1 =	vld [tilespmem:s15+$0x10]  }
0x3e2: {  	v29 =	vld [tilespmem:s14+$0x10]  }
0x3e3: {  	v26 =	vadd.f32 v0, v26;
	v0 =	vadd.f32 v28, v27;
	v27 =	vld [tilespmem:s15+$0x20]  }
0x3e4: {  	v28 =	vld [tilespmem:s14+$0x20]  }
0x3e5: {  	v15 =	vadd.f32 v0, v15;
	v0 =	vadd.f32 v30, v2;
	v2 =	vld [tilespmem:s15+$0x30]  }
0x3e6: {  	v30 =	vld [tilespmem:s14+$0x30]  }
0x3e7: {  	v11 =	vadd.f32 v0, v11;
	v0 =	vadd.f32 v29, v1;
	v1 =	vld [tilespmem:s15+$0x40]  }
0x3e8: {  	v29 =	vld [tilespmem:s14+$0x40]  }
0x3e9: {  	v22 =	vadd.f32 v0, v22;
	v0 =	vadd.f32 v28, v27;
	v27 =	vld [tilespmem:s15+$0x50]  }
0x3ea: {  	v28 =	vld [tilespmem:s14+$0x50]  }
0x3eb: {  	v16 =	vadd.f32 v0, v16;
	v0 =	vadd.f32 v30, v2;
	v2 =	vld [tilespmem:s15+$0x60]  }
0x3ec: {  	v30 =	vld [tilespmem:s14+$0x60]  }
0x3ed: {  	v6 =	vadd.f32 v0, v6;
	v0 =	vadd.f32 v29, v1;
	v1 =	vld [tilespmem:s15+$0x70]  }
0x3ee: {  	v29 =	vld [tilespmem:s14+$0x70]  }
0x3ef: {  	v4 =	vadd.f32 v0, v4;
	v0 =	vadd.f32 v28, v27;
	v27 =	vld [tilespmem:s30+$0x0]  }
0x3f0: {  	v28 =	vld [tilespmem:s12+$0x0]  }
0x3f1: {  	v17 =	vadd.f32 v0, v17;
	v0 =	vadd.f32 v30, v2;
	v32 =	vld [tilespmem:s30+$0x10]  }
0x3f2: {  	v33 =	vld [tilespmem:s12+$0x10]  }
0x3f3: {  	v18 =	vadd.f32 v0, v18;
	v1 =	vadd.f32 v29, v1;
	v31 =	vld [tilespmem:s30+$0x20]  }
.Ltmp3:
0x3f4: {  	v0 =	vld [tilespmem:s12+$0x20];
	(pc) =	sbr.rel @p0 .LBB2_9-.Ltmp3, $4  }
0x3f5: {  	v7 =	vadd.f32 v1, v7;
	v1 =	vadd.f32 v28, v27;
	v30 =	vld [tilespmem:s30+$0x30]  }
0x3f6: {  	v2 =	vld [tilespmem:s12+$0x30]  }
0x3f7: {  	s14 =	sshrl.u32 s13, $0x2;
	v8 =	vadd.f32 v1, v8;
	v32 =	vadd.f32 v33, v32;
	v29 =	vld [tilespmem:s30+$0x40]  }
0x3f8: {  	s13 =	sadd.s32 $0x1, s13;
	s14 =	smul.u32 $0x3000, s14;
	v1 =	vld [tilespmem:s12+$0x40]  }
0x3f9: {  	_ = 	snop  }
0x3fa: {  	s13 =	sadd.s32 $0x100, s29;
	s14 =	sshra.s32 s14, $0x2  }
0x3fb: {  	s15 =	sand.u32 $0x300, s13;
	s16 =	sadd.s32 $0xEE00, s14  }
0x3fc: {  	s13 =	sadd.s32 s15, s16  }
0x3fd: {  	v27 =	vld [tilespmem:s13+$0x70];
	_ =	sdelay $0x2  }
0x3fe: {  	s17 =	sor.u32 $0x80, s15  }
0x3ff: {  	s16 =	sadd.s32 s17, s16  }
0x400: {  	[tilespmem:$0x1FB10] =	vst v27;
	v27 =	vld [tilespmem:s16+$0x70];
	_ =	sdelay $0x2  }
0x401: {  	s19 =	sadd.s32 $0xE600, s14;
	s14 =	sadd.s32 $0xEA00, s14  }
0x402: {  	s18 =	sadd.s32 s15, s19;
	s15 =	sadd.s32 s15, s14  }
0x403: {  	[tilespmem:$0x1FB20] =	vst v27;
	v27 =	vld [tilespmem:s15+$0x30];
	_ =	sdelay $0x4  }
0x404: {  	[tilespmem:$0x1F9B0] =	vst v27;
	v27 =	vld [tilespmem:s15+$0x40];
	_ =	sdelay $0x3  }
0x405: {  	s20 =	sadd.s32 s17, s14  }
0x406: {  	[tilespmem:$0x1F9C0] =	vst v27;
	v27 =	vld [tilespmem:s20+$0x40]  }
0x407: {  	v28 =	vld [tilespmem:s20+$0x70];
	_ =	sdelay $0x2  }
0x408: {  	v61 =	vld [tilespmem:s30+$0x50]  }
0x409: {  	[tilespmem:$0x1F9D0] =	vst v27;
	v27 =	vld [tilespmem:s15+$0x50]  }
0x40a: {  	[tilespmem:$0x1FA30] =	vst v28;
	v28 =	vld [tilespmem:s13+$0x0]  }
0x40b: {  	v57 =	vld [tilespmem:s12+$0x50]  }
0x40c: {  	v49 =	vld [tilespmem:s30+$0x60]  }
0x40d: {  	v36 =	vld [tilespmem:s12+$0x60]  }
0x40e: {  	[tilespmem:$0x1F9E0] =	vst v27;
	v27 =	vld [tilespmem:s20+$0x50]  }
0x40f: {  	[tilespmem:$0x1FA40] =	vst v28;
	v28 =	vld [tilespmem:s16+$0x0]  }
0x410: {  	v35 =	vld [tilespmem:$0x1FFD0]  }
0x411: {  	s12 =	sadd.s32 s17, s19;
	v37 =	vld [tilespmem:s18+$0x0]  }
0x412: {  	v38 =	vld [tilespmem:s12+$0x0]  }
0x413: {  	[tilespmem:$0x1F9F0] =	vst v27;
	v27 =	vld [tilespmem:s15+$0x60]  }
0x414: {  	[tilespmem:$0x1FA50] =	vst v28;
	v28 =	vld [tilespmem:s13+$0x10]  }
0x415: {  	v39 =	vld [tilespmem:s18+$0x10]  }
0x416: {  	v40 =	vld [tilespmem:s12+$0x10]  }
0x417: {  	v41 =	vld [tilespmem:s18+$0x20]  }
0x418: {  	[tilespmem:$0x1FA00] =	vst v27;
	v27 =	vld [tilespmem:s20+$0x60]  }
0x419: {  	[tilespmem:$0x1FA60] =	vst v28;
	v28 =	vld [tilespmem:s16+$0x10]  }
0x41a: {  	v42 =	vld [tilespmem:s12+$0x20]  }
0x41b: {  	v43 =	vld [tilespmem:s18+$0x30]  }
0x41c: {  	v44 =	vld [tilespmem:s12+$0x30]  }
0x41d: {  	[tilespmem:$0x1FA10] =	vst v27;
	v27 =	vld [tilespmem:s15+$0x70]  }
0x41e: {  	[tilespmem:$0x1FA70] =	vst v28;
	v28 =	vld [tilespmem:s13+$0x20]  }
0x41f: {  	v45 =	vld [tilespmem:s18+$0x40]  }
0x420: {  	v46 =	vld [tilespmem:s12+$0x40]  }
0x421: {  	v47 =	vld [tilespmem:s18+$0x50]  }
0x422: {  	[tilespmem:$0x1FA20] =	vst v27;
	v27 =	vld [tilespmem:$0x198]  }
0x423: {  	[tilespmem:$0x1FA80] =	vst v28;
	v28 =	vld [tilespmem:s16+$0x20]  }
0x424: {  	v48 =	vld [tilespmem:s12+$0x50]  }
0x425: {  	v59 =	vld [tilespmem:s18+$0x60]  }
0x426: {  	v50 =	vld [tilespmem:s12+$0x60]  }
0x427: {  	v51 =	vld [tilespmem:s18+$0x70];
	v63 =	vshrl.u32 v27, $0x3  }
0x428: {  	[tilespmem:$0x1FA90] =	vst v28;
	v28 =	vld [tilespmem:s13+$0x30];
	v63 =	vmul.u32 $0x18, v63  }
0x429: {  	v33 =	vld [tilespmem:s13+$0x40];
	v27 =	vand.u32 $0x7, v27  }
0x42a: {  	v27 =	vor.u32 v27, v63;
	v63 =	vld [tilespmem:s13+$0x50]  }
0x42b: {  	v52 =	vld [tilespmem:s12+$0x70]  }
0x42c: {  	v34 =	vld [tilespmem:s16+$0x40]  }
0x42d: {  	[tilespmem:$0x1FAA0] =	vst v28;
	v28 =	vld [tilespmem:s16+$0x30]  }
0x42e: {  	[tilespmem:$0x1FAC0] =	vst v33;
	v33 =	vld [tilespmem:$0x1FFE0]  }
0x42f: {  	[tilespmem:$0x1FAE0] =	vst v63;
	v63 =	vld [tilespmem:s16+$0x50]  }
0x430: {  	v53 =	vld [tilespmem:s15+$0x0]  }
0x431: {  	[tilespmem:$0x1FAD0] =	vst v34;
	v34 =	vld [tilespmem:$0x1FFF0]  }
0x432: {  	v54 =	vld [tilespmem:s20+$0x0];
	[tilespmem:$0x1FAB0] =	vst v28;
	v28 =	vperm.xlane v27, v35  }
0x433: {  	v55 =	vld [tilespmem:s15+$0x10]  }
0x434: {  	v28 =	vadd.s32 v33, v28;
	[tilespmem:$0x1FAF0] =	vst v63;
	v63 =	vld [tilespmem:s13+$0x60]  }
0x435: {  	v56 =	vld [tilespmem:s20+$0x10]  }
0x436: {  	v60 =	vld [tilespmem:s15+$0x20];
	v27 =	vperm.xlane v27, v34  }
0x437: {  	v58 =	vld [tilespmem:s20+$0x20]  }
0x438: {  	v62 =	vld [tilespmem:s20+$0x30];
	v27 =	vadd.s32 v33, v27;
	s13 =	simm.s32 $0xE600  }
0x439: {  	[tilespmem:$0x1FB00] =	vst v63;
	v63 =	vld [tilespmem:s16+$0x60];
	[tilespmem:s13], [sflag:$0x4] =	stream.indirect_vreg.gather [hbm4b:s4+s2], $0x80, v28, vm0, $0xb8  }
0x43a: {  	s14 =	simm.s32 $0xEE00  }
0x43b: {  	[tilespmem:s14], [sflag:$0x4] =	stream.indirect_vreg.gather [hbm4b:s7+s2], $0x80, v28, vm1, $0xb8;
	[tilespmem:$0x1EE00] =	vst v63  }
0x43c: {  	s15 =	simm.s32 $0xF200  }
0x43d: {  	[tilespmem:s15], [sflag:$0x4] =	stream.indirect_vreg.gather [hbm4b:s4+s2], $0x80, v27, vm0, $0xb8;
	[tilespmem:$0x1EE00] =	vst v63  }
0x43e: {  	s16 =	simm.s32 $0xFA00  }
0x43f: {  	[tilespmem:s16], [sflag:$0x4] =	stream.indirect_vreg.gather [hbm4b:s7+s2], $0x80, v27, vm1, $0xb8;
	[tilespmem:$0x1EE00] =	vst v63  }
0x440: {  	v27 =	vld [tilespmem:$0x1A8];
	_ =	sdelay $0x4  }
0x441: {  	v28 =	vshrl.u32 v27, $0x3  }
0x442: {  	v28 =	vmul.u32 $0x18, v28  }
0x443: {  	v27 =	vand.u32 $0x7, v27  }
0x444: {  	v27 =	vor.u32 v27, v28  }
0x445: {  	v28 =	vperm.xlane v27, v35;
	_ =	sdelay $0x1  }
0x446: {  	v28 =	vadd.s32 v33, v28;
	_ =	sdelay $0x1  }
0x447: {  	v27 =	vperm.xlane v27, v34;
	_ =	sdelay $0x1  }
0x448: {  	s17 =	simm.s32 $0xFE00;
	v27 =	vadd.s32 v33, v27  }
0x449: {  	[tilespmem:s17], [sflag:$0x4] =	stream.indirect_vreg.gather [hbm4b:s4+s2], $0x80, v28, vm0, $0xb8;
	[tilespmem:$0x1EE00] =	vst v63  }
0x44a: {  	s18 =	simm.s32 $0x10600  }
0x44b: {  	[tilespmem:s18], [sflag:$0x4] =	stream.indirect_vreg.gather [hbm4b:s7+s2], $0x80, v28, vm1, $0xb8;
	[tilespmem:$0x1EE00] =	vst v63  }
0x44c: {  	s19 =	simm.s32 $0x10A00  }
0x44d: {  	[tilespmem:s19], [sflag:$0x4] =	stream.indirect_vreg.gather [hbm4b:s4+s2], $0x80, v27, vm0, $0xb8;
	[tilespmem:$0x1EE00] =	vst v63  }
0x44e: {  	s20 =	simm.s32 $0x11200  }
0x44f: {  	[tilespmem:s20], [sflag:$0x4] =	stream.indirect_vreg.gather [hbm4b:s7+s2], $0x80, v27, vm1, $0xb8;
	[tilespmem:$0x1EE00] =	vst v63  }
0x450: {  	v27 =	vld [tilespmem:$0x1B8];
	_ =	sdelay $0x4  }
0x451: {  	v28 =	vshrl.u32 v27, $0x3  }
0x452: {  	v28 =	vmul.u32 $0x18, v28  }
0x453: {  	v27 =	vand.u32 $0x7, v27  }
0x454: {  	v27 =	vor.u32 v27, v28  }
0x455: {  	v28 =	vperm.xlane v27, v35;
	_ =	sdelay $0x1  }
0x456: {  	v28 =	vadd.s32 v33, v28;
	_ =	sdelay $0x1  }
0x457: {  	v27 =	vperm.xlane v27, v34  }
0x458: {  	v2 =	vadd.f32 v2, v30;
	s16 =	sshrl.u32 s26, $0x2  }
0x459: {  	v0 =	vadd.f32 v0, v31;
	v1 =	vadd.f32 v1, v29;
	s13 =	simm.s32 $0x11600;
	s12 =	smul.u32 $0x3000, s16;
	v27 =	vadd.s32 v33, v27  }
0x45a: {  	v2 =	vadd.f32 v2, v9;
	v9 =	vadd.f32 v57, v61;
	[tilespmem:s13], [sflag:$0x4] =	stream.indirect_vreg.gather [hbm4b:s4+s2], $0x80, v28, vm0, $0xb8;
	[tilespmem:$0x1EE00] =	vst v63  }
0x45b: {  	v1 =	vadd.f32 v1, v5;
	v5 =	vadd.f32 v36, v49;
	s14 =	simm.s32 $0x11E00;
	s12 =	sshra.s32 s12, $0x2;
	s18 =	sshll.u32 s26, $0x8  }
0x45c: {  	v0 =	vadd.f32 v0, v19;
	v9 =	vadd.f32 v9, v20;
	[tilespmem:s14], [sflag:$0x4] =	stream.indirect_vreg.gather [hbm4b:s7+s2], $0x80, v28, vm1, $0xb8;
	[tilespmem:$0x1EE00] =	vst v63  }
0x45d: {  	v5 =	vadd.f32 v5, v21;
	v19 =	vadd.f32 v38, v37;
	s15 =	simm.s32 $0x12200;
	s29 =	sadd.s32 $0x12E00, s12;
	s13 =	sand.u32 $0x300, s18  }
0x45e: {  	v20 =	vadd.f32 v40, v39;
	v21 =	vadd.f32 v44, v43;
	[tilespmem:s15], [sflag:$0x4] =	stream.indirect_vreg.gather [hbm4b:s4+s2], $0x80, v27, vm0, $0xb8;
	[tilespmem:$0x1EE00] =	vst v63  }
0x45f: {  	v13 =	vadd.f32 v19, v13;
	v19 =	vadd.f32 v42, v41;
	s17 =	simm.s32 $0x12A00;
	s19 =	sadd.s32 s13, s29  }
0x460: {  	v20 =	vadd.f32 v20, v23;
	v23 =	vadd.f32 v46, v45;
	[tilespmem:s17], [sflag:$0x4] =	stream.indirect_vreg.gather [hbm4b:s7+s2], $0x80, v27, vm1, $0xb8;
	[tilespmem:$0x1EE00] =	vst v63  }
0x461: {  	v19 =	vadd.f32 v19, v24;
	[tilespmem:s19+$0x0] =	vst v13;
	v13 =	vadd.f32 v21, v14  }
0x462: {  	v14 =	vadd.f32 v48, v47;
	[tilespmem:s19+$0x10] =	vst v20;
	v20 =	vadd.f32 v50, v59  }
0x463: {  	v10 =	vadd.f32 v23, v10;
	[tilespmem:s19+$0x20] =	vst v19;
	v19 =	vadd.f32 v52, v51  }
0x464: {  	v14 =	vadd.f32 v14, v25;
	[tilespmem:s19+$0x30] =	vst v13;
	v13 =	vadd.f32 v20, v26  }
0x465: {  	[tilespmem:s19+$0x40] =	vst v10;
	v10 =	vadd.f32 v19, v15;
	v15 =	vadd.f32 v56, v55  }
0x466: {  	[tilespmem:s19+$0x50] =	vst v14  }
0x467: {  	v14 =	vadd.f32 v58, v60;
	[tilespmem:s19+$0x60] =	vst v13;
	v13 =	vadd.f32 v15, v22;
	v15 =	vld [tilespmem:$0x1F9B0];
	_ =	sdelay $0x1  }
0x468: {  	v20 =	vadd.f32 v54, v53;
	[tilespmem:s19+$0x70] =	vst v10;
	v10 =	vadd.f32 v14, v16;
	v14 =	vld [tilespmem:$0x1F9C0]  }
0x469: {  	v16 =	vld [tilespmem:$0x1F9D0]  }
0x46a: {  	s30 =	sadd.s32 $0x13200, s12;
	v11 =	vadd.f32 v20, v11  }
0x46b: {  	s20 =	sadd.s32 s13, s30;
	v15 =	vadd.f32 v62, v15  }
0x46c: {  	[tilespmem:s20+$0x0] =	vst v11;
	v11 =	vld [tilespmem:$0x1F9E0]  }
0x46d: {  	v6 =	vadd.f32 v15, v6;
	v15 =	vld [tilespmem:$0x1F9F0]  }
0x46e: {  	v14 =	vadd.f32 v16, v14  }
0x46f: {  	[tilespmem:s20+$0x10] =	vst v13;
	v13 =	vld [tilespmem:$0x1FA00]  }
0x470: {  	v4 =	vadd.f32 v14, v4;
	v14 =	vld [tilespmem:$0x1FA10];
	_ =	sdelay $0x1  }
0x471: {  	v11 =	vadd.f32 v15, v11;
	_ =	sdelay $0x1  }
0x472: {  	[tilespmem:s20+$0x20] =	vst v10;
	v10 =	vadd.f32 v11, v17;
	v11 =	vld [tilespmem:$0x1FA20]  }
0x473: {  	v13 =	vadd.f32 v14, v13;
	v14 =	vld [tilespmem:$0x1FA30];
	_ =	sdelay $0x4  }
0x474: {  	v11 =	vadd.f32 v14, v11;
	_ =	sdelay $0x1  }
0x475: {  	[tilespmem:s20+$0x40] =	vst v4;
	v4 =	vadd.f32 v11, v7;
	v7 =	vld [tilespmem:$0x1FA60]  }
0x476: {  	v11 =	vld [tilespmem:$0x1FA70];
	_ =	sdelay $0x2  }
0x477: {  	[tilespmem:s20+$0x30] =	vst v6;
	v6 =	vadd.f32 v13, v18;
	v13 =	vld [tilespmem:$0x1FA40]  }
0x478: {  	[tilespmem:s20+$0x50] =	vst v10;
	v10 =	vld [tilespmem:$0x1FA80]  }
0x479: {  	v7 =	vadd.f32 v11, v7;
	v11 =	vld [tilespmem:$0x1FA90]  }
0x47a: {  	v14 =	vld [tilespmem:$0x1FA50];
	_ =	sdelay $0x1  }
0x47b: {  	v12 =	vadd.f32 v32, v12  }
0x47c: {  	[tilespmem:s20+$0x70] =	vst v4;
	v4 =	vld [tilespmem:$0x1FAC0]  }
0x47d: {  	[tilespmem:s20+$0x60] =	vst v6;
	v6 =	vadd.f32 v7, v12;
	v7 =	vld [tilespmem:$0x1FAA0];
	v10 =	vadd.f32 v11, v10  }
0x47e: {  	v13 =	vadd.f32 v14, v13;
	v11 =	vld [tilespmem:$0x1FAB0]  }
0x47f: {  	v0 =	vadd.f32 v10, v0;
	v10 =	vld [tilespmem:$0x1FAD0]  }
0x480: {  	s31 =	sadd.s32 $0x13600, s12;
	v8 =	vadd.f32 v13, v8  }
0x481: {  	s12 =	sadd.s32 s13, s31  }
0x482: {  	[tilespmem:s12+$0x0] =	vst v8;
	v8 =	vld [tilespmem:$0x1FAF0]  }
0x483: {  	[tilespmem:s12+$0x10] =	vst v6;
	v6 =	vld [tilespmem:$0x1FB20];
	v7 =	vadd.f32 v11, v7  }
0x484: {  	[tilespmem:s12+$0x20] =	vst v0;
	v0 =	vld [tilespmem:$0x1FB10];
	v4 =	vadd.f32 v10, v4  }
0x485: {  	v2 =	vadd.f32 v7, v2;
	v7 =	vld [tilespmem:$0x1FAE0]  }
0x486: {  	v1 =	vadd.f32 v4, v1;
	v4 =	vld [tilespmem:$0x1FB00];
	_ =	sdelay $0x2  }
0x487: {  	v0 =	vadd.f32 v6, v0  }
0x488: {  	v7 =	vadd.f32 v8, v7  }
0x489: {  	p0 =	seq.s32 s26, $0x3F;
	[tilespmem:s12+$0x30] =	vst v2;
	v0 =	vadd.f32 v0, v3;
	v4 =	vadd.f32 v63, v4  }
0x48a: {  	s0 =	sadd.s32 @!p0 s0, s8;
	[tilespmem:s12+$0x40] =	vst v1;
	v6 =	vadd.f32 v7, v9  }
0x48b: {  	s0 =	smul.u32 @!p0 $0x19, s0;
	[tilespmem:s12+$0x70] =	vst v0;
	v2 =	vadd.f32 v4, v5  }
0x48c: {  	[tilespmem:s12+$0x50] =	vst v6  }
0x48d: {  	s0 =	sadd.s32 @!p0 s3, s0;
	[tilespmem:s12+$0x60] =	vst v2;
	s12 =	simm.s32 @!p0 $0x0  }
0x48e: {  	[tilespmem:s12], [sflag:$0x5] =	stream.linear.gather @!p0 [hbm4b:s0+s12], $0xC8, $0x38;
	[tilespmem:$0x1EE00] =	vst v63  }
0x48f: {  	s0 =	simm.s32 @!p0 $0x5  }
0x490: {  	s14 =	simm.s32 $0x0;
	_ =	swait.ge @!p0 [sflag:s0], $0xC8  }
0x491: {  	s12 =	smul.u32 $0x3000, s14;
	[sflag:s0] =	ssyncset.done @!p0 $0x0  }
0x492: {  	[sflag:s0] =	ssyncadd.s32 @!p0 $0xFFFFFF38  }
0x493: {  	s12 =	sshra.s32 s12, $0x2;
	s0 =	simm.s32 $0x0;
	_ =	swait.ge [sflag:s1], $0x5400  }
0x494: {  	s19 =	sor.u32 $0x200, s12;
	s15 =	sand.u32 $0x300, s0;
	[sflag:s1] =	ssyncset.done $0x0  }
0x495: {  	s20 =	sor.u32 $0x80, s15;
	s17 =	sadd.s32 s15, s19;
	[sflag:s1] =	ssyncadd.s32 $0xFFFFAC00  }
0x496: {  	s13 =	sadd.s32 s20, s19;
	v0 =	vld [tilespmem:s17+$0x0]  }
0x497: {  	v1 =	vld [tilespmem:s13+$0x0]  }
0x498: {  	v2 =	vld [tilespmem:s17+$0x10]  }
0x499: {  	v3 =	vld [tilespmem:s13+$0x10]  }
0x49a: {  	v4 =	vld [tilespmem:s17+$0x20]  }
0x49b: {  	v7 =	vld [tilespmem:s13+$0x20]  }
0x49c: {  	v8 =	vld [tilespmem:s17+$0x30]  }
0x49d: {  	v9 =	vld [tilespmem:s13+$0x30]  }
0x49e: {  	v10 =	vld [tilespmem:s17+$0x40]  }
0x49f: {  	v11 =	vld [tilespmem:s13+$0x40]  }
0x4a0: {  	v12 =	vld [tilespmem:s17+$0x50]  }
0x4a1: {  	v13 =	vld [tilespmem:s13+$0x50]  }
0x4a2: {  	v14 =	vld [tilespmem:s17+$0x60]  }
0x4a3: {  	v15 =	vld [tilespmem:s17+$0x70]  }
0x4a4: {  	s18 =	sadd.s32 $0xA00, s12;
	v16 =	vld [tilespmem:s13+$0x60]  }
0x4a5: {  	s19 =	sadd.s32 $0x600, s12;
	s12 =	sadd.s32 s20, s18;
	v19 =	vld [tilespmem:s13+$0x70]  }
0x4a6: {  	s13 =	sadd.s32 s15, s18;
	v6 =	vld [tilespmem:s12+$0x70]  }
0x4a7: {  	s14 =	sadd.s32 s15, s19;
	v5 =	vld [tilespmem:s13+$0x70]  }
0x4a8: {  	s15 =	sadd.s32 s20, s19;
	v20 =	vld [tilespmem:s14+$0x0]  }
0x4a9: {  	v22 =	vld [tilespmem:s15+$0x0]  }
0x4aa: {  	v23 =	vld [tilespmem:s14+$0x10]  }
0x4ab: {  	v24 =	vld [tilespmem:s15+$0x10]  }
0x4ac: {  	v25 =	vld [tilespmem:s14+$0x20]  }
0x4ad: {  	v26 =	vld [tilespmem:s15+$0x20]  }
0x4ae: {  	v27 =	vld [tilespmem:s15+$0x30]  }
0x4af: {  	v28 =	vld [tilespmem:s14+$0x60];
	v0 =	vadd.f32 v1, v0;
	v2 =	vadd.f32 v3, v2  }
0x4b0: {  	v1 =	vld [tilespmem:s14+$0x30];
	v3 =	vadd.f32 v7, v4;
	v7 =	vadd.f32 v9, v8  }
0x4b1: {  	v4 =	vld [tilespmem:s15+$0x40];
	v8 =	vadd.f32 v11, v10;
	v9 =	vadd.f32 v16, v14  }
0x4b2: {  	v21 =	vimm.f32 $0.0e+00;
	v11 =	vld [tilespmem:s14+$0x50];
	v10 =	vadd.f32 v19, v15;
	v5 =	vadd.f32 v6, v5  }
0x4b3: {  	v15 =	vld [tilespmem:s14+$0x70];
	v14 =	vadd.f32 v26, v25;
	v6 =	vadd.f32 v0, v21  }
0x4b4: {  	v0 =	vld [tilespmem:s14+$0x40];
	v17 =	vadd.f32 v2, v21;
	v18 =	vadd.f32 v3, v21  }
0x4b5: {  	v16 =	vld [tilespmem:s15+$0x70];
	v7 =	vadd.f32 v7, v21;
	v8 =	vadd.f32 v8, v21  }
0x4b6: {  	v2 =	vld [tilespmem:s15+$0x50];
	v3 =	vadd.f32 v13, v12;
	v13 =	vadd.f32 v22, v20  }
0x4b7: {  	v12 =	vld [tilespmem:s15+$0x60];
	v20 =	vadd.f32 v9, v21;
	v9 =	vadd.f32 v10, v21  }
0x4b8: {  	v22 =	vld [tilespmem:s13+$0x0];
	v5 =	vadd.f32 v5, v21;
	v19 =	vadd.f32 v3, v21  }
0x4b9: {  	v3 =	vadd.f32 v24, v23;
	v23 =	vld [tilespmem:s12+$0x0];
	v0 =	vadd.f32 v4, v0  }
0x4ba: {  	v10 =	vadd.f32 v13, v21;
	v24 =	vld [tilespmem:s13+$0x10];
	v1 =	vadd.f32 v27, v1  }
0x4bb: {  	v13 =	vadd.f32 v3, v21;
	v4 =	vadd.f32 v0, v21;
	v0 =	vld [tilespmem:s12+$0x10]  }
0x4bc: {  	v3 =	vadd.f32 v1, v21;
	v1 =	vadd.f32 v2, v11;
	v2 =	vld [tilespmem:s13+$0x20]  }
0x4bd: {  	v14 =	vadd.f32 v14, v21;
	v11 =	vadd.f32 v12, v28;
	v28 =	vld [tilespmem:s12+$0x20]  }
0x4be: {  	v26 =	vimm.f32 $0.0e+00;
	v27 =	vld [tilespmem:s12+$0x30];
	v12 =	vadd.f32 v16, v15;
	v22 =	vadd.f32 v23, v22  }
0x4bf: {  	v25 =	vimm.f32 $0.0e+00;
	v15 =	vadd.f32 v1, v21;
	v16 =	vadd.f32 v11, v21;
	v1 =	vld [tilespmem:s13+$0x30]  }
0x4c0: {  	s20 =	simm.s32 $0x0;
	v29 =	vld [tilespmem:s12+$0x40];
	v11 =	vadd.f32 v12, v21;
	v23 =	vimm.f32 $0.0e+00;
	v30 =	vadd.f32 v0, v24  }
0x4c1: {  	s15 =	smul.u32 $0x3000, s20;
	s14 =	simm.s32 $0x2;
	v12 =	vadd.f32 v22, v21;
	v22 =	vimm.f32 $0.0e+00;
	v0 =	vld [tilespmem:s13+$0x40];
	v24 =	vimm.f32 $0.0e+00  }
.LBB2_11:
0x4c2: {  	p1 =	sne.s32 s14, $0x1B;
	v21 =	vadd.f32 v30, v21;
	v2 =	vadd.f32 v28, v2;
	v28 =	vld [tilespmem:s13+$0x50]  }
0x4c3: {  	s0 =	sadd.s32 $0x100, s0;
	s15 =	sshra.s32 s15, $0x2;
	v30 =	vld [tilespmem:s12+$0x50]  }
0x4c4: {  	s16 =	sand.u32 $0x300, s0;
	s17 =	sor.u32 $0x200, s15;
	s18 =	sadd.s32 $0xA00, s15;
	v26 =	vadd.f32 v2, v26;
	v1 =	vadd.f32 v27, v1;
	v2 =	vld [tilespmem:s13+$0x60]  }
0x4c5: {  	s19 =	sor.u32 $0x80, s16;
	s15 =	sadd.s32 $0x600, s15;
	s13 =	sadd.s32 s16, s18;
	v27 =	vld [tilespmem:s12+$0x60]  }
0x4c6: {  	s20 =	sadd.s32 s16, s17;
	s17 =	sadd.s32 s19, s17;
	s12 =	sadd.s32 s19, s18;
	v31 =	vld [tilespmem:s13+$0x70];
	v24 =	vadd.f32 v1, v24;
	v0 =	vadd.f32 v29, v0  }
0x4c7: {  	s16 =	sadd.s32 s16, s15;
	s15 =	sadd.s32 s19, s15;
	v1 =	vld [tilespmem:s12+$0x70]  }
0x4c8: {  	v29 =	vld [tilespmem:s20+$0x0];
	v25 =	vadd.f32 v0, v25;
	v0 =	vadd.f32 v30, v28  }
0x4c9: {  	v28 =	vld [tilespmem:s17+$0x0]  }
0x4ca: {  	v30 =	vld [tilespmem:s20+$0x10];
	v23 =	vadd.f32 v0, v23;
	v0 =	vadd.f32 v27, v2  }
0x4cb: {  	v2 =	vld [tilespmem:s17+$0x10]  }
0x4cc: {  	v27 =	vld [tilespmem:s20+$0x20];
	v1 =	vadd.f32 v1, v31;
	v22 =	vadd.f32 v0, v22  }
0x4cd: {  	v0 =	vld [tilespmem:s17+$0x20]  }
0x4ce: {  	v28 =	vadd.f32 v28, v29;
	v29 =	vld [tilespmem:s20+$0x30];
	v5 =	vadd.f32 v1, v5  }
0x4cf: {  	v1 =	vld [tilespmem:s17+$0x30]  }
0x4d0: {  	v6 =	vadd.f32 v28, v6;
	v2 =	vadd.f32 v2, v30;
	v28 =	vld [tilespmem:s20+$0x40]  }
0x4d1: {  	v30 =	vld [tilespmem:s17+$0x40]  }
0x4d2: {  	v17 =	vadd.f32 v2, v17;
	v0 =	vadd.f32 v0, v27;
	v2 =	vld [tilespmem:s20+$0x50]  }
0x4d3: {  	v27 =	vld [tilespmem:s17+$0x50]  }
0x4d4: {  	v18 =	vadd.f32 v0, v18;
	v0 =	vadd.f32 v1, v29;
	v1 =	vld [tilespmem:s20+$0x60]  }
0x4d5: {  	v29 =	vld [tilespmem:s17+$0x60]  }
0x4d6: {  	v7 =	vadd.f32 v0, v7;
	v0 =	vadd.f32 v30, v28;
	v28 =	vld [tilespmem:s20+$0x70]  }
0x4d7: {  	v30 =	vld [tilespmem:s17+$0x70]  }
0x4d8: {  	v8 =	vadd.f32 v0, v8;
	v0 =	vadd.f32 v27, v2;
	v2 =	vld [tilespmem:s16+$0x0]  }
0x4d9: {  	v27 =	vld [tilespmem:s15+$0x0]  }
0x4da: {  	v19 =	vadd.f32 v0, v19;
	v0 =	vadd.f32 v29, v1;
	v1 =	vld [tilespmem:s16+$0x10]  }
0x4db: {  	v29 =	vld [tilespmem:s15+$0x10]  }
0x4dc: {  	v20 =	vadd.f32 v0, v20;
	v0 =	vadd.f32 v30, v28;
	v28 =	vld [tilespmem:s16+$0x20]  }
0x4dd: {  	v30 =	vld [tilespmem:s15+$0x20]  }
0x4de: {  	v9 =	vadd.f32 v0, v9;
	v0 =	vadd.f32 v27, v2;
	v2 =	vld [tilespmem:s16+$0x30]  }
0x4df: {  	v27 =	vld [tilespmem:s15+$0x30]  }
0x4e0: {  	v10 =	vadd.f32 v0, v10;
	v0 =	vadd.f32 v29, v1;
	v1 =	vld [tilespmem:s16+$0x40]  }
0x4e1: {  	v29 =	vld [tilespmem:s15+$0x40]  }
0x4e2: {  	v13 =	vadd.f32 v0, v13;
	v0 =	vadd.f32 v30, v28;
	v28 =	vld [tilespmem:s16+$0x50]  }
0x4e3: {  	v30 =	vld [tilespmem:s15+$0x50]  }
0x4e4: {  	v14 =	vadd.f32 v0, v14;
	v0 =	vadd.f32 v27, v2;
	v2 =	vld [tilespmem:s16+$0x60]  }
0x4e5: {  	v27 =	vld [tilespmem:s15+$0x60]  }
0x4e6: {  	v3 =	vadd.f32 v0, v3;
	v0 =	vadd.f32 v29, v1;
	v1 =	vld [tilespmem:s16+$0x70]  }
0x4e7: {  	v29 =	vld [tilespmem:s15+$0x70]  }
0x4e8: {  	v4 =	vadd.f32 v0, v4;
	v0 =	vadd.f32 v30, v28;
	v30 =	vld [tilespmem:s13+$0x0]  }
0x4e9: {  	v31 =	vld [tilespmem:s12+$0x0]  }
0x4ea: {  	v15 =	vadd.f32 v0, v15;
	v0 =	vadd.f32 v27, v2;
	v32 =	vld [tilespmem:s13+$0x10]  }
0x4eb: {  	v33 =	vld [tilespmem:s12+$0x10]  }
0x4ec: {  	v16 =	vadd.f32 v0, v16;
	v0 =	vadd.f32 v29, v1;
	v2 =	vld [tilespmem:s13+$0x20]  }
.Ltmp4:
0x4ed: {  	v28 =	vld [tilespmem:s12+$0x20];
	(pc) =	sbr.rel @p1 .LBB2_11-.Ltmp4, $4  }
0x4ee: {  	v11 =	vadd.f32 v0, v11;
	v0 =	vadd.f32 v31, v30;
	v1 =	vld [tilespmem:s13+$0x30]  }
0x4ef: {  	v27 =	vld [tilespmem:s12+$0x30]  }
0x4f0: {  	s15 =	sshrl.u32 s14, $0x2;
	v12 =	vadd.f32 v0, v12;
	v30 =	vadd.f32 v33, v32;
	v0 =	vld [tilespmem:s13+$0x40]  }
0x4f1: {  	s14 =	sadd.s32 $0x1, s14;
	s15 =	smul.u32 $0x3000, s15;
	v29 =	vld [tilespmem:s12+$0x40]  }
0x4f2: {  	v31 =	vld [tilespmem:s13+$0x50]  }
0x4f3: {  	v32 =	vld [tilespmem:s12+$0x50];
	s0 =	sadd.s32 $0x100, s0;
	s14 =	sshra.s32 s15, $0x2  }
0x4f4: {  	v33 =	vld [tilespmem:s13+$0x60];
	s15 =	sand.u32 $0x300, s0;
	s16 =	sadd.s32 $0xA00, s14  }
0x4f5: {  	v34 =	vld [tilespmem:s12+$0x60];
	s18 =	sor.u32 $0x80, s15;
	s0 =	sadd.s32 s15, s16  }
0x4f6: {  	s17 =	sor.u32 $0x200, s14;
	s19 =	sadd.s32 s18, s16;
	v35 =	vld [tilespmem:s0+$0x70]  }
0x4f7: {  	s20 =	sadd.s32 s15, s17;
	v36 =	vld [tilespmem:s19+$0x70]  }
0x4f8: {  	s17 =	sadd.s32 s18, s17;
	v37 =	vld [tilespmem:s20+$0x0]  }
0x4f9: {  	v38 =	vld [tilespmem:s17+$0x0]  }
0x4fa: {  	v39 =	vld [tilespmem:s20+$0x10]  }
0x4fb: {  	v40 =	vld [tilespmem:s17+$0x10]  }
0x4fc: {  	v41 =	vld [tilespmem:s20+$0x20]  }
0x4fd: {  	v42 =	vld [tilespmem:s17+$0x20]  }
0x4fe: {  	v43 =	vld [tilespmem:s20+$0x30]  }
0x4ff: {  	v44 =	vld [tilespmem:s17+$0x30]  }
0x500: {  	v45 =	vld [tilespmem:s20+$0x40]  }
0x501: {  	v46 =	vld [tilespmem:s17+$0x40]  }
0x502: {  	v47 =	vld [tilespmem:s20+$0x50]  }
0x503: {  	v48 =	vld [tilespmem:s17+$0x50]  }
0x504: {  	v49 =	vld [tilespmem:s20+$0x60]  }
0x505: {  	v50 =	vld [tilespmem:s17+$0x60]  }
0x506: {  	s14 =	sadd.s32 $0x600, s14;
	v51 =	vld [tilespmem:s20+$0x70]  }
0x507: {  	s15 =	sadd.s32 s15, s14;
	v52 =	vld [tilespmem:s17+$0x70]  }
0x508: {  	s13 =	sadd.s32 s18, s14;
	v53 =	vld [tilespmem:s15+$0x0]  }
0x509: {  	v54 =	vld [tilespmem:s13+$0x0]  }
0x50a: {  	v55 =	vld [tilespmem:s15+$0x10]  }
0x50b: {  	v56 =	vld [tilespmem:s13+$0x10]  }
0x50c: {  	v57 =	vld [tilespmem:s15+$0x20]  }
0x50d: {  	v58 =	vld [tilespmem:s13+$0x20]  }
0x50e: {  	v2 =	vadd.f32 v28, v2;
	v59 =	vld [tilespmem:s15+$0x30]  }
0x50f: {  	v61 =	vadd.f32 v30, v21;
	v60 =	vld [tilespmem:s13+$0x30]  }
0x510: {  	v1 =	vadd.f32 v27, v1;
	v2 =	vadd.f32 v2, v26;
	v27 =	vld [tilespmem:s15+$0x40]  }
0x511: {  	v0 =	vadd.f32 v29, v0;
	v29 =	vld [tilespmem:s13+$0x40];
	v21 =	vadd.f32 v32, v31  }
0x512: {  	v1 =	vadd.f32 v1, v24;
	v30 =	vld [tilespmem:s15+$0x50];
	v24 =	vadd.f32 v34, v33  }
0x513: {  	v62 =	vld [tilespmem:s13+$0x60];
	v0 =	vadd.f32 v0, v25;
	v33 =	vadd.f32 v21, v23  }
0x514: {  	v63 =	vld [tilespmem:s15+$0x70];
	v34 =	vadd.f32 v24, v22;
	v21 =	vadd.f32 v36, v35  }
0x515: {  	v31 =	vld [tilespmem:s13+$0x50];
	v22 =	vadd.f32 v38, v37;
	v24 =	vadd.f32 v40, v39  }
0x516: {  	v32 =	vld [tilespmem:s15+$0x60];
	v25 =	vadd.f32 v42, v41;
	v49 =	vadd.f32 v50, v49  }
0x517: {  	v50 =	vld [tilespmem:s0+$0x10];
	v26 =	vadd.f32 v21, v5;
	v23 =	vadd.f32 v22, v6  }
0x518: {  	v5 =	vld [tilespmem:s13+$0x70];
	v21 =	vadd.f32 v24, v17;
	v17 =	vadd.f32 v25, v18  }
0x519: {  	v6 =	vld [tilespmem:s0+$0x0];
	v18 =	vadd.f32 v44, v43;
	v22 =	vadd.f32 v46, v45  }
0x51a: {  	v46 =	vld [tilespmem:s19+$0x0];
	v25 =	vadd.f32 v48, v47  }
0x51b: {  	v28 =	vadd.f32 v18, v7;
	v24 =	vadd.f32 v22, v8;
	v7 =	vld [tilespmem:s19+$0x10]  }
0x51c: {  	v18 =	vadd.f32 v25, v19;
	v19 =	vadd.f32 v49, v20;
	v8 =	vld [tilespmem:s0+$0x20]  }
0x51d: {  	v20 =	vadd.f32 v52, v51;
	v22 =	vadd.f32 v54, v53;
	v52 =	vld [tilespmem:s19+$0x20]  }
0x51e: {  	v53 =	vadd.f32 v56, v55;
	v54 =	vadd.f32 v58, v57;
	v55 =	vld [tilespmem:s0+$0x30]  }
0x51f: {  	v56 =	vld [tilespmem:s19+$0x30];
	v58 =	vadd.f32 v29, v27;
	v27 =	vadd.f32 v31, v30  }
0x520: {  	v57 =	vld [tilespmem:s0+$0x40];
	v31 =	vadd.f32 v62, v32;
	v20 =	vadd.f32 v20, v9  }
0x521: {  	v62 =	vld [tilespmem:s19+$0x60];
	v25 =	vadd.f32 v22, v10;
	v22 =	vadd.f32 v53, v13  }
0x522: {  	v9 =	vadd.f32 v54, v14;
	v10 =	vadd.f32 v60, v59;
	v59 =	vld [tilespmem:s19+$0x40]  }
0x523: {  	v60 =	vld [tilespmem:s0+$0x50];
	v29 =	vadd.f32 v58, v4;
	v27 =	vadd.f32 v27, v15  }
0x524: {  	v4 =	vld [tilespmem:s0+$0x60];
	v5 =	vadd.f32 v5, v63;
	v6 =	vadd.f32 v46, v6  }
0x525: {  	v30 =	vadd.f32 v10, v3;
	v3 =	vld [tilespmem:s19+$0x50];
	v10 =	vadd.f32 v31, v16  }
0x526: {  	v7 =	vadd.f32 v7, v50;
	v8 =	vadd.f32 v52, v8  }
0x527: {  	v32 =	vadd.f32 v5, v11;
	v11 =	vadd.f32 v6, v12  }
.Ltmp5:
0x528: {  	v7 =	vadd.f32 v7, v61;
	v5 =	vadd.f32 v8, v2;
	(pc) =	sbr.rel @p0 .LBB2_14-.Ltmp5, $4  }
0x529: {  	v2 =	vadd.f32 v56, v55;
	v6 =	vadd.f32 v59, v57  }
0x52a: {  	v63 =	vadd.f32 v62, v4;
	v3 =	vadd.f32 v3, v60  }
0x52b: {  	v8 =	vadd.f32 v2, v1;
	v6 =	vadd.f32 v6, v0  }
0x52c: {  	v4 =	vadd.f32 v3, v33;
	v3 =	vadd.f32 v63, v34  }
0x52d: {  	v0 =	vld [tilespmem:$0x0];
	_ =	sdelay $0x3  }
0x52e: {  	v2 =	vld [tilespmem:$0x1FFD0]  }
0x52f: {  	v1 =	vshrl.u32 v0, $0x3  }
0x530: {  	v12 =	vld [tilespmem:$0x1FFE0];
	v1 =	vmul.u32 $0x18, v1  }
0x531: {  	v0 =	vand.u32 $0x7, v0  }
0x532: {  	v13 =	vld [tilespmem:$0x1FFF0];
	v0 =	vor.u32 v0, v1  }
0x533: {  	v1 =	vperm.xlane v0, v2;
	_ =	sdelay $0x1  }
0x534: {  	v1 =	vadd.s32 v12, v1;
	_ =	sdelay $0x1  }
0x535: {  	v0 =	vperm.xlane v0, v13;
	_ =	sdelay $0x1  }
0x536: {  	s0 =	simm.s32 $0x200;
	v0 =	vadd.s32 v12, v0  }
0x537: {  	[tilespmem:s0], [sflag:$0x1] =	stream.indirect_vreg.gather [hbm4b:s4+s2], $0x80, v1, vm0, $0xb8;
	[tilespmem:$0x1EE00] =	vst v63  }
0x538: {  	s13 =	simm.s32 $0xA00  }
0x539: {  	[tilespmem:s13], [sflag:$0x1] =	stream.indirect_vreg.gather [hbm4b:s7+s2], $0x80, v1, vm1, $0xb8;
	[tilespmem:$0x1EE00] =	vst v63  }
0x53a: {  	s14 =	simm.s32 $0xE00  }
0x53b: {  	[tilespmem:s14], [sflag:$0x1] =	stream.indirect_vreg.gather [hbm4b:s4+s2], $0x80, v0, vm0, $0xb8;
	[tilespmem:$0x1EE00] =	vst v63  }
0x53c: {  	s15 =	simm.s32 $0x1600  }
0x53d: {  	[tilespmem:s15], [sflag:$0x1] =	stream.indirect_vreg.gather [hbm4b:s7+s2], $0x80, v0, vm1, $0xb8;
	[tilespmem:$0x1EE00] =	vst v63  }
0x53e: {  	v0 =	vld [tilespmem:$0x10];
	_ =	sdelay $0x4  }
0x53f: {  	v1 =	vshrl.u32 v0, $0x3  }
0x540: {  	v1 =	vmul.u32 $0x18, v1  }
0x541: {  	v0 =	vand.u32 $0x7, v0  }
0x542: {  	v0 =	vor.u32 v0, v1  }
0x543: {  	v1 =	vperm.xlane v0, v2;
	_ =	sdelay $0x1  }
0x544: {  	v1 =	vadd.s32 v12, v1;
	_ =	sdelay $0x1  }
0x545: {  	v0 =	vperm.xlane v0, v13;
	_ =	sdelay $0x1  }
0x546: {  	s16 =	simm.s32 $0x1A00;
	v0 =	vadd.s32 v12, v0  }
0x547: {  	[tilespmem:s16], [sflag:$0x1] =	stream.indirect_vreg.gather [hbm4b:s4+s2], $0x80, v1, vm0, $0xb8;
	[tilespmem:$0x1EE00] =	vst v63  }
0x548: {  	s17 =	simm.s32 $0x2200  }
0x549: {  	[tilespmem:s17], [sflag:$0x1] =	stream.indirect_vreg.gather [hbm4b:s7+s2], $0x80, v1, vm1, $0xb8;
	[tilespmem:$0x1EE00] =	vst v63  }
0x54a: {  	s18 =	simm.s32 $0x2600  }
0x54b: {  	[tilespmem:s18], [sflag:$0x1] =	stream.indirect_vreg.gather [hbm4b:s4+s2], $0x80, v0, vm0, $0xb8;
	[tilespmem:$0x1EE00] =	vst v63  }
0x54c: {  	s19 =	simm.s32 $0x2E00  }
0x54d: {  	[tilespmem:s19], [sflag:$0x1] =	stream.indirect_vreg.gather [hbm4b:s7+s2], $0x80, v0, vm1, $0xb8;
	[tilespmem:$0x1EE00] =	vst v63  }
0x54e: {  	v0 =	vld [tilespmem:$0x20];
	_ =	sdelay $0x4  }
0x54f: {  	v1 =	vshrl.u32 v0, $0x3  }
0x550: {  	v1 =	vmul.u32 $0x18, v1  }
0x551: {  	v0 =	vand.u32 $0x7, v0  }
0x552: {  	v0 =	vor.u32 v0, v1  }
0x553: {  	v1 =	vperm.xlane v0, v2;
	_ =	sdelay $0x1  }
0x554: {  	v1 =	vadd.s32 v12, v1;
	_ =	sdelay $0x1  }
0x555: {  	v0 =	vperm.xlane v0, v13;
	_ =	sdelay $0x1  }
0x556: {  	s20 =	simm.s32 $0x3200;
	v0 =	vadd.s32 v12, v0  }
0x557: {  	[tilespmem:s20], [sflag:$0x1] =	stream.indirect_vreg.gather [hbm4b:s4+s2], $0x80, v1, vm0, $0xb8;
	[tilespmem:$0x1EE00] =	vst v63  }
0x558: {  	_ = 	snop  }
0x559: {  	[tilespmem:s21], [sflag:$0x1] =	stream.indirect_vreg.gather [hbm4b:s7+s2], $0x80, v1, vm1, $0xb8;
	[tilespmem:$0x1EE00] =	vst v63  }
0x55a: {  	_ = 	snop  }
0x55b: {  	[tilespmem:s22], [sflag:$0x1] =	stream.indirect_vreg.gather [hbm4b:s4+s2], $0x80, v0, vm0, $0xb8;
	[tilespmem:$0x1EE00] =	vst v63  }
0x55c: {  	_ = 	snop  }
0x55d: {  	[tilespmem:s23], [sflag:$0x1] =	stream.indirect_vreg.gather [hbm4b:s7+s2], $0x80, v0, vm1, $0xb8;
	[tilespmem:$0x1EE00] =	vst v63  }
0x55e: {  	v0 =	vld.msk [tilespmem:$0x30], $0xff;
	_ =	sdelay $0x4  }
0x55f: {  	v1 =	vshrl.u32 v0, $0x3  }
0x560: {  	v1 =	vmul.u32 $0x18, v1  }
0x561: {  	v0 =	vand.u32 $0x7, v0  }
0x562: {  	v0 =	vor.u32 v0, v1  }
0x563: {  	v0 =	vperm.xlane v0, v2;
	_ =	sdelay $0x1  }
0x564: {  	v0 =	vadd.s32 v12, v0;
	_ =	sdelay $0x4  }
0x565: {  	[tilespmem:s24], [sflag:$0x1] =	stream.indirect_vreg.gather [hbm4b:s4+s2], $0x80, v0, vm0, $0xb8;
	[tilespmem:$0x1EE00] =	vst v63  }
0x566: {  	_ = 	snop  }
0x567: {  	[tilespmem:s25], [sflag:$0x1] =	stream.indirect_vreg.gather [hbm4b:s7+s2], $0x80, v0, vm1, $0xb8;
	[tilespmem:$0x1EE00] =	vst v63  }
.LBB2_14:
0x568: {  	s0 =	simm.s32 $0x0  }
0x569: {  	s12 =	smul.u32 $0x3000, s0;
	_ =	sdelay $0x1  }
0x56a: {  	_ =	swait.ge [sflag:s6], $0x4800;
	s0 =	simm.s32 $0x0;
	s14 =	sshra.s32 s12, $0x2  }
0x56b: {  	[sflag:s6] =	ssyncset.done $0x0;
	s15 =	sand.u32 $0x300, s0;
	s12 =	sadd.s32 $0x5E00, s14  }
0x56c: {  	[sflag:s6] =	ssyncadd.s32 $0xFFFFB800;
	s16 =	sor.u32 $0x80, s15;
	s13 =	sadd.s32 s15, s12  }
0x56d: {  	s17 =	sadd.s32 $0x5600, s14;
	s12 =	sadd.s32 s16, s12;
	v0 =	vld [tilespmem:s13+$0x70]  }
0x56e: {  	s18 =	sadd.s32 s15, s17;
	v1 =	vld [tilespmem:s12+$0x70]  }
0x56f: {  	s17 =	sadd.s32 s16, s17;
	v2 =	vld [tilespmem:s18+$0x0]  }
0x570: {  	v12 =	vld [tilespmem:s17+$0x0]  }
0x571: {  	v14 =	vld [tilespmem:s18+$0x10]  }
0x572: {  	v15 =	vld [tilespmem:s17+$0x10]  }
0x573: {  	v16 =	vld [tilespmem:s18+$0x20]  }
0x574: {  	v31 =	vld [tilespmem:s17+$0x20]  }
0x575: {  	v33 =	vld [tilespmem:s18+$0x30]  }
0x576: {  	v34 =	vld [tilespmem:s17+$0x30]  }
0x577: {  	v35 =	vld [tilespmem:s18+$0x40]  }
0x578: {  	v36 =	vld [tilespmem:s17+$0x40]  }
0x579: {  	v37 =	vld [tilespmem:s18+$0x50]  }
0x57a: {  	v38 =	vld [tilespmem:s17+$0x50]  }
0x57b: {  	v39 =	vld [tilespmem:s18+$0x60]  }
0x57c: {  	v40 =	vld [tilespmem:s17+$0x60]  }
0x57d: {  	s14 =	sadd.s32 $0x5A00, s14;
	v41 =	vld [tilespmem:s18+$0x70]  }
0x57e: {  	s15 =	sadd.s32 s15, s14;
	v42 =	vld [tilespmem:s17+$0x70]  }
0x57f: {  	s14 =	sadd.s32 s16, s14;
	v43 =	vld [tilespmem:s15+$0x0]  }
0x580: {  	v44 =	vld [tilespmem:s14+$0x0]  }
0x581: {  	v45 =	vld [tilespmem:s15+$0x10]  }
0x582: {  	v46 =	vld [tilespmem:s14+$0x10]  }
0x583: {  	v47 =	vld [tilespmem:s15+$0x20]  }
0x584: {  	v48 =	vld [tilespmem:s14+$0x20]  }
0x585: {  	v55 =	vld [tilespmem:s14+$0x50];
	v0 =	vadd.f32 v1, v0  }
0x586: {  	v56 =	vld [tilespmem:s15+$0x60];
	v2 =	vadd.f32 v12, v2  }
0x587: {  	v1 =	vld [tilespmem:s15+$0x30];
	v26 =	vadd.f32 v0, v26  }
0x588: {  	v12 =	vld [tilespmem:s14+$0x30];
	v13 =	vadd.f32 v2, v23;
	v2 =	vadd.f32 v15, v14  }
0x589: {  	v57 =	vld [tilespmem:s14+$0x60];
	v15 =	vadd.f32 v31, v16;
	v16 =	vadd.f32 v34, v33  }
0x58a: {  	v58 =	vld [tilespmem:s15+$0x70];
	v14 =	vadd.f32 v2, v21;
	v2 =	vadd.f32 v36, v35  }
0x58b: {  	v59 =	vld [tilespmem:s14+$0x70];
	v15 =	vadd.f32 v15, v17;
	v16 =	vadd.f32 v16, v28  }
0x58c: {  	v0 =	vld [tilespmem:s15+$0x40];
	v17 =	vadd.f32 v2, v24;
	v2 =	vadd.f32 v38, v37  }
0x58d: {  	v23 =	vld [tilespmem:s14+$0x40];
	v21 =	vadd.f32 v40, v39;
	v1 =	vadd.f32 v12, v1  }
0x58e: {  	v60 =	vld [tilespmem:s13+$0x0];
	v18 =	vadd.f32 v2, v18;
	v2 =	vadd.f32 v44, v43  }
0x58f: {  	v31 =	vld [tilespmem:s15+$0x50];
	v24 =	vadd.f32 v42, v41;
	v19 =	vadd.f32 v21, v19  }
0x590: {  	v61 =	vld [tilespmem:s12+$0x0];
	v21 =	vadd.f32 v2, v25;
	v2 =	vadd.f32 v46, v45  }
0x591: {  	v62 =	vld [tilespmem:s13+$0x10];
	v20 =	vadd.f32 v24, v20;
	v24 =	vadd.f32 v48, v47  }
0x592: {  	v0 =	vadd.f32 v23, v0;
	v22 =	vadd.f32 v2, v22;
	v2 =	vld [tilespmem:s12+$0x10]  }
0x593: {  	v28 =	vld [tilespmem:s13+$0x20];
	v23 =	vadd.f32 v24, v9;
	v24 =	vadd.f32 v1, v30  }
0x594: {  	v25 =	vadd.f32 v0, v29;
	v0 =	vadd.f32 v55, v31;
	v30 =	vld [tilespmem:s12+$0x20]  }
0x595: {  	v63 =	vadd.f32 v59, v58;
	v1 =	vadd.f32 v57, v56;
	v29 =	vld [tilespmem:s13+$0x30]  }
0x596: {  	v31 =	vld [tilespmem:s12+$0x30];
	v12 =	vadd.f32 v0, v27;
	v0 =	vadd.f32 v61, v60  }
0x597: {  	s20 =	simm.s32 $0x0;
	v9 =	vadd.f32 v1, v10;
	v27 =	vld [tilespmem:s13+$0x40];
	v54 =	vadd.f32 v2, v62  }
0x598: {  	s15 =	smul.u32 $0x3000, s20;
	s14 =	simm.s32 $0x2;
	v10 =	vadd.f32 v63, v32;
	v32 =	vld [tilespmem:s12+$0x40];
	v11 =	vadd.f32 v0, v11  }
.LBB2_15:
0x599: {  	p1 =	sne.s32 s14, $0x17;
	v7 =	vadd.f32 v54, v7;
	v0 =	vadd.f32 v30, v28;
	v1 =	vld [tilespmem:s13+$0x50]  }
0x59a: {  	s0 =	sadd.s32 $0x100, s0;
	s15 =	sshra.s32 s15, $0x2;
	v2 =	vld [tilespmem:s12+$0x50]  }
0x59b: {  	s16 =	sand.u32 $0x300, s0;
	s17 =	sadd.s32 $0x5600, s15;
	s18 =	sadd.s32 $0x5E00, s15;
	v5 =	vadd.f32 v0, v5;
	v0 =	vadd.f32 v31, v29;
	v28 =	vld [tilespmem:s13+$0x60]  }
0x59c: {  	s19 =	sor.u32 $0x80, s16;
	s15 =	sadd.s32 $0x5A00, s15;
	s13 =	sadd.s32 s16, s18;
	v29 =	vld [tilespmem:s12+$0x60]  }
0x59d: {  	s20 =	sadd.s32 s16, s17;
	s17 =	sadd.s32 s19, s17;
	s12 =	sadd.s32 s19, s18;
	v30 =	vld [tilespmem:s13+$0x70];
	v8 =	vadd.f32 v0, v8;
	v0 =	vadd.f32 v32, v27  }
0x59e: {  	s16 =	sadd.s32 s16, s15;
	s15 =	sadd.s32 s19, s15;
	v27 =	vld [tilespmem:s12+$0x70]  }
0x59f: {  	v31 =	vld [tilespmem:s20+$0x0];
	v6 =	vadd.f32 v0, v6;
	v0 =	vadd.f32 v2, v1  }
0x5a0: {  	v1 =	vld [tilespmem:s17+$0x0]  }
0x5a1: {  	v2 =	vld [tilespmem:s20+$0x10];
	v4 =	vadd.f32 v0, v4;
	v0 =	vadd.f32 v29, v28  }
0x5a2: {  	v28 =	vld [tilespmem:s17+$0x10]  }
0x5a3: {  	v29 =	vld [tilespmem:s20+$0x20];
	v27 =	vadd.f32 v27, v30;
	v3 =	vadd.f32 v0, v3  }
0x5a4: {  	v0 =	vld [tilespmem:s17+$0x20]  }
0x5a5: {  	v1 =	vadd.f32 v1, v31;
	v30 =	vld [tilespmem:s20+$0x30];
	v26 =	vadd.f32 v27, v26  }
0x5a6: {  	v27 =	vld [tilespmem:s17+$0x30]  }
0x5a7: {  	v13 =	vadd.f32 v1, v13;
	v1 =	vadd.f32 v28, v2;
	v2 =	vld [tilespmem:s20+$0x40]  }
0x5a8: {  	v28 =	vld [tilespmem:s17+$0x40]  }
0x5a9: {  	v14 =	vadd.f32 v1, v14;
	v0 =	vadd.f32 v0, v29;
	v1 =	vld [tilespmem:s20+$0x50]  }
0x5aa: {  	v29 =	vld [tilespmem:s17+$0x50]  }
0x5ab: {  	v15 =	vadd.f32 v0, v15;
	v0 =	vadd.f32 v27, v30;
	v27 =	vld [tilespmem:s20+$0x60]  }
0x5ac: {  	v30 =	vld [tilespmem:s17+$0x60]  }
0x5ad: {  	v16 =	vadd.f32 v0, v16;
	v0 =	vadd.f32 v28, v2;
	v2 =	vld [tilespmem:s20+$0x70]  }
0x5ae: {  	v28 =	vld [tilespmem:s17+$0x70]  }
0x5af: {  	v17 =	vadd.f32 v0, v17;
	v0 =	vadd.f32 v29, v1;
	v1 =	vld [tilespmem:s16+$0x0]  }
0x5b0: {  	v29 =	vld [tilespmem:s15+$0x0]  }
0x5b1: {  	v18 =	vadd.f32 v0, v18;
	v0 =	vadd.f32 v30, v27;
	v27 =	vld [tilespmem:s16+$0x10]  }
0x5b2: {  	v30 =	vld [tilespmem:s15+$0x10]  }
0x5b3: {  	v19 =	vadd.f32 v0, v19;
	v0 =	vadd.f32 v28, v2;
	v2 =	vld [tilespmem:s16+$0x20]  }
0x5b4: {  	v28 =	vld [tilespmem:s15+$0x20]  }
0x5b5: {  	v20 =	vadd.f32 v0, v20;
	v0 =	vadd.f32 v29, v1;
	v1 =	vld [tilespmem:s16+$0x30]  }
0x5b6: {  	v29 =	vld [tilespmem:s15+$0x30]  }
0x5b7: {  	v21 =	vadd.f32 v0, v21;
	v0 =	vadd.f32 v30, v27;
	v27 =	vld [tilespmem:s16+$0x40]  }
0x5b8: {  	v30 =	vld [tilespmem:s15+$0x40]  }
0x5b9: {  	v22 =	vadd.f32 v0, v22;
	v0 =	vadd.f32 v28, v2;
	v2 =	vld [tilespmem:s16+$0x50]  }
0x5ba: {  	v28 =	vld [tilespmem:s15+$0x50]  }
0x5bb: {  	v23 =	vadd.f32 v0, v23;
	v0 =	vadd.f32 v29, v1;
	v1 =	vld [tilespmem:s16+$0x60]  }
0x5bc: {  	v29 =	vld [tilespmem:s15+$0x60]  }
0x5bd: {  	v24 =	vadd.f32 v0, v24;
	v0 =	vadd.f32 v30, v27;
	v27 =	vld [tilespmem:s16+$0x70]  }
0x5be: {  	v30 =	vld [tilespmem:s15+$0x70]  }
0x5bf: {  	v25 =	vadd.f32 v0, v25;
	v0 =	vadd.f32 v28, v2;
	v2 =	vld [tilespmem:s13+$0x0]  }
0x5c0: {  	v31 =	vld [tilespmem:s12+$0x0]  }
0x5c1: {  	v12 =	vadd.f32 v0, v12;
	v0 =	vadd.f32 v29, v1;
	v1 =	vld [tilespmem:s13+$0x10]  }
0x5c2: {  	v32 =	vld [tilespmem:s12+$0x10]  }
0x5c3: {  	v9 =	vadd.f32 v0, v9;
	v0 =	vadd.f32 v30, v27;
	v28 =	vld [tilespmem:s13+$0x20]  }
.Ltmp6:
0x5c4: {  	v30 =	vld [tilespmem:s12+$0x20];
	(pc) =	sbr.rel @p1 .LBB2_15-.Ltmp6, $4  }
0x5c5: {  	v10 =	vadd.f32 v0, v10;
	v0 =	vadd.f32 v31, v2;
	v29 =	vld [tilespmem:s13+$0x30]  }
0x5c6: {  	v31 =	vld [tilespmem:s12+$0x30]  }
0x5c7: {  	s15 =	sshrl.u32 s14, $0x2;
	v11 =	vadd.f32 v0, v11;
	v54 =	vadd.f32 v32, v1;
	v27 =	vld [tilespmem:s13+$0x40]  }
0x5c8: {  	s14 =	sadd.s32 $0x1, s14;
	s15 =	smul.u32 $0x3000, s15;
	v32 =	vld [tilespmem:s12+$0x40]  }
0x5c9: {  	s0 =	sadd.s32 $0x100, s0  }
0x5ca: {  	s14 =	sshra.s32 s15, $0x2;
	s20 =	sand.u32 $0x300, s0  }
0x5cb: {  	s17 =	sadd.s32 $0x5E00, s14;
	s16 =	sor.u32 $0x80, s20;
	s19 =	sadd.s32 $0x5600, s14  }
0x5cc: {  	s18 =	sadd.s32 s20, s17;
	s0 =	sadd.s32 s16, s17;
	s17 =	sadd.s32 s20, s19  }
0x5cd: {  	v0 =	vld [tilespmem:s17+$0x50];
	_ =	sdelay $0x4  }
0x5ce: {  	[tilespmem:$0x1F830] =	vst v0;
	v0 =	vld [tilespmem:s17+$0x60];
	_ =	sdelay $0x2  }
0x5cf: {  	s14 =	sadd.s32 $0x5A00, s14  }
0x5d0: {  	s15 =	sadd.s32 s20, s14  }
0x5d1: {  	[tilespmem:$0x1F840] =	vst v0;
	v0 =	vld [tilespmem:s15+$0x10];
	_ =	sdelay $0x3  }
0x5d2: {  	s20 =	sadd.s32 s16, s14  }
0x5d3: {  	[tilespmem:$0x1F850] =	vst v0;
	v0 =	vld [tilespmem:s20+$0x10];
	_ =	sdelay $0x4  }
0x5d4: {  	[tilespmem:$0x1F860] =	vst v0;
	v0 =	vld [tilespmem:s15+$0x20];
	_ =	sdelay $0x4  }
0x5d5: {  	[tilespmem:$0x1F870] =	vst v0;
	v0 =	vld [tilespmem:s20+$0x20];
	_ =	sdelay $0x4  }
0x5d6: {  	[tilespmem:$0x1F880] =	vst v0;
	v0 =	vld [tilespmem:s15+$0x40];
	_ =	sdelay $0x4  }
0x5d7: {  	[tilespmem:$0x1F890] =	vst v0;
	v0 =	vld [tilespmem:s15+$0x50];
	_ =	sdelay $0x4  }
0x5d8: {  	[tilespmem:$0x1F8A0] =	vst v0;
	v0 =	vld [tilespmem:s20+$0x50];
	_ =	sdelay $0x4  }
0x5d9: {  	[tilespmem:$0x1F8B0] =	vst v0;
	v0 =	vld [tilespmem:s15+$0x60];
	_ =	sdelay $0x4  }
0x5da: {  	[tilespmem:$0x1F8C0] =	vst v0;
	v0 =	vld [tilespmem:s20+$0x60];
	_ =	sdelay $0x4  }
0x5db: {  	[tilespmem:$0x1F8D0] =	vst v0;
	v0 =	vld [tilespmem:s15+$0x70];
	_ =	sdelay $0x4  }
0x5dc: {  	[tilespmem:$0x1F8E0] =	vst v0;
	v0 =	vld [tilespmem:s20+$0x70];
	_ =	sdelay $0x4  }
0x5dd: {  	[tilespmem:$0x1F8F0] =	vst v0;
	v0 =	vld [tilespmem:s18+$0x0];
	_ =	sdelay $0x3  }
0x5de: {  	v48 =	vld [tilespmem:s13+$0x50]  }
0x5df: {  	[tilespmem:$0x1F900] =	vst v0;
	v0 =	vld [tilespmem:s0+$0x0]  }
0x5e0: {  	v42 =	vld [tilespmem:s12+$0x50]  }
0x5e1: {  	v40 =	vld [tilespmem:s13+$0x60]  }
0x5e2: {  	v39 =	vld [tilespmem:s12+$0x60]  }
0x5e3: {  	v50 =	vld @!p0 [tilespmem:$0x38]  }
0x5e4: {  	[tilespmem:$0x1F910] =	vst v0;
	v0 =	vld [tilespmem:s18+$0x10]  }
0x5e5: {  	v36 =	vld [tilespmem:s18+$0x70]  }
0x5e6: {  	v35 =	vld [tilespmem:s0+$0x70]  }
0x5e7: {  	s12 =	sadd.s32 s16, s19;
	v38 =	vld [tilespmem:s17+$0x0]  }
0x5e8: {  	v37 =	vld [tilespmem:s12+$0x0]  }
0x5e9: {  	[tilespmem:$0x1F920] =	vst v0;
	v0 =	vld [tilespmem:s0+$0x10]  }
0x5ea: {  	v49 =	vld [tilespmem:s17+$0x10]  }
0x5eb: {  	v46 =	vld [tilespmem:s12+$0x10]  }
0x5ec: {  	v51 =	vld [tilespmem:s17+$0x20]  }
0x5ed: {  	v43 =	vld [tilespmem:s12+$0x20]  }
0x5ee: {  	[tilespmem:$0x1F930] =	vst v0;
	v0 =	vld [tilespmem:s18+$0x20]  }
0x5ef: {  	v44 =	vld [tilespmem:s17+$0x30]  }
0x5f0: {  	v41 =	vld [tilespmem:s12+$0x30]  }
0x5f1: {  	v52 =	vld [tilespmem:s17+$0x40];
	v53 =	vshrl.u32 @!p0 v50, $0x3  }
0x5f2: {  	v1 =	vlaneseq.u32 @!p0;
	v45 =	vld [tilespmem:s12+$0x40];
	v53 =	vmul.u32 @!p0 $0x18, v53  }
0x5f3: {  	v34 =	vand.u32 @!p0 $0x7, v1;
	v50 =	vand.u32 @!p0 $0x7, v50;
	[tilespmem:$0x1F940] =	vst v0;
	v0 =	vld [tilespmem:s0+$0x20]  }
0x5f4: {  	v33 =	vor.u32 @!p0 $0x8, v1;
	v50 =	vor.u32 @!p0 v50, v53;
	v53 =	vshrl.u32 @!p0 v1, $0x3;
	v1 =	vld [tilespmem:s18+$0x50]  }
0x5f5: {  	v62 =	vld [tilespmem:s12+$0x50]  }
0x5f6: {  	v63 =	vld [tilespmem:s12+$0x60]  }
0x5f7: {  	v57 =	vld [tilespmem:s17+$0x70]  }
0x5f8: {  	[tilespmem:$0x1F950] =	vst v0;
	v0 =	vld [tilespmem:s18+$0x30]  }
0x5f9: {  	[tilespmem:$0x1F980] =	vst v1;
	v1 =	vld [tilespmem:s0+$0x50]  }
0x5fa: {  	v2 =	vld [tilespmem:s18+$0x40]  }
0x5fb: {  	v55 =	vld [tilespmem:s12+$0x70]  }
0x5fc: {  	v56 =	vld [tilespmem:s15+$0x0]  }
0x5fd: {  	v47 =	vld [tilespmem:s20+$0x0];
	v61 =	vperm.xlane @!p0 v50, v34;
	[tilespmem:$0x1F960] =	vst v0;
	v0 =	vmul.u32 @!p0 $0x8, v53  }
0x5fe: {  	[tilespmem:$0x1F990] =	vst v1;
	v1 =	vld [tilespmem:s18+$0x60]  }
0x5ff: {  	v59 =	vld [tilespmem:s15+$0x30];
	[tilespmem:$0x1F970] =	vst v2;
	v2 =	vadd.s32 @!p0 v0, v61  }
0x600: {  	v58 =	vld [tilespmem:s20+$0x30]  }
0x601: {  	v60 =	vld [tilespmem:s20+$0x40];
	v50 =	vperm.xlane @!p0 v50, v33  }
0x602: {  	v53 =	vld [tilespmem:s0+$0x30]  }
0x603: {  	vm2 =	vmmov @!p0 $0xffff;
	s13 =	simm.s32 @!p0 $0x5600;
	s12 =	simm.s32 @!p0 $0x0;
	[tilespmem:$0x1F9A0] =	vst v1;
	v61 =	vld [tilespmem:s0+$0x40];
	v1 =	vadd.s32 @!p0 v0, v50  }
0x604: {  	v50 =	vld [tilespmem:s0+$0x60];
	[tilespmem:s13], [sflag:$0x2] =	stream.indirect_vreg.gather @!p0 [hbm4b:s4+s12], $0x80, v2, vm2, $0xb8  }
0x605: {  	vm3 =	vmmov @!p0 $0xff;
	s0 =	simm.s32 @!p0 $0x5E00  }
0x606: {  	[tilespmem:s0], [sflag:$0x2] =	stream.indirect_vreg.gather @!p0 [hbm4b:s7+s12], $0x80, v2, vm3, $0xb8;
	[tilespmem:$0x1EE00] =	vst v63  }
0x607: {  	s0 =	simm.s32 @!p0 $0x6200  }
0x608: {  	[tilespmem:s0], [sflag:$0x2] =	stream.indirect_vreg.gather @!p0 [hbm4b:s4+s12], $0x80, v1, vm2, $0xb8;
	[tilespmem:$0x1EE00] =	vst v63  }
0x609: {  	s0 =	simm.s32 @!p0 $0x6A00  }
0x60a: {  	[tilespmem:s0], [sflag:$0x2] =	stream.indirect_vreg.gather @!p0 [hbm4b:s7+s12], $0x80, v1, vm3, $0xb8;
	[tilespmem:$0x1EE00] =	vst v63  }
0x60b: {  	v1 =	vld @!p0 [tilespmem:$0x48];
	_ =	sdelay $0x4  }
0x60c: {  	v2 =	vshrl.u32 @!p0 v1, $0x3  }
0x60d: {  	v2 =	vmul.u32 @!p0 $0x18, v2  }
0x60e: {  	v1 =	vand.u32 @!p0 $0x7, v1  }
0x60f: {  	v1 =	vor.u32 @!p0 v1, v2  }
0x610: {  	v2 =	vperm.xlane @!p0 v1, v34;
	_ =	sdelay $0x1  }
0x611: {  	v2 =	vadd.s32 @!p0 v0, v2;
	_ =	sdelay $0x1  }
0x612: {  	v1 =	vperm.xlane @!p0 v1, v33;
	_ =	sdelay $0x1  }
0x613: {  	s0 =	simm.s32 @!p0 $0x6E00;
	v1 =	vadd.s32 @!p0 v0, v1  }
0x614: {  	[tilespmem:s0], [sflag:$0x2] =	stream.indirect_vreg.gather @!p0 [hbm4b:s4+s12], $0x80, v2, vm2, $0xb8;
	[tilespmem:$0x1EE00] =	vst v63  }
0x615: {  	s0 =	simm.s32 @!p0 $0x7600  }
0x616: {  	[tilespmem:s0], [sflag:$0x2] =	stream.indirect_vreg.gather @!p0 [hbm4b:s7+s12], $0x80, v2, vm3, $0xb8;
	[tilespmem:$0x1EE00] =	vst v63  }
0x617: {  	s0 =	simm.s32 @!p0 $0x7A00  }
0x618: {  	[tilespmem:s0], [sflag:$0x2] =	stream.indirect_vreg.gather @!p0 [hbm4b:s4+s12], $0x80, v1, vm2, $0xb8;
	[tilespmem:$0x1EE00] =	vst v63  }
0x619: {  	s0 =	simm.s32 @!p0 $0x8200  }
0x61a: {  	[tilespmem:s0], [sflag:$0x2] =	stream.indirect_vreg.gather @!p0 [hbm4b:s7+s12], $0x80, v1, vm3, $0xb8;
	[tilespmem:$0x1EE00] =	vst v63  }
0x61b: {  	v1 =	vld @!p0 [tilespmem:$0x58];
	_ =	sdelay $0x4  }
0x61c: {  	v2 =	vshrl.u32 @!p0 v1, $0x3  }
0x61d: {  	v2 =	vmul.u32 @!p0 $0x18, v2  }
0x61e: {  	v1 =	vand.u32 @!p0 $0x7, v1  }
0x61f: {  	v1 =	vor.u32 @!p0 v1, v2  }
0x620: {  	v2 =	vperm.xlane @!p0 v1, v34;
	_ =	sdelay $0x1  }
0x621: {  	v2 =	vadd.s32 @!p0 v0, v2;
	_ =	sdelay $0x1  }
0x622: {  	v1 =	vperm.xlane @!p0 v1, v33;
	_ =	sdelay $0x1  }
0x623: {  	s0 =	simm.s32 @!p0 $0x8600;
	v0 =	vadd.s32 @!p0 v0, v1  }
0x624: {  	[tilespmem:s0], [sflag:$0x2] =	stream.indirect_vreg.gather @!p0 [hbm4b:s4+s12], $0x80, v2, vm2, $0xb8;
	[tilespmem:$0x1EE00] =	vst v63  }
0x625: {  	s0 =	simm.s32 @!p0 $0x8E00  }
0x626: {  	[tilespmem:s0], [sflag:$0x2] =	stream.indirect_vreg.gather @!p0 [hbm4b:s7+s12], $0x80, v2, vm3, $0xb8;
	[tilespmem:$0x1EE00] =	vst v63  }
0x627: {  	s0 =	simm.s32 @!p0 $0x9200  }
0x628: {  	[tilespmem:s0], [sflag:$0x2] =	stream.indirect_vreg.gather @!p0 [hbm4b:s4+s12], $0x80, v0, vm2, $0xb8;
	[tilespmem:$0x1EE00] =	vst v63  }
0x629: {  	s13 =	simm.s32 @!p0 $0x9A00;
	v1 =	vadd.f32 v30, v28  }
0x62a: {  	[tilespmem:s13], [sflag:$0x2] =	stream.indirect_vreg.gather @!p0 [hbm4b:s7+s12], $0x80, v0, vm3, $0xb8;
	v0 =	vadd.f32 v54, v7;
	v7 =	vadd.f32 v32, v27;
	[tilespmem:$0x1EE00] =	vst v63  }
0x62b: {  	v1 =	vadd.f32 v1, v5  }
0x62c: {  	v5 =	vadd.f32 v7, v6;
	v6 =	vadd.f32 v42, v48;
	_ =	sdelay $0x1  }
0x62d: {  	v4 =	vadd.f32 v6, v4;
	v6 =	vadd.f32 v37, v38;
	_ =	sdelay $0x1  }
0x62e: {  	v6 =	vadd.f32 v6, v13;
	v13 =	vadd.f32 v46, v49;
	_ =	sdelay $0x1  }
0x62f: {  	v13 =	vadd.f32 v13, v14;
	v14 =	vadd.f32 v45, v52  }
0x630: {  	_ =	swait.ge [sflag:s9], $0x4800  }
0x631: {  	v2 =	vadd.f32 v31, v29;
	v14 =	vadd.f32 v14, v17;
	v17 =	vld [tilespmem:$0x1F830]  }
0x632: {  	v7 =	vadd.f32 v39, v40  }
0x633: {  	v2 =	vadd.f32 v2, v8;
	v8 =	vadd.f32 v35, v36  }
0x634: {  	v3 =	vadd.f32 v7, v3  }
0x635: {  	v7 =	vadd.f32 v8, v26;
	v26 =	vadd.f32 v43, v51  }
0x636: {  	v17 =	vadd.f32 v62, v17  }
0x637: {  	v57 =	vadd.f32 v55, v57;
	v15 =	vadd.f32 v26, v15  }
0x638: {  	v26 =	vld [tilespmem:$0x1F840];
	v17 =	vadd.f32 v17, v18;
	v18 =	vadd.f32 v47, v56  }
0x639: {  	v34 =	vadd.f32 v57, v20;
	v20 =	vld [tilespmem:$0x1F850]  }
0x63a: {  	v18 =	vadd.f32 v18, v21;
	v21 =	vld [tilespmem:$0x1F860];
	_ =	sdelay $0x2  }
0x63b: {  	v26 =	vadd.f32 v63, v26;
	_ =	sdelay $0x1  }
0x63c: {  	v19 =	vadd.f32 v26, v19;
	v26 =	vld [tilespmem:$0x1F880];
	v20 =	vadd.f32 v21, v20  }
0x63d: {  	v21 =	vld [tilespmem:$0x1F870]  }
0x63e: {  	v40 =	vadd.f32 v20, v22;
	v20 =	vld [tilespmem:$0x1F890];
	_ =	sdelay $0x1  }
0x63f: {  	s14 =	simm.s32 $0x0  }
0x640: {  	s15 =	smul.u32 $0x3000, s14  }
0x641: {  	v21 =	vadd.f32 v26, v21  }
0x642: {  	s14 =	sshra.s32 s15, $0x2;
	s0 =	simm.s32 $0x0;
	v20 =	vadd.f32 v60, v20  }
0x643: {  	s18 =	sadd.s32 $0xA600, s14;
	s16 =	sand.u32 $0x300, s0;
	[sflag:s9] =	ssyncset.done $0x0;
	v42 =	vadd.f32 v21, v23;
	v21 =	vld [tilespmem:$0x1F8B0]  }
0x644: {  	s20 =	sor.u32 $0x80, s16;
	s12 =	sadd.s32 s16, s18;
	[sflag:s9] =	ssyncadd.s32 $0xFFFFB800;
	v45 =	vadd.f32 v20, v25;
	v20 =	vld [tilespmem:$0x1F8A0]  }
0x645: {  	s19 =	sadd.s32 $0x9E00, s14;
	s13 =	sadd.s32 s20, s18;
	v27 =	vld [tilespmem:s12+$0x70]  }
0x646: {  	s18 =	sadd.s32 s16, s19;
	v28 =	vld [tilespmem:s13+$0x70]  }
0x647: {  	v8 =	vld [tilespmem:s18+$0x0]  }
0x648: {  	v22 =	vld [tilespmem:$0x1F8D0]  }
0x649: {  	s17 =	sadd.s32 s20, s19;
	v20 =	vadd.f32 v21, v20;
	v21 =	vld [tilespmem:$0x1F8C0]  }
0x64a: {  	v29 =	vld [tilespmem:s17+$0x0]  }
0x64b: {  	v31 =	vld [tilespmem:s18+$0x10]  }
0x64c: {  	v32 =	vld [tilespmem:s17+$0x10]  }
0x64d: {  	v30 =	vadd.f32 v41, v44;
	v23 =	vld [tilespmem:$0x1F8F0]  }
0x64e: {  	v21 =	vadd.f32 v22, v21;
	v22 =	vld [tilespmem:$0x1F8E0]  }
0x64f: {  	v16 =	vadd.f32 v30, v16;
	v30 =	vld [tilespmem:s18+$0x20]  }
0x650: {  	v33 =	vld [tilespmem:s17+$0x20]  }
0x651: {  	v48 =	vadd.f32 v20, v12;
	v12 =	vld [tilespmem:$0x1F900]  }
0x652: {  	v20 =	vld [tilespmem:$0x1F910]  }
0x653: {  	v35 =	vld [tilespmem:s18+$0x30];
	v22 =	vadd.f32 v23, v22  }
0x654: {  	v51 =	vadd.f32 v21, v9;
	v9 =	vld [tilespmem:$0x1F920]  }
0x655: {  	v52 =	vadd.f32 v22, v10;
	v10 =	vld [tilespmem:$0x1F930]  }
0x656: {  	v36 =	vld [tilespmem:s17+$0x30]  }
0x657: {  	v37 =	vld [tilespmem:s18+$0x40];
	v12 =	vadd.f32 v20, v12  }
0x658: {  	v38 =	vld [tilespmem:s17+$0x40]  }
0x659: {  	v55 =	vadd.f32 v12, v11;
	v11 =	vld [tilespmem:$0x1F950]  }
0x65a: {  	v9 =	vadd.f32 v10, v9;
	v10 =	vld [tilespmem:$0x1F940]  }
0x65b: {  	v39 =	vld [tilespmem:s18+$0x50]  }
0x65c: {  	v41 =	vld [tilespmem:s17+$0x50];
	v26 =	vadd.f32 v58, v59  }
0x65d: {  	v44 =	vld [tilespmem:s18+$0x60]  }
0x65e: {  	s14 =	sadd.s32 $0xA200, s14;
	v43 =	vadd.f32 v26, v24;
	v26 =	vadd.f32 v9, v0;
	v0 =	vld [tilespmem:$0x1F970]  }
0x65f: {  	s15 =	sadd.s32 s16, s14;
	v10 =	vadd.f32 v11, v10;
	v11 =	vld [tilespmem:$0x1F960]  }
0x660: {  	v54 =	vld [tilespmem:s15+$0x0]  }
0x661: {  	v46 =	vld [tilespmem:s17+$0x60]  }
0x662: {  	s14 =	sadd.s32 s20, s14;
	v49 =	vld [tilespmem:s17+$0x70]  }
0x663: {  	v63 =	vld [tilespmem:s14+$0x10];
	v0 =	vadd.f32 v61, v0  }
0x664: {  	v62 =	vld [tilespmem:s15+$0x10];
	v11 =	vadd.f32 v53, v11  }
0x665: {  	v23 =	vadd.f32 v0, v5;
	v0 =	vld [tilespmem:$0x1F980]  }
0x666: {  	v25 =	vadd.f32 v11, v2;
	v2 =	vld [tilespmem:$0x1F990]  }
0x667: {  	v47 =	vld [tilespmem:s18+$0x70]  }
0x668: {  	v58 =	vld [tilespmem:s15+$0x70]  }
0x669: {  	v5 =	vld [tilespmem:$0x1F9A0]  }
0x66a: {  	v59 =	vld [tilespmem:s14+$0x70];
	v9 =	vadd.f32 v28, v27  }
0x66b: {  	v60 =	vld [tilespmem:s14+$0x0];
	v0 =	vadd.f32 v2, v0  }
0x66c: {  	v21 =	vadd.f32 v9, v7;
	v24 =	vadd.f32 v10, v1;
	v1 =	vld [tilespmem:s15+$0x20]  }
0x66d: {  	v2 =	vld [tilespmem:s14+$0x20];
	v22 =	vadd.f32 v0, v4;
	v0 =	vadd.f32 v29, v8  }
0x66e: {  	v27 =	vld [tilespmem:s15+$0x30];
	v10 =	vadd.f32 v36, v35;
	v5 =	vadd.f32 v50, v5  }
0x66f: {  	v61 =	vld [tilespmem:s13+$0x0];
	v7 =	vadd.f32 v0, v6;
	v0 =	vadd.f32 v32, v31  }
0x670: {  	v10 =	vadd.f32 v10, v16;
	v20 =	vadd.f32 v5, v3;
	v3 =	vld [tilespmem:s15+$0x40]  }
0x671: {  	v4 =	vld [tilespmem:s14+$0x30];
	v8 =	vadd.f32 v0, v13;
	v0 =	vadd.f32 v38, v37  }
0x672: {  	v5 =	vld [tilespmem:s14+$0x40];
	v6 =	vadd.f32 v33, v30;
	v1 =	vadd.f32 v2, v1  }
0x673: {  	v29 =	vld [tilespmem:s15+$0x50];
	v11 =	vadd.f32 v0, v14;
	v0 =	vadd.f32 v41, v39  }
0x674: {  	v31 =	vld [tilespmem:s14+$0x60];
	v9 =	vadd.f32 v6, v15;
	v13 =	vadd.f32 v46, v44  }
0x675: {  	v6 =	vld [tilespmem:s15+$0x60];
	v12 =	vadd.f32 v0, v17;
	v0 =	vadd.f32 v60, v54  }
0x676: {  	v30 =	vld [tilespmem:s14+$0x50];
	v2 =	vadd.f32 v4, v27;
	v14 =	vadd.f32 v49, v47  }
0x677: {  	v60 =	vld [tilespmem:s12+$0x0];
	v15 =	vadd.f32 v0, v18;
	v0 =	vadd.f32 v63, v62  }
0x678: {  	v13 =	vadd.f32 v13, v19;
	v14 =	vadd.f32 v14, v34;
	v62 =	vld [tilespmem:s12+$0x10]  }
0x679: {  	v63 =	vld [tilespmem:s13+$0x10];
	v16 =	vadd.f32 v0, v40;
	v0 =	vadd.f32 v5, v3  }
0x67a: {  	v28 =	vld [tilespmem:s12+$0x20];
	v17 =	vadd.f32 v1, v42;
	v1 =	vadd.f32 v31, v6  }
0x67b: {  	v19 =	vadd.f32 v0, v45;
	v0 =	vadd.f32 v30, v29;
	v30 =	vld [tilespmem:s13+$0x20]  }
0x67c: {  	v31 =	vld [tilespmem:s13+$0x30];
	v18 =	vadd.f32 v2, v43;
	v2 =	vadd.f32 v59, v58  }
0x67d: {  	v29 =	vld [tilespmem:s12+$0x30];
	v6 =	vadd.f32 v0, v48;
	v0 =	vadd.f32 v61, v60  }
0x67e: {  	s20 =	simm.s32 $0x0;
	v32 =	vld [tilespmem:s13+$0x40];
	v3 =	vadd.f32 v1, v51;
	v53 =	vadd.f32 v63, v62  }
0x67f: {  	s14 =	simm.s32 $0x2;
	s15 =	smul.u32 $0x3000, s20;
	v27 =	vld [tilespmem:s12+$0x40];
	v4 =	vadd.f32 v2, v52;
	v5 =	vadd.f32 v0, v55  }
.LBB2_17:
0x680: {  	p1 =	sne.s32 s14, $0x17;
	v26 =	vadd.f32 v53, v26;
	v0 =	vadd.f32 v30, v28;
	v1 =	vld [tilespmem:s12+$0x50]  }
0x681: {  	s0 =	sadd.s32 $0x100, s0;
	s15 =	sshra.s32 s15, $0x2;
	v2 =	vld [tilespmem:s13+$0x50]  }
0x682: {  	s16 =	sand.u32 $0x300, s0;
	s17 =	sadd.s32 $0x9E00, s15;
	s18 =	sadd.s32 $0xA600, s15;
	v24 =	vadd.f32 v0, v24;
	v0 =	vadd.f32 v31, v29;
	v28 =	vld [tilespmem:s12+$0x60]  }
0x683: {  	s19 =	sor.u32 $0x80, s16;
	s15 =	sadd.s32 $0xA200, s15;
	s12 =	sadd.s32 s16, s18;
	v29 =	vld [tilespmem:s13+$0x60]  }
0x684: {  	s20 =	sadd.s32 s16, s17;
	s17 =	sadd.s32 s19, s17;
	s13 =	sadd.s32 s19, s18;
	v30 =	vld [tilespmem:s12+$0x70];
	v25 =	vadd.f32 v0, v25;
	v0 =	vadd.f32 v32, v27  }
0x685: {  	s16 =	sadd.s32 s16, s15;
	s15 =	sadd.s32 s19, s15;
	v27 =	vld [tilespmem:s13+$0x70]  }
0x686: {  	v31 =	vld [tilespmem:s20+$0x0];
	v23 =	vadd.f32 v0, v23;
	v0 =	vadd.f32 v2, v1  }
0x687: {  	v1 =	vld [tilespmem:s17+$0x0]  }
0x688: {  	v2 =	vld [tilespmem:s20+$0x10];
	v22 =	vadd.f32 v0, v22;
	v0 =	vadd.f32 v29, v28  }
0x689: {  	v28 =	vld [tilespmem:s17+$0x10]  }
0x68a: {  	v29 =	vld [tilespmem:s20+$0x20];
	v27 =	vadd.f32 v27, v30;
	v20 =	vadd.f32 v0, v20  }
0x68b: {  	v0 =	vld [tilespmem:s17+$0x20]  }
0x68c: {  	v1 =	vadd.f32 v1, v31;
	v30 =	vld [tilespmem:s20+$0x30];
	v21 =	vadd.f32 v27, v21  }
0x68d: {  	v27 =	vld [tilespmem:s17+$0x30]  }
0x68e: {  	v7 =	vadd.f32 v1, v7;
	v1 =	vadd.f32 v28, v2;
	v2 =	vld [tilespmem:s20+$0x40]  }
0x68f: {  	v28 =	vld [tilespmem:s17+$0x40]  }
0x690: {  	v8 =	vadd.f32 v1, v8;
	v0 =	vadd.f32 v0, v29;
	v1 =	vld [tilespmem:s20+$0x50]  }
0x691: {  	v29 =	vld [tilespmem:s17+$0x50]  }
0x692: {  	v9 =	vadd.f32 v0, v9;
	v0 =	vadd.f32 v27, v30;
	v27 =	vld [tilespmem:s20+$0x60]  }
0x693: {  	v30 =	vld [tilespmem:s17+$0x60]  }
0x694: {  	v10 =	vadd.f32 v0, v10;
	v0 =	vadd.f32 v28, v2;
	v2 =	vld [tilespmem:s20+$0x70]  }
0x695: {  	v28 =	vld [tilespmem:s17+$0x70]  }
0x696: {  	v11 =	vadd.f32 v0, v11;
	v0 =	vadd.f32 v29, v1;
	v1 =	vld [tilespmem:s16+$0x0]  }
0x697: {  	v29 =	vld [tilespmem:s15+$0x0]  }
0x698: {  	v12 =	vadd.f32 v0, v12;
	v0 =	vadd.f32 v30, v27;
	v27 =	vld [tilespmem:s16+$0x10]  }
0x699: {  	v30 =	vld [tilespmem:s15+$0x10]  }
0x69a: {  	v13 =	vadd.f32 v0, v13;
	v0 =	vadd.f32 v28, v2;
	v2 =	vld [tilespmem:s16+$0x20]  }
0x69b: {  	v28 =	vld [tilespmem:s15+$0x20]  }
0x69c: {  	v14 =	vadd.f32 v0, v14;
	v0 =	vadd.f32 v29, v1;
	v1 =	vld [tilespmem:s16+$0x30]  }
0x69d: {  	v29 =	vld [tilespmem:s15+$0x30]  }
0x69e: {  	v15 =	vadd.f32 v0, v15;
	v0 =	vadd.f32 v30, v27;
	v27 =	vld [tilespmem:s16+$0x40]  }
0x69f: {  	v30 =	vld [tilespmem:s15+$0x40]  }
0x6a0: {  	v16 =	vadd.f32 v0, v16;
	v0 =	vadd.f32 v28, v2;
	v2 =	vld [tilespmem:s16+$0x50]  }
0x6a1: {  	v28 =	vld [tilespmem:s15+$0x50]  }
0x6a2: {  	v17 =	vadd.f32 v0, v17;
	v0 =	vadd.f32 v29, v1;
	v1 =	vld [tilespmem:s16+$0x60]  }
0x6a3: {  	v29 =	vld [tilespmem:s15+$0x60]  }
0x6a4: {  	v18 =	vadd.f32 v0, v18;
	v0 =	vadd.f32 v30, v27;
	v27 =	vld [tilespmem:s16+$0x70]  }
0x6a5: {  	v30 =	vld [tilespmem:s15+$0x70]  }
0x6a6: {  	v19 =	vadd.f32 v0, v19;
	v0 =	vadd.f32 v28, v2;
	v2 =	vld [tilespmem:s12+$0x0]  }
0x6a7: {  	v31 =	vld [tilespmem:s13+$0x0]  }
0x6a8: {  	v6 =	vadd.f32 v0, v6;
	v0 =	vadd.f32 v29, v1;
	v1 =	vld [tilespmem:s12+$0x10]  }
0x6a9: {  	v32 =	vld [tilespmem:s13+$0x10]  }
0x6aa: {  	v3 =	vadd.f32 v0, v3;
	v0 =	vadd.f32 v30, v27;
	v28 =	vld [tilespmem:s12+$0x20]  }
.Ltmp7:
0x6ab: {  	v30 =	vld [tilespmem:s13+$0x20];
	(pc) =	sbr.rel @p1 .LBB2_17-.Ltmp7, $4  }
0x6ac: {  	v4 =	vadd.f32 v0, v4;
	v0 =	vadd.f32 v31, v2;
	v29 =	vld [tilespmem:s12+$0x30]  }
0x6ad: {  	v31 =	vld [tilespmem:s13+$0x30]  }
0x6ae: {  	s15 =	sshrl.u32 s14, $0x2;
	v5 =	vadd.f32 v0, v5;
	v53 =	vadd.f32 v32, v1;
	v27 =	vld [tilespmem:s12+$0x40]  }
0x6af: {  	s14 =	sadd.s32 $0x1, s14;
	s15 =	smul.u32 $0x3000, s15;
	v32 =	vld [tilespmem:s13+$0x40]  }
0x6b0: {  	s0 =	sadd.s32 $0x100, s0  }
0x6b1: {  	s14 =	sshra.s32 s15, $0x2;
	s20 =	sand.u32 $0x300, s0  }
0x6b2: {  	s17 =	sadd.s32 $0xA600, s14;
	s16 =	sor.u32 $0x80, s20;
	s19 =	sadd.s32 $0x9E00, s14  }
0x6b3: {  	s18 =	sadd.s32 s20, s17;
	s0 =	sadd.s32 s16, s17;
	s17 =	sadd.s32 s20, s19  }
0x6b4: {  	v0 =	vld [tilespmem:s17+$0x50];
	_ =	sdelay $0x4  }
0x6b5: {  	[tilespmem:$0x1F6B0] =	vst v0;
	v0 =	vld [tilespmem:s17+$0x60];
	_ =	sdelay $0x2  }
0x6b6: {  	s14 =	sadd.s32 $0xA200, s14  }
0x6b7: {  	s15 =	sadd.s32 s20, s14  }
0x6b8: {  	[tilespmem:$0x1F6C0] =	vst v0;
	v0 =	vld [tilespmem:s15+$0x10];
	_ =	sdelay $0x3  }
0x6b9: {  	s20 =	sadd.s32 s16, s14  }
0x6ba: {  	[tilespmem:$0x1F6D0] =	vst v0;
	v0 =	vld [tilespmem:s20+$0x10];
	_ =	sdelay $0x4  }
0x6bb: {  	[tilespmem:$0x1F6E0] =	vst v0;
	v0 =	vld [tilespmem:s15+$0x20];
	_ =	sdelay $0x4  }
0x6bc: {  	[tilespmem:$0x1F6F0] =	vst v0;
	v0 =	vld [tilespmem:s15+$0x40];
	_ =	sdelay $0x4  }
0x6bd: {  	[tilespmem:$0x1F700] =	vst v0;
	v0 =	vld [tilespmem:s15+$0x50];
	_ =	sdelay $0x4  }
0x6be: {  	[tilespmem:$0x1F710] =	vst v0;
	v0 =	vld [tilespmem:s20+$0x50];
	_ =	sdelay $0x4  }
0x6bf: {  	[tilespmem:$0x1F720] =	vst v0;
	v0 =	vld [tilespmem:s15+$0x60];
	_ =	sdelay $0x4  }
0x6c0: {  	[tilespmem:$0x1F730] =	vst v0;
	v0 =	vld [tilespmem:s20+$0x60];
	_ =	sdelay $0x4  }
0x6c1: {  	[tilespmem:$0x1F740] =	vst v0;
	v0 =	vld [tilespmem:s15+$0x70];
	_ =	sdelay $0x4  }
0x6c2: {  	[tilespmem:$0x1F750] =	vst v0;
	v0 =	vld [tilespmem:s20+$0x70];
	_ =	sdelay $0x4  }
0x6c3: {  	[tilespmem:$0x1F760] =	vst v0;
	v0 =	vld [tilespmem:s18+$0x0];
	_ =	sdelay $0x4  }
0x6c4: {  	[tilespmem:$0x1F770] =	vst v0;
	v0 =	vld [tilespmem:s0+$0x0];
	_ =	sdelay $0x4  }
0x6c5: {  	[tilespmem:$0x1F780] =	vst v0;
	v0 =	vld [tilespmem:s18+$0x10];
	_ =	sdelay $0x2  }
0x6c6: {  	v48 =	vld [tilespmem:s12+$0x50]  }
0x6c7: {  	v39 =	vld [tilespmem:s13+$0x50]  }
0x6c8: {  	[tilespmem:$0x1F790] =	vst v0;
	v0 =	vld [tilespmem:s0+$0x10]  }
0x6c9: {  	v40 =	vld [tilespmem:s12+$0x60]  }
0x6ca: {  	v38 =	vld [tilespmem:s13+$0x60]  }
0x6cb: {  	v52 =	vld @!p0 [tilespmem:$0x68]  }
0x6cc: {  	v36 =	vld [tilespmem:s18+$0x70]  }
0x6cd: {  	[tilespmem:$0x1F7A0] =	vst v0;
	v0 =	vld [tilespmem:s18+$0x20]  }
0x6ce: {  	v34 =	vld [tilespmem:s0+$0x70]  }
0x6cf: {  	s13 =	sadd.s32 s16, s19;
	v37 =	vld [tilespmem:s17+$0x0]  }
0x6d0: {  	v35 =	vld [tilespmem:s13+$0x0]  }
0x6d1: {  	v49 =	vld [tilespmem:s17+$0x10]  }
0x6d2: {  	[tilespmem:$0x1F7B0] =	vst v0;
	v0 =	vld [tilespmem:s0+$0x20]  }
0x6d3: {  	v42 =	vld [tilespmem:s13+$0x10]  }
0x6d4: {  	v50 =	vld [tilespmem:s17+$0x20]  }
0x6d5: {  	v43 =	vld [tilespmem:s13+$0x20]  }
0x6d6: {  	v44 =	vld [tilespmem:s17+$0x30]  }
0x6d7: {  	[tilespmem:$0x1F7C0] =	vst v0;
	v0 =	vld [tilespmem:s18+$0x30]  }
0x6d8: {  	v41 =	vld [tilespmem:s13+$0x30];
	v58 =	vshrl.u32 @!p0 v52, $0x3  }
0x6d9: {  	v51 =	vld [tilespmem:s17+$0x40];
	v58 =	vmul.u32 @!p0 $0x18, v58  }
0x6da: {  	v59 =	vlaneseq.u32 @!p0;
	v45 =	vld [tilespmem:s13+$0x40];
	v52 =	vand.u32 @!p0 $0x7, v52  }
0x6db: {  	v2 =	vld [tilespmem:s0+$0x30];
	v1 =	vor.u32 @!p0 v52, v58;
	v52 =	vshrl.u32 @!p0 v59, $0x3  }
0x6dc: {  	[tilespmem:$0x1F7D0] =	vst v0;
	v0 =	vmul.u32 @!p0 $0x8, v52;
	v52 =	vld [tilespmem:s18+$0x50]  }
0x6dd: {  	v60 =	vld [tilespmem:s13+$0x50]  }
0x6de: {  	v61 =	vld [tilespmem:s13+$0x60]  }
0x6df: {  	v63 =	vld [tilespmem:s17+$0x70]  }
0x6e0: {  	[tilespmem:$0x1F7E0] =	vst v2;
	v2 =	vld [tilespmem:s18+$0x40]  }
0x6e1: {  	[tilespmem:$0x1F800] =	vst v52;
	v52 =	vld [tilespmem:s0+$0x50]  }
0x6e2: {  	v46 =	vld [tilespmem:s13+$0x70]  }
0x6e3: {  	v33 =	vand.u32 @!p0 $0x7, v59;
	v54 =	vld [tilespmem:s15+$0x0]  }
0x6e4: {  	v47 =	vld [tilespmem:s20+$0x0];
	v58 =	vperm.xlane @!p0 v1, v33  }
0x6e5: {  	v55 =	vld [tilespmem:s20+$0x20];
	[tilespmem:$0x1F7F0] =	vst v2  }
0x6e6: {  	v2 =	vadd.s32 @!p0 v0, v58;
	[tilespmem:$0x1F810] =	vst v52;
	v52 =	vld [tilespmem:s18+$0x60]  }
0x6e7: {  	v56 =	vld [tilespmem:s15+$0x30];
	v59 =	vor.u32 @!p0 $0x8, v59  }
0x6e8: {  	v62 =	vld [tilespmem:s20+$0x30];
	v1 =	vperm.xlane @!p0 v1, v59  }
0x6e9: {  	v57 =	vld [tilespmem:s20+$0x40]  }
0x6ea: {  	s12 =	simm.s32 @!p0 $0x0;
	s13 =	simm.s32 @!p0 $0x9E00;
	v58 =	vld [tilespmem:s0+$0x40];
	v1 =	vadd.s32 @!p0 v0, v1  }
0x6eb: {  	[tilespmem:$0x1F820] =	vst v52;
	v52 =	vld [tilespmem:s0+$0x60];
	[tilespmem:s13], [sflag:$0x3] =	stream.indirect_vreg.gather @!p0 [hbm4b:s4+s12], $0x80, v2, vm2, $0xb8  }
0x6ec: {  	s0 =	simm.s32 @!p0 $0xA600  }
0x6ed: {  	[tilespmem:s0], [sflag:$0x3] =	stream.indirect_vreg.gather @!p0 [hbm4b:s7+s12], $0x80, v2, vm3, $0xb8;
	[tilespmem:$0x1EE00] =	vst v63  }
0x6ee: {  	s0 =	simm.s32 @!p0 $0xAA00  }
0x6ef: {  	[tilespmem:s0], [sflag:$0x3] =	stream.indirect_vreg.gather @!p0 [hbm4b:s4+s12], $0x80, v1, vm2, $0xb8;
	[tilespmem:$0x1EE00] =	vst v63  }
0x6f0: {  	s0 =	simm.s32 @!p0 $0xB200  }
0x6f1: {  	[tilespmem:s0], [sflag:$0x3] =	stream.indirect_vreg.gather @!p0 [hbm4b:s7+s12], $0x80, v1, vm3, $0xb8;
	[tilespmem:$0x1EE00] =	vst v63  }
0x6f2: {  	v1 =	vld @!p0 [tilespmem:$0x78];
	_ =	sdelay $0x4  }
0x6f3: {  	v2 =	vshrl.u32 @!p0 v1, $0x3  }
0x6f4: {  	v2 =	vmul.u32 @!p0 $0x18, v2  }
0x6f5: {  	v1 =	vand.u32 @!p0 $0x7, v1  }
0x6f6: {  	v1 =	vor.u32 @!p0 v1, v2  }
0x6f7: {  	v2 =	vperm.xlane @!p0 v1, v33;
	_ =	sdelay $0x1  }
0x6f8: {  	v2 =	vadd.s32 @!p0 v0, v2;
	_ =	sdelay $0x1  }
0x6f9: {  	v1 =	vperm.xlane @!p0 v1, v59;
	_ =	sdelay $0x1  }
0x6fa: {  	s0 =	simm.s32 @!p0 $0xB600;
	v1 =	vadd.s32 @!p0 v0, v1  }
0x6fb: {  	[tilespmem:s0], [sflag:$0x3] =	stream.indirect_vreg.gather @!p0 [hbm4b:s4+s12], $0x80, v2, vm2, $0xb8;
	[tilespmem:$0x1EE00] =	vst v63  }
0x6fc: {  	s0 =	simm.s32 @!p0 $0xBE00  }
0x6fd: {  	[tilespmem:s0], [sflag:$0x3] =	stream.indirect_vreg.gather @!p0 [hbm4b:s7+s12], $0x80, v2, vm3, $0xb8;
	[tilespmem:$0x1EE00] =	vst v63  }
0x6fe: {  	s0 =	simm.s32 @!p0 $0xC200  }
0x6ff: {  	[tilespmem:s0], [sflag:$0x3] =	stream.indirect_vreg.gather @!p0 [hbm4b:s4+s12], $0x80, v1, vm2, $0xb8;
	[tilespmem:$0x1EE00] =	vst v63  }
0x700: {  	s0 =	simm.s32 @!p0 $0xCA00  }
0x701: {  	[tilespmem:s0], [sflag:$0x3] =	stream.indirect_vreg.gather @!p0 [hbm4b:s7+s12], $0x80, v1, vm3, $0xb8;
	[tilespmem:$0x1EE00] =	vst v63  }
0x702: {  	v1 =	vld @!p0 [tilespmem:$0x88];
	_ =	sdelay $0x4  }
0x703: {  	v2 =	vshrl.u32 @!p0 v1, $0x3  }
0x704: {  	v2 =	vmul.u32 @!p0 $0x18, v2  }
0x705: {  	v1 =	vand.u32 @!p0 $0x7, v1  }
0x706: {  	v1 =	vor.u32 @!p0 v1, v2  }
0x707: {  	v2 =	vperm.xlane @!p0 v1, v33;
	_ =	sdelay $0x1  }
0x708: {  	v2 =	vadd.s32 @!p0 v0, v2;
	_ =	sdelay $0x1  }
0x709: {  	v1 =	vperm.xlane @!p0 v1, v59;
	_ =	sdelay $0x1  }
0x70a: {  	s0 =	simm.s32 @!p0 $0xCE00;
	v0 =	vadd.s32 @!p0 v0, v1;
	v1 =	vadd.f32 v30, v28  }
0x70b: {  	[tilespmem:s0], [sflag:$0x3] =	stream.indirect_vreg.gather @!p0 [hbm4b:s4+s12], $0x80, v2, vm2, $0xb8;
	[tilespmem:$0x1EE00] =	vst v63  }
0x70c: {  	v1 =	vadd.f32 v1, v24;
	v24 =	vadd.f32 v39, v48;
	s0 =	simm.s32 @!p0 $0xD600  }
0x70d: {  	[tilespmem:s0], [sflag:$0x3] =	stream.indirect_vreg.gather @!p0 [hbm4b:s7+s12], $0x80, v2, vm3, $0xb8;
	[tilespmem:$0x1EE00] =	vst v63  }
0x70e: {  	v22 =	vadd.f32 v24, v22;
	v24 =	vadd.f32 v35, v37;
	s0 =	simm.s32 @!p0 $0xDA00  }
0x70f: {  	[tilespmem:s0], [sflag:$0x3] =	stream.indirect_vreg.gather @!p0 [hbm4b:s4+s12], $0x80, v0, vm2, $0xb8;
	[tilespmem:$0x1EE00] =	vst v63  }
0x710: {  	s13 =	simm.s32 @!p0 $0xE200;
	v24 =	vadd.f32 v24, v7;
	v7 =	vadd.f32 v42, v49  }
0x711: {  	[tilespmem:s13], [sflag:$0x3] =	stream.indirect_vreg.gather @!p0 [hbm4b:s7+s12], $0x80, v0, vm3, $0xb8;
	v0 =	vadd.f32 v53, v26;
	v26 =	vadd.f32 v32, v27;
	[tilespmem:$0x1EE00] =	vst v63  }
0x712: {  	v32 =	vadd.f32 v7, v8;
	v7 =	vadd.f32 v45, v51  }
0x713: {  	_ =	swait.ge [sflag:s10], $0x4800  }
0x714: {  	v35 =	vadd.f32 v7, v11;
	v7 =	vld [tilespmem:$0x1F6B0]  }
0x715: {  	v8 =	vld [tilespmem:$0x1F6C0];
	_ =	sdelay $0x1  }
0x716: {  	v2 =	vadd.f32 v31, v29;
	_ =	sdelay $0x1  }
0x717: {  	v2 =	vadd.f32 v2, v25;
	v7 =	vadd.f32 v60, v7  }
0x718: {  	v25 =	vadd.f32 v38, v40;
	v8 =	vadd.f32 v61, v8  }
0x719: {  	v38 =	vadd.f32 v7, v12;
	v7 =	vadd.f32 v47, v54  }
0x71a: {  	v13 =	vadd.f32 v8, v13;
	v8 =	vld [tilespmem:$0x1F6E0]  }
0x71b: {  	v15 =	vadd.f32 v7, v15;
	v7 =	vld [tilespmem:$0x1F6D0];
	_ =	sdelay $0x4  }
0x71c: {  	v7 =	vadd.f32 v8, v7  }
0x71d: {  	v8 =	vld [tilespmem:$0x1F6F0]  }
0x71e: {  	v16 =	vadd.f32 v7, v16;
	v7 =	vld [tilespmem:$0x1F700];
	_ =	sdelay $0x3  }
0x71f: {  	v29 =	vadd.f32 v43, v50;
	v8 =	vadd.f32 v55, v8  }
0x720: {  	v7 =	vadd.f32 v57, v7  }
0x721: {  	v29 =	vadd.f32 v29, v9;
	v43 =	vadd.f32 v8, v17;
	v8 =	vld [tilespmem:$0x1F720]  }
0x722: {  	v9 =	vadd.f32 v46, v63;
	v45 =	vadd.f32 v7, v19;
	v7 =	vld [tilespmem:$0x1F710];
	_ =	sdelay $0x1  }
0x723: {  	v14 =	vadd.f32 v9, v14;
	v9 =	vadd.f32 v62, v56  }
0x724: {  	s14 =	simm.s32 $0x0  }
0x725: {  	s15 =	smul.u32 $0x3000, s14;
	v30 =	vadd.f32 v41, v44;
	v44 =	vadd.f32 v9, v18;
	v9 =	vld [tilespmem:$0x1F740]  }
0x726: {  	v7 =	vadd.f32 v8, v7;
	v8 =	vld [tilespmem:$0x1F730]  }
0x727: {  	s14 =	sshra.s32 s15, $0x2;
	s0 =	simm.s32 $0x0  }
0x728: {  	s18 =	sadd.s32 $0xEE00, s14;
	s16 =	sand.u32 $0x300, s0;
	[sflag:s10] =	ssyncset.done $0x0  }
0x729: {  	v30 =	vadd.f32 v30, v10;
	s12 =	sadd.s32 s16, s18;
	v10 =	vld [tilespmem:$0x1F760];
	[sflag:s10] =	ssyncadd.s32 $0xFFFFB800  }
0x72a: {  	s20 =	sor.u32 $0x80, s16;
	v27 =	vld [tilespmem:s12+$0x70]  }
0x72b: {  	s19 =	sadd.s32 $0xE600, s14;
	s13 =	sadd.s32 s20, s18;
	v8 =	vadd.f32 v9, v8;
	v9 =	vld [tilespmem:$0x1F750]  }
0x72c: {  	s18 =	sadd.s32 s16, s19;
	v28 =	vld [tilespmem:s13+$0x70]  }
0x72d: {  	v20 =	vadd.f32 v25, v20;
	v23 =	vadd.f32 v26, v23;
	v25 =	vld [tilespmem:s18+$0x0]  }
0x72e: {  	v26 =	vadd.f32 v34, v36;
	v47 =	vadd.f32 v7, v6;
	v6 =	vld [tilespmem:$0x1F770]  }
0x72f: {  	s17 =	sadd.s32 s20, s19;
	v7 =	vld [tilespmem:$0x1F780]  }
0x730: {  	v21 =	vadd.f32 v26, v21;
	v26 =	vld [tilespmem:s17+$0x0];
	v9 =	vadd.f32 v10, v9  }
0x731: {  	v49 =	vadd.f32 v8, v3;
	v3 =	vld [tilespmem:$0x1F790]  }
0x732: {  	v50 =	vadd.f32 v9, v4;
	v4 =	vld [tilespmem:$0x1F7A0]  }
0x733: {  	v31 =	vld [tilespmem:s18+$0x10]  }
0x734: {  	v33 =	vld [tilespmem:s17+$0x10];
	v6 =	vadd.f32 v7, v6  }
0x735: {  	v34 =	vld [tilespmem:s18+$0x20]  }
0x736: {  	v53 =	vadd.f32 v6, v5;
	v5 =	vld [tilespmem:$0x1F7C0]  }
0x737: {  	v3 =	vadd.f32 v4, v3;
	v4 =	vld [tilespmem:$0x1F7B0]  }
0x738: {  	v36 =	vld [tilespmem:s17+$0x20]  }
0x739: {  	v37 =	vld [tilespmem:s18+$0x30]  }
0x73a: {  	v39 =	vld [tilespmem:s18+$0x40]  }
0x73b: {  	v7 =	vld [tilespmem:$0x1F7E0]  }
0x73c: {  	v4 =	vadd.f32 v5, v4;
	v5 =	vld [tilespmem:$0x1F7D0]  }
0x73d: {  	v59 =	vld [tilespmem:s17+$0x40]  }
0x73e: {  	v41 =	vld [tilespmem:s18+$0x50]  }
0x73f: {  	v18 =	vld [tilespmem:s18+$0x60]  }
0x740: {  	s14 =	sadd.s32 $0xEA00, s14;
	v62 =	vld [tilespmem:s17+$0x70]  }
0x741: {  	s15 =	sadd.s32 s16, s14;
	v5 =	vadd.f32 v7, v5;
	v7 =	vadd.f32 v3, v0;
	v0 =	vld [tilespmem:$0x1F7F0]  }
0x742: {  	v63 =	vld [tilespmem:s15+$0x0]  }
0x743: {  	v60 =	vld [tilespmem:s17+$0x50]  }
0x744: {  	v61 =	vld [tilespmem:s18+$0x70]  }
0x745: {  	v12 =	vld [tilespmem:s17+$0x30]  }
0x746: {  	v19 =	vld [tilespmem:s17+$0x60];
	v0 =	vadd.f32 v58, v0  }
0x747: {  	v5 =	vadd.f32 v5, v2;
	v2 =	vld [tilespmem:$0x1F810]  }
0x748: {  	v8 =	vadd.f32 v4, v1;
	v4 =	vadd.f32 v0, v23;
	v0 =	vld [tilespmem:$0x1F800]  }
0x749: {  	v3 =	vld [tilespmem:$0x1F820]  }
0x74a: {  	v11 =	vadd.f32 v28, v27;
	v27 =	vld [tilespmem:s15+$0x30]  }
0x74b: {  	v28 =	vld [tilespmem:s15+$0x50]  }
0x74c: {  	s14 =	sadd.s32 s20, s14;
	v57 =	vld [tilespmem:s15+$0x10];
	v18 =	vadd.f32 v19, v18  }
0x74d: {  	v19 =	vadd.f32 v62, v61;
	v61 =	vld [tilespmem:s14+$0x70];
	v0 =	vadd.f32 v2, v0  }
0x74e: {  	v62 =	vld [tilespmem:s12+$0x0];
	v3 =	vadd.f32 v52, v3  }
0x74f: {  	v6 =	vld [tilespmem:s14+$0x0];
	v9 =	vadd.f32 v0, v22;
	v0 =	vadd.f32 v26, v25  }
0x750: {  	v1 =	vld [tilespmem:s15+$0x20];
	v10 =	vadd.f32 v3, v20;
	v3 =	vadd.f32 v11, v21  }
0x751: {  	v58 =	vld [tilespmem:s14+$0x10];
	v11 =	vadd.f32 v0, v24;
	v0 =	vadd.f32 v33, v31  }
0x752: {  	v12 =	vadd.f32 v12, v37;
	v17 =	vadd.f32 v36, v34;
	v2 =	vld [tilespmem:s14+$0x20]  }
0x753: {  	v26 =	vld [tilespmem:s14+$0x30];
	v22 =	vadd.f32 v0, v32;
	v0 =	vadd.f32 v59, v39  }
0x754: {  	v20 =	vld [tilespmem:s15+$0x40];
	v23 =	vadd.f32 v17, v29;
	v17 =	vadd.f32 v12, v30  }
0x755: {  	v21 =	vld [tilespmem:s14+$0x40];
	v12 =	vadd.f32 v0, v35;
	v0 =	vadd.f32 v60, v41  }
0x756: {  	v29 =	vld [tilespmem:s15+$0x60];
	v25 =	vadd.f32 v18, v13  }
0x757: {  	v30 =	vld [tilespmem:s14+$0x60];
	v24 =	vadd.f32 v0, v38;
	v0 =	vadd.f32 v6, v63  }
0x758: {  	v1 =	vadd.f32 v2, v1;
	v59 =	vld [tilespmem:s14+$0x50];
	v2 =	vadd.f32 v26, v27  }
0x759: {  	v27 =	vld [tilespmem:s12+$0x10];
	v13 =	vadd.f32 v0, v15;
	v0 =	vadd.f32 v58, v57  }
0x75a: {  	v15 =	vld [tilespmem:s13+$0x0]  }
0x75b: {  	v60 =	vld [tilespmem:s15+$0x70];
	v26 =	vadd.f32 v0, v16;
	v0 =	vadd.f32 v21, v20  }
0x75c: {  	v18 =	vadd.f32 v19, v14;
	v63 =	vld [tilespmem:s13+$0x10]  }
0x75d: {  	v31 =	vld [tilespmem:s12+$0x20];
	v6 =	vadd.f32 v0, v45;
	v0 =	vadd.f32 v59, v28  }
0x75e: {  	v33 =	vld [tilespmem:s13+$0x20];
	v19 =	vadd.f32 v1, v43;
	v1 =	vadd.f32 v30, v29  }
0x75f: {  	v32 =	vld [tilespmem:s13+$0x30];
	v20 =	vadd.f32 v0, v47;
	v0 =	vadd.f32 v15, v62  }
0x760: {  	v30 =	vld [tilespmem:s12+$0x30];
	v14 =	vadd.f32 v2, v44;
	v2 =	vadd.f32 v61, v60  }
0x761: {  	s20 =	simm.s32 $0x0;
	v34 =	vld [tilespmem:s13+$0x40];
	v16 =	vadd.f32 v0, v53;
	v0 =	vadd.f32 v63, v27  }
0x762: {  	s14 =	simm.s32 $0x2;
	v29 =	vld [tilespmem:s12+$0x40];
	s15 =	smul.u32 $0x3000, s20;
	v21 =	vadd.f32 v1, v49;
	v15 =	vadd.f32 v2, v50  }
.LBB2_19:
0x763: {  	p1 =	sne.s32 s14, $0x17;
	v7 =	vadd.f32 v0, v7;
	v0 =	vadd.f32 v33, v31;
	v1 =	vld [tilespmem:s12+$0x50]  }
0x764: {  	s0 =	sadd.s32 $0x100, s0;
	s15 =	sshra.s32 s15, $0x2;
	v2 =	vld [tilespmem:s13+$0x50]  }
0x765: {  	s16 =	sand.u32 $0x300, s0;
	s17 =	sadd.s32 $0xE600, s15;
	s18 =	sadd.s32 $0xEE00, s15;
	v8 =	vadd.f32 v0, v8;
	v0 =	vadd.f32 v32, v30;
	v27 =	vld [tilespmem:s12+$0x60]  }
0x766: {  	s19 =	sor.u32 $0x80, s16;
	s15 =	sadd.s32 $0xEA00, s15;
	s12 =	sadd.s32 s16, s18;
	v28 =	vld [tilespmem:s13+$0x60]  }
0x767: {  	s20 =	sadd.s32 s16, s17;
	s17 =	sadd.s32 s19, s17;
	s13 =	sadd.s32 s19, s18;
	v30 =	vld [tilespmem:s12+$0x70];
	v5 =	vadd.f32 v0, v5;
	v0 =	vadd.f32 v34, v29  }
0x768: {  	s16 =	sadd.s32 s16, s15;
	s15 =	sadd.s32 s19, s15;
	v29 =	vld [tilespmem:s13+$0x70]  }
0x769: {  	v31 =	vld [tilespmem:s20+$0x0];
	v4 =	vadd.f32 v0, v4;
	v0 =	vadd.f32 v2, v1  }
0x76a: {  	v1 =	vld [tilespmem:s17+$0x0]  }
0x76b: {  	v2 =	vld [tilespmem:s20+$0x10];
	v9 =	vadd.f32 v0, v9;
	v0 =	vadd.f32 v28, v27  }
0x76c: {  	v27 =	vld [tilespmem:s17+$0x10]  }
0x76d: {  	v28 =	vld [tilespmem:s20+$0x20];
	v29 =	vadd.f32 v29, v30;
	v10 =	vadd.f32 v0, v10  }
0x76e: {  	v0 =	vld [tilespmem:s17+$0x20]  }
0x76f: {  	v1 =	vadd.f32 v1, v31;
	v30 =	vld [tilespmem:s20+$0x30];
	v3 =	vadd.f32 v29, v3  }
0x770: {  	v29 =	vld [tilespmem:s17+$0x30]  }
0x771: {  	v11 =	vadd.f32 v1, v11;
	v1 =	vadd.f32 v27, v2;
	v2 =	vld [tilespmem:s20+$0x40]  }
0x772: {  	v27 =	vld [tilespmem:s17+$0x40]  }
0x773: {  	v22 =	vadd.f32 v1, v22;
	v0 =	vadd.f32 v0, v28;
	v1 =	vld [tilespmem:s20+$0x50]  }
0x774: {  	v28 =	vld [tilespmem:s17+$0x50]  }
0x775: {  	v23 =	vadd.f32 v0, v23;
	v0 =	vadd.f32 v29, v30;
	v29 =	vld [tilespmem:s20+$0x60]  }
0x776: {  	v30 =	vld [tilespmem:s17+$0x60]  }
0x777: {  	v17 =	vadd.f32 v0, v17;
	v0 =	vadd.f32 v27, v2;
	v2 =	vld [tilespmem:s20+$0x70]  }
0x778: {  	v27 =	vld [tilespmem:s17+$0x70]  }
0x779: {  	v12 =	vadd.f32 v0, v12;
	v0 =	vadd.f32 v28, v1;
	v1 =	vld [tilespmem:s16+$0x0]  }
0x77a: {  	v28 =	vld [tilespmem:s15+$0x0]  }
0x77b: {  	v24 =	vadd.f32 v0, v24;
	v0 =	vadd.f32 v30, v29;
	v29 =	vld [tilespmem:s16+$0x10]  }
0x77c: {  	v30 =	vld [tilespmem:s15+$0x10]  }
0x77d: {  	v25 =	vadd.f32 v0, v25;
	v0 =	vadd.f32 v27, v2;
	v2 =	vld [tilespmem:s16+$0x20]  }
0x77e: {  	v27 =	vld [tilespmem:s15+$0x20]  }
0x77f: {  	v18 =	vadd.f32 v0, v18;
	v0 =	vadd.f32 v28, v1;
	v1 =	vld [tilespmem:s16+$0x30]  }
0x780: {  	v28 =	vld [tilespmem:s15+$0x30]  }
0x781: {  	v13 =	vadd.f32 v0, v13;
	v0 =	vadd.f32 v30, v29;
	v29 =	vld [tilespmem:s16+$0x40]  }
0x782: {  	v30 =	vld [tilespmem:s15+$0x40]  }
0x783: {  	v26 =	vadd.f32 v0, v26;
	v0 =	vadd.f32 v27, v2;
	v2 =	vld [tilespmem:s16+$0x50]  }
0x784: {  	v27 =	vld [tilespmem:s15+$0x50]  }
0x785: {  	v19 =	vadd.f32 v0, v19;
	v0 =	vadd.f32 v28, v1;
	v1 =	vld [tilespmem:s16+$0x60]  }
0x786: {  	v28 =	vld [tilespmem:s15+$0x60]  }
0x787: {  	v14 =	vadd.f32 v0, v14;
	v0 =	vadd.f32 v30, v29;
	v29 =	vld [tilespmem:s16+$0x70]  }
0x788: {  	v30 =	vld [tilespmem:s15+$0x70]  }
0x789: {  	v6 =	vadd.f32 v0, v6;
	v0 =	vadd.f32 v27, v2;
	v2 =	vld [tilespmem:s12+$0x0]  }
0x78a: {  	v27 =	vld [tilespmem:s13+$0x0]  }
0x78b: {  	v20 =	vadd.f32 v0, v20;
	v0 =	vadd.f32 v28, v1;
	v1 =	vld [tilespmem:s12+$0x10]  }
0x78c: {  	v28 =	vld [tilespmem:s13+$0x10]  }
0x78d: {  	v21 =	vadd.f32 v0, v21;
	v0 =	vadd.f32 v30, v29;
	v31 =	vld [tilespmem:s12+$0x20]  }
.Ltmp8:
0x78e: {  	v33 =	vld [tilespmem:s13+$0x20];
	(pc) =	sbr.rel @p1 .LBB2_19-.Ltmp8, $4  }
0x78f: {  	v15 =	vadd.f32 v0, v15;
	v0 =	vadd.f32 v27, v2;
	v30 =	vld [tilespmem:s12+$0x30]  }
0x790: {  	v32 =	vld [tilespmem:s13+$0x30]  }
0x791: {  	s15 =	sshrl.u32 s14, $0x2;
	v16 =	vadd.f32 v0, v16;
	v0 =	vadd.f32 v28, v1;
	v29 =	vld [tilespmem:s12+$0x40]  }
0x792: {  	s14 =	sadd.s32 $0x1, s14;
	s15 =	smul.u32 $0x3000, s15;
	v34 =	vld [tilespmem:s13+$0x40]  }
0x793: {  	v1 =	vld [tilespmem:s12+$0x50]  }
0x794: {  	v61 =	vld [tilespmem:s13+$0x50];
	s0 =	sadd.s32 $0x100, s0;
	s14 =	sshra.s32 s15, $0x2  }
0x795: {  	v63 =	vld [tilespmem:s12+$0x60];
	s20 =	sand.u32 $0x300, s0;
	s17 =	sadd.s32 $0xEE00, s14  }
0x796: {  	v37 =	vld [tilespmem:s13+$0x60];
	s16 =	sor.u32 $0x80, s20;
	s18 =	sadd.s32 s20, s17  }
0x797: {  	s19 =	sadd.s32 $0xE600, s14;
	s0 =	sadd.s32 s16, s17;
	v62 =	vld [tilespmem:s18+$0x70]  }
0x798: {  	s17 =	sadd.s32 s20, s19;
	v27 =	vld [tilespmem:s0+$0x70]  }
0x799: {  	s13 =	sadd.s32 s16, s19;
	v38 =	vld [tilespmem:s17+$0x0]  }
0x79a: {  	v39 =	vld [tilespmem:s13+$0x0]  }
0x79b: {  	v40 =	vld [tilespmem:s17+$0x10]  }
0x79c: {  	v41 =	vld [tilespmem:s13+$0x10]  }
0x79d: {  	v42 =	vld [tilespmem:s17+$0x20]  }
0x79e: {  	v43 =	vld [tilespmem:s13+$0x20]  }
0x79f: {  	v44 =	vld [tilespmem:s17+$0x30]  }
0x7a0: {  	v45 =	vld [tilespmem:s13+$0x30]  }
0x7a1: {  	v46 =	vld [tilespmem:s17+$0x40]  }
0x7a2: {  	v47 =	vld [tilespmem:s13+$0x40]  }
0x7a3: {  	v48 =	vld [tilespmem:s17+$0x50]  }
0x7a4: {  	v49 =	vld [tilespmem:s13+$0x50]  }
0x7a5: {  	v50 =	vld [tilespmem:s17+$0x60]  }
0x7a6: {  	v51 =	vld [tilespmem:s13+$0x60]  }
0x7a7: {  	s14 =	sadd.s32 $0xEA00, s14;
	v52 =	vld [tilespmem:s17+$0x70]  }
0x7a8: {  	s15 =	sadd.s32 s20, s14;
	v53 =	vld [tilespmem:s13+$0x70]  }
0x7a9: {  	s20 =	sadd.s32 s16, s14;
	v54 =	vld [tilespmem:s15+$0x0]  }
0x7aa: {  	v55 =	vld [tilespmem:s20+$0x0]  }
0x7ab: {  	v56 =	vld [tilespmem:s15+$0x10]  }
0x7ac: {  	v57 =	vld [tilespmem:s20+$0x10]  }
0x7ad: {  	v28 =	vld [tilespmem:s15+$0x20]  }
0x7ae: {  	v36 =	vld [tilespmem:s15+$0x40]  }
0x7af: {  	v35 =	vld [tilespmem:s15+$0x30]  }
0x7b0: {  	v58 =	vld [tilespmem:s20+$0x40];
	[tilespmem:$0x1F530] =	vst v1  }
0x7b1: {  	v60 =	vld [tilespmem:s15+$0x50];
	[tilespmem:$0x1F690] =	vst v62  }
0x7b2: {  	v2 =	vld [tilespmem:s20+$0x70];
	[tilespmem:$0x1F6A0] =	vst v27  }
0x7b3: {  	[tilespmem:$0x1F570] =	vst v36;
	v36 =	vld [tilespmem:s18+$0x0]  }
0x7b4: {  	[tilespmem:$0x1F560] =	vst v35;
	v35 =	vld [tilespmem:s15+$0x70]  }
0x7b5: {  	[tilespmem:$0x1F550] =	vst v28;
	v27 =	vld [tilespmem:s15+$0x60]  }
0x7b6: {  	v1 =	vld @!p0 [tilespmem:$0x98];
	[tilespmem:$0x1F580] =	vst v58  }
0x7b7: {  	[tilespmem:$0x1F590] =	vst v60;
	v28 =	vld [tilespmem:s20+$0x60]  }
0x7b8: {  	[tilespmem:$0x1F5F0] =	vst v36;
	v36 =	vld [tilespmem:s18+$0x30]  }
0x7b9: {  	[tilespmem:$0x1F5D0] =	vst v35;
	v35 =	vld [tilespmem:s0+$0x20]  }
0x7ba: {  	[tilespmem:$0x1F5B0] =	vst v27;
	v27 =	vld [tilespmem:s18+$0x20]  }
0x7bb: {  	v62 =	vld [tilespmem:s20+$0x50];
	[tilespmem:$0x1F5E0] =	vst v2  }
0x7bc: {  	v58 =	vld [tilespmem:s0+$0x0];
	[tilespmem:$0x1F5C0] =	vst v28;
	v28 =	vshrl.u32 @!p0 v1, $0x3  }
0x7bd: {  	v28 =	vmul.u32 @!p0 $0x18, v28;
	[tilespmem:$0x1F650] =	vst v36;
	v36 =	vld [tilespmem:s18+$0x40]  }
0x7be: {  	v59 =	vld [tilespmem:s20+$0x20];
	v1 =	vand.u32 @!p0 $0x7, v1;
	[tilespmem:$0x1F640] =	vst v35;
	v35 =	vlaneseq.u32 @!p0  }
0x7bf: {  	v60 =	vld [tilespmem:s18+$0x10];
	v1 =	vor.u32 @!p0 v1, v28;
	[tilespmem:$0x1F630] =	vst v27;
	v27 =	vand.u32 @!p0 $0x7, v35;
	v28 =	vshrl.u32 @!p0 v35, $0x3  }
0x7c0: {  	[tilespmem:$0x1F5A0] =	vst v62;
	v62 =	vld [tilespmem:s0+$0x10];
	v28 =	vmul.u32 @!p0 $0x8, v28;
	v2 =	vperm.xlane @!p0 v1, v27  }
0x7c1: {  	[tilespmem:$0x1F600] =	vst v58;
	v58 =	vld [tilespmem:s18+$0x50]  }
0x7c2: {  	v2 =	vadd.s32 @!p0 v28, v2;
	[tilespmem:$0x1F660] =	vst v36;
	v36 =	vld [tilespmem:s18+$0x60]  }
0x7c3: {  	[tilespmem:$0x1F540] =	vst v61;
	v61 =	vld [tilespmem:s20+$0x30];
	v35 =	vor.u32 @!p0 $0x8, v35  }
0x7c4: {  	[tilespmem:$0x1F610] =	vst v60;
	v60 =	vld [tilespmem:s0+$0x30];
	v1 =	vperm.xlane @!p0 v1, v35  }
0x7c5: {  	[tilespmem:$0x1F620] =	vst v62;
	v62 =	vld [tilespmem:s0+$0x40]  }
0x7c6: {  	s12 =	simm.s32 @!p0 $0x0;
	s13 =	simm.s32 @!p0 $0xE600;
	[tilespmem:$0x1F670] =	vst v58;
	v58 =	vld [tilespmem:s0+$0x50];
	v1 =	vadd.s32 @!p0 v28, v1  }
0x7c7: {  	[tilespmem:$0x1F680] =	vst v36;
	v36 =	vld [tilespmem:s0+$0x60];
	[tilespmem:s13], [sflag:$0x4] =	stream.indirect_vreg.gather @!p0 [hbm4b:s4+s12], $0x80, v2, vm2, $0xb8  }
0x7c8: {  	s0 =	simm.s32 @!p0 $0xEE00  }
0x7c9: {  	[tilespmem:s0], [sflag:$0x4] =	stream.indirect_vreg.gather @!p0 [hbm4b:s7+s12], $0x80, v2, vm3, $0xb8;
	[tilespmem:$0x1EE00] =	vst v63  }
0x7ca: {  	s0 =	simm.s32 @!p0 $0xF200  }
0x7cb: {  	[tilespmem:s0], [sflag:$0x4] =	stream.indirect_vreg.gather @!p0 [hbm4b:s4+s12], $0x80, v1, vm2, $0xb8;
	[tilespmem:$0x1EE00] =	vst v63  }
0x7cc: {  	s0 =	simm.s32 @!p0 $0xFA00  }
0x7cd: {  	[tilespmem:s0], [sflag:$0x4] =	stream.indirect_vreg.gather @!p0 [hbm4b:s7+s12], $0x80, v1, vm3, $0xb8;
	[tilespmem:$0x1EE00] =	vst v63  }
0x7ce: {  	v1 =	vld @!p0 [tilespmem:$0xA8];
	_ =	sdelay $0x4  }
0x7cf: {  	v2 =	vshrl.u32 @!p0 v1, $0x3  }
0x7d0: {  	v2 =	vmul.u32 @!p0 $0x18, v2  }
0x7d1: {  	v1 =	vand.u32 @!p0 $0x7, v1  }
0x7d2: {  	v1 =	vor.u32 @!p0 v1, v2  }
0x7d3: {  	v2 =	vperm.xlane @!p0 v1, v27;
	_ =	sdelay $0x1  }
0x7d4: {  	v2 =	vadd.s32 @!p0 v28, v2;
	_ =	sdelay $0x1  }
0x7d5: {  	v1 =	vperm.xlane @!p0 v1, v35;
	_ =	sdelay $0x1  }
0x7d6: {  	s0 =	simm.s32 @!p0 $0xFE00;
	v1 =	vadd.s32 @!p0 v28, v1  }
0x7d7: {  	[tilespmem:s0], [sflag:$0x4] =	stream.indirect_vreg.gather @!p0 [hbm4b:s4+s12], $0x80, v2, vm2, $0xb8;
	[tilespmem:$0x1EE00] =	vst v63  }
0x7d8: {  	s0 =	simm.s32 @!p0 $0x10600  }
0x7d9: {  	[tilespmem:s0], [sflag:$0x4] =	stream.indirect_vreg.gather @!p0 [hbm4b:s7+s12], $0x80, v2, vm3, $0xb8;
	[tilespmem:$0x1EE00] =	vst v63  }
0x7da: {  	s0 =	simm.s32 @!p0 $0x10A00  }
0x7db: {  	[tilespmem:s0], [sflag:$0x4] =	stream.indirect_vreg.gather @!p0 [hbm4b:s4+s12], $0x80, v1, vm2, $0xb8;
	[tilespmem:$0x1EE00] =	vst v63  }
0x7dc: {  	s0 =	simm.s32 @!p0 $0x11200  }
0x7dd: {  	[tilespmem:s0], [sflag:$0x4] =	stream.indirect_vreg.gather @!p0 [hbm4b:s7+s12], $0x80, v1, vm3, $0xb8;
	[tilespmem:$0x1EE00] =	vst v63  }
0x7de: {  	v1 =	vld @!p0 [tilespmem:$0xB8];
	_ =	sdelay $0x4  }
0x7df: {  	v2 =	vshrl.u32 @!p0 v1, $0x3  }
0x7e0: {  	v2 =	vmul.u32 @!p0 $0x18, v2  }
0x7e1: {  	v1 =	vand.u32 @!p0 $0x7, v1  }
0x7e2: {  	v1 =	vor.u32 @!p0 v1, v2  }
0x7e3: {  	v2 =	vperm.xlane @!p0 v1, v27;
	_ =	sdelay $0x1  }
0x7e4: {  	v2 =	vadd.s32 @!p0 v28, v2;
	_ =	sdelay $0x1  }
0x7e5: {  	v1 =	vperm.xlane @!p0 v1, v35  }
0x7e6: {  	v31 =	vadd.f32 v33, v31  }
0x7e7: {  	v32 =	vadd.f32 v32, v30;
	v33 =	vadd.f32 v34, v29;
	v34 =	vld [tilespmem:$0x1F530];
	s0 =	simm.s32 @!p0 $0x11600;
	v1 =	vadd.s32 @!p0 v28, v1  }
0x7e8: {  	v35 =	vld [tilespmem:$0x1F540];
	[tilespmem:s0], [sflag:$0x4] =	stream.indirect_vreg.gather @!p0 [hbm4b:s4+s12], $0x80, v2, vm2, $0xb8  }
0x7e9: {  	v0 =	vadd.f32 v0, v7;
	v5 =	vadd.f32 v32, v5;
	s0 =	simm.s32 @!p0 $0x11E00  }
0x7ea: {  	v37 =	vadd.f32 v37, v63;
	v45 =	vadd.f32 v45, v44;
	v32 =	vld [tilespmem:$0x1F550];
	[tilespmem:s0], [sflag:$0x4] =	stream.indirect_vreg.gather @!p0 [hbm4b:s7+s12], $0x80, v2, vm3, $0xb8  }
0x7eb: {  	v39 =	vadd.f32 v39, v38;
	v46 =	vadd.f32 v47, v46;
	v38 =	vld [tilespmem:$0x1F580];
	s0 =	simm.s32 @!p0 $0x12200  }
0x7ec: {  	v41 =	vadd.f32 v41, v40;
	v40 =	vld [tilespmem:$0x1F590];
	v47 =	vadd.f32 v45, v17;
	[tilespmem:s0], [sflag:$0x4] =	stream.indirect_vreg.gather @!p0 [hbm4b:s4+s12], $0x80, v1, vm2, $0xb8  }
0x7ed: {  	s28 =	sshll.u32 s28, $0x7;
	v17 =	vadd.f32 v46, v12;
	v46 =	vld [tilespmem:$0x1F5E0];
	v7 =	vadd.f32 v35, v34;
	s0 =	simm.s32 @!p0 $0x12A00  }
0x7ee: {  	v43 =	vadd.f32 v43, v42;
	v63 =	vadd.f32 v49, v48;
	v42 =	vld [tilespmem:$0x1F5B0];
	[tilespmem:s0], [sflag:$0x4] =	stream.indirect_vreg.gather @!p0 [hbm4b:s7+s12], $0x80, v1, vm3, $0xb8  }
0x7ef: {  	v45 =	vld [tilespmem:$0x1F5D0];
	v7 =	vadd.f32 v7, v9;
	v9 =	vadd.f32 v39, v11;
	s0 =	sand.u32 $0x380, s28  }
0x7f0: {  	v48 =	vld [tilespmem:$0x1F600];
	v2 =	vadd.f32 v31, v8;
	v8 =	vadd.f32 v41, v22;
	s29 =	sadd.s32 s0, s29  }
0x7f1: {  	v34 =	vld [tilespmem:$0x1F560];
	v1 =	vadd.f32 v37, v10;
	v10 =	vadd.f32 v43, v23;
	[tilespmem:s29+$0x0] =	vst v9  }
0x7f2: {  	v4 =	vadd.f32 v33, v4;
	v30 =	vadd.f32 v57, v56;
	v57 =	vld [tilespmem:$0x1F670];
	[tilespmem:s29+$0x10] =	vst v8  }
0x7f3: {  	v28 =	vadd.f32 v55, v54;
	v22 =	vadd.f32 v51, v50;
	v41 =	vld [tilespmem:$0x1F5A0];
	[tilespmem:s29+$0x20] =	vst v10  }
0x7f4: {  	v54 =	vld [tilespmem:$0x1F640];
	v23 =	vadd.f32 v63, v24;
	v24 =	vadd.f32 v53, v52;
	[tilespmem:s29+$0x30] =	vst v47  }
0x7f5: {  	v33 =	vadd.f32 v30, v26;
	v50 =	vld [tilespmem:$0x1F610];
	v27 =	vadd.f32 v22, v25;
	[tilespmem:s29+$0x40] =	vst v17  }
0x7f6: {  	v11 =	vadd.f32 v61, v34;
	v43 =	vld [tilespmem:$0x1F5C0];
	v29 =	vadd.f32 v24, v18;
	[tilespmem:s29+$0x50] =	vst v23  }
0x7f7: {  	v12 =	vadd.f32 v59, v32;
	v31 =	vadd.f32 v28, v13;
	v37 =	vld [tilespmem:$0x1F570];
	[tilespmem:s29+$0x60] =	vst v27  }
0x7f8: {  	v51 =	vld [tilespmem:$0x1F620];
	v39 =	vadd.f32 v11, v14;
	s30 =	sadd.s32 s0, s30;
	v11 =	vadd.f32 v41, v40;
	[tilespmem:s29+$0x70] =	vst v29  }
0x7f9: {  	v35 =	vadd.f32 v12, v19;
	v47 =	vld [tilespmem:$0x1F5F0];
	[tilespmem:s30+$0x0] =	vst v31  }
0x7fa: {  	v55 =	vld [tilespmem:$0x1F650];
	v44 =	vadd.f32 v11, v20;
	v11 =	vadd.f32 v46, v45;
	[tilespmem:s30+$0x10] =	vst v33  }
0x7fb: {  	v53 =	vld [tilespmem:$0x1F630];
	v8 =	vadd.f32 v58, v57;
	v9 =	vadd.f32 v43, v42;
	[tilespmem:s30+$0x20] =	vst v35  }
0x7fc: {  	v56 =	vld [tilespmem:$0x1F660];
	v12 =	vadd.f32 v38, v37;
	[tilespmem:s30+$0x30] =	vst v39;
	v49 =	vadd.f32 v11, v15  }
0x7fd: {  	v59 =	vld [tilespmem:$0x1F680];
	v11 =	vadd.f32 v51, v50;
	[tilespmem:s30+$0x50] =	vst v44;
	v9 =	vadd.f32 v9, v21  }
0x7fe: {  	v61 =	vld [tilespmem:$0x1F6A0];
	v6 =	vadd.f32 v12, v6;
	v10 =	vadd.f32 v48, v47;
	[tilespmem:s30+$0x70] =	vst v49  }
0x7ff: {  	v0 =	vadd.f32 v11, v0;
	[tilespmem:s30+$0x60] =	vst v9;
	v9 =	vadd.f32 v60, v55;
	v60 =	vld [tilespmem:$0x1F690]  }
0x800: {  	s0 =	sadd.s32 s0, s31;
	[tilespmem:s30+$0x40] =	vst v6;
	v52 =	vadd.f32 v10, v16;
	v10 =	vadd.f32 v54, v53  }
0x801: {  	v6 =	vadd.f32 v62, v56;
	v62 =	vadd.f32 v8, v7;
	[tilespmem:s0+$0x10] =	vst v0  }
0x802: {  	s26 =	sadd.s32 $0x1, s26;
	v2 =	vadd.f32 v10, v2;
	[tilespmem:s0+$0x0] =	vst v52;
	v5 =	vadd.f32 v9, v5  }
0x803: {  	p0 =	sne.s32 s26, $0x40;
	v58 =	vadd.f32 v6, v4;
	v4 =	vadd.f32 v36, v59;
	[tilespmem:s0+$0x50] =	vst v62  }
.Ltmp9:
0x804: {  	[tilespmem:s0+$0x20] =	vst v2;
	v2 =	vadd.f32 v61, v60;
	(pc) =	sbr.rel @p0 .LBB2_2-.Ltmp9, $4  }
0x805: {  	[tilespmem:s0+$0x30] =	vst v5;
	v1 =	vadd.f32 v4, v1  }
0x806: {  	[tilespmem:s0+$0x40] =	vst v58;
	v63 =	vadd.f32 v2, v3  }
0x807: {  	[tilespmem:s0+$0x60] =	vst v1  }
0x808: {  	[tilespmem:s0+$0x70] =	vst v63  }
0x809: {  	s0 =	rddreg [dreg:$0x3];
	s12 =	simm.s32 $0x12E00  }
0x80a: {  	[hbm4b:s0+s2] =	stream.linear.scatter [tilespmem:s12], [sflag:$0x5], $0xC000, $0x38;
	[tilespmem:$0x1EE00] =	vst v63  }
0x80b: {  	_ =	swait.ge [sflag:s11], $0xC000  }
0x80c: {  	s30 =	rddreg [dreg:$0x5]  }
0x80d: {  	s31 =	rddreg [dreg:$0x4];
	s12 =	sadd.s32 $0x1, s30  }
0x80e: {  	p0 =	sne.s32 s12, s31  }
.Ltmp10:
0x80f: {  	_ = 	snop;
	(pc) =	sbr.rel @p0 .LBB2_1-.Ltmp10, $3  }
0x810: {  	_ =	sdelay $0x1  }
0x811: {  	[sflag:s11] =	ssyncset.done $0x0  }
0x812: {  	[sflag:s11] =	ssyncadd.s32 $0xFFFF4000  }
0x813: {  	_ =	sfence.sel $0x180000  }
0x814: {  	[bflag:$0x0] =	sbarrier.arrive $0xFFFF  }
0x815: {  	_ =	strace $0x90000047  }
0x816: {  	s0 =	stileid.u32;
	[bflag:$0x2] =	sbarrier.arrive $0xFFFF  }
0x817: {  	p0 =	sne.s32 s0, $0x0;
	s0 =	rddreg [dreg:$0x1]  }
0x818: {  	s0 =	sadd.s32 @!p0 $0x100000, s0  }
0x819: {  	[sflag:s0] =	ssyncadd.tile.s32 @!p0 $0x1;
	_ =	shalt  }
.Lfunc_end2:
_tile_overlayer_lowered:
.L_overlay_start_2:
0x81a: {  	(tag) =	ssettag $0x2  }
0x81b: {  	s0 =	rddreg [dreg:$0x0];
	s2 =	stileid.u32  }
0x81c: {  	s1 =	rddreg [dreg:$0x1];
	p0 =	sne.s32 s2, $0x0  }
0x81d: {  	s3 =	rddreg [dreg:$0x2];
	[bflag:$0x3] =	sbarrier.arrive $0xFFFF;
	s2 =	simm.s32 @!p0 $0x1C05  }
0x81e: {  	[timem:s3], [sflag:s2] =	dma.local @!p0 [hbm:s0], s1  }
0x81f: {  	s0 =	simm.s32 @!p0 $0x5  }
0x820: {  	_ =	swait.ge @!p0 [sflag:s0], s1  }
0x821: {  	s1 =	ssub.s32 @!p0 $0x0, s1;
	[sflag:s0] =	ssyncset.done @!p0 $0x0  }
0x822: {  	[sflag:s0] =	ssyncadd.s32 @!p0 s1  }
0x823: {  	[bflag:$0x3] =	sbarrier.arrive $0xFFFF  }
0x824: {  	_ =	shalt  }

</sc_bundles>
